<compile_context>
chip_gen: v7x
topology: tpu7x:2x2x1
jax: 0.10.2.dev20260603
libtpu: 0.0.44.dev20260713+nightly
codegen_flags: <defaults>
</compile_context>

<pallas_src>
import functools

import jax
import jax.numpy as jnp
from jax import lax
from jax.experimental import pallas as pl
from jax.experimental.pallas import tpu as pltpu
from jax.experimental.pallas import tpu_sc as plsc

N = 100000
D = 128
G = 1024
NC = 2
NS = 16
NW = NC * NS
GPW = G // NW
CH = 256
NB = 2
L = 16
JG = D // L
SV = G + 2 * L
NV = SV // L
NGRP = N // L
GPT = (NGRP + NS - 1) // NS
SCHG = 64
NCH0 = (GPT + SCHG - 1) // SCHG
SLEN = SCHG * L + L
NEG_INF = float("-inf")

_mesh = plsc.VectorSubcoreMesh(
    core_axis_name="c", subcore_axis_name="s", num_cores=NC, num_subcores=NS
)


@functools.partial(
    pl.kernel,
    out_type=(
        jax.ShapeDtypeStruct((G, 2 * D), jnp.float32),
        jax.ShapeDtypeStruct((NW, 1, SV), jnp.int32),
    ),
    mesh=_mesh,
    scratch_types=[
        pltpu.VMEM((NB, CH, D), jnp.float32),
        pltpu.VMEM((SLEN,), jnp.int32),
        pltpu.VMEM((1, SV), jnp.int32),
        pltpu.VMEM((1, SV), jnp.int32),
        pltpu.VMEM((D,), jnp.float32),
        pltpu.VMEM((L,), jnp.float32),
        pltpu.VMEM((GPW, 2 * D), jnp.float32),
        pltpu.SemaphoreType.DMA((NB,)),
    ],
    compiler_params=pltpu.CompilerParams(needs_layout_passes=False),
)
def _readout(feats_hbm, seg_hbm, w_hbm, b_hbm,
             out_hbm, slab_hbm,
             fbuf, sbuf, starts_v, tmpv, wbuf, bbuf, obuf, sems):
    cid = lax.axis_index("c")
    sid = lax.axis_index("s")
    wid = sid * NC + cid
    g0 = wid * GPW
    iota = jnp.arange(L, dtype=jnp.int32)

    pltpu.sync_copy(w_hbm, wbuf)
    pltpu.sync_copy(b_hbm, bbuf)

    bigv = jnp.full((L,), N, jnp.int32)

    def init_cand(k, _):
        starts_v[0, pl.ds(k * L, L)] = bigv
        return 0
    lax.fori_loop(0, NV, init_cand, 0)

    g_lo = sid * GPT
    g_hi = jnp.minimum(g_lo + GPT, NGRP)

    def ch0_body(c, _):
        glo_c = g_lo + c * SCHG
        ghi_c = jnp.minimum(glo_c + SCHG, g_hi)

        @pl.when(ghi_c > glo_c)
        def _():
            nb = glo_c * L - L
            bb = jnp.clip(nb, 0, N - SLEN)
            pltpu.sync_copy(seg_hbm.at[pl.ds(pl.multiple_of(bb, 8), SLEN)], sbuf)

            def grp_body(gi, _):
                goff = gi * L - bb
                ids = sbuf[pl.ds(goff, L)]
                prev_mem = sbuf[pl.ds(jnp.maximum(goff - 1, 0), L)]
                prev_reg = ids.at[jnp.maximum(iota - 1, 0)].get(
                    mode="promise_in_bounds")
                prev = jnp.where(goff == 0, prev_reg, prev_mem)
                gidx = gi * L + iota
                mask = (ids != prev) | (gidx == 0)
                plsc.store_scatter(starts_v.at[0], [ids], gidx, mask=mask)
                return 0
            lax.fori_loop(glo_c, ghi_c, grp_body, 0)
        return 0
    lax.fori_loop(0, NCH0, ch0_body, 0)

    pltpu.sync_copy(starts_v, slab_hbm.at[wid])
    plsc.subcore_barrier()

    for r in range(NS):
        pltpu.sync_copy(slab_hbm.at[r * NC + cid], tmpv)

        def mr(k, _):
            sl = pl.ds(k * L, L)
            starts_v[0, sl] = jnp.minimum(starts_v[0, sl], tmpv[0, sl])
            return 0
        lax.fori_loop(0, NV, mr, 0)

    def suf_body(k, carry):
        k2 = NV - 1 - k
        sl = pl.ds(k2 * L, L)
        v = starts_v[0, sl]
        for sh in (1, 2, 4, 8):
            idx = jnp.minimum(iota + sh, L - 1)
            shifted = v.at[idx].get(mode="promise_in_bounds")
            shifted = jnp.where(iota + sh > L - 1, N, shifted)
            v = jnp.minimum(v, shifted)
        v = jnp.minimum(v, carry)
        starts_v[0, sl] = v
        return v.at[jnp.zeros((L,), jnp.int32)].get(mode="promise_in_bounds")
    lax.fori_loop(0, NV, suf_body, bigv)

    def sread(idx):
        return starts_v[0, pl.ds(idx, L)][0]

    wv = tuple(wbuf[pl.ds(j * L, L)] for j in range(JG))
    bv = bbuf[...]
    zeros = jnp.zeros((L,), jnp.float32)
    ninf = jnp.full((L,), NEG_INF, jnp.float32)

    def init_row(r, _):
        for j in range(JG):
            obuf[r, pl.ds(j * L, L)] = zeros
            obuf[r, pl.ds(D + j * L, L)] = ninf
        return 0
    lax.fori_loop(0, GPW, init_row, 0)

    s_w = sread(g0)
    e_w = sread(g0 + GPW)
    a_w = (s_w // 8) * 8
    nchunks = (e_w - a_w + (CH - 1)) // CH

    def chunk_base(ci):
        raw = a_w + ci * CH
        return raw, pl.multiple_of(jnp.minimum(raw, N - CH), 8)

    def dma(ci, b):
        _, base = chunk_base(ci)
        return pltpu.make_async_copy(
            feats_hbm.at[pl.ds(base, CH)], fbuf.at[b], sems.at[b]
        )

    @pl.when(nchunks > 0)
    def _():
        dma(0, 0).start()

    @pl.when(nchunks > 1)
    def _():
        dma(1, 1).start()

    def gate_of(f):
        p = [f[j] * wv[j] for j in range(JG)]
        t = ((p[0] + p[1]) + (p[2] + p[3])) + ((p[4] + p[5]) + (p[6] + p[7]))
        for m in (8, 4, 2, 1):
            t = t + t.at[iota ^ m].get(mode="promise_in_bounds")
        z = t + bv
        return 1.0 / (1.0 + jnp.exp(-z))

    def chunk_body(ci, _):
        b = lax.rem(ci, NB)
        raw, base = chunk_base(ci)
        lo_c = jnp.maximum(s_w, raw)
        hi_c = jnp.minimum(raw + CH, e_w)
        dma(ci, b).wait()

        def load_row(off):
            return tuple(fbuf[b, off, pl.ds(j * L, L)] for j in range(JG))

        def graph_body(g, _):
            sg = sread(g0 + g)
            eg = sread(g0 + g + 1)
            lo = jnp.maximum(sg, lo_c)
            hi = jnp.minimum(eg, hi_c)

            @pl.when(hi > lo)
            def _():
                cnt = hi - lo
                npairs = cnt // 2

                def pair_body(k, acc):
                    off = (lo - base) + 2 * k
                    f0 = load_row(off)
                    f1 = load_row(off + 1)
                    gate0 = gate_of(f0)
                    gate1 = gate_of(f1)
                    new = []
                    for j in range(JG):
                        new.append(acc[j] + (f0[j] * gate0 + f1[j] * gate1))
                    for j in range(JG):
                        new.append(
                            jnp.maximum(acc[JG + j], jnp.maximum(f0[j], f1[j]))
                        )
                    return tuple(new)

                def node_body(i, acc):
                    f = load_row(i - base)
                    gate = gate_of(f)
                    new = []
                    for j in range(JG):
                        new.append(acc[j] + f[j] * gate)
                    for j in range(JG):
                        new.append(jnp.maximum(acc[JG + j], f[j]))
                    return tuple(new)

                init = (zeros,) * JG + (ninf,) * JG
                fin = lax.fori_loop(0, npairs, pair_body, init)
                fin = lax.fori_loop(lo + 2 * npairs, hi, node_body, fin)
                for j in range(JG):
                    sl = pl.ds(j * L, L)
                    obuf[g, sl] = obuf[g, sl] + fin[j]
                    sl2 = pl.ds(D + j * L, L)
                    obuf[g, sl2] = jnp.maximum(obuf[g, sl2], fin[JG + j])
            return 0

        lax.fori_loop(0, GPW, graph_body, 0)

        @pl.when(ci + NB < nchunks)
        def _():
            dma(ci + NB, b).start()
        return 0

    lax.fori_loop(0, nchunks, chunk_body, 0)
    pltpu.sync_copy(obuf, out_hbm.at[pl.ds(pl.multiple_of(g0, GPW), GPW)])


@jax.jit
def kernel(feats, segment_ids, W, b):
    seg32 = segment_ids.astype(jnp.int32)
    w_flat = W.reshape(D).astype(jnp.float32)
    b_vec = jnp.broadcast_to(b.astype(jnp.float32), (L,))
    return _readout(feats, seg32, w_flat, b_vec)[0]

# --- scband reference (transcript-rebuilt; emitter-appended) ---
"""Pipeline reference for scband-weighted-sum-and-max-12025908428984 (READ-ONLY COPY).

The authoritative reference and input builder live on the scoring server;
editing this copy changes nothing except your own understanding.
"""

import jax, jax.numpy as jnp
import numpy as np

N_NODES = 100000
D = 128
N_GRAPHS = 1024


def setup_inputs(seed: int = 0) -> dict:
    key = jax.random.key(seed)
    k1, k2, k3, k4 = jax.random.split(key, 4)
    feats = jax.random.normal(k1, (N_NODES, D), dtype=jnp.float32)
    segment_ids = jnp.sort(jax.random.randint(k2, (N_NODES,), 0, N_GRAPHS, dtype=jnp.int64))
    # WeightAndSum atom weighting layer: nn.Linear(in_feats, 1) followed by sigmoid
    W = jax.random.normal(k3, (D, 1), dtype=jnp.float32) * (1.0 / np.sqrt(D))
    b = jax.random.normal(k4, (1,), dtype=jnp.float32) * 0.01
    return {"feats": feats, "segment_ids": segment_ids, "W": W, "b": b}


def reference(feats, segment_ids, W, b):
    # WeightAndSum: per-node scalar gate then per-graph weighted sum
    atom_w = jax.nn.sigmoid(feats @ W + b)  # [N, 1]
    weighted = feats * atom_w               # [N, D]
    h_g_sum = jax.ops.segment_sum(weighted, segment_ids, num_segments=N_GRAPHS, indices_are_sorted=True)
    # dgl.max_nodes: per-graph max over node features
    h_g_max = jax.ops.segment_max(feats, segment_ids, num_segments=N_GRAPHS, indices_are_sorted=True)
    h_g = jnp.concatenate([h_g_sum, h_g_max], axis=1)  # [N_GRAPHS, 2*D]
    return h_g

if __name__ == "__main__":
    import jax
    _d = setup_inputs()
    print(jax.jit(kernel)(*tuple(_d.values())))

</pallas_src>

<mosaic_0001>
#map = affine_map<(d0, d1) -> (0, 0)>
#map1 = affine_map<(d0, d1) -> (0)>
#map2 = affine_map<(d0, d1) -> (0, 0, 0)>
module attributes {stable_mosaic.version = 14 : i64} {
  func.func @_readout(%arg0: i32, %arg1: i32, %arg2: memref<100000x128xf32, #tpu.memory_space<hbm>>, %arg3: memref<100000xi32, #tpu.memory_space<hbm>>, %arg4: memref<128xf32, #tpu.memory_space<hbm>>, %arg5: memref<16xf32, #tpu.memory_space<hbm>>, %arg6: memref<1024x256xf32, #tpu.memory_space<hbm>>, %arg7: memref<32x1x1056xi32, #tpu.memory_space<hbm>>, %arg8: memref<2x256x128xf32, #tpu.memory_space<vmem>>, %arg9: memref<1040xi32, #tpu.memory_space<vmem>>, %arg10: memref<1x1056xi32, #tpu.memory_space<vmem>>, %arg11: memref<1x1056xi32, #tpu.memory_space<vmem>>, %arg12: memref<128xf32, #tpu.memory_space<vmem>>, %arg13: memref<16xf32, #tpu.memory_space<vmem>>, %arg14: memref<32x256xf32, #tpu.memory_space<vmem>>, %arg15: memref<2x!tpu.dma_semaphore, #tpu.memory_space<semaphore_mem>>) attributes {dimension_semantics = [#tpu.dimension_semantics<core_parallel>, #tpu.dimension_semantics<subcore_parallel>], iteration_bounds = array<i64: 2, 16>, scalar_prefetch = 0 : i64, scratch_operands = 8 : i64, tpu.core_type = #tpu.core_type<sc_vector_subcore>, window_params = [{transform_indices = #map}, {transform_indices = #map1}, {transform_indices = #map1}, {transform_indices = #map1}, {transform_indices = #map}, {transform_indices = #map2}]} {
    %mul3A = arith.constant 2 : i32
    %mul3A_0 = arith.muli %arg1, %mul3A : i32
    %add3A = arith.addi %mul3A_0, %arg0 : i32
    %mul3A_1 = arith.constant 32 : i32
    %mul3A_2 = arith.muli %add3A, %mul3A_1 : i32
    %iota3A = tpu.iota {dimensions = array<i32: 0>} : vector<16xi32>
    "tpu.region"() ({
      %run_scoped3A = tpu.sem_alloc : memref<!tpu.dma_semaphore, #tpu.memory_space<semaphore_mem>>
      tpu.enqueue_dma source(%arg4 : memref<128xf32, #tpu.memory_space<hbm>>) target(%arg12 : memref<128xf32, #tpu.memory_space<vmem>>) target_semaphore(%run_scoped3A : memref<!tpu.dma_semaphore, #tpu.memory_space<semaphore_mem>>)
      tpu.wait_dma2 semaphore(%run_scoped3A : memref<!tpu.dma_semaphore, #tpu.memory_space<semaphore_mem>>) src(%arg4 : memref<128xf32, #tpu.memory_space<hbm>>) dst(%arg12 : memref<128xf32, #tpu.memory_space<vmem>>)
      tpu.yield
    }) : () -> ()
    "tpu.region"() ({
      %run_scoped3A = tpu.sem_alloc : memref<!tpu.dma_semaphore, #tpu.memory_space<semaphore_mem>>
      tpu.enqueue_dma source(%arg5 : memref<16xf32, #tpu.memory_space<hbm>>) target(%arg13 : memref<16xf32, #tpu.memory_space<vmem>>) target_semaphore(%run_scoped3A : memref<!tpu.dma_semaphore, #tpu.memory_space<semaphore_mem>>)
      tpu.wait_dma2 semaphore(%run_scoped3A : memref<!tpu.dma_semaphore, #tpu.memory_space<semaphore_mem>>) src(%arg5 : memref<16xf32, #tpu.memory_space<hbm>>) dst(%arg13 : memref<16xf32, #tpu.memory_space<vmem>>)
      tpu.yield
    }) : () -> ()
    %broadcast_in_dim3A = arith.constant 100000 : i32
    %broadcast_in_dim3A_3 = vector.broadcast %broadcast_in_dim3A : i32 to vector<16xi32>
    %scan3A = arith.constant 0 : i32
    %scan3A_4 = arith.constant 0 : i32
    %scan3A_5 = arith.constant 66 : i32
    %scan3A_6 = arith.addi %scan3A_4, %scan3A_5 : i32
    %scan3A_7 = arith.constant 1 : i32
    %scan3A_8 = scf.for %scan3A_275 = %scan3A_4 to %scan3A_6 step %scan3A_7 iter_args(%scan3A_276 = %scan3A) -> (i32)  : i32 {
      %mul3A_277 = arith.constant 16 : i32
      %mul3A_278 = arith.muli %scan3A_275, %mul3A_277 : i32
      %swap3A = arith.constant 0 : i32
      %swap3A_279 = arith.index_cast %swap3A : i32 to index
      %swap3A_280 = arith.index_cast %mul3A_278 : i32 to index
      %swap3A_281 = tpu.vector_load %arg10[%swap3A_279, %swap3A_280] {strides = array<i32>} : memref<1x1056xi32, #tpu.memory_space<vmem>>, vector<16xi32>,
      tpu.vector_store %arg10[%swap3A_279, %swap3A_280], %broadcast_in_dim3A_3 {strides = array<i32>} : memref<1x1056xi32, #tpu.memory_space<vmem>>, vector<16xi32>,
      %scan3A_282 = arith.constant 0 : i32
      scf.yield %scan3A_282 : i32
    }
    %scan3A_9 = arith.constant 66 : i32
    %mul3A_10 = arith.constant 391 : i32
    %mul3A_11 = arith.muli %arg1, %mul3A_10 : i32
    %add3A_12 = arith.constant 391 : i32
    %add3A_13 = arith.addi %mul3A_11, %add3A_12 : i32
    %min3A = arith.constant 6250 : i32
    %min3A_14 = arith.minsi %add3A_13, %min3A : i32
    %scan3A_15 = arith.constant 0 : i32
    %scan3A_16 = arith.constant 0 : i32
    %scan3A_17 = arith.constant 7 : i32
    %scan3A_18 = arith.addi %scan3A_16, %scan3A_17 : i32
    %scan3A_19 = arith.constant 1 : i32
    %scan3A_20 = scf.for %scan3A_275 = %scan3A_16 to %scan3A_18 step %scan3A_19 iter_args(%scan3A_276 = %scan3A_15) -> (i32)  : i32 {
      %mul3A_277 = arith.constant 64 : i32
      %mul3A_278 = arith.muli %scan3A_275, %mul3A_277 : i32
      %add3A_279 = arith.addi %mul3A_11, %mul3A_278 : i32
      %add3A_280 = arith.constant 64 : i32
      %add3A_281 = arith.addi %add3A_279, %add3A_280 : i32
      %min3A_282 = arith.minsi %add3A_281, %min3A_14 : i32
      %gt3A_283 = arith.cmpi sgt, %min3A_282, %add3A_279 : i32
      %convert_element_type3A_284 = arith.extui %gt3A_283 : i1 to i32
      %cond3A_285 = arith.constant 0 : i32
      %cond3A_286 = arith.cmpi ne, %convert_element_type3A_284, %cond3A_285 : i32
      scf.if %cond3A_286 {
        %mul3A_288 = arith.constant 16 : i32
        %mul3A_289 = arith.muli %add3A_279, %mul3A_288 : i32
        %sub3A_290 = arith.constant 16 : i32
        %sub3A_291 = arith.subi %mul3A_289, %sub3A_290 : i32
        %jit3A_292 = arith.constant 0 : i32
        %jit3A_293 = arith.constant 98960 : i32
        %max3A = arith.maxsi %jit3A_292, %sub3A_291 : i32
        %min3A_294 = arith.minsi %jit3A_293, %max3A : i32
        %multiple_of3A_295 = tpu.assume_multiple %min3A_294, 8 : i32
        "tpu.region"() ({
          %run_scoped3A = tpu.sem_alloc : memref<!tpu.dma_semaphore, #tpu.memory_space<semaphore_mem>>
          %dma_start3A = tpu.memref_slice %arg3[%multiple_of3A_295] : memref<100000xi32, #tpu.memory_space<hbm>> -> memref<1040xi32, #tpu.memory_space<hbm>>
          %dma_start3A_307 = tpu.memref_slice %arg3[%multiple_of3A_295] : memref<100000xi32, #tpu.memory_space<hbm>> -> memref<1040xi32, #tpu.memory_space<hbm>>
          tpu.enqueue_dma source(%dma_start3A_307 : memref<1040xi32, #tpu.memory_space<hbm>>) target(%arg9 : memref<1040xi32, #tpu.memory_space<vmem>>) target_semaphore(%run_scoped3A : memref<!tpu.dma_semaphore, #tpu.memory_space<semaphore_mem>>)
          %dma_wait3A = tpu.memref_slice %arg3[%multiple_of3A_295] : memref<100000xi32, #tpu.memory_space<hbm>> -> memref<1040xi32, #tpu.memory_space<hbm>>
          %dma_wait3A_308 = tpu.memref_slice %arg3[%multiple_of3A_295] : memref<100000xi32, #tpu.memory_space<hbm>> -> memref<1040xi32, #tpu.memory_space<hbm>>
          tpu.wait_dma2 semaphore(%run_scoped3A : memref<!tpu.dma_semaphore, #tpu.memory_space<semaphore_mem>>) src(%dma_wait3A_308 : memref<1040xi32, #tpu.memory_space<hbm>>) dst(%arg9 : memref<1040xi32, #tpu.memory_space<vmem>>)
          tpu.yield
        }) : () -> ()
        %while3A_296 = arith.constant 0 : i32
        %while3A_297 = arith.subi %min3A_282, %add3A_279 : i32
        %while3A_298 = arith.addi %add3A_279, %while3A_297 : i32
        %while3A_299 = arith.constant 1 : i32
        %while3A_300 = arith.divsi %while3A_297, %while3A_299 : i32
        %while3A_301 = arith.muli %while3A_300, %while3A_299 : i32
        %while3A_302 = arith.addi %add3A_279, %while3A_301 : i32
        %while3A_303 = arith.constant 1 : i32
        %while3A_304 = scf.for %while3A_307 = %add3A_279 to %while3A_302 step %while3A_303 iter_args(%while3A_308 = %while3A_296) -> (i32)  : i32 {
          %mul3A_309 = arith.constant 16 : i32
          %mul3A_310 = arith.muli %while3A_307, %mul3A_309 : i32
          %sub3A_311 = arith.subi %mul3A_310, %min3A_294 : i32
          %get3A_312 = arith.index_cast %sub3A_311 : i32 to index
          %get3A_313 = tpu.vector_load %arg9[%get3A_312] {strides = array<i32>} : memref<1040xi32, #tpu.memory_space<vmem>>, vector<16xi32>,
          %sub3A_314 = arith.constant 1 : i32
          %sub3A_315 = arith.subi %sub3A_311, %sub3A_314 : i32
          %max3A_316 = arith.constant 0 : i32
          %max3A_317 = arith.maxsi %sub3A_315, %max3A_316 : i32
          %get3A_318 = arith.index_cast %max3A_317 : i32 to index
          %get3A_319 = tpu.vector_load %arg9[%get3A_318] {strides = array<i32>} : memref<1040xi32, #tpu.memory_space<vmem>>, vector<16xi32>,
          %sub3A_320 = arith.constant 1 : i32
          %sub3A_321 = vector.broadcast %sub3A_320 : i32 to vector<16xi32>
          %sub3A_322 = arith.subi %iota3A, %sub3A_321 : vector<16xi32>
          %max3A_323 = arith.constant 0 : i32
          %max3A_324 = vector.broadcast %max3A_323 : i32 to vector<16xi32>
          %max3A_325 = arith.maxsi %sub3A_322, %max3A_324 : vector<16xi32>
          %lt3A = arith.constant 0 : i32
          %lt3A_326 = vector.broadcast %lt3A : i32 to vector<16xi32>
          %lt3A_327 = arith.cmpi slt, %max3A_325, %lt3A_326 : vector<16xi32>
          %add3A_328 = arith.constant 16 : i32
          %add3A_329 = vector.broadcast %add3A_328 : i32 to vector<16xi32>
          %add3A_330 = arith.addi %max3A_325, %add3A_329 : vector<16xi32>
          %select_n3A_331 = arith.select %lt3A_327, %add3A_330, %max3A_325 : vector<16xi1>, vector<16xi32>
          %broadcast_in_dim3A_332 = vector.shape_cast %select_n3A_331 : vector<16xi32> to vector<16x1xi32>
          %gather3A = vector.shape_cast %broadcast_in_dim3A_332 : vector<16x1xi32> to vector<16xi32>
          %gather3A_333 = tpu.dynamic_gather %get3A_313[%gather3A] in [0] : vector<16xi32>, vector<16xi32> -> vector<16xi32>
          %eq3A = arith.constant 0 : i32
          %eq3A_334 = arith.cmpi eq, %sub3A_311, %eq3A : i32
          %select_n3A_335 = arith.select %eq3A_334, %gather3A_333, %get3A_319 : vector<16xi32>
          %mul3A_336 = arith.constant 16 : i32
          %mul3A_337 = arith.muli %while3A_307, %mul3A_336 : i32
          %add3A_338 = vector.broadcast %mul3A_337 : i32 to vector<16xi32>
          %add3A_339 = arith.addi %add3A_338, %iota3A : vector<16xi32>
          %ne3A_340 = arith.cmpi ne, %get3A_313, %select_n3A_335 : vector<16xi32>
          %eq3A_341 = arith.constant 0 : i32
          %eq3A_342 = vector.broadcast %eq3A_341 : i32 to vector<16xi32>
          %eq3A_343 = arith.cmpi eq, %add3A_339, %eq3A_342 : vector<16xi32>
          %or3A = arith.ori %ne3A_340, %eq3A_343 : vector<16xi1>
          %scatter3A = arith.constant 0 : i32
          %scatter3A_344 = arith.constant 0 : i32
          %scatter3A_345 = tpu.memref_slice %arg10[%scatter3A, %scatter3A_344] : memref<1x1056xi32, #tpu.memory_space<vmem>> -> memref<1x1056xi32, #tpu.memory_space<vmem>>
          %scatter3A_346 = tpu.memref_squeeze %scatter3A_345 : memref<1x1056xi32, #tpu.memory_space<vmem>> -> memref<1056xi32, #tpu.memory_space<vmem>>
          tpu.vector_store_idx %scatter3A_346[%get3A_313], %add3A_339 masked %or3A : memref<1056xi32, #tpu.memory_space<vmem>>[vector<16xi32>], vector<16xi32>, vector<16xi1>
          %while3A_347 = arith.constant 0 : i32
          scf.yield %while3A_347 : i32
        }
        %while3A_305 = arith.constant 1 : i32
        %while3A_306 = scf.for %while3A_307 = %while3A_302 to %while3A_298 step %while3A_305 iter_args(%while3A_308 = %while3A_304) -> (i32)  : i32 {
          %mul3A_309 = arith.constant 16 : i32
          %mul3A_310 = arith.muli %while3A_307, %mul3A_309 : i32
          %sub3A_311 = arith.subi %mul3A_310, %min3A_294 : i32
          %get3A_312 = arith.index_cast %sub3A_311 : i32 to index
          %get3A_313 = tpu.vector_load %arg9[%get3A_312] {strides = array<i32>} : memref<1040xi32, #tpu.memory_space<vmem>>, vector<16xi32>,
          %sub3A_314 = arith.constant 1 : i32
          %sub3A_315 = arith.subi %sub3A_311, %sub3A_314 : i32
          %max3A_316 = arith.constant 0 : i32
          %max3A_317 = arith.maxsi %sub3A_315, %max3A_316 : i32
          %get3A_318 = arith.index_cast %max3A_317 : i32 to index
          %get3A_319 = tpu.vector_load %arg9[%get3A_318] {strides = array<i32>} : memref<1040xi32, #tpu.memory_space<vmem>>, vector<16xi32>,
          %sub3A_320 = arith.constant 1 : i32
          %sub3A_321 = vector.broadcast %sub3A_320 : i32 to vector<16xi32>
          %sub3A_322 = arith.subi %iota3A, %sub3A_321 : vector<16xi32>
          %max3A_323 = arith.constant 0 : i32
          %max3A_324 = vector.broadcast %max3A_323 : i32 to vector<16xi32>
          %max3A_325 = arith.maxsi %sub3A_322, %max3A_324 : vector<16xi32>
          %lt3A = arith.constant 0 : i32
          %lt3A_326 = vector.broadcast %lt3A : i32 to vector<16xi32>
          %lt3A_327 = arith.cmpi slt, %max3A_325, %lt3A_326 : vector<16xi32>
          %add3A_328 = arith.constant 16 : i32
          %add3A_329 = vector.broadcast %add3A_328 : i32 to vector<16xi32>
          %add3A_330 = arith.addi %max3A_325, %add3A_329 : vector<16xi32>
          %select_n3A_331 = arith.select %lt3A_327, %add3A_330, %max3A_325 : vector<16xi1>, vector<16xi32>
          %broadcast_in_dim3A_332 = vector.shape_cast %select_n3A_331 : vector<16xi32> to vector<16x1xi32>
          %gather3A = vector.shape_cast %broadcast_in_dim3A_332 : vector<16x1xi32> to vector<16xi32>
          %gather3A_333 = tpu.dynamic_gather %get3A_313[%gather3A] in [0] : vector<16xi32>, vector<16xi32> -> vector<16xi32>
          %eq3A = arith.constant 0 : i32
          %eq3A_334 = arith.cmpi eq, %sub3A_311, %eq3A : i32
          %select_n3A_335 = arith.select %eq3A_334, %gather3A_333, %get3A_319 : vector<16xi32>
          %mul3A_336 = arith.constant 16 : i32
          %mul3A_337 = arith.muli %while3A_307, %mul3A_336 : i32
          %add3A_338 = vector.broadcast %mul3A_337 : i32 to vector<16xi32>
          %add3A_339 = arith.addi %add3A_338, %iota3A : vector<16xi32>
          %ne3A_340 = arith.cmpi ne, %get3A_313, %select_n3A_335 : vector<16xi32>
          %eq3A_341 = arith.constant 0 : i32
          %eq3A_342 = vector.broadcast %eq3A_341 : i32 to vector<16xi32>
          %eq3A_343 = arith.cmpi eq, %add3A_339, %eq3A_342 : vector<16xi32>
          %or3A = arith.ori %ne3A_340, %eq3A_343 : vector<16xi1>
          %scatter3A = arith.constant 0 : i32
          %scatter3A_344 = arith.constant 0 : i32
          %scatter3A_345 = tpu.memref_slice %arg10[%scatter3A, %scatter3A_344] : memref<1x1056xi32, #tpu.memory_space<vmem>> -> memref<1x1056xi32, #tpu.memory_space<vmem>>
          %scatter3A_346 = tpu.memref_squeeze %scatter3A_345 : memref<1x1056xi32, #tpu.memory_space<vmem>> -> memref<1056xi32, #tpu.memory_space<vmem>>
          tpu.vector_store_idx %scatter3A_346[%get3A_313], %add3A_339 masked %or3A : memref<1056xi32, #tpu.memory_space<vmem>>[vector<16xi32>], vector<16xi32>, vector<16xi1>
          %while3A_347 = arith.constant 0 : i32
          scf.yield %while3A_347 : i32
        }
      } else {
      }
      %scan3A_287 = arith.constant 0 : i32
      scf.yield %scan3A_287 : i32
    }
    %scan3A_21 = arith.constant 7 : i32
    "tpu.region"() ({
      %run_scoped3A = tpu.sem_alloc : memref<!tpu.dma_semaphore, #tpu.memory_space<semaphore_mem>>
      %dma_start3A = arith.constant 0 : i32
      %dma_start3A_275 = arith.constant 0 : i32
      %dma_start3A_276 = tpu.memref_slice %arg7[%add3A, %dma_start3A, %dma_start3A_275] : memref<32x1x1056xi32, #tpu.memory_space<hbm>> -> memref<1x1x1056xi32, #tpu.memory_space<hbm>>
      %dma_start3A_277 = tpu.memref_squeeze %dma_start3A_276 : memref<1x1x1056xi32, #tpu.memory_space<hbm>> -> memref<1x1056xi32, #tpu.memory_space<hbm>>
      %dma_start3A_278 = arith.constant 0 : i32
      %dma_start3A_279 = arith.constant 0 : i32
      %dma_start3A_280 = tpu.memref_slice %arg7[%add3A, %dma_start3A_278, %dma_start3A_279] : memref<32x1x1056xi32, #tpu.memory_space<hbm>> -> memref<1x1x1056xi32, #tpu.memory_space<hbm>>
      %dma_start3A_281 = tpu.memref_squeeze %dma_start3A_280 : memref<1x1x1056xi32, #tpu.memory_space<hbm>> -> memref<1x1056xi32, #tpu.memory_space<hbm>>
      tpu.enqueue_dma source(%arg10 : memref<1x1056xi32, #tpu.memory_space<vmem>>) target(%dma_start3A_281 : memref<1x1056xi32, #tpu.memory_space<hbm>>) target_semaphore(%run_scoped3A : memref<!tpu.dma_semaphore, #tpu.memory_space<semaphore_mem>>)
      %dma_wait3A = arith.constant 0 : i32
      %dma_wait3A_282 = arith.constant 0 : i32
      %dma_wait3A_283 = tpu.memref_slice %arg7[%add3A, %dma_wait3A, %dma_wait3A_282] : memref<32x1x1056xi32, #tpu.memory_space<hbm>> -> memref<1x1x1056xi32, #tpu.memory_space<hbm>>
      %dma_wait3A_284 = tpu.memref_squeeze %dma_wait3A_283 : memref<1x1x1056xi32, #tpu.memory_space<hbm>> -> memref<1x1056xi32, #tpu.memory_space<hbm>>
      %dma_wait3A_285 = arith.constant 0 : i32
      %dma_wait3A_286 = arith.constant 0 : i32
      %dma_wait3A_287 = tpu.memref_slice %arg7[%add3A, %dma_wait3A_285, %dma_wait3A_286] : memref<32x1x1056xi32, #tpu.memory_space<hbm>> -> memref<1x1x1056xi32, #tpu.memory_space<hbm>>
      %dma_wait3A_288 = tpu.memref_squeeze %dma_wait3A_287 : memref<1x1x1056xi32, #tpu.memory_space<hbm>> -> memref<1x1056xi32, #tpu.memory_space<hbm>>
      tpu.wait_dma2 semaphore(%run_scoped3A : memref<!tpu.dma_semaphore, #tpu.memory_space<semaphore_mem>>) src(%arg10 : memref<1x1056xi32, #tpu.memory_space<vmem>>) dst(%dma_wait3A_288 : memref<1x1056xi32, #tpu.memory_space<hbm>>)
      tpu.yield
    }) : () -> ()
    %barrier3A = arith.constant 0 : index
    tpu.barrier barrier_id(%barrier3A)
    %add3A_22 = arith.constant 0 : i32
    %add3A_23 = arith.addi %add3A_22, %arg0 : i32
    "tpu.region"() ({
      %run_scoped3A = tpu.sem_alloc : memref<!tpu.dma_semaphore, #tpu.memory_space<semaphore_mem>>
      %dma_start3A = arith.constant 0 : i32
      %dma_start3A_275 = arith.constant 0 : i32
      %dma_start3A_276 = tpu.memref_slice %arg7[%add3A_23, %dma_start3A, %dma_start3A_275] : memref<32x1x1056xi32, #tpu.memory_space<hbm>> -> memref<1x1x1056xi32, #tpu.memory_space<hbm>>
      %dma_start3A_277 = tpu.memref_squeeze %dma_start3A_276 : memref<1x1x1056xi32, #tpu.memory_space<hbm>> -> memref<1x1056xi32, #tpu.memory_space<hbm>>
      %dma_start3A_278 = arith.constant 0 : i32
      %dma_start3A_279 = arith.constant 0 : i32
      %dma_start3A_280 = tpu.memref_slice %arg7[%add3A_23, %dma_start3A_278, %dma_start3A_279] : memref<32x1x1056xi32, #tpu.memory_space<hbm>> -> memref<1x1x1056xi32, #tpu.memory_space<hbm>>
      %dma_start3A_281 = tpu.memref_squeeze %dma_start3A_280 : memref<1x1x1056xi32, #tpu.memory_space<hbm>> -> memref<1x1056xi32, #tpu.memory_space<hbm>>
      tpu.enqueue_dma source(%dma_start3A_281 : memref<1x1056xi32, #tpu.memory_space<hbm>>) target(%arg11 : memref<1x1056xi32, #tpu.memory_space<vmem>>) target_semaphore(%run_scoped3A : memref<!tpu.dma_semaphore, #tpu.memory_space<semaphore_mem>>)
      %dma_wait3A = arith.constant 0 : i32
      %dma_wait3A_282 = arith.constant 0 : i32
      %dma_wait3A_283 = tpu.memref_slice %arg7[%add3A_23, %dma_wait3A, %dma_wait3A_282] : memref<32x1x1056xi32, #tpu.memory_space<hbm>> -> memref<1x1x1056xi32, #tpu.memory_space<hbm>>
      %dma_wait3A_284 = tpu.memref_squeeze %dma_wait3A_283 : memref<1x1x1056xi32, #tpu.memory_space<hbm>> -> memref<1x1056xi32, #tpu.memory_space<hbm>>
      %dma_wait3A_285 = arith.constant 0 : i32
      %dma_wait3A_286 = arith.constant 0 : i32
      %dma_wait3A_287 = tpu.memref_slice %arg7[%add3A_23, %dma_wait3A_285, %dma_wait3A_286] : memref<32x1x1056xi32, #tpu.memory_space<hbm>> -> memref<1x1x1056xi32, #tpu.memory_space<hbm>>
      %dma_wait3A_288 = tpu.memref_squeeze %dma_wait3A_287 : memref<1x1x1056xi32, #tpu.memory_space<hbm>> -> memref<1x1056xi32, #tpu.memory_space<hbm>>
      tpu.wait_dma2 semaphore(%run_scoped3A : memref<!tpu.dma_semaphore, #tpu.memory_space<semaphore_mem>>) src(%dma_wait3A_288 : memref<1x1056xi32, #tpu.memory_space<hbm>>) dst(%arg11 : memref<1x1056xi32, #tpu.memory_space<vmem>>)
      tpu.yield
    }) : () -> ()
    %scan3A_24 = arith.constant 0 : i32
    %scan3A_25 = arith.constant 0 : i32
    %scan3A_26 = arith.constant 66 : i32
    %scan3A_27 = arith.addi %scan3A_25, %scan3A_26 : i32
    %scan3A_28 = arith.constant 1 : i32
    %scan3A_29 = scf.for %scan3A_275 = %scan3A_25 to %scan3A_27 step %scan3A_28 iter_args(%scan3A_276 = %scan3A_24) -> (i32)  : i32 {
      %mul3A_277 = arith.constant 16 : i32
      %mul3A_278 = arith.muli %scan3A_275, %mul3A_277 : i32
      %get3A_279 = arith.constant 0 : i32
      %get3A_280 = arith.index_cast %get3A_279 : i32 to index
      %get3A_281 = arith.index_cast %mul3A_278 : i32 to index
      %get3A_282 = tpu.vector_load %arg10[%get3A_280, %get3A_281] {strides = array<i32>} : memref<1x1056xi32, #tpu.memory_space<vmem>>, vector<16xi32>,
      %get3A_283 = arith.constant 0 : i32
      %get3A_284 = arith.index_cast %get3A_283 : i32 to index
      %get3A_285 = arith.index_cast %mul3A_278 : i32 to index
      %get3A_286 = tpu.vector_load %arg11[%get3A_284, %get3A_285] {strides = array<i32>} : memref<1x1056xi32, #tpu.memory_space<vmem>>, vector<16xi32>,
      %min3A_287 = arith.minsi %get3A_282, %get3A_286 : vector<16xi32>
      %swap3A = arith.constant 0 : i32
      %swap3A_288 = arith.index_cast %swap3A : i32 to index
      %swap3A_289 = arith.index_cast %mul3A_278 : i32 to index
      %swap3A_290 = tpu.vector_load %arg10[%swap3A_288, %swap3A_289] {strides = array<i32>} : memref<1x1056xi32, #tpu.memory_space<vmem>>, vector<16xi32>,
      tpu.vector_store %arg10[%swap3A_288, %swap3A_289], %min3A_287 {strides = array<i32>} : memref<1x1056xi32, #tpu.memory_space<vmem>>, vector<16xi32>,
      %scan3A_291 = arith.constant 0 : i32
      scf.yield %scan3A_291 : i32
    }
    %scan3A_30 = arith.constant 66 : i32
    %add3A_31 = arith.constant 2 : i32
    %add3A_32 = arith.addi %add3A_31, %arg0 : i32
    "tpu.region"() ({
      %run_scoped3A = tpu.sem_alloc : memref<!tpu.dma_semaphore, #tpu.memory_space<semaphore_mem>>
      %dma_start3A = arith.constant 0 : i32
      %dma_start3A_275 = arith.constant 0 : i32
      %dma_start3A_276 = tpu.memref_slice %arg7[%add3A_32, %dma_start3A, %dma_start3A_275] : memref<32x1x1056xi32, #tpu.memory_space<hbm>> -> memref<1x1x1056xi32, #tpu.memory_space<hbm>>
      %dma_start3A_277 = tpu.memref_squeeze %dma_start3A_276 : memref<1x1x1056xi32, #tpu.memory_space<hbm>> -> memref<1x1056xi32, #tpu.memory_space<hbm>>
      %dma_start3A_278 = arith.constant 0 : i32
      %dma_start3A_279 = arith.constant 0 : i32
      %dma_start3A_280 = tpu.memref_slice %arg7[%add3A_32, %dma_start3A_278, %dma_start3A_279] : memref<32x1x1056xi32, #tpu.memory_space<hbm>> -> memref<1x1x1056xi32, #tpu.memory_space<hbm>>
      %dma_start3A_281 = tpu.memref_squeeze %dma_start3A_280 : memref<1x1x1056xi32, #tpu.memory_space<hbm>> -> memref<1x1056xi32, #tpu.memory_space<hbm>>
      tpu.enqueue_dma source(%dma_start3A_281 : memref<1x1056xi32, #tpu.memory_space<hbm>>) target(%arg11 : memref<1x1056xi32, #tpu.memory_space<vmem>>) target_semaphore(%run_scoped3A : memref<!tpu.dma_semaphore, #tpu.memory_space<semaphore_mem>>)
      %dma_wait3A = arith.constant 0 : i32
      %dma_wait3A_282 = arith.constant 0 : i32
      %dma_wait3A_283 = tpu.memref_slice %arg7[%add3A_32, %dma_wait3A, %dma_wait3A_282] : memref<32x1x1056xi32, #tpu.memory_space<hbm>> -> memref<1x1x1056xi32, #tpu.memory_space<hbm>>
      %dma_wait3A_284 = tpu.memref_squeeze %dma_wait3A_283 : memref<1x1x1056xi32, #tpu.memory_space<hbm>> -> memref<1x1056xi32, #tpu.memory_space<hbm>>
      %dma_wait3A_285 = arith.constant 0 : i32
      %dma_wait3A_286 = arith.constant 0 : i32
      %dma_wait3A_287 = tpu.memref_slice %arg7[%add3A_32, %dma_wait3A_285, %dma_wait3A_286] : memref<32x1x1056xi32, #tpu.memory_space<hbm>> -> memref<1x1x1056xi32, #tpu.memory_space<hbm>>
      %dma_wait3A_288 = tpu.memref_squeeze %dma_wait3A_287 : memref<1x1x1056xi32, #tpu.memory_space<hbm>> -> memref<1x1056xi32, #tpu.memory_space<hbm>>
      tpu.wait_dma2 semaphore(%run_scoped3A : memref<!tpu.dma_semaphore, #tpu.memory_space<semaphore_mem>>) src(%dma_wait3A_288 : memref<1x1056xi32, #tpu.memory_space<hbm>>) dst(%arg11 : memref<1x1056xi32, #tpu.memory_space<vmem>>)
      tpu.yield
    }) : () -> ()
    %scan3A_33 = arith.constant 0 : i32
    %scan3A_34 = arith.constant 0 : i32
    %scan3A_35 = arith.constant 66 : i32
    %scan3A_36 = arith.addi %scan3A_34, %scan3A_35 : i32
    %scan3A_37 = arith.constant 1 : i32
    %scan3A_38 = scf.for %scan3A_275 = %scan3A_34 to %scan3A_36 step %scan3A_37 iter_args(%scan3A_276 = %scan3A_33) -> (i32)  : i32 {
      %mul3A_277 = arith.constant 16 : i32
      %mul3A_278 = arith.muli %scan3A_275, %mul3A_277 : i32
      %get3A_279 = arith.constant 0 : i32
      %get3A_280 = arith.index_cast %get3A_279 : i32 to index
      %get3A_281 = arith.index_cast %mul3A_278 : i32 to index
      %get3A_282 = tpu.vector_load %arg10[%get3A_280, %get3A_281] {strides = array<i32>} : memref<1x1056xi32, #tpu.memory_space<vmem>>, vector<16xi32>,
      %get3A_283 = arith.constant 0 : i32
      %get3A_284 = arith.index_cast %get3A_283 : i32 to index
      %get3A_285 = arith.index_cast %mul3A_278 : i32 to index
      %get3A_286 = tpu.vector_load %arg11[%get3A_284, %get3A_285] {strides = array<i32>} : memref<1x1056xi32, #tpu.memory_space<vmem>>, vector<16xi32>,
      %min3A_287 = arith.minsi %get3A_282, %get3A_286 : vector<16xi32>
      %swap3A = arith.constant 0 : i32
      %swap3A_288 = arith.index_cast %swap3A : i32 to index
      %swap3A_289 = arith.index_cast %mul3A_278 : i32 to index
      %swap3A_290 = tpu.vector_load %arg10[%swap3A_288, %swap3A_289] {strides = array<i32>} : memref<1x1056xi32, #tpu.memory_space<vmem>>, vector<16xi32>,
      tpu.vector_store %arg10[%swap3A_288, %swap3A_289], %min3A_287 {strides = array<i32>} : memref<1x1056xi32, #tpu.memory_space<vmem>>, vector<16xi32>,
      %scan3A_291 = arith.constant 0 : i32
      scf.yield %scan3A_291 : i32
    }
    %scan3A_39 = arith.constant 66 : i32
    %add3A_40 = arith.constant 4 : i32
    %add3A_41 = arith.addi %add3A_40, %arg0 : i32
    "tpu.region"() ({
      %run_scoped3A = tpu.sem_alloc : memref<!tpu.dma_semaphore, #tpu.memory_space<semaphore_mem>>
      %dma_start3A = arith.constant 0 : i32
      %dma_start3A_275 = arith.constant 0 : i32
      %dma_start3A_276 = tpu.memref_slice %arg7[%add3A_41, %dma_start3A, %dma_start3A_275] : memref<32x1x1056xi32, #tpu.memory_space<hbm>> -> memref<1x1x1056xi32, #tpu.memory_space<hbm>>
      %dma_start3A_277 = tpu.memref_squeeze %dma_start3A_276 : memref<1x1x1056xi32, #tpu.memory_space<hbm>> -> memref<1x1056xi32, #tpu.memory_space<hbm>>
      %dma_start3A_278 = arith.constant 0 : i32
      %dma_start3A_279 = arith.constant 0 : i32
      %dma_start3A_280 = tpu.memref_slice %arg7[%add3A_41, %dma_start3A_278, %dma_start3A_279] : memref<32x1x1056xi32, #tpu.memory_space<hbm>> -> memref<1x1x1056xi32, #tpu.memory_space<hbm>>
      %dma_start3A_281 = tpu.memref_squeeze %dma_start3A_280 : memref<1x1x1056xi32, #tpu.memory_space<hbm>> -> memref<1x1056xi32, #tpu.memory_space<hbm>>
      tpu.enqueue_dma source(%dma_start3A_281 : memref<1x1056xi32, #tpu.memory_space<hbm>>) target(%arg11 : memref<1x1056xi32, #tpu.memory_space<vmem>>) target_semaphore(%run_scoped3A : memref<!tpu.dma_semaphore, #tpu.memory_space<semaphore_mem>>)
      %dma_wait3A = arith.constant 0 : i32
      %dma_wait3A_282 = arith.constant 0 : i32
      %dma_wait3A_283 = tpu.memref_slice %arg7[%add3A_41, %dma_wait3A, %dma_wait3A_282] : memref<32x1x1056xi32, #tpu.memory_space<hbm>> -> memref<1x1x1056xi32, #tpu.memory_space<hbm>>
      %dma_wait3A_284 = tpu.memref_squeeze %dma_wait3A_283 : memref<1x1x1056xi32, #tpu.memory_space<hbm>> -> memref<1x1056xi32, #tpu.memory_space<hbm>>
      %dma_wait3A_285 = arith.constant 0 : i32
      %dma_wait3A_286 = arith.constant 0 : i32
      %dma_wait3A_287 = tpu.memref_slice %arg7[%add3A_41, %dma_wait3A_285, %dma_wait3A_286] : memref<32x1x1056xi32, #tpu.memory_space<hbm>> -> memref<1x1x1056xi32, #tpu.memory_space<hbm>>
      %dma_wait3A_288 = tpu.memref_squeeze %dma_wait3A_287 : memref<1x1x1056xi32, #tpu.memory_space<hbm>> -> memref<1x1056xi32, #tpu.memory_space<hbm>>
      tpu.wait_dma2 semaphore(%run_scoped3A : memref<!tpu.dma_semaphore, #tpu.memory_space<semaphore_mem>>) src(%dma_wait3A_288 : memref<1x1056xi32, #tpu.memory_space<hbm>>) dst(%arg11 : memref<1x1056xi32, #tpu.memory_space<vmem>>)
      tpu.yield
    }) : () -> ()
    %scan3A_42 = arith.constant 0 : i32
    %scan3A_43 = arith.constant 0 : i32
    %scan3A_44 = arith.constant 66 : i32
    %scan3A_45 = arith.addi %scan3A_43, %scan3A_44 : i32
    %scan3A_46 = arith.constant 1 : i32
    %scan3A_47 = scf.for %scan3A_275 = %scan3A_43 to %scan3A_45 step %scan3A_46 iter_args(%scan3A_276 = %scan3A_42) -> (i32)  : i32 {
      %mul3A_277 = arith.constant 16 : i32
      %mul3A_278 = arith.muli %scan3A_275, %mul3A_277 : i32
      %get3A_279 = arith.constant 0 : i32
      %get3A_280 = arith.index_cast %get3A_279 : i32 to index
      %get3A_281 = arith.index_cast %mul3A_278 : i32 to index
      %get3A_282 = tpu.vector_load %arg10[%get3A_280, %get3A_281] {strides = array<i32>} : memref<1x1056xi32, #tpu.memory_space<vmem>>, vector<16xi32>,
      %get3A_283 = arith.constant 0 : i32
      %get3A_284 = arith.index_cast %get3A_283 : i32 to index
      %get3A_285 = arith.index_cast %mul3A_278 : i32 to index
      %get3A_286 = tpu.vector_load %arg11[%get3A_284, %get3A_285] {strides = array<i32>} : memref<1x1056xi32, #tpu.memory_space<vmem>>, vector<16xi32>,
      %min3A_287 = arith.minsi %get3A_282, %get3A_286 : vector<16xi32>
      %swap3A = arith.constant 0 : i32
      %swap3A_288 = arith.index_cast %swap3A : i32 to index
      %swap3A_289 = arith.index_cast %mul3A_278 : i32 to index
      %swap3A_290 = tpu.vector_load %arg10[%swap3A_288, %swap3A_289] {strides = array<i32>} : memref<1x1056xi32, #tpu.memory_space<vmem>>, vector<16xi32>,
      tpu.vector_store %arg10[%swap3A_288, %swap3A_289], %min3A_287 {strides = array<i32>} : memref<1x1056xi32, #tpu.memory_space<vmem>>, vector<16xi32>,
      %scan3A_291 = arith.constant 0 : i32
      scf.yield %scan3A_291 : i32
    }
    %scan3A_48 = arith.constant 66 : i32
    %add3A_49 = arith.constant 6 : i32
    %add3A_50 = arith.addi %add3A_49, %arg0 : i32
    "tpu.region"() ({
      %run_scoped3A = tpu.sem_alloc : memref<!tpu.dma_semaphore, #tpu.memory_space<semaphore_mem>>
      %dma_start3A = arith.constant 0 : i32
      %dma_start3A_275 = arith.constant 0 : i32
      %dma_start3A_276 = tpu.memref_slice %arg7[%add3A_50, %dma_start3A, %dma_start3A_275] : memref<32x1x1056xi32, #tpu.memory_space<hbm>> -> memref<1x1x1056xi32, #tpu.memory_space<hbm>>
      %dma_start3A_277 = tpu.memref_squeeze %dma_start3A_276 : memref<1x1x1056xi32, #tpu.memory_space<hbm>> -> memref<1x1056xi32, #tpu.memory_space<hbm>>
      %dma_start3A_278 = arith.constant 0 : i32
      %dma_start3A_279 = arith.constant 0 : i32
      %dma_start3A_280 = tpu.memref_slice %arg7[%add3A_50, %dma_start3A_278, %dma_start3A_279] : memref<32x1x1056xi32, #tpu.memory_space<hbm>> -> memref<1x1x1056xi32, #tpu.memory_space<hbm>>
      %dma_start3A_281 = tpu.memref_squeeze %dma_start3A_280 : memref<1x1x1056xi32, #tpu.memory_space<hbm>> -> memref<1x1056xi32, #tpu.memory_space<hbm>>
      tpu.enqueue_dma source(%dma_start3A_281 : memref<1x1056xi32, #tpu.memory_space<hbm>>) target(%arg11 : memref<1x1056xi32, #tpu.memory_space<vmem>>) target_semaphore(%run_scoped3A : memref<!tpu.dma_semaphore, #tpu.memory_space<semaphore_mem>>)
      %dma_wait3A = arith.constant 0 : i32
      %dma_wait3A_282 = arith.constant 0 : i32
      %dma_wait3A_283 = tpu.memref_slice %arg7[%add3A_50, %dma_wait3A, %dma_wait3A_282] : memref<32x1x1056xi32, #tpu.memory_space<hbm>> -> memref<1x1x1056xi32, #tpu.memory_space<hbm>>
      %dma_wait3A_284 = tpu.memref_squeeze %dma_wait3A_283 : memref<1x1x1056xi32, #tpu.memory_space<hbm>> -> memref<1x1056xi32, #tpu.memory_space<hbm>>
      %dma_wait3A_285 = arith.constant 0 : i32
      %dma_wait3A_286 = arith.constant 0 : i32
      %dma_wait3A_287 = tpu.memref_slice %arg7[%add3A_50, %dma_wait3A_285, %dma_wait3A_286] : memref<32x1x1056xi32, #tpu.memory_space<hbm>> -> memref<1x1x1056xi32, #tpu.memory_space<hbm>>
      %dma_wait3A_288 = tpu.memref_squeeze %dma_wait3A_287 : memref<1x1x1056xi32, #tpu.memory_space<hbm>> -> memref<1x1056xi32, #tpu.memory_space<hbm>>
      tpu.wait_dma2 semaphore(%run_scoped3A : memref<!tpu.dma_semaphore, #tpu.memory_space<semaphore_mem>>) src(%dma_wait3A_288 : memref<1x1056xi32, #tpu.memory_space<hbm>>) dst(%arg11 : memref<1x1056xi32, #tpu.memory_space<vmem>>)
      tpu.yield
    }) : () -> ()
    %scan3A_51 = arith.constant 0 : i32
    %scan3A_52 = arith.constant 0 : i32
    %scan3A_53 = arith.constant 66 : i32
    %scan3A_54 = arith.addi %scan3A_52, %scan3A_53 : i32
    %scan3A_55 = arith.constant 1 : i32
    %scan3A_56 = scf.for %scan3A_275 = %scan3A_52 to %scan3A_54 step %scan3A_55 iter_args(%scan3A_276 = %scan3A_51) -> (i32)  : i32 {
      %mul3A_277 = arith.constant 16 : i32
      %mul3A_278 = arith.muli %scan3A_275, %mul3A_277 : i32
      %get3A_279 = arith.constant 0 : i32
      %get3A_280 = arith.index_cast %get3A_279 : i32 to index
      %get3A_281 = arith.index_cast %mul3A_278 : i32 to index
      %get3A_282 = tpu.vector_load %arg10[%get3A_280, %get3A_281] {strides = array<i32>} : memref<1x1056xi32, #tpu.memory_space<vmem>>, vector<16xi32>,
      %get3A_283 = arith.constant 0 : i32
      %get3A_284 = arith.index_cast %get3A_283 : i32 to index
      %get3A_285 = arith.index_cast %mul3A_278 : i32 to index
      %get3A_286 = tpu.vector_load %arg11[%get3A_284, %get3A_285] {strides = array<i32>} : memref<1x1056xi32, #tpu.memory_space<vmem>>, vector<16xi32>,
      %min3A_287 = arith.minsi %get3A_282, %get3A_286 : vector<16xi32>
      %swap3A = arith.constant 0 : i32
      %swap3A_288 = arith.index_cast %swap3A : i32 to index
      %swap3A_289 = arith.index_cast %mul3A_278 : i32 to index
      %swap3A_290 = tpu.vector_load %arg10[%swap3A_288, %swap3A_289] {strides = array<i32>} : memref<1x1056xi32, #tpu.memory_space<vmem>>, vector<16xi32>,
      tpu.vector_store %arg10[%swap3A_288, %swap3A_289], %min3A_287 {strides = array<i32>} : memref<1x1056xi32, #tpu.memory_space<vmem>>, vector<16xi32>,
      %scan3A_291 = arith.constant 0 : i32
      scf.yield %scan3A_291 : i32
    }
    %scan3A_57 = arith.constant 66 : i32
    %add3A_58 = arith.constant 8 : i32
    %add3A_59 = arith.addi %add3A_58, %arg0 : i32
    "tpu.region"() ({
      %run_scoped3A = tpu.sem_alloc : memref<!tpu.dma_semaphore, #tpu.memory_space<semaphore_mem>>
      %dma_start3A = arith.constant 0 : i32
      %dma_start3A_275 = arith.constant 0 : i32
      %dma_start3A_276 = tpu.memref_slice %arg7[%add3A_59, %dma_start3A, %dma_start3A_275] : memref<32x1x1056xi32, #tpu.memory_space<hbm>> -> memref<1x1x1056xi32, #tpu.memory_space<hbm>>
      %dma_start3A_277 = tpu.memref_squeeze %dma_start3A_276 : memref<1x1x1056xi32, #tpu.memory_space<hbm>> -> memref<1x1056xi32, #tpu.memory_space<hbm>>
      %dma_start3A_278 = arith.constant 0 : i32
      %dma_start3A_279 = arith.constant 0 : i32
      %dma_start3A_280 = tpu.memref_slice %arg7[%add3A_59, %dma_start3A_278, %dma_start3A_279] : memref<32x1x1056xi32, #tpu.memory_space<hbm>> -> memref<1x1x1056xi32, #tpu.memory_space<hbm>>
      %dma_start3A_281 = tpu.memref_squeeze %dma_start3A_280 : memref<1x1x1056xi32, #tpu.memory_space<hbm>> -> memref<1x1056xi32, #tpu.memory_space<hbm>>
      tpu.enqueue_dma source(%dma_start3A_281 : memref<1x1056xi32, #tpu.memory_space<hbm>>) target(%arg11 : memref<1x1056xi32, #tpu.memory_space<vmem>>) target_semaphore(%run_scoped3A : memref<!tpu.dma_semaphore, #tpu.memory_space<semaphore_mem>>)
      %dma_wait3A = arith.constant 0 : i32
      %dma_wait3A_282 = arith.constant 0 : i32
      %dma_wait3A_283 = tpu.memref_slice %arg7[%add3A_59, %dma_wait3A, %dma_wait3A_282] : memref<32x1x1056xi32, #tpu.memory_space<hbm>> -> memref<1x1x1056xi32, #tpu.memory_space<hbm>>
      %dma_wait3A_284 = tpu.memref_squeeze %dma_wait3A_283 : memref<1x1x1056xi32, #tpu.memory_space<hbm>> -> memref<1x1056xi32, #tpu.memory_space<hbm>>
      %dma_wait3A_285 = arith.constant 0 : i32
      %dma_wait3A_286 = arith.constant 0 : i32
      %dma_wait3A_287 = tpu.memref_slice %arg7[%add3A_59, %dma_wait3A_285, %dma_wait3A_286] : memref<32x1x1056xi32, #tpu.memory_space<hbm>> -> memref<1x1x1056xi32, #tpu.memory_space<hbm>>
      %dma_wait3A_288 = tpu.memref_squeeze %dma_wait3A_287 : memref<1x1x1056xi32, #tpu.memory_space<hbm>> -> memref<1x1056xi32, #tpu.memory_space<hbm>>
      tpu.wait_dma2 semaphore(%run_scoped3A : memref<!tpu.dma_semaphore, #tpu.memory_space<semaphore_mem>>) src(%dma_wait3A_288 : memref<1x1056xi32, #tpu.memory_space<hbm>>) dst(%arg11 : memref<1x1056xi32, #tpu.memory_space<vmem>>)
      tpu.yield
    }) : () -> ()
    %scan3A_60 = arith.constant 0 : i32
    %scan3A_61 = arith.constant 0 : i32
    %scan3A_62 = arith.constant 66 : i32
    %scan3A_63 = arith.addi %scan3A_61, %scan3A_62 : i32
    %scan3A_64 = arith.constant 1 : i32
    %scan3A_65 = scf.for %scan3A_275 = %scan3A_61 to %scan3A_63 step %scan3A_64 iter_args(%scan3A_276 = %scan3A_60) -> (i32)  : i32 {
      %mul3A_277 = arith.constant 16 : i32
      %mul3A_278 = arith.muli %scan3A_275, %mul3A_277 : i32
      %get3A_279 = arith.constant 0 : i32
      %get3A_280 = arith.index_cast %get3A_279 : i32 to index
      %get3A_281 = arith.index_cast %mul3A_278 : i32 to index
      %get3A_282 = tpu.vector_load %arg10[%get3A_280, %get3A_281] {strides = array<i32>} : memref<1x1056xi32, #tpu.memory_space<vmem>>, vector<16xi32>,
      %get3A_283 = arith.constant 0 : i32
      %get3A_284 = arith.index_cast %get3A_283 : i32 to index
      %get3A_285 = arith.index_cast %mul3A_278 : i32 to index
      %get3A_286 = tpu.vector_load %arg11[%get3A_284, %get3A_285] {strides = array<i32>} : memref<1x1056xi32, #tpu.memory_space<vmem>>, vector<16xi32>,
      %min3A_287 = arith.minsi %get3A_282, %get3A_286 : vector<16xi32>
      %swap3A = arith.constant 0 : i32
      %swap3A_288 = arith.index_cast %swap3A : i32 to index
      %swap3A_289 = arith.index_cast %mul3A_278 : i32 to index
      %swap3A_290 = tpu.vector_load %arg10[%swap3A_288, %swap3A_289] {strides = array<i32>} : memref<1x1056xi32, #tpu.memory_space<vmem>>, vector<16xi32>,
      tpu.vector_store %arg10[%swap3A_288, %swap3A_289], %min3A_287 {strides = array<i32>} : memref<1x1056xi32, #tpu.memory_space<vmem>>, vector<16xi32>,
      %scan3A_291 = arith.constant 0 : i32
      scf.yield %scan3A_291 : i32
    }
    %scan3A_66 = arith.constant 66 : i32
    %add3A_67 = arith.constant 10 : i32
    %add3A_68 = arith.addi %add3A_67, %arg0 : i32
    "tpu.region"() ({
      %run_scoped3A = tpu.sem_alloc : memref<!tpu.dma_semaphore, #tpu.memory_space<semaphore_mem>>
      %dma_start3A = arith.constant 0 : i32
      %dma_start3A_275 = arith.constant 0 : i32
      %dma_start3A_276 = tpu.memref_slice %arg7[%add3A_68, %dma_start3A, %dma_start3A_275] : memref<32x1x1056xi32, #tpu.memory_space<hbm>> -> memref<1x1x1056xi32, #tpu.memory_space<hbm>>
      %dma_start3A_277 = tpu.memref_squeeze %dma_start3A_276 : memref<1x1x1056xi32, #tpu.memory_space<hbm>> -> memref<1x1056xi32, #tpu.memory_space<hbm>>
      %dma_start3A_278 = arith.constant 0 : i32
      %dma_start3A_279 = arith.constant 0 : i32
      %dma_start3A_280 = tpu.memref_slice %arg7[%add3A_68, %dma_start3A_278, %dma_start3A_279] : memref<32x1x1056xi32, #tpu.memory_space<hbm>> -> memref<1x1x1056xi32, #tpu.memory_space<hbm>>
      %dma_start3A_281 = tpu.memref_squeeze %dma_start3A_280 : memref<1x1x1056xi32, #tpu.memory_space<hbm>> -> memref<1x1056xi32, #tpu.memory_space<hbm>>
      tpu.enqueue_dma source(%dma_start3A_281 : memref<1x1056xi32, #tpu.memory_space<hbm>>) target(%arg11 : memref<1x1056xi32, #tpu.memory_space<vmem>>) target_semaphore(%run_scoped3A : memref<!tpu.dma_semaphore, #tpu.memory_space<semaphore_mem>>)
      %dma_wait3A = arith.constant 0 : i32
      %dma_wait3A_282 = arith.constant 0 : i32
      %dma_wait3A_283 = tpu.memref_slice %arg7[%add3A_68, %dma_wait3A, %dma_wait3A_282] : memref<32x1x1056xi32, #tpu.memory_space<hbm>> -> memref<1x1x1056xi32, #tpu.memory_space<hbm>>
      %dma_wait3A_284 = tpu.memref_squeeze %dma_wait3A_283 : memref<1x1x1056xi32, #tpu.memory_space<hbm>> -> memref<1x1056xi32, #tpu.memory_space<hbm>>
      %dma_wait3A_285 = arith.constant 0 : i32
      %dma_wait3A_286 = arith.constant 0 : i32
      %dma_wait3A_287 = tpu.memref_slice %arg7[%add3A_68, %dma_wait3A_285, %dma_wait3A_286] : memref<32x1x1056xi32, #tpu.memory_space<hbm>> -> memref<1x1x1056xi32, #tpu.memory_space<hbm>>
      %dma_wait3A_288 = tpu.memref_squeeze %dma_wait3A_287 : memref<1x1x1056xi32, #tpu.memory_space<hbm>> -> memref<1x1056xi32, #tpu.memory_space<hbm>>
      tpu.wait_dma2 semaphore(%run_scoped3A : memref<!tpu.dma_semaphore, #tpu.memory_space<semaphore_mem>>) src(%dma_wait3A_288 : memref<1x1056xi32, #tpu.memory_space<hbm>>) dst(%arg11 : memref<1x1056xi32, #tpu.memory_space<vmem>>)
      tpu.yield
    }) : () -> ()
    %scan3A_69 = arith.constant 0 : i32
    %scan3A_70 = arith.constant 0 : i32
    %scan3A_71 = arith.constant 66 : i32
    %scan3A_72 = arith.addi %scan3A_70, %scan3A_71 : i32
    %scan3A_73 = arith.constant 1 : i32
    %scan3A_74 = scf.for %scan3A_275 = %scan3A_70 to %scan3A_72 step %scan3A_73 iter_args(%scan3A_276 = %scan3A_69) -> (i32)  : i32 {
      %mul3A_277 = arith.constant 16 : i32
      %mul3A_278 = arith.muli %scan3A_275, %mul3A_277 : i32
      %get3A_279 = arith.constant 0 : i32
      %get3A_280 = arith.index_cast %get3A_279 : i32 to index
      %get3A_281 = arith.index_cast %mul3A_278 : i32 to index
      %get3A_282 = tpu.vector_load %arg10[%get3A_280, %get3A_281] {strides = array<i32>} : memref<1x1056xi32, #tpu.memory_space<vmem>>, vector<16xi32>,
      %get3A_283 = arith.constant 0 : i32
      %get3A_284 = arith.index_cast %get3A_283 : i32 to index
      %get3A_285 = arith.index_cast %mul3A_278 : i32 to index
      %get3A_286 = tpu.vector_load %arg11[%get3A_284, %get3A_285] {strides = array<i32>} : memref<1x1056xi32, #tpu.memory_space<vmem>>, vector<16xi32>,
      %min3A_287 = arith.minsi %get3A_282, %get3A_286 : vector<16xi32>
      %swap3A = arith.constant 0 : i32
      %swap3A_288 = arith.index_cast %swap3A : i32 to index
      %swap3A_289 = arith.index_cast %mul3A_278 : i32 to index
      %swap3A_290 = tpu.vector_load %arg10[%swap3A_288, %swap3A_289] {strides = array<i32>} : memref<1x1056xi32, #tpu.memory_space<vmem>>, vector<16xi32>,
      tpu.vector_store %arg10[%swap3A_288, %swap3A_289], %min3A_287 {strides = array<i32>} : memref<1x1056xi32, #tpu.memory_space<vmem>>, vector<16xi32>,
      %scan3A_291 = arith.constant 0 : i32
      scf.yield %scan3A_291 : i32
    }
    %scan3A_75 = arith.constant 66 : i32
    %add3A_76 = arith.constant 12 : i32
    %add3A_77 = arith.addi %add3A_76, %arg0 : i32
    "tpu.region"() ({
      %run_scoped3A = tpu.sem_alloc : memref<!tpu.dma_semaphore, #tpu.memory_space<semaphore_mem>>
      %dma_start3A = arith.constant 0 : i32
      %dma_start3A_275 = arith.constant 0 : i32
      %dma_start3A_276 = tpu.memref_slice %arg7[%add3A_77, %dma_start3A, %dma_start3A_275] : memref<32x1x1056xi32, #tpu.memory_space<hbm>> -> memref<1x1x1056xi32, #tpu.memory_space<hbm>>
      %dma_start3A_277 = tpu.memref_squeeze %dma_start3A_276 : memref<1x1x1056xi32, #tpu.memory_space<hbm>> -> memref<1x1056xi32, #tpu.memory_space<hbm>>
      %dma_start3A_278 = arith.constant 0 : i32
      %dma_start3A_279 = arith.constant 0 : i32
      %dma_start3A_280 = tpu.memref_slice %arg7[%add3A_77, %dma_start3A_278, %dma_start3A_279] : memref<32x1x1056xi32, #tpu.memory_space<hbm>> -> memref<1x1x1056xi32, #tpu.memory_space<hbm>>
      %dma_start3A_281 = tpu.memref_squeeze %dma_start3A_280 : memref<1x1x1056xi32, #tpu.memory_space<hbm>> -> memref<1x1056xi32, #tpu.memory_space<hbm>>
      tpu.enqueue_dma source(%dma_start3A_281 : memref<1x1056xi32, #tpu.memory_space<hbm>>) target(%arg11 : memref<1x1056xi32, #tpu.memory_space<vmem>>) target_semaphore(%run_scoped3A : memref<!tpu.dma_semaphore, #tpu.memory_space<semaphore_mem>>)
      %dma_wait3A = arith.constant 0 : i32
      %dma_wait3A_282 = arith.constant 0 : i32
      %dma_wait3A_283 = tpu.memref_slice %arg7[%add3A_77, %dma_wait3A, %dma_wait3A_282] : memref<32x1x1056xi32, #tpu.memory_space<hbm>> -> memref<1x1x1056xi32, #tpu.memory_space<hbm>>
      %dma_wait3A_284 = tpu.memref_squeeze %dma_wait3A_283 : memref<1x1x1056xi32, #tpu.memory_space<hbm>> -> memref<1x1056xi32, #tpu.memory_space<hbm>>
      %dma_wait3A_285 = arith.constant 0 : i32
      %dma_wait3A_286 = arith.constant 0 : i32
      %dma_wait3A_287 = tpu.memref_slice %arg7[%add3A_77, %dma_wait3A_285, %dma_wait3A_286] : memref<32x1x1056xi32, #tpu.memory_space<hbm>> -> memref<1x1x1056xi32, #tpu.memory_space<hbm>>
      %dma_wait3A_288 = tpu.memref_squeeze %dma_wait3A_287 : memref<1x1x1056xi32, #tpu.memory_space<hbm>> -> memref<1x1056xi32, #tpu.memory_space<hbm>>
      tpu.wait_dma2 semaphore(%run_scoped3A : memref<!tpu.dma_semaphore, #tpu.memory_space<semaphore_mem>>) src(%dma_wait3A_288 : memref<1x1056xi32, #tpu.memory_space<hbm>>) dst(%arg11 : memref<1x1056xi32, #tpu.memory_space<vmem>>)
      tpu.yield
    }) : () -> ()
    %scan3A_78 = arith.constant 0 : i32
    %scan3A_79 = arith.constant 0 : i32
    %scan3A_80 = arith.constant 66 : i32
    %scan3A_81 = arith.addi %scan3A_79, %scan3A_80 : i32
    %scan3A_82 = arith.constant 1 : i32
    %scan3A_83 = scf.for %scan3A_275 = %scan3A_79 to %scan3A_81 step %scan3A_82 iter_args(%scan3A_276 = %scan3A_78) -> (i32)  : i32 {
      %mul3A_277 = arith.constant 16 : i32
      %mul3A_278 = arith.muli %scan3A_275, %mul3A_277 : i32
      %get3A_279 = arith.constant 0 : i32
      %get3A_280 = arith.index_cast %get3A_279 : i32 to index
      %get3A_281 = arith.index_cast %mul3A_278 : i32 to index
      %get3A_282 = tpu.vector_load %arg10[%get3A_280, %get3A_281] {strides = array<i32>} : memref<1x1056xi32, #tpu.memory_space<vmem>>, vector<16xi32>,
      %get3A_283 = arith.constant 0 : i32
      %get3A_284 = arith.index_cast %get3A_283 : i32 to index
      %get3A_285 = arith.index_cast %mul3A_278 : i32 to index
      %get3A_286 = tpu.vector_load %arg11[%get3A_284, %get3A_285] {strides = array<i32>} : memref<1x1056xi32, #tpu.memory_space<vmem>>, vector<16xi32>,
      %min3A_287 = arith.minsi %get3A_282, %get3A_286 : vector<16xi32>
      %swap3A = arith.constant 0 : i32
      %swap3A_288 = arith.index_cast %swap3A : i32 to index
      %swap3A_289 = arith.index_cast %mul3A_278 : i32 to index
      %swap3A_290 = tpu.vector_load %arg10[%swap3A_288, %swap3A_289] {strides = array<i32>} : memref<1x1056xi32, #tpu.memory_space<vmem>>, vector<16xi32>,
      tpu.vector_store %arg10[%swap3A_288, %swap3A_289], %min3A_287 {strides = array<i32>} : memref<1x1056xi32, #tpu.memory_space<vmem>>, vector<16xi32>,
      %scan3A_291 = arith.constant 0 : i32
      scf.yield %scan3A_291 : i32
    }
    %scan3A_84 = arith.constant 66 : i32
    %add3A_85 = arith.constant 14 : i32
    %add3A_86 = arith.addi %add3A_85, %arg0 : i32
    "tpu.region"() ({
      %run_scoped3A = tpu.sem_alloc : memref<!tpu.dma_semaphore, #tpu.memory_space<semaphore_mem>>
      %dma_start3A = arith.constant 0 : i32
      %dma_start3A_275 = arith.constant 0 : i32
      %dma_start3A_276 = tpu.memref_slice %arg7[%add3A_86, %dma_start3A, %dma_start3A_275] : memref<32x1x1056xi32, #tpu.memory_space<hbm>> -> memref<1x1x1056xi32, #tpu.memory_space<hbm>>
      %dma_start3A_277 = tpu.memref_squeeze %dma_start3A_276 : memref<1x1x1056xi32, #tpu.memory_space<hbm>> -> memref<1x1056xi32, #tpu.memory_space<hbm>>
      %dma_start3A_278 = arith.constant 0 : i32
      %dma_start3A_279 = arith.constant 0 : i32
      %dma_start3A_280 = tpu.memref_slice %arg7[%add3A_86, %dma_start3A_278, %dma_start3A_279] : memref<32x1x1056xi32, #tpu.memory_space<hbm>> -> memref<1x1x1056xi32, #tpu.memory_space<hbm>>
      %dma_start3A_281 = tpu.memref_squeeze %dma_start3A_280 : memref<1x1x1056xi32, #tpu.memory_space<hbm>> -> memref<1x1056xi32, #tpu.memory_space<hbm>>
      tpu.enqueue_dma source(%dma_start3A_281 : memref<1x1056xi32, #tpu.memory_space<hbm>>) target(%arg11 : memref<1x1056xi32, #tpu.memory_space<vmem>>) target_semaphore(%run_scoped3A : memref<!tpu.dma_semaphore, #tpu.memory_space<semaphore_mem>>)
      %dma_wait3A = arith.constant 0 : i32
      %dma_wait3A_282 = arith.constant 0 : i32
      %dma_wait3A_283 = tpu.memref_slice %arg7[%add3A_86, %dma_wait3A, %dma_wait3A_282] : memref<32x1x1056xi32, #tpu.memory_space<hbm>> -> memref<1x1x1056xi32, #tpu.memory_space<hbm>>
      %dma_wait3A_284 = tpu.memref_squeeze %dma_wait3A_283 : memref<1x1x1056xi32, #tpu.memory_space<hbm>> -> memref<1x1056xi32, #tpu.memory_space<hbm>>
      %dma_wait3A_285 = arith.constant 0 : i32
      %dma_wait3A_286 = arith.constant 0 : i32
      %dma_wait3A_287 = tpu.memref_slice %arg7[%add3A_86, %dma_wait3A_285, %dma_wait3A_286] : memref<32x1x1056xi32, #tpu.memory_space<hbm>> -> memref<1x1x1056xi32, #tpu.memory_space<hbm>>
      %dma_wait3A_288 = tpu.memref_squeeze %dma_wait3A_287 : memref<1x1x1056xi32, #tpu.memory_space<hbm>> -> memref<1x1056xi32, #tpu.memory_space<hbm>>
      tpu.wait_dma2 semaphore(%run_scoped3A : memref<!tpu.dma_semaphore, #tpu.memory_space<semaphore_mem>>) src(%dma_wait3A_288 : memref<1x1056xi32, #tpu.memory_space<hbm>>) dst(%arg11 : memref<1x1056xi32, #tpu.memory_space<vmem>>)
      tpu.yield
    }) : () -> ()
    %scan3A_87 = arith.constant 0 : i32
    %scan3A_88 = arith.constant 0 : i32
    %scan3A_89 = arith.constant 66 : i32
    %scan3A_90 = arith.addi %scan3A_88, %scan3A_89 : i32
    %scan3A_91 = arith.constant 1 : i32
    %scan3A_92 = scf.for %scan3A_275 = %scan3A_88 to %scan3A_90 step %scan3A_91 iter_args(%scan3A_276 = %scan3A_87) -> (i32)  : i32 {
      %mul3A_277 = arith.constant 16 : i32
      %mul3A_278 = arith.muli %scan3A_275, %mul3A_277 : i32
      %get3A_279 = arith.constant 0 : i32
      %get3A_280 = arith.index_cast %get3A_279 : i32 to index
      %get3A_281 = arith.index_cast %mul3A_278 : i32 to index
      %get3A_282 = tpu.vector_load %arg10[%get3A_280, %get3A_281] {strides = array<i32>} : memref<1x1056xi32, #tpu.memory_space<vmem>>, vector<16xi32>,
      %get3A_283 = arith.constant 0 : i32
      %get3A_284 = arith.index_cast %get3A_283 : i32 to index
      %get3A_285 = arith.index_cast %mul3A_278 : i32 to index
      %get3A_286 = tpu.vector_load %arg11[%get3A_284, %get3A_285] {strides = array<i32>} : memref<1x1056xi32, #tpu.memory_space<vmem>>, vector<16xi32>,
      %min3A_287 = arith.minsi %get3A_282, %get3A_286 : vector<16xi32>
      %swap3A = arith.constant 0 : i32
      %swap3A_288 = arith.index_cast %swap3A : i32 to index
      %swap3A_289 = arith.index_cast %mul3A_278 : i32 to index
      %swap3A_290 = tpu.vector_load %arg10[%swap3A_288, %swap3A_289] {strides = array<i32>} : memref<1x1056xi32, #tpu.memory_space<vmem>>, vector<16xi32>,
      tpu.vector_store %arg10[%swap3A_288, %swap3A_289], %min3A_287 {strides = array<i32>} : memref<1x1056xi32, #tpu.memory_space<vmem>>, vector<16xi32>,
      %scan3A_291 = arith.constant 0 : i32
      scf.yield %scan3A_291 : i32
    }
    %scan3A_93 = arith.constant 66 : i32
    %add3A_94 = arith.constant 16 : i32
    %add3A_95 = arith.addi %add3A_94, %arg0 : i32
    "tpu.region"() ({
      %run_scoped3A = tpu.sem_alloc : memref<!tpu.dma_semaphore, #tpu.memory_space<semaphore_mem>>
      %dma_start3A = arith.constant 0 : i32
      %dma_start3A_275 = arith.constant 0 : i32
      %dma_start3A_276 = tpu.memref_slice %arg7[%add3A_95, %dma_start3A, %dma_start3A_275] : memref<32x1x1056xi32, #tpu.memory_space<hbm>> -> memref<1x1x1056xi32, #tpu.memory_space<hbm>>
      %dma_start3A_277 = tpu.memref_squeeze %dma_start3A_276 : memref<1x1x1056xi32, #tpu.memory_space<hbm>> -> memref<1x1056xi32, #tpu.memory_space<hbm>>
      %dma_start3A_278 = arith.constant 0 : i32
      %dma_start3A_279 = arith.constant 0 : i32
      %dma_start3A_280 = tpu.memref_slice %arg7[%add3A_95, %dma_start3A_278, %dma_start3A_279] : memref<32x1x1056xi32, #tpu.memory_space<hbm>> -> memref<1x1x1056xi32, #tpu.memory_space<hbm>>
      %dma_start3A_281 = tpu.memref_squeeze %dma_start3A_280 : memref<1x1x1056xi32, #tpu.memory_space<hbm>> -> memref<1x1056xi32, #tpu.memory_space<hbm>>
      tpu.enqueue_dma source(%dma_start3A_281 : memref<1x1056xi32, #tpu.memory_space<hbm>>) target(%arg11 : memref<1x1056xi32, #tpu.memory_space<vmem>>) target_semaphore(%run_scoped3A : memref<!tpu.dma_semaphore, #tpu.memory_space<semaphore_mem>>)
      %dma_wait3A = arith.constant 0 : i32
      %dma_wait3A_282 = arith.constant 0 : i32
      %dma_wait3A_283 = tpu.memref_slice %arg7[%add3A_95, %dma_wait3A, %dma_wait3A_282] : memref<32x1x1056xi32, #tpu.memory_space<hbm>> -> memref<1x1x1056xi32, #tpu.memory_space<hbm>>
      %dma_wait3A_284 = tpu.memref_squeeze %dma_wait3A_283 : memref<1x1x1056xi32, #tpu.memory_space<hbm>> -> memref<1x1056xi32, #tpu.memory_space<hbm>>
      %dma_wait3A_285 = arith.constant 0 : i32
      %dma_wait3A_286 = arith.constant 0 : i32
      %dma_wait3A_287 = tpu.memref_slice %arg7[%add3A_95, %dma_wait3A_285, %dma_wait3A_286] : memref<32x1x1056xi32, #tpu.memory_space<hbm>> -> memref<1x1x1056xi32, #tpu.memory_space<hbm>>
      %dma_wait3A_288 = tpu.memref_squeeze %dma_wait3A_287 : memref<1x1x1056xi32, #tpu.memory_space<hbm>> -> memref<1x1056xi32, #tpu.memory_space<hbm>>
      tpu.wait_dma2 semaphore(%run_scoped3A : memref<!tpu.dma_semaphore, #tpu.memory_space<semaphore_mem>>) src(%dma_wait3A_288 : memref<1x1056xi32, #tpu.memory_space<hbm>>) dst(%arg11 : memref<1x1056xi32, #tpu.memory_space<vmem>>)
      tpu.yield
    }) : () -> ()
    %scan3A_96 = arith.constant 0 : i32
    %scan3A_97 = arith.constant 0 : i32
    %scan3A_98 = arith.constant 66 : i32
    %scan3A_99 = arith.addi %scan3A_97, %scan3A_98 : i32
    %scan3A_100 = arith.constant 1 : i32
    %scan3A_101 = scf.for %scan3A_275 = %scan3A_97 to %scan3A_99 step %scan3A_100 iter_args(%scan3A_276 = %scan3A_96) -> (i32)  : i32 {
      %mul3A_277 = arith.constant 16 : i32
      %mul3A_278 = arith.muli %scan3A_275, %mul3A_277 : i32
      %get3A_279 = arith.constant 0 : i32
      %get3A_280 = arith.index_cast %get3A_279 : i32 to index
      %get3A_281 = arith.index_cast %mul3A_278 : i32 to index
      %get3A_282 = tpu.vector_load %arg10[%get3A_280, %get3A_281] {strides = array<i32>} : memref<1x1056xi32, #tpu.memory_space<vmem>>, vector<16xi32>,
      %get3A_283 = arith.constant 0 : i32
      %get3A_284 = arith.index_cast %get3A_283 : i32 to index
      %get3A_285 = arith.index_cast %mul3A_278 : i32 to index
      %get3A_286 = tpu.vector_load %arg11[%get3A_284, %get3A_285] {strides = array<i32>} : memref<1x1056xi32, #tpu.memory_space<vmem>>, vector<16xi32>,
      %min3A_287 = arith.minsi %get3A_282, %get3A_286 : vector<16xi32>
      %swap3A = arith.constant 0 : i32
      %swap3A_288 = arith.index_cast %swap3A : i32 to index
      %swap3A_289 = arith.index_cast %mul3A_278 : i32 to index
      %swap3A_290 = tpu.vector_load %arg10[%swap3A_288, %swap3A_289] {strides = array<i32>} : memref<1x1056xi32, #tpu.memory_space<vmem>>, vector<16xi32>,
      tpu.vector_store %arg10[%swap3A_288, %swap3A_289], %min3A_287 {strides = array<i32>} : memref<1x1056xi32, #tpu.memory_space<vmem>>, vector<16xi32>,
      %scan3A_291 = arith.constant 0 : i32
      scf.yield %scan3A_291 : i32
    }
    %scan3A_102 = arith.constant 66 : i32
    %add3A_103 = arith.constant 18 : i32
    %add3A_104 = arith.addi %add3A_103, %arg0 : i32
    "tpu.region"() ({
      %run_scoped3A = tpu.sem_alloc : memref<!tpu.dma_semaphore, #tpu.memory_space<semaphore_mem>>
      %dma_start3A = arith.constant 0 : i32
      %dma_start3A_275 = arith.constant 0 : i32
      %dma_start3A_276 = tpu.memref_slice %arg7[%add3A_104, %dma_start3A, %dma_start3A_275] : memref<32x1x1056xi32, #tpu.memory_space<hbm>> -> memref<1x1x1056xi32, #tpu.memory_space<hbm>>
      %dma_start3A_277 = tpu.memref_squeeze %dma_start3A_276 : memref<1x1x1056xi32, #tpu.memory_space<hbm>> -> memref<1x1056xi32, #tpu.memory_space<hbm>>
      %dma_start3A_278 = arith.constant 0 : i32
      %dma_start3A_279 = arith.constant 0 : i32
      %dma_start3A_280 = tpu.memref_slice %arg7[%add3A_104, %dma_start3A_278, %dma_start3A_279] : memref<32x1x1056xi32, #tpu.memory_space<hbm>> -> memref<1x1x1056xi32, #tpu.memory_space<hbm>>
      %dma_start3A_281 = tpu.memref_squeeze %dma_start3A_280 : memref<1x1x1056xi32, #tpu.memory_space<hbm>> -> memref<1x1056xi32, #tpu.memory_space<hbm>>
      tpu.enqueue_dma source(%dma_start3A_281 : memref<1x1056xi32, #tpu.memory_space<hbm>>) target(%arg11 : memref<1x1056xi32, #tpu.memory_space<vmem>>) target_semaphore(%run_scoped3A : memref<!tpu.dma_semaphore, #tpu.memory_space<semaphore_mem>>)
      %dma_wait3A = arith.constant 0 : i32
      %dma_wait3A_282 = arith.constant 0 : i32
      %dma_wait3A_283 = tpu.memref_slice %arg7[%add3A_104, %dma_wait3A, %dma_wait3A_282] : memref<32x1x1056xi32, #tpu.memory_space<hbm>> -> memref<1x1x1056xi32, #tpu.memory_space<hbm>>
      %dma_wait3A_284 = tpu.memref_squeeze %dma_wait3A_283 : memref<1x1x1056xi32, #tpu.memory_space<hbm>> -> memref<1x1056xi32, #tpu.memory_space<hbm>>
      %dma_wait3A_285 = arith.constant 0 : i32
      %dma_wait3A_286 = arith.constant 0 : i32
      %dma_wait3A_287 = tpu.memref_slice %arg7[%add3A_104, %dma_wait3A_285, %dma_wait3A_286] : memref<32x1x1056xi32, #tpu.memory_space<hbm>> -> memref<1x1x1056xi32, #tpu.memory_space<hbm>>
      %dma_wait3A_288 = tpu.memref_squeeze %dma_wait3A_287 : memref<1x1x1056xi32, #tpu.memory_space<hbm>> -> memref<1x1056xi32, #tpu.memory_space<hbm>>
      tpu.wait_dma2 semaphore(%run_scoped3A : memref<!tpu.dma_semaphore, #tpu.memory_space<semaphore_mem>>) src(%dma_wait3A_288 : memref<1x1056xi32, #tpu.memory_space<hbm>>) dst(%arg11 : memref<1x1056xi32, #tpu.memory_space<vmem>>)
      tpu.yield
    }) : () -> ()
    %scan3A_105 = arith.constant 0 : i32
    %scan3A_106 = arith.constant 0 : i32
    %scan3A_107 = arith.constant 66 : i32
    %scan3A_108 = arith.addi %scan3A_106, %scan3A_107 : i32
    %scan3A_109 = arith.constant 1 : i32
    %scan3A_110 = scf.for %scan3A_275 = %scan3A_106 to %scan3A_108 step %scan3A_109 iter_args(%scan3A_276 = %scan3A_105) -> (i32)  : i32 {
      %mul3A_277 = arith.constant 16 : i32
      %mul3A_278 = arith.muli %scan3A_275, %mul3A_277 : i32
      %get3A_279 = arith.constant 0 : i32
      %get3A_280 = arith.index_cast %get3A_279 : i32 to index
      %get3A_281 = arith.index_cast %mul3A_278 : i32 to index
      %get3A_282 = tpu.vector_load %arg10[%get3A_280, %get3A_281] {strides = array<i32>} : memref<1x1056xi32, #tpu.memory_space<vmem>>, vector<16xi32>,
      %get3A_283 = arith.constant 0 : i32
      %get3A_284 = arith.index_cast %get3A_283 : i32 to index
      %get3A_285 = arith.index_cast %mul3A_278 : i32 to index
      %get3A_286 = tpu.vector_load %arg11[%get3A_284, %get3A_285] {strides = array<i32>} : memref<1x1056xi32, #tpu.memory_space<vmem>>, vector<16xi32>,
      %min3A_287 = arith.minsi %get3A_282, %get3A_286 : vector<16xi32>
      %swap3A = arith.constant 0 : i32
      %swap3A_288 = arith.index_cast %swap3A : i32 to index
      %swap3A_289 = arith.index_cast %mul3A_278 : i32 to index
      %swap3A_290 = tpu.vector_load %arg10[%swap3A_288, %swap3A_289] {strides = array<i32>} : memref<1x1056xi32, #tpu.memory_space<vmem>>, vector<16xi32>,
      tpu.vector_store %arg10[%swap3A_288, %swap3A_289], %min3A_287 {strides = array<i32>} : memref<1x1056xi32, #tpu.memory_space<vmem>>, vector<16xi32>,
      %scan3A_291 = arith.constant 0 : i32
      scf.yield %scan3A_291 : i32
    }
    %scan3A_111 = arith.constant 66 : i32
    %add3A_112 = arith.constant 20 : i32
    %add3A_113 = arith.addi %add3A_112, %arg0 : i32
    "tpu.region"() ({
      %run_scoped3A = tpu.sem_alloc : memref<!tpu.dma_semaphore, #tpu.memory_space<semaphore_mem>>
      %dma_start3A = arith.constant 0 : i32
      %dma_start3A_275 = arith.constant 0 : i32
      %dma_start3A_276 = tpu.memref_slice %arg7[%add3A_113, %dma_start3A, %dma_start3A_275] : memref<32x1x1056xi32, #tpu.memory_space<hbm>> -> memref<1x1x1056xi32, #tpu.memory_space<hbm>>
      %dma_start3A_277 = tpu.memref_squeeze %dma_start3A_276 : memref<1x1x1056xi32, #tpu.memory_space<hbm>> -> memref<1x1056xi32, #tpu.memory_space<hbm>>
      %dma_start3A_278 = arith.constant 0 : i32
      %dma_start3A_279 = arith.constant 0 : i32
      %dma_start3A_280 = tpu.memref_slice %arg7[%add3A_113, %dma_start3A_278, %dma_start3A_279] : memref<32x1x1056xi32, #tpu.memory_space<hbm>> -> memref<1x1x1056xi32, #tpu.memory_space<hbm>>
      %dma_start3A_281 = tpu.memref_squeeze %dma_start3A_280 : memref<1x1x1056xi32, #tpu.memory_space<hbm>> -> memref<1x1056xi32, #tpu.memory_space<hbm>>
      tpu.enqueue_dma source(%dma_start3A_281 : memref<1x1056xi32, #tpu.memory_space<hbm>>) target(%arg11 : memref<1x1056xi32, #tpu.memory_space<vmem>>) target_semaphore(%run_scoped3A : memref<!tpu.dma_semaphore, #tpu.memory_space<semaphore_mem>>)
      %dma_wait3A = arith.constant 0 : i32
      %dma_wait3A_282 = arith.constant 0 : i32
      %dma_wait3A_283 = tpu.memref_slice %arg7[%add3A_113, %dma_wait3A, %dma_wait3A_282] : memref<32x1x1056xi32, #tpu.memory_space<hbm>> -> memref<1x1x1056xi32, #tpu.memory_space<hbm>>
      %dma_wait3A_284 = tpu.memref_squeeze %dma_wait3A_283 : memref<1x1x1056xi32, #tpu.memory_space<hbm>> -> memref<1x1056xi32, #tpu.memory_space<hbm>>
      %dma_wait3A_285 = arith.constant 0 : i32
      %dma_wait3A_286 = arith.constant 0 : i32
      %dma_wait3A_287 = tpu.memref_slice %arg7[%add3A_113, %dma_wait3A_285, %dma_wait3A_286] : memref<32x1x1056xi32, #tpu.memory_space<hbm>> -> memref<1x1x1056xi32, #tpu.memory_space<hbm>>
      %dma_wait3A_288 = tpu.memref_squeeze %dma_wait3A_287 : memref<1x1x1056xi32, #tpu.memory_space<hbm>> -> memref<1x1056xi32, #tpu.memory_space<hbm>>
      tpu.wait_dma2 semaphore(%run_scoped3A : memref<!tpu.dma_semaphore, #tpu.memory_space<semaphore_mem>>) src(%dma_wait3A_288 : memref<1x1056xi32, #tpu.memory_space<hbm>>) dst(%arg11 : memref<1x1056xi32, #tpu.memory_space<vmem>>)
      tpu.yield
    }) : () -> ()
    %scan3A_114 = arith.constant 0 : i32
    %scan3A_115 = arith.constant 0 : i32
    %scan3A_116 = arith.constant 66 : i32
    %scan3A_117 = arith.addi %scan3A_115, %scan3A_116 : i32
    %scan3A_118 = arith.constant 1 : i32
    %scan3A_119 = scf.for %scan3A_275 = %scan3A_115 to %scan3A_117 step %scan3A_118 iter_args(%scan3A_276 = %scan3A_114) -> (i32)  : i32 {
      %mul3A_277 = arith.constant 16 : i32
      %mul3A_278 = arith.muli %scan3A_275, %mul3A_277 : i32
      %get3A_279 = arith.constant 0 : i32
      %get3A_280 = arith.index_cast %get3A_279 : i32 to index
      %get3A_281 = arith.index_cast %mul3A_278 : i32 to index
      %get3A_282 = tpu.vector_load %arg10[%get3A_280, %get3A_281] {strides = array<i32>} : memref<1x1056xi32, #tpu.memory_space<vmem>>, vector<16xi32>,
      %get3A_283 = arith.constant 0 : i32
      %get3A_284 = arith.index_cast %get3A_283 : i32 to index
      %get3A_285 = arith.index_cast %mul3A_278 : i32 to index
      %get3A_286 = tpu.vector_load %arg11[%get3A_284, %get3A_285] {strides = array<i32>} : memref<1x1056xi32, #tpu.memory_space<vmem>>, vector<16xi32>,
      %min3A_287 = arith.minsi %get3A_282, %get3A_286 : vector<16xi32>
      %swap3A = arith.constant 0 : i32
      %swap3A_288 = arith.index_cast %swap3A : i32 to index
      %swap3A_289 = arith.index_cast %mul3A_278 : i32 to index
      %swap3A_290 = tpu.vector_load %arg10[%swap3A_288, %swap3A_289] {strides = array<i32>} : memref<1x1056xi32, #tpu.memory_space<vmem>>, vector<16xi32>,
      tpu.vector_store %arg10[%swap3A_288, %swap3A_289], %min3A_287 {strides = array<i32>} : memref<1x1056xi32, #tpu.memory_space<vmem>>, vector<16xi32>,
      %scan3A_291 = arith.constant 0 : i32
      scf.yield %scan3A_291 : i32
    }
    %scan3A_120 = arith.constant 66 : i32
    %add3A_121 = arith.constant 22 : i32
    %add3A_122 = arith.addi %add3A_121, %arg0 : i32
    "tpu.region"() ({
      %run_scoped3A = tpu.sem_alloc : memref<!tpu.dma_semaphore, #tpu.memory_space<semaphore_mem>>
      %dma_start3A = arith.constant 0 : i32
      %dma_start3A_275 = arith.constant 0 : i32
      %dma_start3A_276 = tpu.memref_slice %arg7[%add3A_122, %dma_start3A, %dma_start3A_275] : memref<32x1x1056xi32, #tpu.memory_space<hbm>> -> memref<1x1x1056xi32, #tpu.memory_space<hbm>>
      %dma_start3A_277 = tpu.memref_squeeze %dma_start3A_276 : memref<1x1x1056xi32, #tpu.memory_space<hbm>> -> memref<1x1056xi32, #tpu.memory_space<hbm>>
      %dma_start3A_278 = arith.constant 0 : i32
      %dma_start3A_279 = arith.constant 0 : i32
      %dma_start3A_280 = tpu.memref_slice %arg7[%add3A_122, %dma_start3A_278, %dma_start3A_279] : memref<32x1x1056xi32, #tpu.memory_space<hbm>> -> memref<1x1x1056xi32, #tpu.memory_space<hbm>>
      %dma_start3A_281 = tpu.memref_squeeze %dma_start3A_280 : memref<1x1x1056xi32, #tpu.memory_space<hbm>> -> memref<1x1056xi32, #tpu.memory_space<hbm>>
      tpu.enqueue_dma source(%dma_start3A_281 : memref<1x1056xi32, #tpu.memory_space<hbm>>) target(%arg11 : memref<1x1056xi32, #tpu.memory_space<vmem>>) target_semaphore(%run_scoped3A : memref<!tpu.dma_semaphore, #tpu.memory_space<semaphore_mem>>)
      %dma_wait3A = arith.constant 0 : i32
      %dma_wait3A_282 = arith.constant 0 : i32
      %dma_wait3A_283 = tpu.memref_slice %arg7[%add3A_122, %dma_wait3A, %dma_wait3A_282] : memref<32x1x1056xi32, #tpu.memory_space<hbm>> -> memref<1x1x1056xi32, #tpu.memory_space<hbm>>
      %dma_wait3A_284 = tpu.memref_squeeze %dma_wait3A_283 : memref<1x1x1056xi32, #tpu.memory_space<hbm>> -> memref<1x1056xi32, #tpu.memory_space<hbm>>
      %dma_wait3A_285 = arith.constant 0 : i32
      %dma_wait3A_286 = arith.constant 0 : i32
      %dma_wait3A_287 = tpu.memref_slice %arg7[%add3A_122, %dma_wait3A_285, %dma_wait3A_286] : memref<32x1x1056xi32, #tpu.memory_space<hbm>> -> memref<1x1x1056xi32, #tpu.memory_space<hbm>>
      %dma_wait3A_288 = tpu.memref_squeeze %dma_wait3A_287 : memref<1x1x1056xi32, #tpu.memory_space<hbm>> -> memref<1x1056xi32, #tpu.memory_space<hbm>>
      tpu.wait_dma2 semaphore(%run_scoped3A : memref<!tpu.dma_semaphore, #tpu.memory_space<semaphore_mem>>) src(%dma_wait3A_288 : memref<1x1056xi32, #tpu.memory_space<hbm>>) dst(%arg11 : memref<1x1056xi32, #tpu.memory_space<vmem>>)
      tpu.yield
    }) : () -> ()
    %scan3A_123 = arith.constant 0 : i32
    %scan3A_124 = arith.constant 0 : i32
    %scan3A_125 = arith.constant 66 : i32
    %scan3A_126 = arith.addi %scan3A_124, %scan3A_125 : i32
    %scan3A_127 = arith.constant 1 : i32
    %scan3A_128 = scf.for %scan3A_275 = %scan3A_124 to %scan3A_126 step %scan3A_127 iter_args(%scan3A_276 = %scan3A_123) -> (i32)  : i32 {
      %mul3A_277 = arith.constant 16 : i32
      %mul3A_278 = arith.muli %scan3A_275, %mul3A_277 : i32
      %get3A_279 = arith.constant 0 : i32
      %get3A_280 = arith.index_cast %get3A_279 : i32 to index
      %get3A_281 = arith.index_cast %mul3A_278 : i32 to index
      %get3A_282 = tpu.vector_load %arg10[%get3A_280, %get3A_281] {strides = array<i32>} : memref<1x1056xi32, #tpu.memory_space<vmem>>, vector<16xi32>,
      %get3A_283 = arith.constant 0 : i32
      %get3A_284 = arith.index_cast %get3A_283 : i32 to index
      %get3A_285 = arith.index_cast %mul3A_278 : i32 to index
      %get3A_286 = tpu.vector_load %arg11[%get3A_284, %get3A_285] {strides = array<i32>} : memref<1x1056xi32, #tpu.memory_space<vmem>>, vector<16xi32>,
      %min3A_287 = arith.minsi %get3A_282, %get3A_286 : vector<16xi32>
      %swap3A = arith.constant 0 : i32
      %swap3A_288 = arith.index_cast %swap3A : i32 to index
      %swap3A_289 = arith.index_cast %mul3A_278 : i32 to index
      %swap3A_290 = tpu.vector_load %arg10[%swap3A_288, %swap3A_289] {strides = array<i32>} : memref<1x1056xi32, #tpu.memory_space<vmem>>, vector<16xi32>,
      tpu.vector_store %arg10[%swap3A_288, %swap3A_289], %min3A_287 {strides = array<i32>} : memref<1x1056xi32, #tpu.memory_space<vmem>>, vector<16xi32>,
      %scan3A_291 = arith.constant 0 : i32
      scf.yield %scan3A_291 : i32
    }
    %scan3A_129 = arith.constant 66 : i32
    %add3A_130 = arith.constant 24 : i32
    %add3A_131 = arith.addi %add3A_130, %arg0 : i32
    "tpu.region"() ({
      %run_scoped3A = tpu.sem_alloc : memref<!tpu.dma_semaphore, #tpu.memory_space<semaphore_mem>>
      %dma_start3A = arith.constant 0 : i32
      %dma_start3A_275 = arith.constant 0 : i32
      %dma_start3A_276 = tpu.memref_slice %arg7[%add3A_131, %dma_start3A, %dma_start3A_275] : memref<32x1x1056xi32, #tpu.memory_space<hbm>> -> memref<1x1x1056xi32, #tpu.memory_space<hbm>>
      %dma_start3A_277 = tpu.memref_squeeze %dma_start3A_276 : memref<1x1x1056xi32, #tpu.memory_space<hbm>> -> memref<1x1056xi32, #tpu.memory_space<hbm>>
      %dma_start3A_278 = arith.constant 0 : i32
      %dma_start3A_279 = arith.constant 0 : i32
      %dma_start3A_280 = tpu.memref_slice %arg7[%add3A_131, %dma_start3A_278, %dma_start3A_279] : memref<32x1x1056xi32, #tpu.memory_space<hbm>> -> memref<1x1x1056xi32, #tpu.memory_space<hbm>>
      %dma_start3A_281 = tpu.memref_squeeze %dma_start3A_280 : memref<1x1x1056xi32, #tpu.memory_space<hbm>> -> memref<1x1056xi32, #tpu.memory_space<hbm>>
      tpu.enqueue_dma source(%dma_start3A_281 : memref<1x1056xi32, #tpu.memory_space<hbm>>) target(%arg11 : memref<1x1056xi32, #tpu.memory_space<vmem>>) target_semaphore(%run_scoped3A : memref<!tpu.dma_semaphore, #tpu.memory_space<semaphore_mem>>)
      %dma_wait3A = arith.constant 0 : i32
      %dma_wait3A_282 = arith.constant 0 : i32
      %dma_wait3A_283 = tpu.memref_slice %arg7[%add3A_131, %dma_wait3A, %dma_wait3A_282] : memref<32x1x1056xi32, #tpu.memory_space<hbm>> -> memref<1x1x1056xi32, #tpu.memory_space<hbm>>
      %dma_wait3A_284 = tpu.memref_squeeze %dma_wait3A_283 : memref<1x1x1056xi32, #tpu.memory_space<hbm>> -> memref<1x1056xi32, #tpu.memory_space<hbm>>
      %dma_wait3A_285 = arith.constant 0 : i32
      %dma_wait3A_286 = arith.constant 0 : i32
      %dma_wait3A_287 = tpu.memref_slice %arg7[%add3A_131, %dma_wait3A_285, %dma_wait3A_286] : memref<32x1x1056xi32, #tpu.memory_space<hbm>> -> memref<1x1x1056xi32, #tpu.memory_space<hbm>>
      %dma_wait3A_288 = tpu.memref_squeeze %dma_wait3A_287 : memref<1x1x1056xi32, #tpu.memory_space<hbm>> -> memref<1x1056xi32, #tpu.memory_space<hbm>>
      tpu.wait_dma2 semaphore(%run_scoped3A : memref<!tpu.dma_semaphore, #tpu.memory_space<semaphore_mem>>) src(%dma_wait3A_288 : memref<1x1056xi32, #tpu.memory_space<hbm>>) dst(%arg11 : memref<1x1056xi32, #tpu.memory_space<vmem>>)
      tpu.yield
    }) : () -> ()
    %scan3A_132 = arith.constant 0 : i32
    %scan3A_133 = arith.constant 0 : i32
    %scan3A_134 = arith.constant 66 : i32
    %scan3A_135 = arith.addi %scan3A_133, %scan3A_134 : i32
    %scan3A_136 = arith.constant 1 : i32
    %scan3A_137 = scf.for %scan3A_275 = %scan3A_133 to %scan3A_135 step %scan3A_136 iter_args(%scan3A_276 = %scan3A_132) -> (i32)  : i32 {
      %mul3A_277 = arith.constant 16 : i32
      %mul3A_278 = arith.muli %scan3A_275, %mul3A_277 : i32
      %get3A_279 = arith.constant 0 : i32
      %get3A_280 = arith.index_cast %get3A_279 : i32 to index
      %get3A_281 = arith.index_cast %mul3A_278 : i32 to index
      %get3A_282 = tpu.vector_load %arg10[%get3A_280, %get3A_281] {strides = array<i32>} : memref<1x1056xi32, #tpu.memory_space<vmem>>, vector<16xi32>,
      %get3A_283 = arith.constant 0 : i32
      %get3A_284 = arith.index_cast %get3A_283 : i32 to index
      %get3A_285 = arith.index_cast %mul3A_278 : i32 to index
      %get3A_286 = tpu.vector_load %arg11[%get3A_284, %get3A_285] {strides = array<i32>} : memref<1x1056xi32, #tpu.memory_space<vmem>>, vector<16xi32>,
      %min3A_287 = arith.minsi %get3A_282, %get3A_286 : vector<16xi32>
      %swap3A = arith.constant 0 : i32
      %swap3A_288 = arith.index_cast %swap3A : i32 to index
      %swap3A_289 = arith.index_cast %mul3A_278 : i32 to index
      %swap3A_290 = tpu.vector_load %arg10[%swap3A_288, %swap3A_289] {strides = array<i32>} : memref<1x1056xi32, #tpu.memory_space<vmem>>, vector<16xi32>,
      tpu.vector_store %arg10[%swap3A_288, %swap3A_289], %min3A_287 {strides = array<i32>} : memref<1x1056xi32, #tpu.memory_space<vmem>>, vector<16xi32>,
      %scan3A_291 = arith.constant 0 : i32
      scf.yield %scan3A_291 : i32
    }
    %scan3A_138 = arith.constant 66 : i32
    %add3A_139 = arith.constant 26 : i32
    %add3A_140 = arith.addi %add3A_139, %arg0 : i32
    "tpu.region"() ({
      %run_scoped3A = tpu.sem_alloc : memref<!tpu.dma_semaphore, #tpu.memory_space<semaphore_mem>>
      %dma_start3A = arith.constant 0 : i32
      %dma_start3A_275 = arith.constant 0 : i32
      %dma_start3A_276 = tpu.memref_slice %arg7[%add3A_140, %dma_start3A, %dma_start3A_275] : memref<32x1x1056xi32, #tpu.memory_space<hbm>> -> memref<1x1x1056xi32, #tpu.memory_space<hbm>>
      %dma_start3A_277 = tpu.memref_squeeze %dma_start3A_276 : memref<1x1x1056xi32, #tpu.memory_space<hbm>> -> memref<1x1056xi32, #tpu.memory_space<hbm>>
      %dma_start3A_278 = arith.constant 0 : i32
      %dma_start3A_279 = arith.constant 0 : i32
      %dma_start3A_280 = tpu.memref_slice %arg7[%add3A_140, %dma_start3A_278, %dma_start3A_279] : memref<32x1x1056xi32, #tpu.memory_space<hbm>> -> memref<1x1x1056xi32, #tpu.memory_space<hbm>>
      %dma_start3A_281 = tpu.memref_squeeze %dma_start3A_280 : memref<1x1x1056xi32, #tpu.memory_space<hbm>> -> memref<1x1056xi32, #tpu.memory_space<hbm>>
      tpu.enqueue_dma source(%dma_start3A_281 : memref<1x1056xi32, #tpu.memory_space<hbm>>) target(%arg11 : memref<1x1056xi32, #tpu.memory_space<vmem>>) target_semaphore(%run_scoped3A : memref<!tpu.dma_semaphore, #tpu.memory_space<semaphore_mem>>)
      %dma_wait3A = arith.constant 0 : i32
      %dma_wait3A_282 = arith.constant 0 : i32
      %dma_wait3A_283 = tpu.memref_slice %arg7[%add3A_140, %dma_wait3A, %dma_wait3A_282] : memref<32x1x1056xi32, #tpu.memory_space<hbm>> -> memref<1x1x1056xi32, #tpu.memory_space<hbm>>
      %dma_wait3A_284 = tpu.memref_squeeze %dma_wait3A_283 : memref<1x1x1056xi32, #tpu.memory_space<hbm>> -> memref<1x1056xi32, #tpu.memory_space<hbm>>
      %dma_wait3A_285 = arith.constant 0 : i32
      %dma_wait3A_286 = arith.constant 0 : i32
      %dma_wait3A_287 = tpu.memref_slice %arg7[%add3A_140, %dma_wait3A_285, %dma_wait3A_286] : memref<32x1x1056xi32, #tpu.memory_space<hbm>> -> memref<1x1x1056xi32, #tpu.memory_space<hbm>>
      %dma_wait3A_288 = tpu.memref_squeeze %dma_wait3A_287 : memref<1x1x1056xi32, #tpu.memory_space<hbm>> -> memref<1x1056xi32, #tpu.memory_space<hbm>>
      tpu.wait_dma2 semaphore(%run_scoped3A : memref<!tpu.dma_semaphore, #tpu.memory_space<semaphore_mem>>) src(%dma_wait3A_288 : memref<1x1056xi32, #tpu.memory_space<hbm>>) dst(%arg11 : memref<1x1056xi32, #tpu.memory_space<vmem>>)
      tpu.yield
    }) : () -> ()
    %scan3A_141 = arith.constant 0 : i32
    %scan3A_142 = arith.constant 0 : i32
    %scan3A_143 = arith.constant 66 : i32
    %scan3A_144 = arith.addi %scan3A_142, %scan3A_143 : i32
    %scan3A_145 = arith.constant 1 : i32
    %scan3A_146 = scf.for %scan3A_275 = %scan3A_142 to %scan3A_144 step %scan3A_145 iter_args(%scan3A_276 = %scan3A_141) -> (i32)  : i32 {
      %mul3A_277 = arith.constant 16 : i32
      %mul3A_278 = arith.muli %scan3A_275, %mul3A_277 : i32
      %get3A_279 = arith.constant 0 : i32
      %get3A_280 = arith.index_cast %get3A_279 : i32 to index
      %get3A_281 = arith.index_cast %mul3A_278 : i32 to index
      %get3A_282 = tpu.vector_load %arg10[%get3A_280, %get3A_281] {strides = array<i32>} : memref<1x1056xi32, #tpu.memory_space<vmem>>, vector<16xi32>,
      %get3A_283 = arith.constant 0 : i32
      %get3A_284 = arith.index_cast %get3A_283 : i32 to index
      %get3A_285 = arith.index_cast %mul3A_278 : i32 to index
      %get3A_286 = tpu.vector_load %arg11[%get3A_284, %get3A_285] {strides = array<i32>} : memref<1x1056xi32, #tpu.memory_space<vmem>>, vector<16xi32>,
      %min3A_287 = arith.minsi %get3A_282, %get3A_286 : vector<16xi32>
      %swap3A = arith.constant 0 : i32
      %swap3A_288 = arith.index_cast %swap3A : i32 to index
      %swap3A_289 = arith.index_cast %mul3A_278 : i32 to index
      %swap3A_290 = tpu.vector_load %arg10[%swap3A_288, %swap3A_289] {strides = array<i32>} : memref<1x1056xi32, #tpu.memory_space<vmem>>, vector<16xi32>,
      tpu.vector_store %arg10[%swap3A_288, %swap3A_289], %min3A_287 {strides = array<i32>} : memref<1x1056xi32, #tpu.memory_space<vmem>>, vector<16xi32>,
      %scan3A_291 = arith.constant 0 : i32
      scf.yield %scan3A_291 : i32
    }
    %scan3A_147 = arith.constant 66 : i32
    %add3A_148 = arith.constant 28 : i32
    %add3A_149 = arith.addi %add3A_148, %arg0 : i32
    "tpu.region"() ({
      %run_scoped3A = tpu.sem_alloc : memref<!tpu.dma_semaphore, #tpu.memory_space<semaphore_mem>>
      %dma_start3A = arith.constant 0 : i32
      %dma_start3A_275 = arith.constant 0 : i32
      %dma_start3A_276 = tpu.memref_slice %arg7[%add3A_149, %dma_start3A, %dma_start3A_275] : memref<32x1x1056xi32, #tpu.memory_space<hbm>> -> memref<1x1x1056xi32, #tpu.memory_space<hbm>>
      %dma_start3A_277 = tpu.memref_squeeze %dma_start3A_276 : memref<1x1x1056xi32, #tpu.memory_space<hbm>> -> memref<1x1056xi32, #tpu.memory_space<hbm>>
      %dma_start3A_278 = arith.constant 0 : i32
      %dma_start3A_279 = arith.constant 0 : i32
      %dma_start3A_280 = tpu.memref_slice %arg7[%add3A_149, %dma_start3A_278, %dma_start3A_279] : memref<32x1x1056xi32, #tpu.memory_space<hbm>> -> memref<1x1x1056xi32, #tpu.memory_space<hbm>>
      %dma_start3A_281 = tpu.memref_squeeze %dma_start3A_280 : memref<1x1x1056xi32, #tpu.memory_space<hbm>> -> memref<1x1056xi32, #tpu.memory_space<hbm>>
      tpu.enqueue_dma source(%dma_start3A_281 : memref<1x1056xi32, #tpu.memory_space<hbm>>) target(%arg11 : memref<1x1056xi32, #tpu.memory_space<vmem>>) target_semaphore(%run_scoped3A : memref<!tpu.dma_semaphore, #tpu.memory_space<semaphore_mem>>)
      %dma_wait3A = arith.constant 0 : i32
      %dma_wait3A_282 = arith.constant 0 : i32
      %dma_wait3A_283 = tpu.memref_slice %arg7[%add3A_149, %dma_wait3A, %dma_wait3A_282] : memref<32x1x1056xi32, #tpu.memory_space<hbm>> -> memref<1x1x1056xi32, #tpu.memory_space<hbm>>
      %dma_wait3A_284 = tpu.memref_squeeze %dma_wait3A_283 : memref<1x1x1056xi32, #tpu.memory_space<hbm>> -> memref<1x1056xi32, #tpu.memory_space<hbm>>
      %dma_wait3A_285 = arith.constant 0 : i32
      %dma_wait3A_286 = arith.constant 0 : i32
      %dma_wait3A_287 = tpu.memref_slice %arg7[%add3A_149, %dma_wait3A_285, %dma_wait3A_286] : memref<32x1x1056xi32, #tpu.memory_space<hbm>> -> memref<1x1x1056xi32, #tpu.memory_space<hbm>>
      %dma_wait3A_288 = tpu.memref_squeeze %dma_wait3A_287 : memref<1x1x1056xi32, #tpu.memory_space<hbm>> -> memref<1x1056xi32, #tpu.memory_space<hbm>>
      tpu.wait_dma2 semaphore(%run_scoped3A : memref<!tpu.dma_semaphore, #tpu.memory_space<semaphore_mem>>) src(%dma_wait3A_288 : memref<1x1056xi32, #tpu.memory_space<hbm>>) dst(%arg11 : memref<1x1056xi32, #tpu.memory_space<vmem>>)
      tpu.yield
    }) : () -> ()
    %scan3A_150 = arith.constant 0 : i32
    %scan3A_151 = arith.constant 0 : i32
    %scan3A_152 = arith.constant 66 : i32
    %scan3A_153 = arith.addi %scan3A_151, %scan3A_152 : i32
    %scan3A_154 = arith.constant 1 : i32
    %scan3A_155 = scf.for %scan3A_275 = %scan3A_151 to %scan3A_153 step %scan3A_154 iter_args(%scan3A_276 = %scan3A_150) -> (i32)  : i32 {
      %mul3A_277 = arith.constant 16 : i32
      %mul3A_278 = arith.muli %scan3A_275, %mul3A_277 : i32
      %get3A_279 = arith.constant 0 : i32
      %get3A_280 = arith.index_cast %get3A_279 : i32 to index
      %get3A_281 = arith.index_cast %mul3A_278 : i32 to index
      %get3A_282 = tpu.vector_load %arg10[%get3A_280, %get3A_281] {strides = array<i32>} : memref<1x1056xi32, #tpu.memory_space<vmem>>, vector<16xi32>,
      %get3A_283 = arith.constant 0 : i32
      %get3A_284 = arith.index_cast %get3A_283 : i32 to index
      %get3A_285 = arith.index_cast %mul3A_278 : i32 to index
      %get3A_286 = tpu.vector_load %arg11[%get3A_284, %get3A_285] {strides = array<i32>} : memref<1x1056xi32, #tpu.memory_space<vmem>>, vector<16xi32>,
      %min3A_287 = arith.minsi %get3A_282, %get3A_286 : vector<16xi32>
      %swap3A = arith.constant 0 : i32
      %swap3A_288 = arith.index_cast %swap3A : i32 to index
      %swap3A_289 = arith.index_cast %mul3A_278 : i32 to index
      %swap3A_290 = tpu.vector_load %arg10[%swap3A_288, %swap3A_289] {strides = array<i32>} : memref<1x1056xi32, #tpu.memory_space<vmem>>, vector<16xi32>,
      tpu.vector_store %arg10[%swap3A_288, %swap3A_289], %min3A_287 {strides = array<i32>} : memref<1x1056xi32, #tpu.memory_space<vmem>>, vector<16xi32>,
      %scan3A_291 = arith.constant 0 : i32
      scf.yield %scan3A_291 : i32
    }
    %scan3A_156 = arith.constant 66 : i32
    %add3A_157 = arith.constant 30 : i32
    %add3A_158 = arith.addi %add3A_157, %arg0 : i32
    "tpu.region"() ({
      %run_scoped3A = tpu.sem_alloc : memref<!tpu.dma_semaphore, #tpu.memory_space<semaphore_mem>>
      %dma_start3A = arith.constant 0 : i32
      %dma_start3A_275 = arith.constant 0 : i32
      %dma_start3A_276 = tpu.memref_slice %arg7[%add3A_158, %dma_start3A, %dma_start3A_275] : memref<32x1x1056xi32, #tpu.memory_space<hbm>> -> memref<1x1x1056xi32, #tpu.memory_space<hbm>>
      %dma_start3A_277 = tpu.memref_squeeze %dma_start3A_276 : memref<1x1x1056xi32, #tpu.memory_space<hbm>> -> memref<1x1056xi32, #tpu.memory_space<hbm>>
      %dma_start3A_278 = arith.constant 0 : i32
      %dma_start3A_279 = arith.constant 0 : i32
      %dma_start3A_280 = tpu.memref_slice %arg7[%add3A_158, %dma_start3A_278, %dma_start3A_279] : memref<32x1x1056xi32, #tpu.memory_space<hbm>> -> memref<1x1x1056xi32, #tpu.memory_space<hbm>>
      %dma_start3A_281 = tpu.memref_squeeze %dma_start3A_280 : memref<1x1x1056xi32, #tpu.memory_space<hbm>> -> memref<1x1056xi32, #tpu.memory_space<hbm>>
      tpu.enqueue_dma source(%dma_start3A_281 : memref<1x1056xi32, #tpu.memory_space<hbm>>) target(%arg11 : memref<1x1056xi32, #tpu.memory_space<vmem>>) target_semaphore(%run_scoped3A : memref<!tpu.dma_semaphore, #tpu.memory_space<semaphore_mem>>)
      %dma_wait3A = arith.constant 0 : i32
      %dma_wait3A_282 = arith.constant 0 : i32
      %dma_wait3A_283 = tpu.memref_slice %arg7[%add3A_158, %dma_wait3A, %dma_wait3A_282] : memref<32x1x1056xi32, #tpu.memory_space<hbm>> -> memref<1x1x1056xi32, #tpu.memory_space<hbm>>
      %dma_wait3A_284 = tpu.memref_squeeze %dma_wait3A_283 : memref<1x1x1056xi32, #tpu.memory_space<hbm>> -> memref<1x1056xi32, #tpu.memory_space<hbm>>
      %dma_wait3A_285 = arith.constant 0 : i32
      %dma_wait3A_286 = arith.constant 0 : i32
      %dma_wait3A_287 = tpu.memref_slice %arg7[%add3A_158, %dma_wait3A_285, %dma_wait3A_286] : memref<32x1x1056xi32, #tpu.memory_space<hbm>> -> memref<1x1x1056xi32, #tpu.memory_space<hbm>>
      %dma_wait3A_288 = tpu.memref_squeeze %dma_wait3A_287 : memref<1x1x1056xi32, #tpu.memory_space<hbm>> -> memref<1x1056xi32, #tpu.memory_space<hbm>>
      tpu.wait_dma2 semaphore(%run_scoped3A : memref<!tpu.dma_semaphore, #tpu.memory_space<semaphore_mem>>) src(%dma_wait3A_288 : memref<1x1056xi32, #tpu.memory_space<hbm>>) dst(%arg11 : memref<1x1056xi32, #tpu.memory_space<vmem>>)
      tpu.yield
    }) : () -> ()
    %scan3A_159 = arith.constant 0 : i32
    %scan3A_160 = arith.constant 0 : i32
    %scan3A_161 = arith.constant 66 : i32
    %scan3A_162 = arith.addi %scan3A_160, %scan3A_161 : i32
    %scan3A_163 = arith.constant 1 : i32
    %scan3A_164 = scf.for %scan3A_275 = %scan3A_160 to %scan3A_162 step %scan3A_163 iter_args(%scan3A_276 = %scan3A_159) -> (i32)  : i32 {
      %mul3A_277 = arith.constant 16 : i32
      %mul3A_278 = arith.muli %scan3A_275, %mul3A_277 : i32
      %get3A_279 = arith.constant 0 : i32
      %get3A_280 = arith.index_cast %get3A_279 : i32 to index
      %get3A_281 = arith.index_cast %mul3A_278 : i32 to index
      %get3A_282 = tpu.vector_load %arg10[%get3A_280, %get3A_281] {strides = array<i32>} : memref<1x1056xi32, #tpu.memory_space<vmem>>, vector<16xi32>,
      %get3A_283 = arith.constant 0 : i32
      %get3A_284 = arith.index_cast %get3A_283 : i32 to index
      %get3A_285 = arith.index_cast %mul3A_278 : i32 to index
      %get3A_286 = tpu.vector_load %arg11[%get3A_284, %get3A_285] {strides = array<i32>} : memref<1x1056xi32, #tpu.memory_space<vmem>>, vector<16xi32>,
      %min3A_287 = arith.minsi %get3A_282, %get3A_286 : vector<16xi32>
      %swap3A = arith.constant 0 : i32
      %swap3A_288 = arith.index_cast %swap3A : i32 to index
      %swap3A_289 = arith.index_cast %mul3A_278 : i32 to index
      %swap3A_290 = tpu.vector_load %arg10[%swap3A_288, %swap3A_289] {strides = array<i32>} : memref<1x1056xi32, #tpu.memory_space<vmem>>, vector<16xi32>,
      tpu.vector_store %arg10[%swap3A_288, %swap3A_289], %min3A_287 {strides = array<i32>} : memref<1x1056xi32, #tpu.memory_space<vmem>>, vector<16xi32>,
      %scan3A_291 = arith.constant 0 : i32
      scf.yield %scan3A_291 : i32
    }
    %scan3A_165 = arith.constant 66 : i32
    %scan3A_166 = arith.constant 0 : i32
    %scan3A_167 = arith.constant 66 : i32
    %scan3A_168 = arith.addi %scan3A_166, %scan3A_167 : i32
    %scan3A_169 = arith.constant 1 : i32
    %scan3A_170 = scf.for %scan3A_275 = %scan3A_166 to %scan3A_168 step %scan3A_169 iter_args(%scan3A_276 = %broadcast_in_dim3A_3) -> (vector<16xi32>)  : i32 {
      %sub3A_277 = arith.constant 65 : i32
      %sub3A_278 = arith.subi %sub3A_277, %scan3A_275 : i32
      %mul3A_279 = arith.constant 16 : i32
      %mul3A_280 = arith.muli %sub3A_278, %mul3A_279 : i32
      %get3A_281 = arith.constant 0 : i32
      %get3A_282 = arith.index_cast %get3A_281 : i32 to index
      %get3A_283 = arith.index_cast %mul3A_280 : i32 to index
      %get3A_284 = tpu.vector_load %arg10[%get3A_282, %get3A_283] {strides = array<i32>} : memref<1x1056xi32, #tpu.memory_space<vmem>>, vector<16xi32>,
      %add3A_285 = arith.constant 1 : i32
      %add3A_286 = vector.broadcast %add3A_285 : i32 to vector<16xi32>
      %add3A_287 = arith.addi %iota3A, %add3A_286 : vector<16xi32>
      %min3A_288 = arith.constant 15 : i32
      %min3A_289 = vector.broadcast %min3A_288 : i32 to vector<16xi32>
      %min3A_290 = arith.minsi %add3A_287, %min3A_289 : vector<16xi32>
      %lt3A = arith.constant 0 : i32
      %lt3A_291 = vector.broadcast %lt3A : i32 to vector<16xi32>
      %lt3A_292 = arith.cmpi slt, %min3A_290, %lt3A_291 : vector<16xi32>
      %add3A_293 = arith.constant 16 : i32
      %add3A_294 = vector.broadcast %add3A_293 : i32 to vector<16xi32>
      %add3A_295 = arith.addi %min3A_290, %add3A_294 : vector<16xi32>
      %select_n3A_296 = arith.select %lt3A_292, %add3A_295, %min3A_290 : vector<16xi1>, vector<16xi32>
      %broadcast_in_dim3A_297 = vector.shape_cast %select_n3A_296 : vector<16xi32> to vector<16x1xi32>
      %gather3A = vector.shape_cast %broadcast_in_dim3A_297 : vector<16x1xi32> to vector<16xi32>
      %gather3A_298 = tpu.dynamic_gather %get3A_284[%gather3A] in [0] : vector<16xi32>, vector<16xi32> -> vector<16xi32>
      %add3A_299 = arith.constant 1 : i32
      %add3A_300 = vector.broadcast %add3A_299 : i32 to vector<16xi32>
      %add3A_301 = arith.addi %iota3A, %add3A_300 : vector<16xi32>
      %gt3A_302 = arith.constant 15 : i32
      %gt3A_303 = vector.broadcast %gt3A_302 : i32 to vector<16xi32>
      %gt3A_304 = arith.cmpi sgt, %add3A_301, %gt3A_303 : vector<16xi32>
      %jit3A_305 = arith.constant 100000 : i32
      %broadcast_in_dim3A_306 = vector.broadcast %jit3A_305 : i32 to vector<16xi32>
      %select_n3A_307 = arith.select %gt3A_304, %broadcast_in_dim3A_306, %gather3A_298 : vector<16xi1>, vector<16xi32>
      %min3A_308 = arith.minsi %get3A_284, %select_n3A_307 : vector<16xi32>
      %add3A_309 = arith.constant 2 : i32
      %add3A_310 = vector.broadcast %add3A_309 : i32 to vector<16xi32>
      %add3A_311 = arith.addi %iota3A, %add3A_310 : vector<16xi32>
      %min3A_312 = arith.constant 15 : i32
      %min3A_313 = vector.broadcast %min3A_312 : i32 to vector<16xi32>
      %min3A_314 = arith.minsi %add3A_311, %min3A_313 : vector<16xi32>
      %lt3A_315 = arith.constant 0 : i32
      %lt3A_316 = vector.broadcast %lt3A_315 : i32 to vector<16xi32>
      %lt3A_317 = arith.cmpi slt, %min3A_314, %lt3A_316 : vector<16xi32>
      %add3A_318 = arith.constant 16 : i32
      %add3A_319 = vector.broadcast %add3A_318 : i32 to vector<16xi32>
      %add3A_320 = arith.addi %min3A_314, %add3A_319 : vector<16xi32>
      %select_n3A_321 = arith.select %lt3A_317, %add3A_320, %min3A_314 : vector<16xi1>, vector<16xi32>
      %broadcast_in_dim3A_322 = vector.shape_cast %select_n3A_321 : vector<16xi32> to vector<16x1xi32>
      %gather3A_323 = vector.shape_cast %broadcast_in_dim3A_322 : vector<16x1xi32> to vector<16xi32>
      %gather3A_324 = tpu.dynamic_gather %min3A_308[%gather3A_323] in [0] : vector<16xi32>, vector<16xi32> -> vector<16xi32>
      %add3A_325 = arith.constant 2 : i32
      %add3A_326 = vector.broadcast %add3A_325 : i32 to vector<16xi32>
      %add3A_327 = arith.addi %iota3A, %add3A_326 : vector<16xi32>
      %gt3A_328 = arith.constant 15 : i32
      %gt3A_329 = vector.broadcast %gt3A_328 : i32 to vector<16xi32>
      %gt3A_330 = arith.cmpi sgt, %add3A_327, %gt3A_329 : vector<16xi32>
      %jit3A_331 = arith.constant 100000 : i32
      %broadcast_in_dim3A_332 = vector.broadcast %jit3A_331 : i32 to vector<16xi32>
      %select_n3A_333 = arith.select %gt3A_330, %broadcast_in_dim3A_332, %gather3A_324 : vector<16xi1>, vector<16xi32>
      %min3A_334 = arith.minsi %min3A_308, %select_n3A_333 : vector<16xi32>
      %add3A_335 = arith.constant 4 : i32
      %add3A_336 = vector.broadcast %add3A_335 : i32 to vector<16xi32>
      %add3A_337 = arith.addi %iota3A, %add3A_336 : vector<16xi32>
      %min3A_338 = arith.constant 15 : i32
      %min3A_339 = vector.broadcast %min3A_338 : i32 to vector<16xi32>
      %min3A_340 = arith.minsi %add3A_337, %min3A_339 : vector<16xi32>
      %lt3A_341 = arith.constant 0 : i32
      %lt3A_342 = vector.broadcast %lt3A_341 : i32 to vector<16xi32>
      %lt3A_343 = arith.cmpi slt, %min3A_340, %lt3A_342 : vector<16xi32>
      %add3A_344 = arith.constant 16 : i32
      %add3A_345 = vector.broadcast %add3A_344 : i32 to vector<16xi32>
      %add3A_346 = arith.addi %min3A_340, %add3A_345 : vector<16xi32>
      %select_n3A_347 = arith.select %lt3A_343, %add3A_346, %min3A_340 : vector<16xi1>, vector<16xi32>
      %broadcast_in_dim3A_348 = vector.shape_cast %select_n3A_347 : vector<16xi32> to vector<16x1xi32>
      %gather3A_349 = vector.shape_cast %broadcast_in_dim3A_348 : vector<16x1xi32> to vector<16xi32>
      %gather3A_350 = tpu.dynamic_gather %min3A_334[%gather3A_349] in [0] : vector<16xi32>, vector<16xi32> -> vector<16xi32>
      %add3A_351 = arith.constant 4 : i32
      %add3A_352 = vector.broadcast %add3A_351 : i32 to vector<16xi32>
      %add3A_353 = arith.addi %iota3A, %add3A_352 : vector<16xi32>
      %gt3A_354 = arith.constant 15 : i32
      %gt3A_355 = vector.broadcast %gt3A_354 : i32 to vector<16xi32>
      %gt3A_356 = arith.cmpi sgt, %add3A_353, %gt3A_355 : vector<16xi32>
      %jit3A_357 = arith.constant 100000 : i32
      %broadcast_in_dim3A_358 = vector.broadcast %jit3A_357 : i32 to vector<16xi32>
      %select_n3A_359 = arith.select %gt3A_356, %broadcast_in_dim3A_358, %gather3A_350 : vector<16xi1>, vector<16xi32>
      %min3A_360 = arith.minsi %min3A_334, %select_n3A_359 : vector<16xi32>
      %add3A_361 = arith.constant 8 : i32
      %add3A_362 = vector.broadcast %add3A_361 : i32 to vector<16xi32>
      %add3A_363 = arith.addi %iota3A, %add3A_362 : vector<16xi32>
      %min3A_364 = arith.constant 15 : i32
      %min3A_365 = vector.broadcast %min3A_364 : i32 to vector<16xi32>
      %min3A_366 = arith.minsi %add3A_363, %min3A_365 : vector<16xi32>
      %lt3A_367 = arith.constant 0 : i32
      %lt3A_368 = vector.broadcast %lt3A_367 : i32 to vector<16xi32>
      %lt3A_369 = arith.cmpi slt, %min3A_366, %lt3A_368 : vector<16xi32>
      %add3A_370 = arith.constant 16 : i32
      %add3A_371 = vector.broadcast %add3A_370 : i32 to vector<16xi32>
      %add3A_372 = arith.addi %min3A_366, %add3A_371 : vector<16xi32>
      %select_n3A_373 = arith.select %lt3A_369, %add3A_372, %min3A_366 : vector<16xi1>, vector<16xi32>
      %broadcast_in_dim3A_374 = vector.shape_cast %select_n3A_373 : vector<16xi32> to vector<16x1xi32>
      %gather3A_375 = vector.shape_cast %broadcast_in_dim3A_374 : vector<16x1xi32> to vector<16xi32>
      %gather3A_376 = tpu.dynamic_gather %min3A_360[%gather3A_375] in [0] : vector<16xi32>, vector<16xi32> -> vector<16xi32>
      %add3A_377 = arith.constant 8 : i32
      %add3A_378 = vector.broadcast %add3A_377 : i32 to vector<16xi32>
      %add3A_379 = arith.addi %iota3A, %add3A_378 : vector<16xi32>
      %gt3A_380 = arith.constant 15 : i32
      %gt3A_381 = vector.broadcast %gt3A_380 : i32 to vector<16xi32>
      %gt3A_382 = arith.cmpi sgt, %add3A_379, %gt3A_381 : vector<16xi32>
      %jit3A_383 = arith.constant 100000 : i32
      %broadcast_in_dim3A_384 = vector.broadcast %jit3A_383 : i32 to vector<16xi32>
      %select_n3A_385 = arith.select %gt3A_382, %broadcast_in_dim3A_384, %gather3A_376 : vector<16xi1>, vector<16xi32>
      %min3A_386 = arith.minsi %min3A_360, %select_n3A_385 : vector<16xi32>
      %min3A_387 = arith.minsi %min3A_386, %scan3A_276 : vector<16xi32>
      %swap3A = arith.constant 0 : i32
      %swap3A_388 = arith.index_cast %swap3A : i32 to index
      %swap3A_389 = arith.index_cast %mul3A_280 : i32 to index
      %swap3A_390 = tpu.vector_load %arg10[%swap3A_388, %swap3A_389] {strides = array<i32>} : memref<1x1056xi32, #tpu.memory_space<vmem>>, vector<16xi32>,
      tpu.vector_store %arg10[%swap3A_388, %swap3A_389], %min3A_387 {strides = array<i32>} : memref<1x1056xi32, #tpu.memory_space<vmem>>, vector<16xi32>,
      %broadcast_in_dim3A_391 = arith.constant 0 : i32
      %broadcast_in_dim3A_392 = vector.broadcast %broadcast_in_dim3A_391 : i32 to vector<16xi32>
      %lt3A_393 = arith.constant 0 : i32
      %lt3A_394 = vector.broadcast %lt3A_393 : i32 to vector<16xi32>
      %lt3A_395 = arith.cmpi slt, %broadcast_in_dim3A_392, %lt3A_394 : vector<16xi32>
      %add3A_396 = arith.constant 16 : i32
      %add3A_397 = vector.broadcast %add3A_396 : i32 to vector<16xi32>
      %add3A_398 = arith.addi %broadcast_in_dim3A_392, %add3A_397 : vector<16xi32>
      %select_n3A_399 = arith.select %lt3A_395, %add3A_398, %broadcast_in_dim3A_392 : vector<16xi1>, vector<16xi32>
      %broadcast_in_dim3A_400 = vector.shape_cast %select_n3A_399 : vector<16xi32> to vector<16x1xi32>
      %gather3A_401 = vector.shape_cast %broadcast_in_dim3A_400 : vector<16x1xi32> to vector<16xi32>
      %gather3A_402 = tpu.dynamic_gather %min3A_387[%gather3A_401] in [0] : vector<16xi32>, vector<16xi32> -> vector<16xi32>
      scf.yield %gather3A_402 : vector<16xi32>
    }
    %scan3A_171 = arith.constant 66 : i32
    %get3A = arith.constant 0 : index
    %get3A_172 = tpu.vector_load %arg12[%get3A] {strides = array<i32>} : memref<128xf32, #tpu.memory_space<vmem>>, vector<16xf32>,
    %get3A_173 = arith.constant 16 : index
    %get3A_174 = tpu.vector_load %arg12[%get3A_173] {strides = array<i32>} : memref<128xf32, #tpu.memory_space<vmem>>, vector<16xf32>,
    %get3A_175 = arith.constant 32 : index
    %get3A_176 = tpu.vector_load %arg12[%get3A_175] {strides = array<i32>} : memref<128xf32, #tpu.memory_space<vmem>>, vector<16xf32>,
    %get3A_177 = arith.constant 48 : index
    %get3A_178 = tpu.vector_load %arg12[%get3A_177] {strides = array<i32>} : memref<128xf32, #tpu.memory_space<vmem>>, vector<16xf32>,
    %get3A_179 = arith.constant 64 : index
    %get3A_180 = tpu.vector_load %arg12[%get3A_179] {strides = array<i32>} : memref<128xf32, #tpu.memory_space<vmem>>, vector<16xf32>,
    %get3A_181 = arith.constant 80 : index
    %get3A_182 = tpu.vector_load %arg12[%get3A_181] {strides = array<i32>} : memref<128xf32, #tpu.memory_space<vmem>>, vector<16xf32>,
    %get3A_183 = arith.constant 96 : index
    %get3A_184 = tpu.vector_load %arg12[%get3A_183] {strides = array<i32>} : memref<128xf32, #tpu.memory_space<vmem>>, vector<16xf32>,
    %get3A_185 = arith.constant 112 : index
    %get3A_186 = tpu.vector_load %arg12[%get3A_185] {strides = array<i32>} : memref<128xf32, #tpu.memory_space<vmem>>, vector<16xf32>,
    %get3A_187 = arith.constant 0 : index
    %get3A_188 = tpu.vector_load %arg13[%get3A_187] {strides = array<i32>} : memref<16xf32, #tpu.memory_space<vmem>>, vector<16xf32>,
    %broadcast_in_dim3A_189 = arith.constant 0.000000e+00 : f32
    %broadcast_in_dim3A_190 = vector.broadcast %broadcast_in_dim3A_189 : f32 to vector<16xf32>
    %broadcast_in_dim3A_191 = arith.constant 0xFF800000 : f32
    %broadcast_in_dim3A_192 = vector.broadcast %broadcast_in_dim3A_191 : f32 to vector<16xf32>
    %scan3A_193 = arith.constant 0 : i32
    %scan3A_194 = arith.constant 0 : i32
    %scan3A_195 = arith.constant 32 : i32
    %scan3A_196 = arith.addi %scan3A_194, %scan3A_195 : i32
    %scan3A_197 = arith.constant 1 : i32
    %scan3A_198 = scf.for %scan3A_275 = %scan3A_194 to %scan3A_196 step %scan3A_197 iter_args(%scan3A_276 = %scan3A_193) -> (i32)  : i32 {
      %swap3A = arith.index_cast %scan3A_275 : i32 to index
      %swap3A_277 = arith.constant 0 : index
      %swap3A_278 = tpu.vector_load %arg14[%swap3A, %swap3A_277] {strides = array<i32>} : memref<32x256xf32, #tpu.memory_space<vmem>>, vector<16xf32>,
      tpu.vector_store %arg14[%swap3A, %swap3A_277], %broadcast_in_dim3A_190 {strides = array<i32>} : memref<32x256xf32, #tpu.memory_space<vmem>>, vector<16xf32>,
      %swap3A_279 = arith.index_cast %scan3A_275 : i32 to index
      %swap3A_280 = arith.constant 128 : index
      %swap3A_281 = tpu.vector_load %arg14[%swap3A_279, %swap3A_280] {strides = array<i32>} : memref<32x256xf32, #tpu.memory_space<vmem>>, vector<16xf32>,
      tpu.vector_store %arg14[%swap3A_279, %swap3A_280], %broadcast_in_dim3A_192 {strides = array<i32>} : memref<32x256xf32, #tpu.memory_space<vmem>>, vector<16xf32>,
      %swap3A_282 = arith.index_cast %scan3A_275 : i32 to index
      %swap3A_283 = arith.constant 16 : index
      %swap3A_284 = tpu.vector_load %arg14[%swap3A_282, %swap3A_283] {strides = array<i32>} : memref<32x256xf32, #tpu.memory_space<vmem>>, vector<16xf32>,
      tpu.vector_store %arg14[%swap3A_282, %swap3A_283], %broadcast_in_dim3A_190 {strides = array<i32>} : memref<32x256xf32, #tpu.memory_space<vmem>>, vector<16xf32>,
      %swap3A_285 = arith.index_cast %scan3A_275 : i32 to index
      %swap3A_286 = arith.constant 144 : index
      %swap3A_287 = tpu.vector_load %arg14[%swap3A_285, %swap3A_286] {strides = array<i32>} : memref<32x256xf32, #tpu.memory_space<vmem>>, vector<16xf32>,
      tpu.vector_store %arg14[%swap3A_285, %swap3A_286], %broadcast_in_dim3A_192 {strides = array<i32>} : memref<32x256xf32, #tpu.memory_space<vmem>>, vector<16xf32>,
      %swap3A_288 = arith.index_cast %scan3A_275 : i32 to index
      %swap3A_289 = arith.constant 32 : index
      %swap3A_290 = tpu.vector_load %arg14[%swap3A_288, %swap3A_289] {strides = array<i32>} : memref<32x256xf32, #tpu.memory_space<vmem>>, vector<16xf32>,
      tpu.vector_store %arg14[%swap3A_288, %swap3A_289], %broadcast_in_dim3A_190 {strides = array<i32>} : memref<32x256xf32, #tpu.memory_space<vmem>>, vector<16xf32>,
      %swap3A_291 = arith.index_cast %scan3A_275 : i32 to index
      %swap3A_292 = arith.constant 160 : index
      %swap3A_293 = tpu.vector_load %arg14[%swap3A_291, %swap3A_292] {strides = array<i32>} : memref<32x256xf32, #tpu.memory_space<vmem>>, vector<16xf32>,
      tpu.vector_store %arg14[%swap3A_291, %swap3A_292], %broadcast_in_dim3A_192 {strides = array<i32>} : memref<32x256xf32, #tpu.memory_space<vmem>>, vector<16xf32>,
      %swap3A_294 = arith.index_cast %scan3A_275 : i32 to index
      %swap3A_295 = arith.constant 48 : index
      %swap3A_296 = tpu.vector_load %arg14[%swap3A_294, %swap3A_295] {strides = array<i32>} : memref<32x256xf32, #tpu.memory_space<vmem>>, vector<16xf32>,
      tpu.vector_store %arg14[%swap3A_294, %swap3A_295], %broadcast_in_dim3A_190 {strides = array<i32>} : memref<32x256xf32, #tpu.memory_space<vmem>>, vector<16xf32>,
      %swap3A_297 = arith.index_cast %scan3A_275 : i32 to index
      %swap3A_298 = arith.constant 176 : index
      %swap3A_299 = tpu.vector_load %arg14[%swap3A_297, %swap3A_298] {strides = array<i32>} : memref<32x256xf32, #tpu.memory_space<vmem>>, vector<16xf32>,
      tpu.vector_store %arg14[%swap3A_297, %swap3A_298], %broadcast_in_dim3A_192 {strides = array<i32>} : memref<32x256xf32, #tpu.memory_space<vmem>>, vector<16xf32>,
      %swap3A_300 = arith.index_cast %scan3A_275 : i32 to index
      %swap3A_301 = arith.constant 64 : index
      %swap3A_302 = tpu.vector_load %arg14[%swap3A_300, %swap3A_301] {strides = array<i32>} : memref<32x256xf32, #tpu.memory_space<vmem>>, vector<16xf32>,
      tpu.vector_store %arg14[%swap3A_300, %swap3A_301], %broadcast_in_dim3A_190 {strides = array<i32>} : memref<32x256xf32, #tpu.memory_space<vmem>>, vector<16xf32>,
      %swap3A_303 = arith.index_cast %scan3A_275 : i32 to index
      %swap3A_304 = arith.constant 192 : index
      %swap3A_305 = tpu.vector_load %arg14[%swap3A_303, %swap3A_304] {strides = array<i32>} : memref<32x256xf32, #tpu.memory_space<vmem>>, vector<16xf32>,
      tpu.vector_store %arg14[%swap3A_303, %swap3A_304], %broadcast_in_dim3A_192 {strides = array<i32>} : memref<32x256xf32, #tpu.memory_space<vmem>>, vector<16xf32>,
      %swap3A_306 = arith.index_cast %scan3A_275 : i32 to index
      %swap3A_307 = arith.constant 80 : index
      %swap3A_308 = tpu.vector_load %arg14[%swap3A_306, %swap3A_307] {strides = array<i32>} : memref<32x256xf32, #tpu.memory_space<vmem>>, vector<16xf32>,
      tpu.vector_store %arg14[%swap3A_306, %swap3A_307], %broadcast_in_dim3A_190 {strides = array<i32>} : memref<32x256xf32, #tpu.memory_space<vmem>>, vector<16xf32>,
      %swap3A_309 = arith.index_cast %scan3A_275 : i32 to index
      %swap3A_310 = arith.constant 208 : index
      %swap3A_311 = tpu.vector_load %arg14[%swap3A_309, %swap3A_310] {strides = array<i32>} : memref<32x256xf32, #tpu.memory_space<vmem>>, vector<16xf32>,
      tpu.vector_store %arg14[%swap3A_309, %swap3A_310], %broadcast_in_dim3A_192 {strides = array<i32>} : memref<32x256xf32, #tpu.memory_space<vmem>>, vector<16xf32>,
      %swap3A_312 = arith.index_cast %scan3A_275 : i32 to index
      %swap3A_313 = arith.constant 96 : index
      %swap3A_314 = tpu.vector_load %arg14[%swap3A_312, %swap3A_313] {strides = array<i32>} : memref<32x256xf32, #tpu.memory_space<vmem>>, vector<16xf32>,
      tpu.vector_store %arg14[%swap3A_312, %swap3A_313], %broadcast_in_dim3A_190 {strides = array<i32>} : memref<32x256xf32, #tpu.memory_space<vmem>>, vector<16xf32>,
      %swap3A_315 = arith.index_cast %scan3A_275 : i32 to index
      %swap3A_316 = arith.constant 224 : index
      %swap3A_317 = tpu.vector_load %arg14[%swap3A_315, %swap3A_316] {strides = array<i32>} : memref<32x256xf32, #tpu.memory_space<vmem>>, vector<16xf32>,
      tpu.vector_store %arg14[%swap3A_315, %swap3A_316], %broadcast_in_dim3A_192 {strides = array<i32>} : memref<32x256xf32, #tpu.memory_space<vmem>>, vector<16xf32>,
      %swap3A_318 = arith.index_cast %scan3A_275 : i32 to index
      %swap3A_319 = arith.constant 112 : index
      %swap3A_320 = tpu.vector_load %arg14[%swap3A_318, %swap3A_319] {strides = array<i32>} : memref<32x256xf32, #tpu.memory_space<vmem>>, vector<16xf32>,
      tpu.vector_store %arg14[%swap3A_318, %swap3A_319], %broadcast_in_dim3A_190 {strides = array<i32>} : memref<32x256xf32, #tpu.memory_space<vmem>>, vector<16xf32>,
      %swap3A_321 = arith.index_cast %scan3A_275 : i32 to index
      %swap3A_322 = arith.constant 240 : index
      %swap3A_323 = tpu.vector_load %arg14[%swap3A_321, %swap3A_322] {strides = array<i32>} : memref<32x256xf32, #tpu.memory_space<vmem>>, vector<16xf32>,
      tpu.vector_store %arg14[%swap3A_321, %swap3A_322], %broadcast_in_dim3A_192 {strides = array<i32>} : memref<32x256xf32, #tpu.memory_space<vmem>>, vector<16xf32>,
      %scan3A_324 = arith.constant 0 : i32
      scf.yield %scan3A_324 : i32
    }
    %scan3A_199 = arith.constant 32 : i32
    %get3A_200 = arith.constant 0 : i32
    %get3A_201 = arith.index_cast %get3A_200 : i32 to index
    %get3A_202 = arith.index_cast %mul3A_2 : i32 to index
    %get3A_203 = tpu.vector_load %arg10[%get3A_201, %get3A_202] {strides = array<i32>} : memref<1x1056xi32, #tpu.memory_space<vmem>>, vector<16xi32>,
    %slice3A = vector.extract_strided_slice %get3A_203 {offsets = [0], sizes = [1], strides = [1]} : vector<16xi32> to vector<1xi32>
    %squeeze3A = vector.extract %slice3A[0] : i32 from vector<1xi32>
    %add3A_204 = arith.constant 32 : i32
    %add3A_205 = arith.addi %mul3A_2, %add3A_204 : i32
    %get3A_206 = arith.constant 0 : i32
    %get3A_207 = arith.index_cast %get3A_206 : i32 to index
    %get3A_208 = arith.index_cast %add3A_205 : i32 to index
    %get3A_209 = tpu.vector_load %arg10[%get3A_207, %get3A_208] {strides = array<i32>} : memref<1x1056xi32, #tpu.memory_space<vmem>>, vector<16xi32>,
    %slice3A_210 = vector.extract_strided_slice %get3A_209 {offsets = [0], sizes = [1], strides = [1]} : vector<16xi32> to vector<1xi32>
    %squeeze3A_211 = vector.extract %slice3A_210[0] : i32 from vector<1xi32>
    %jit3A = arith.constant 8 : i32
    %div3A = arith.divsi %squeeze3A, %jit3A : i32
    %sign3A = arith.constant 0 : i32
    %sign3A_212 = arith.cmpi sgt, %squeeze3A, %sign3A : i32
    %sign3A_213 = arith.extui %sign3A_212 : i1 to i32
    %sign3A_214 = arith.constant 0 : i32
    %sign3A_215 = arith.cmpi slt, %squeeze3A, %sign3A_214 : i32
    %sign3A_216 = arith.extui %sign3A_215 : i1 to i32
    %sign3A_217 = arith.subi %sign3A_213, %sign3A_216 : i32
    %sign3A_218 = arith.constant 0 : i32
    %sign3A_219 = arith.cmpi sgt, %jit3A, %sign3A_218 : i32
    %sign3A_220 = arith.extui %sign3A_219 : i1 to i32
    %sign3A_221 = arith.constant 0 : i32
    %sign3A_222 = arith.cmpi slt, %jit3A, %sign3A_221 : i32
    %sign3A_223 = arith.extui %sign3A_222 : i1 to i32
    %sign3A_224 = arith.subi %sign3A_220, %sign3A_223 : i32
    %ne3A = arith.cmpi ne, %sign3A_217, %sign3A_224 : i32
    %rem3A = arith.remsi %squeeze3A, %jit3A : i32
    %ne3A_225 = arith.constant 0 : i32
    %ne3A_226 = arith.cmpi ne, %rem3A, %ne3A_225 : i32
    %and3A = arith.andi %ne3A, %ne3A_226 : i1
    %sub3A = arith.constant 1 : i32
    %sub3A_227 = arith.subi %div3A, %sub3A : i32
    %select_n3A = arith.select %and3A, %sub3A_227, %div3A : i32
    %mul3A_228 = arith.constant 8 : i32
    %mul3A_229 = arith.muli %select_n3A, %mul3A_228 : i32
    %sub3A_230 = arith.subi %squeeze3A_211, %mul3A_229 : i32
    %add3A_231 = arith.constant 255 : i32
    %add3A_232 = arith.addi %sub3A_230, %add3A_231 : i32
    %jit3A_233 = arith.constant 256 : i32
    %div3A_234 = arith.divsi %add3A_232, %jit3A_233 : i32
    %sign3A_235 = arith.constant 0 : i32
    %sign3A_236 = arith.cmpi sgt, %add3A_232, %sign3A_235 : i32
    %sign3A_237 = arith.extui %sign3A_236 : i1 to i32
    %sign3A_238 = arith.constant 0 : i32
    %sign3A_239 = arith.cmpi slt, %add3A_232, %sign3A_238 : i32
    %sign3A_240 = arith.extui %sign3A_239 : i1 to i32
    %sign3A_241 = arith.subi %sign3A_237, %sign3A_240 : i32
    %sign3A_242 = arith.constant 0 : i32
    %sign3A_243 = arith.cmpi sgt, %jit3A_233, %sign3A_242 : i32
    %sign3A_244 = arith.extui %sign3A_243 : i1 to i32
    %sign3A_245 = arith.constant 0 : i32
    %sign3A_246 = arith.cmpi slt, %jit3A_233, %sign3A_245 : i32
    %sign3A_247 = arith.extui %sign3A_246 : i1 to i32
    %sign3A_248 = arith.subi %sign3A_244, %sign3A_247 : i32
    %ne3A_249 = arith.cmpi ne, %sign3A_241, %sign3A_248 : i32
    %rem3A_250 = arith.remsi %add3A_232, %jit3A_233 : i32
    %ne3A_251 = arith.constant 0 : i32
    %ne3A_252 = arith.cmpi ne, %rem3A_250, %ne3A_251 : i32
    %and3A_253 = arith.andi %ne3A_249, %ne3A_252 : i1
    %sub3A_254 = arith.constant 1 : i32
    %sub3A_255 = arith.subi %div3A_234, %sub3A_254 : i32
    %select_n3A_256 = arith.select %and3A_253, %sub3A_255, %div3A_234 : i32
    %gt3A = arith.constant 0 : i32
    %gt3A_257 = arith.cmpi sgt, %select_n3A_256, %gt3A : i32
    %convert_element_type3A = arith.extui %gt3A_257 : i1 to i32
    %cond3A = arith.constant 0 : i32
    %cond3A_258 = arith.cmpi ne, %convert_element_type3A, %cond3A : i32
    scf.if %cond3A_258 {
      %add3A_275 = arith.constant 0 : i32
      %add3A_276 = arith.addi %mul3A_229, %add3A_275 : i32
      %min3A_277 = arith.constant 99744 : i32
      %min3A_278 = arith.minsi %add3A_276, %min3A_277 : i32
      %multiple_of3A_279 = tpu.assume_multiple %min3A_278, 8 : i32
      %dma_start3A = arith.constant 0 : i32
      %dma_start3A_280 = arith.constant 0 : i32
      %dma_start3A_281 = arith.constant 0 : i32
      %dma_start3A_282 = arith.constant 0 : i32
      %dma_start3A_283 = tpu.memref_slice %arg8[%dma_start3A, %dma_start3A_281, %dma_start3A_282] : memref<2x256x128xf32, #tpu.memory_space<vmem>> -> memref<1x256x128xf32, #tpu.memory_space<vmem>>
      %dma_start3A_284 = tpu.memref_squeeze %dma_start3A_283 : memref<1x256x128xf32, #tpu.memory_space<vmem>> -> memref<256x128xf32, #tpu.memory_space<vmem>>
      %dma_start3A_285 = arith.constant 0 : i32
      %dma_start3A_286 = tpu.memref_slice %arg2[%multiple_of3A_279, %dma_start3A_285] : memref<100000x128xf32, #tpu.memory_space<hbm>> -> memref<256x128xf32, #tpu.memory_space<hbm>>
      %dma_start3A_287 = tpu.memref_slice %arg15[%dma_start3A_280] : memref<2x!tpu.dma_semaphore, #tpu.memory_space<semaphore_mem>> -> memref<1x!tpu.dma_semaphore, #tpu.memory_space<semaphore_mem>>
      %dma_start3A_288 = tpu.memref_squeeze %dma_start3A_287 : memref<1x!tpu.dma_semaphore, #tpu.memory_space<semaphore_mem>> -> memref<!tpu.dma_semaphore, #tpu.memory_space<semaphore_mem>>
      %dma_start3A_289 = arith.constant 0 : i32
      %dma_start3A_290 = arith.constant 0 : i32
      %dma_start3A_291 = tpu.memref_slice %arg8[%dma_start3A, %dma_start3A_289, %dma_start3A_290] : memref<2x256x128xf32, #tpu.memory_space<vmem>> -> memref<1x256x128xf32, #tpu.memory_space<vmem>>
      %dma_start3A_292 = tpu.memref_squeeze %dma_start3A_291 : memref<1x256x128xf32, #tpu.memory_space<vmem>> -> memref<256x128xf32, #tpu.memory_space<vmem>>
      %dma_start3A_293 = arith.constant 0 : i32
      %dma_start3A_294 = tpu.memref_slice %arg2[%multiple_of3A_279, %dma_start3A_293] : memref<100000x128xf32, #tpu.memory_space<hbm>> -> memref<256x128xf32, #tpu.memory_space<hbm>>
      tpu.enqueue_dma source(%dma_start3A_294 : memref<256x128xf32, #tpu.memory_space<hbm>>) target(%dma_start3A_292 : memref<256x128xf32, #tpu.memory_space<vmem>>) target_semaphore(%dma_start3A_288 : memref<!tpu.dma_semaphore, #tpu.memory_space<semaphore_mem>>)
    } else {
    }
    %gt3A_259 = arith.constant 1 : i32
    %gt3A_260 = arith.cmpi sgt, %select_n3A_256, %gt3A_259 : i32
    %convert_element_type3A_261 = arith.extui %gt3A_260 : i1 to i32
    %cond3A_262 = arith.constant 0 : i32
    %cond3A_263 = arith.cmpi ne, %convert_element_type3A_261, %cond3A_262 : i32
    scf.if %cond3A_263 {
      %add3A_275 = arith.constant 256 : i32
      %add3A_276 = arith.addi %mul3A_229, %add3A_275 : i32
      %min3A_277 = arith.constant 99744 : i32
      %min3A_278 = arith.minsi %add3A_276, %min3A_277 : i32
      %multiple_of3A_279 = tpu.assume_multiple %min3A_278, 8 : i32
      %dma_start3A = arith.constant 1 : i32
      %dma_start3A_280 = arith.constant 1 : i32
      %dma_start3A_281 = arith.constant 0 : i32
      %dma_start3A_282 = arith.constant 0 : i32
      %dma_start3A_283 = tpu.memref_slice %arg8[%dma_start3A, %dma_start3A_281, %dma_start3A_282] : memref<2x256x128xf32, #tpu.memory_space<vmem>> -> memref<1x256x128xf32, #tpu.memory_space<vmem>>
      %dma_start3A_284 = tpu.memref_squeeze %dma_start3A_283 : memref<1x256x128xf32, #tpu.memory_space<vmem>> -> memref<256x128xf32, #tpu.memory_space<vmem>>
      %dma_start3A_285 = arith.constant 0 : i32
      %dma_start3A_286 = tpu.memref_slice %arg2[%multiple_of3A_279, %dma_start3A_285] : memref<100000x128xf32, #tpu.memory_space<hbm>> -> memref<256x128xf32, #tpu.memory_space<hbm>>
      %dma_start3A_287 = tpu.memref_slice %arg15[%dma_start3A_280] : memref<2x!tpu.dma_semaphore, #tpu.memory_space<semaphore_mem>> -> memref<1x!tpu.dma_semaphore, #tpu.memory_space<semaphore_mem>>
      %dma_start3A_288 = tpu.memref_squeeze %dma_start3A_287 : memref<1x!tpu.dma_semaphore, #tpu.memory_space<semaphore_mem>> -> memref<!tpu.dma_semaphore, #tpu.memory_space<semaphore_mem>>
      %dma_start3A_289 = arith.constant 0 : i32
      %dma_start3A_290 = arith.constant 0 : i32
      %dma_start3A_291 = tpu.memref_slice %arg8[%dma_start3A, %dma_start3A_289, %dma_start3A_290] : memref<2x256x128xf32, #tpu.memory_space<vmem>> -> memref<1x256x128xf32, #tpu.memory_space<vmem>>
      %dma_start3A_292 = tpu.memref_squeeze %dma_start3A_291 : memref<1x256x128xf32, #tpu.memory_space<vmem>> -> memref<256x128xf32, #tpu.memory_space<vmem>>
      %dma_start3A_293 = arith.constant 0 : i32
      %dma_start3A_294 = tpu.memref_slice %arg2[%multiple_of3A_279, %dma_start3A_293] : memref<100000x128xf32, #tpu.memory_space<hbm>> -> memref<256x128xf32, #tpu.memory_space<hbm>>
      tpu.enqueue_dma source(%dma_start3A_294 : memref<256x128xf32, #tpu.memory_space<hbm>>) target(%dma_start3A_292 : memref<256x128xf32, #tpu.memory_space<vmem>>) target_semaphore(%dma_start3A_288 : memref<!tpu.dma_semaphore, #tpu.memory_space<semaphore_mem>>)
    } else {
    }
    %while3A = arith.constant 0 : i32
    %while3A_264 = arith.constant 0 : i32
    %while3A_265 = arith.subi %select_n3A_256, %while3A : i32
    %while3A_266 = arith.addi %while3A, %while3A_265 : i32
    %while3A_267 = arith.constant 1 : i32
    %while3A_268 = arith.divsi %while3A_265, %while3A_267 : i32
    %while3A_269 = arith.muli %while3A_268, %while3A_267 : i32
    %while3A_270 = arith.addi %while3A, %while3A_269 : i32
    %while3A_271 = arith.constant 1 : i32
    %while3A_272 = scf.for %while3A_275 = %while3A to %while3A_270 step %while3A_271 iter_args(%while3A_276 = %while3A_264) -> (i32)  : i32 {
      %rem3A_277 = arith.constant 2 : i32
      %rem3A_278 = arith.remsi %while3A_275, %rem3A_277 : i32
      %mul3A_279 = arith.constant 256 : i32
      %mul3A_280 = arith.muli %while3A_275, %mul3A_279 : i32
      %add3A_281 = arith.addi %mul3A_229, %mul3A_280 : i32
      %min3A_282 = arith.constant 99744 : i32
      %min3A_283 = arith.minsi %add3A_281, %min3A_282 : i32
      %multiple_of3A_284 = tpu.assume_multiple %min3A_283, 8 : i32
      %max3A = arith.maxsi %squeeze3A, %add3A_281 : i32
      %add3A_285 = arith.constant 256 : i32
      %add3A_286 = arith.addi %add3A_281, %add3A_285 : i32
      %min3A_287 = arith.minsi %add3A_286, %squeeze3A_211 : i32
      %mul3A_288 = arith.constant 256 : i32
      %mul3A_289 = arith.muli %while3A_275, %mul3A_288 : i32
      %add3A_290 = arith.addi %mul3A_229, %mul3A_289 : i32
      %min3A_291 = arith.constant 99744 : i32
      %min3A_292 = arith.minsi %add3A_290, %min3A_291 : i32
      %multiple_of3A_293 = tpu.assume_multiple %min3A_292, 8 : i32
      %dma_wait3A = arith.constant 0 : i32
      %dma_wait3A_294 = arith.constant 0 : i32
      %dma_wait3A_295 = tpu.memref_slice %arg8[%rem3A_278, %dma_wait3A, %dma_wait3A_294] : memref<2x256x128xf32, #tpu.memory_space<vmem>> -> memref<1x256x128xf32, #tpu.memory_space<vmem>>
      %dma_wait3A_296 = tpu.memref_squeeze %dma_wait3A_295 : memref<1x256x128xf32, #tpu.memory_space<vmem>> -> memref<256x128xf32, #tpu.memory_space<vmem>>
      %dma_wait3A_297 = arith.constant 0 : i32
      %dma_wait3A_298 = tpu.memref_slice %arg2[%multiple_of3A_293, %dma_wait3A_297] : memref<100000x128xf32, #tpu.memory_space<hbm>> -> memref<256x128xf32, #tpu.memory_space<hbm>>
      %dma_wait3A_299 = tpu.memref_slice %arg15[%rem3A_278] : memref<2x!tpu.dma_semaphore, #tpu.memory_space<semaphore_mem>> -> memref<1x!tpu.dma_semaphore, #tpu.memory_space<semaphore_mem>>
      %dma_wait3A_300 = tpu.memref_squeeze %dma_wait3A_299 : memref<1x!tpu.dma_semaphore, #tpu.memory_space<semaphore_mem>> -> memref<!tpu.dma_semaphore, #tpu.memory_space<semaphore_mem>>
      %dma_wait3A_301 = arith.constant 0 : i32
      %dma_wait3A_302 = arith.constant 0 : i32
      %dma_wait3A_303 = tpu.memref_slice %arg8[%rem3A_278, %dma_wait3A_301, %dma_wait3A_302] : memref<2x256x128xf32, #tpu.memory_space<vmem>> -> memref<1x256x128xf32, #tpu.memory_space<vmem>>
      %dma_wait3A_304 = tpu.memref_squeeze %dma_wait3A_303 : memref<1x256x128xf32, #tpu.memory_space<vmem>> -> memref<256x128xf32, #tpu.memory_space<vmem>>
      %dma_wait3A_305 = arith.constant 0 : i32
      %dma_wait3A_306 = tpu.memref_slice %arg2[%multiple_of3A_293, %dma_wait3A_305] : memref<100000x128xf32, #tpu.memory_space<hbm>> -> memref<256x128xf32, #tpu.memory_space<hbm>>
      tpu.wait_dma2 semaphore(%dma_wait3A_300 : memref<!tpu.dma_semaphore, #tpu.memory_space<semaphore_mem>>) src(%dma_wait3A_306 : memref<256x128xf32, #tpu.memory_space<hbm>>) dst(%dma_wait3A_304 : memref<256x128xf32, #tpu.memory_space<vmem>>)
      %scan3A_307 = arith.constant 0 : i32
      %scan3A_308 = arith.constant 0 : i32
      %scan3A_309 = arith.constant 32 : i32
      %scan3A_310 = arith.addi %scan3A_308, %scan3A_309 : i32
      %scan3A_311 = arith.constant 1 : i32
      %scan3A_312 = scf.for %scan3A_320 = %scan3A_308 to %scan3A_310 step %scan3A_311 iter_args(%scan3A_321 = %scan3A_307) -> (i32)  : i32 {
        %add3A_322 = arith.addi %mul3A_2, %scan3A_320 : i32
        %get3A_323 = arith.constant 0 : i32
        %get3A_324 = arith.index_cast %get3A_323 : i32 to index
        %get3A_325 = arith.index_cast %add3A_322 : i32 to index
        %get3A_326 = tpu.vector_load %arg10[%get3A_324, %get3A_325] {strides = array<i32>} : memref<1x1056xi32, #tpu.memory_space<vmem>>, vector<16xi32>,
        %slice3A_327 = vector.extract_strided_slice %get3A_326 {offsets = [0], sizes = [1], strides = [1]} : vector<16xi32> to vector<1xi32>
        %squeeze3A_328 = vector.extract %slice3A_327[0] : i32 from vector<1xi32>
        %add3A_329 = arith.addi %mul3A_2, %scan3A_320 : i32
        %add3A_330 = arith.constant 1 : i32
        %add3A_331 = arith.addi %add3A_329, %add3A_330 : i32
        %get3A_332 = arith.constant 0 : i32
        %get3A_333 = arith.index_cast %get3A_332 : i32 to index
        %get3A_334 = arith.index_cast %add3A_331 : i32 to index
        %get3A_335 = tpu.vector_load %arg10[%get3A_333, %get3A_334] {strides = array<i32>} : memref<1x1056xi32, #tpu.memory_space<vmem>>, vector<16xi32>,
        %slice3A_336 = vector.extract_strided_slice %get3A_335 {offsets = [0], sizes = [1], strides = [1]} : vector<16xi32> to vector<1xi32>
        %squeeze3A_337 = vector.extract %slice3A_336[0] : i32 from vector<1xi32>
        %max3A_338 = arith.maxsi %squeeze3A_328, %max3A : i32
        %min3A_339 = arith.minsi %squeeze3A_337, %min3A_287 : i32
        %gt3A_340 = arith.cmpi sgt, %min3A_339, %max3A_338 : i32
        %convert_element_type3A_341 = arith.extui %gt3A_340 : i1 to i32
        %cond3A_342 = arith.constant 0 : i32
        %cond3A_343 = arith.cmpi ne, %convert_element_type3A_341, %cond3A_342 : i32
        scf.if %cond3A_343 {
          %sub3A_345 = arith.subi %min3A_339, %max3A_338 : i32
          %jit3A_346 = arith.constant 2 : i32
          %div3A_347 = arith.divsi %sub3A_345, %jit3A_346 : i32
          %sign3A_348 = arith.constant 0 : i32
          %sign3A_349 = arith.cmpi sgt, %sub3A_345, %sign3A_348 : i32
          %sign3A_350 = arith.extui %sign3A_349 : i1 to i32
          %sign3A_351 = arith.constant 0 : i32
          %sign3A_352 = arith.cmpi slt, %sub3A_345, %sign3A_351 : i32
          %sign3A_353 = arith.extui %sign3A_352 : i1 to i32
          %sign3A_354 = arith.subi %sign3A_350, %sign3A_353 : i32
          %sign3A_355 = arith.constant 0 : i32
          %sign3A_356 = arith.cmpi sgt, %jit3A_346, %sign3A_355 : i32
          %sign3A_357 = arith.extui %sign3A_356 : i1 to i32
          %sign3A_358 = arith.constant 0 : i32
          %sign3A_359 = arith.cmpi slt, %jit3A_346, %sign3A_358 : i32
          %sign3A_360 = arith.extui %sign3A_359 : i1 to i32
          %sign3A_361 = arith.subi %sign3A_357, %sign3A_360 : i32
          %ne3A_362 = arith.cmpi ne, %sign3A_354, %sign3A_361 : i32
          %rem3A_363 = arith.remsi %sub3A_345, %jit3A_346 : i32
          %ne3A_364 = arith.constant 0 : i32
          %ne3A_365 = arith.cmpi ne, %rem3A_363, %ne3A_364 : i32
          %and3A_366 = arith.andi %ne3A_362, %ne3A_365 : i1
          %sub3A_367 = arith.constant 1 : i32
          %sub3A_368 = arith.subi %div3A_347, %sub3A_367 : i32
          %select_n3A_369 = arith.select %and3A_366, %sub3A_368, %div3A_347 : i32
          %while3A_370 = arith.constant 0 : i32
          %while3A_371 = arith.subi %select_n3A_369, %while3A_370 : i32
          %while3A_372 = arith.addi %while3A_370, %while3A_371 : i32
          %while3A_373 = arith.constant 1 : i32
          %while3A_374 = arith.divsi %while3A_371, %while3A_373 : i32
          %while3A_375 = arith.muli %while3A_374, %while3A_373 : i32
          %while3A_376 = arith.addi %while3A_370, %while3A_375 : i32
          %while3A_377 = arith.constant 1 : i32
          %while3A_378:16 = scf.for %while3A_505 = %while3A_370 to %while3A_376 step %while3A_377 iter_args(%while3A_506 = %broadcast_in_dim3A_190, %while3A_507 = %broadcast_in_dim3A_190, %while3A_508 = %broadcast_in_dim3A_190, %while3A_509 = %broadcast_in_dim3A_190, %while3A_510 = %broadcast_in_dim3A_190, %while3A_511 = %broadcast_in_dim3A_190, %while3A_512 = %broadcast_in_dim3A_190, %while3A_513 = %broadcast_in_dim3A_190, %while3A_514 = %broadcast_in_dim3A_192, %while3A_515 = %broadcast_in_dim3A_192, %while3A_516 = %broadcast_in_dim3A_192, %while3A_517 = %broadcast_in_dim3A_192, %while3A_518 = %broadcast_in_dim3A_192, %while3A_519 = %broadcast_in_dim3A_192, %while3A_520 = %broadcast_in_dim3A_192, %while3A_521 = %broadcast_in_dim3A_192) -> (vector<16xf32>, vector<16xf32>, vector<16xf32>, vector<16xf32>, vector<16xf32>, vector<16xf32>, vector<16xf32>, vector<16xf32>, vector<16xf32>, vector<16xf32>, vector<16xf32>, vector<16xf32>, vector<16xf32>, vector<16xf32>, vector<16xf32>, vector<16xf32>)  : i32 {
            %sub3A_522 = arith.subi %max3A_338, %multiple_of3A_284 : i32
            %mul3A_523 = arith.constant 2 : i32
            %mul3A_524 = arith.muli %mul3A_523, %while3A_505 : i32
            %add3A_525 = arith.addi %sub3A_522, %mul3A_524 : i32
            %get3A_526 = arith.index_cast %rem3A_278 : i32 to index
            %get3A_527 = arith.index_cast %add3A_525 : i32 to index
            %get3A_528 = arith.constant 0 : index
            %get3A_529 = tpu.vector_load %arg8[%get3A_526, %get3A_527, %get3A_528] {strides = array<i32>} : memref<2x256x128xf32, #tpu.memory_space<vmem>>, vector<16xf32>,
            %get3A_530 = arith.index_cast %rem3A_278 : i32 to index
            %get3A_531 = arith.index_cast %add3A_525 : i32 to index
            %get3A_532 = arith.constant 16 : index
            %get3A_533 = tpu.vector_load %arg8[%get3A_530, %get3A_531, %get3A_532] {strides = array<i32>} : memref<2x256x128xf32, #tpu.memory_space<vmem>>, vector<16xf32>,
            %get3A_534 = arith.index_cast %rem3A_278 : i32 to index
            %get3A_535 = arith.index_cast %add3A_525 : i32 to index
            %get3A_536 = arith.constant 32 : index
            %get3A_537 = tpu.vector_load %arg8[%get3A_534, %get3A_535, %get3A_536] {strides = array<i32>} : memref<2x256x128xf32, #tpu.memory_space<vmem>>, vector<16xf32>,
            %get3A_538 = arith.index_cast %rem3A_278 : i32 to index
            %get3A_539 = arith.index_cast %add3A_525 : i32 to index
            %get3A_540 = arith.constant 48 : index
            %get3A_541 = tpu.vector_load %arg8[%get3A_538, %get3A_539, %get3A_540] {strides = array<i32>} : memref<2x256x128xf32, #tpu.memory_space<vmem>>, vector<16xf32>,
            %get3A_542 = arith.index_cast %rem3A_278 : i32 to index
            %get3A_543 = arith.index_cast %add3A_525 : i32 to index
            %get3A_544 = arith.constant 64 : index
            %get3A_545 = tpu.vector_load %arg8[%get3A_542, %get3A_543, %get3A_544] {strides = array<i32>} : memref<2x256x128xf32, #tpu.memory_space<vmem>>, vector<16xf32>,
            %get3A_546 = arith.index_cast %rem3A_278 : i32 to index
            %get3A_547 = arith.index_cast %add3A_525 : i32 to index
            %get3A_548 = arith.constant 80 : index
            %get3A_549 = tpu.vector_load %arg8[%get3A_546, %get3A_547, %get3A_548] {strides = array<i32>} : memref<2x256x128xf32, #tpu.memory_space<vmem>>, vector<16xf32>,
            %get3A_550 = arith.index_cast %rem3A_278 : i32 to index
            %get3A_551 = arith.index_cast %add3A_525 : i32 to index
            %get3A_552 = arith.constant 96 : index
            %get3A_553 = tpu.vector_load %arg8[%get3A_550, %get3A_551, %get3A_552] {strides = array<i32>} : memref<2x256x128xf32, #tpu.memory_space<vmem>>, vector<16xf32>,
            %get3A_554 = arith.index_cast %rem3A_278 : i32 to index
            %get3A_555 = arith.index_cast %add3A_525 : i32 to index
            %get3A_556 = arith.constant 112 : index
            %get3A_557 = tpu.vector_load %arg8[%get3A_554, %get3A_555, %get3A_556] {strides = array<i32>} : memref<2x256x128xf32, #tpu.memory_space<vmem>>, vector<16xf32>,
            %add3A_558 = arith.constant 1 : i32
            %add3A_559 = arith.addi %add3A_525, %add3A_558 : i32
            %get3A_560 = arith.index_cast %rem3A_278 : i32 to index
            %get3A_561 = arith.index_cast %add3A_559 : i32 to index
            %get3A_562 = arith.constant 0 : index
            %get3A_563 = tpu.vector_load %arg8[%get3A_560, %get3A_561, %get3A_562] {strides = array<i32>} : memref<2x256x128xf32, #tpu.memory_space<vmem>>, vector<16xf32>,
            %get3A_564 = arith.index_cast %rem3A_278 : i32 to index
            %get3A_565 = arith.index_cast %add3A_559 : i32 to index
            %get3A_566 = arith.constant 16 : index
            %get3A_567 = tpu.vector_load %arg8[%get3A_564, %get3A_565, %get3A_566] {strides = array<i32>} : memref<2x256x128xf32, #tpu.memory_space<vmem>>, vector<16xf32>,
            %get3A_568 = arith.index_cast %rem3A_278 : i32 to index
            %get3A_569 = arith.index_cast %add3A_559 : i32 to index
            %get3A_570 = arith.constant 32 : index
            %get3A_571 = tpu.vector_load %arg8[%get3A_568, %get3A_569, %get3A_570] {strides = array<i32>} : memref<2x256x128xf32, #tpu.memory_space<vmem>>, vector<16xf32>,
            %get3A_572 = arith.index_cast %rem3A_278 : i32 to index
            %get3A_573 = arith.index_cast %add3A_559 : i32 to index
            %get3A_574 = arith.constant 48 : index
            %get3A_575 = tpu.vector_load %arg8[%get3A_572, %get3A_573, %get3A_574] {strides = array<i32>} : memref<2x256x128xf32, #tpu.memory_space<vmem>>, vector<16xf32>,
            %get3A_576 = arith.index_cast %rem3A_278 : i32 to index
            %get3A_577 = arith.index_cast %add3A_559 : i32 to index
            %get3A_578 = arith.constant 64 : index
            %get3A_579 = tpu.vector_load %arg8[%get3A_576, %get3A_577, %get3A_578] {strides = array<i32>} : memref<2x256x128xf32, #tpu.memory_space<vmem>>, vector<16xf32>,
            %get3A_580 = arith.index_cast %rem3A_278 : i32 to index
            %get3A_581 = arith.index_cast %add3A_559 : i32 to index
            %get3A_582 = arith.constant 80 : index
            %get3A_583 = tpu.vector_load %arg8[%get3A_580, %get3A_581, %get3A_582] {strides = array<i32>} : memref<2x256x128xf32, #tpu.memory_space<vmem>>, vector<16xf32>,
            %get3A_584 = arith.index_cast %rem3A_278 : i32 to index
            %get3A_585 = arith.index_cast %add3A_559 : i32 to index
            %get3A_586 = arith.constant 96 : index
            %get3A_587 = tpu.vector_load %arg8[%get3A_584, %get3A_585, %get3A_586] {strides = array<i32>} : memref<2x256x128xf32, #tpu.memory_space<vmem>>, vector<16xf32>,
            %get3A_588 = arith.index_cast %rem3A_278 : i32 to index
            %get3A_589 = arith.index_cast %add3A_559 : i32 to index
            %get3A_590 = arith.constant 112 : index
            %get3A_591 = tpu.vector_load %arg8[%get3A_588, %get3A_589, %get3A_590] {strides = array<i32>} : memref<2x256x128xf32, #tpu.memory_space<vmem>>, vector<16xf32>,
            %mul3A_592 = arith.mulf %get3A_529, %get3A_172 : vector<16xf32>
            %mul3A_593 = arith.mulf %get3A_533, %get3A_174 : vector<16xf32>
            %mul3A_594 = arith.mulf %get3A_537, %get3A_176 : vector<16xf32>
            %mul3A_595 = arith.mulf %get3A_541, %get3A_178 : vector<16xf32>
            %mul3A_596 = arith.mulf %get3A_545, %get3A_180 : vector<16xf32>
            %mul3A_597 = arith.mulf %get3A_549, %get3A_182 : vector<16xf32>
            %mul3A_598 = arith.mulf %get3A_553, %get3A_184 : vector<16xf32>
            %mul3A_599 = arith.mulf %get3A_557, %get3A_186 : vector<16xf32>
            %add3A_600 = arith.addf %mul3A_592, %mul3A_593 : vector<16xf32>
            %add3A_601 = arith.addf %mul3A_594, %mul3A_595 : vector<16xf32>
            %add3A_602 = arith.addf %add3A_600, %add3A_601 : vector<16xf32>
            %add3A_603 = arith.addf %mul3A_596, %mul3A_597 : vector<16xf32>
            %add3A_604 = arith.addf %mul3A_598, %mul3A_599 : vector<16xf32>
            %add3A_605 = arith.addf %add3A_603, %add3A_604 : vector<16xf32>
            %add3A_606 = arith.addf %add3A_602, %add3A_605 : vector<16xf32>
            %xor3A = arith.constant 8 : i32
            %xor3A_607 = vector.broadcast %xor3A : i32 to vector<16xi32>
            %xor3A_608 = arith.xori %iota3A, %xor3A_607 : vector<16xi32>
            %lt3A_609 = arith.constant 0 : i32
            %lt3A_610 = vector.broadcast %lt3A_609 : i32 to vector<16xi32>
            %lt3A_611 = arith.cmpi slt, %xor3A_608, %lt3A_610 : vector<16xi32>
            %add3A_612 = arith.constant 16 : i32
            %add3A_613 = vector.broadcast %add3A_612 : i32 to vector<16xi32>
            %add3A_614 = arith.addi %xor3A_608, %add3A_613 : vector<16xi32>
            %select_n3A_615 = arith.select %lt3A_611, %add3A_614, %xor3A_608 : vector<16xi1>, vector<16xi32>
            %broadcast_in_dim3A_616 = vector.shape_cast %select_n3A_615 : vector<16xi32> to vector<16x1xi32>
            %gather3A = vector.shape_cast %broadcast_in_dim3A_616 : vector<16x1xi32> to vector<16xi32>
            %gather3A_617 = tpu.dynamic_gather %add3A_606[%gather3A] in [0] : vector<16xf32>, vector<16xi32> -> vector<16xf32>
            %add3A_618 = arith.addf %add3A_606, %gather3A_617 : vector<16xf32>
            %xor3A_619 = arith.constant 4 : i32
            %xor3A_620 = vector.broadcast %xor3A_619 : i32 to vector<16xi32>
            %xor3A_621 = arith.xori %iota3A, %xor3A_620 : vector<16xi32>
            %lt3A_622 = arith.constant 0 : i32
            %lt3A_623 = vector.broadcast %lt3A_622 : i32 to vector<16xi32>
            %lt3A_624 = arith.cmpi slt, %xor3A_621, %lt3A_623 : vector<16xi32>
            %add3A_625 = arith.constant 16 : i32
            %add3A_626 = vector.broadcast %add3A_625 : i32 to vector<16xi32>
            %add3A_627 = arith.addi %xor3A_621, %add3A_626 : vector<16xi32>
            %select_n3A_628 = arith.select %lt3A_624, %add3A_627, %xor3A_621 : vector<16xi1>, vector<16xi32>
            %broadcast_in_dim3A_629 = vector.shape_cast %select_n3A_628 : vector<16xi32> to vector<16x1xi32>
            %gather3A_630 = vector.shape_cast %broadcast_in_dim3A_629 : vector<16x1xi32> to vector<16xi32>
            %gather3A_631 = tpu.dynamic_gather %add3A_618[%gather3A_630] in [0] : vector<16xf32>, vector<16xi32> -> vector<16xf32>
            %add3A_632 = arith.addf %add3A_618, %gather3A_631 : vector<16xf32>
            %xor3A_633 = arith.constant 2 : i32
            %xor3A_634 = vector.broadcast %xor3A_633 : i32 to vector<16xi32>
            %xor3A_635 = arith.xori %iota3A, %xor3A_634 : vector<16xi32>
            %lt3A_636 = arith.constant 0 : i32
            %lt3A_637 = vector.broadcast %lt3A_636 : i32 to vector<16xi32>
            %lt3A_638 = arith.cmpi slt, %xor3A_635, %lt3A_637 : vector<16xi32>
            %add3A_639 = arith.constant 16 : i32
            %add3A_640 = vector.broadcast %add3A_639 : i32 to vector<16xi32>
            %add3A_641 = arith.addi %xor3A_635, %add3A_640 : vector<16xi32>
            %select_n3A_642 = arith.select %lt3A_638, %add3A_641, %xor3A_635 : vector<16xi1>, vector<16xi32>
            %broadcast_in_dim3A_643 = vector.shape_cast %select_n3A_642 : vector<16xi32> to vector<16x1xi32>
            %gather3A_644 = vector.shape_cast %broadcast_in_dim3A_643 : vector<16x1xi32> to vector<16xi32>
            %gather3A_645 = tpu.dynamic_gather %add3A_632[%gather3A_644] in [0] : vector<16xf32>, vector<16xi32> -> vector<16xf32>
            %add3A_646 = arith.addf %add3A_632, %gather3A_645 : vector<16xf32>
            %xor3A_647 = arith.constant 1 : i32
            %xor3A_648 = vector.broadcast %xor3A_647 : i32 to vector<16xi32>
            %xor3A_649 = arith.xori %iota3A, %xor3A_648 : vector<16xi32>
            %lt3A_650 = arith.constant 0 : i32
            %lt3A_651 = vector.broadcast %lt3A_650 : i32 to vector<16xi32>
            %lt3A_652 = arith.cmpi slt, %xor3A_649, %lt3A_651 : vector<16xi32>
            %add3A_653 = arith.constant 16 : i32
            %add3A_654 = vector.broadcast %add3A_653 : i32 to vector<16xi32>
            %add3A_655 = arith.addi %xor3A_649, %add3A_654 : vector<16xi32>
            %select_n3A_656 = arith.select %lt3A_652, %add3A_655, %xor3A_649 : vector<16xi1>, vector<16xi32>
            %broadcast_in_dim3A_657 = vector.shape_cast %select_n3A_656 : vector<16xi32> to vector<16x1xi32>
            %gather3A_658 = vector.shape_cast %broadcast_in_dim3A_657 : vector<16x1xi32> to vector<16xi32>
            %gather3A_659 = tpu.dynamic_gather %add3A_646[%gather3A_658] in [0] : vector<16xf32>, vector<16xi32> -> vector<16xf32>
            %add3A_660 = arith.addf %add3A_646, %gather3A_659 : vector<16xf32>
            %add3A_661 = arith.addf %add3A_660, %get3A_188 : vector<16xf32>
            %neg3A = arith.constant 0.000000e+00 : f32
            %neg3A_662 = vector.broadcast %neg3A : f32 to vector<16xf32>
            %neg3A_663 = arith.subf %neg3A_662, %add3A_661 : vector<16xf32>
            %exp3A = math.exp %neg3A_663 : vector<16xf32>
            %add3A_664 = arith.constant 1.000000e+00 : f32
            %add3A_665 = vector.broadcast %add3A_664 : f32 to vector<16xf32>
            %add3A_666 = arith.addf %add3A_665, %exp3A : vector<16xf32>
            %div3A_667 = arith.constant 1.000000e+00 : f32
            %div3A_668 = vector.broadcast %div3A_667 : f32 to vector<16xf32>
            %div3A_669 = arith.divf %div3A_668, %add3A_666 : vector<16xf32>
            %mul3A_670 = arith.mulf %get3A_563, %get3A_172 : vector<16xf32>
            %mul3A_671 = arith.mulf %get3A_567, %get3A_174 : vector<16xf32>
            %mul3A_672 = arith.mulf %get3A_571, %get3A_176 : vector<16xf32>
            %mul3A_673 = arith.mulf %get3A_575, %get3A_178 : vector<16xf32>
            %mul3A_674 = arith.mulf %get3A_579, %get3A_180 : vector<16xf32>
            %mul3A_675 = arith.mulf %get3A_583, %get3A_182 : vector<16xf32>
            %mul3A_676 = arith.mulf %get3A_587, %get3A_184 : vector<16xf32>
            %mul3A_677 = arith.mulf %get3A_591, %get3A_186 : vector<16xf32>
            %add3A_678 = arith.addf %mul3A_670, %mul3A_671 : vector<16xf32>
            %add3A_679 = arith.addf %mul3A_672, %mul3A_673 : vector<16xf32>
            %add3A_680 = arith.addf %add3A_678, %add3A_679 : vector<16xf32>
            %add3A_681 = arith.addf %mul3A_674, %mul3A_675 : vector<16xf32>
            %add3A_682 = arith.addf %mul3A_676, %mul3A_677 : vector<16xf32>
            %add3A_683 = arith.addf %add3A_681, %add3A_682 : vector<16xf32>
            %add3A_684 = arith.addf %add3A_680, %add3A_683 : vector<16xf32>
            %xor3A_685 = arith.constant 8 : i32
            %xor3A_686 = vector.broadcast %xor3A_685 : i32 to vector<16xi32>
            %xor3A_687 = arith.xori %iota3A, %xor3A_686 : vector<16xi32>
            %lt3A_688 = arith.constant 0 : i32
            %lt3A_689 = vector.broadcast %lt3A_688 : i32 to vector<16xi32>
            %lt3A_690 = arith.cmpi slt, %xor3A_687, %lt3A_689 : vector<16xi32>
            %add3A_691 = arith.constant 16 : i32
            %add3A_692 = vector.broadcast %add3A_691 : i32 to vector<16xi32>
            %add3A_693 = arith.addi %xor3A_687, %add3A_692 : vector<16xi32>
            %select_n3A_694 = arith.select %lt3A_690, %add3A_693, %xor3A_687 : vector<16xi1>, vector<16xi32>
            %broadcast_in_dim3A_695 = vector.shape_cast %select_n3A_694 : vector<16xi32> to vector<16x1xi32>
            %gather3A_696 = vector.shape_cast %broadcast_in_dim3A_695 : vector<16x1xi32> to vector<16xi32>
            %gather3A_697 = tpu.dynamic_gather %add3A_684[%gather3A_696] in [0] : vector<16xf32>, vector<16xi32> -> vector<16xf32>
            %add3A_698 = arith.addf %add3A_684, %gather3A_697 : vector<16xf32>
            %xor3A_699 = arith.constant 4 : i32
            %xor3A_700 = vector.broadcast %xor3A_699 : i32 to vector<16xi32>
            %xor3A_701 = arith.xori %iota3A, %xor3A_700 : vector<16xi32>
            %lt3A_702 = arith.constant 0 : i32
            %lt3A_703 = vector.broadcast %lt3A_702 : i32 to vector<16xi32>
            %lt3A_704 = arith.cmpi slt, %xor3A_701, %lt3A_703 : vector<16xi32>
            %add3A_705 = arith.constant 16 : i32
            %add3A_706 = vector.broadcast %add3A_705 : i32 to vector<16xi32>
            %add3A_707 = arith.addi %xor3A_701, %add3A_706 : vector<16xi32>
            %select_n3A_708 = arith.select %lt3A_704, %add3A_707, %xor3A_701 : vector<16xi1>, vector<16xi32>
            %broadcast_in_dim3A_709 = vector.shape_cast %select_n3A_708 : vector<16xi32> to vector<16x1xi32>
            %gather3A_710 = vector.shape_cast %broadcast_in_dim3A_709 : vector<16x1xi32> to vector<16xi32>
            %gather3A_711 = tpu.dynamic_gather %add3A_698[%gather3A_710] in [0] : vector<16xf32>, vector<16xi32> -> vector<16xf32>
            %add3A_712 = arith.addf %add3A_698, %gather3A_711 : vector<16xf32>
            %xor3A_713 = arith.constant 2 : i32
            %xor3A_714 = vector.broadcast %xor3A_713 : i32 to vector<16xi32>
            %xor3A_715 = arith.xori %iota3A, %xor3A_714 : vector<16xi32>
            %lt3A_716 = arith.constant 0 : i32
            %lt3A_717 = vector.broadcast %lt3A_716 : i32 to vector<16xi32>
            %lt3A_718 = arith.cmpi slt, %xor3A_715, %lt3A_717 : vector<16xi32>
            %add3A_719 = arith.constant 16 : i32
            %add3A_720 = vector.broadcast %add3A_719 : i32 to vector<16xi32>
            %add3A_721 = arith.addi %xor3A_715, %add3A_720 : vector<16xi32>
            %select_n3A_722 = arith.select %lt3A_718, %add3A_721, %xor3A_715 : vector<16xi1>, vector<16xi32>
            %broadcast_in_dim3A_723 = vector.shape_cast %select_n3A_722 : vector<16xi32> to vector<16x1xi32>
            %gather3A_724 = vector.shape_cast %broadcast_in_dim3A_723 : vector<16x1xi32> to vector<16xi32>
            %gather3A_725 = tpu.dynamic_gather %add3A_712[%gather3A_724] in [0] : vector<16xf32>, vector<16xi32> -> vector<16xf32>
            %add3A_726 = arith.addf %add3A_712, %gather3A_725 : vector<16xf32>
            %xor3A_727 = arith.constant 1 : i32
            %xor3A_728 = vector.broadcast %xor3A_727 : i32 to vector<16xi32>
            %xor3A_729 = arith.xori %iota3A, %xor3A_728 : vector<16xi32>
            %lt3A_730 = arith.constant 0 : i32
            %lt3A_731 = vector.broadcast %lt3A_730 : i32 to vector<16xi32>
            %lt3A_732 = arith.cmpi slt, %xor3A_729, %lt3A_731 : vector<16xi32>
            %add3A_733 = arith.constant 16 : i32
            %add3A_734 = vector.broadcast %add3A_733 : i32 to vector<16xi32>
            %add3A_735 = arith.addi %xor3A_729, %add3A_734 : vector<16xi32>
            %select_n3A_736 = arith.select %lt3A_732, %add3A_735, %xor3A_729 : vector<16xi1>, vector<16xi32>
            %broadcast_in_dim3A_737 = vector.shape_cast %select_n3A_736 : vector<16xi32> to vector<16x1xi32>
            %gather3A_738 = vector.shape_cast %broadcast_in_dim3A_737 : vector<16x1xi32> to vector<16xi32>
            %gather3A_739 = tpu.dynamic_gather %add3A_726[%gather3A_738] in [0] : vector<16xf32>, vector<16xi32> -> vector<16xf32>
            %add3A_740 = arith.addf %add3A_726, %gather3A_739 : vector<16xf32>
            %add3A_741 = arith.addf %add3A_740, %get3A_188 : vector<16xf32>
            %neg3A_742 = arith.constant 0.000000e+00 : f32
            %neg3A_743 = vector.broadcast %neg3A_742 : f32 to vector<16xf32>
            %neg3A_744 = arith.subf %neg3A_743, %add3A_741 : vector<16xf32>
            %exp3A_745 = math.exp %neg3A_744 : vector<16xf32>
            %add3A_746 = arith.constant 1.000000e+00 : f32
            %add3A_747 = vector.broadcast %add3A_746 : f32 to vector<16xf32>
            %add3A_748 = arith.addf %add3A_747, %exp3A_745 : vector<16xf32>
            %div3A_749 = arith.constant 1.000000e+00 : f32
            %div3A_750 = vector.broadcast %div3A_749 : f32 to vector<16xf32>
            %div3A_751 = arith.divf %div3A_750, %add3A_748 : vector<16xf32>
            %mul3A_752 = arith.mulf %get3A_529, %div3A_669 : vector<16xf32>
            %mul3A_753 = arith.mulf %get3A_563, %div3A_751 : vector<16xf32>
            %add3A_754 = arith.addf %mul3A_752, %mul3A_753 : vector<16xf32>
            %add3A_755 = arith.addf %while3A_506, %add3A_754 : vector<16xf32>
            %mul3A_756 = arith.mulf %get3A_533, %div3A_669 : vector<16xf32>
            %mul3A_757 = arith.mulf %get3A_567, %div3A_751 : vector<16xf32>
            %add3A_758 = arith.addf %mul3A_756, %mul3A_757 : vector<16xf32>
            %add3A_759 = arith.addf %while3A_507, %add3A_758 : vector<16xf32>
            %mul3A_760 = arith.mulf %get3A_537, %div3A_669 : vector<16xf32>
            %mul3A_761 = arith.mulf %get3A_571, %div3A_751 : vector<16xf32>
            %add3A_762 = arith.addf %mul3A_760, %mul3A_761 : vector<16xf32>
            %add3A_763 = arith.addf %while3A_508, %add3A_762 : vector<16xf32>
            %mul3A_764 = arith.mulf %get3A_541, %div3A_669 : vector<16xf32>
            %mul3A_765 = arith.mulf %get3A_575, %div3A_751 : vector<16xf32>
            %add3A_766 = arith.addf %mul3A_764, %mul3A_765 : vector<16xf32>
            %add3A_767 = arith.addf %while3A_509, %add3A_766 : vector<16xf32>
            %mul3A_768 = arith.mulf %get3A_545, %div3A_669 : vector<16xf32>
            %mul3A_769 = arith.mulf %get3A_579, %div3A_751 : vector<16xf32>
            %add3A_770 = arith.addf %mul3A_768, %mul3A_769 : vector<16xf32>
            %add3A_771 = arith.addf %while3A_510, %add3A_770 : vector<16xf32>
            %mul3A_772 = arith.mulf %get3A_549, %div3A_669 : vector<16xf32>
            %mul3A_773 = arith.mulf %get3A_583, %div3A_751 : vector<16xf32>
            %add3A_774 = arith.addf %mul3A_772, %mul3A_773 : vector<16xf32>
            %add3A_775 = arith.addf %while3A_511, %add3A_774 : vector<16xf32>
            %mul3A_776 = arith.mulf %get3A_553, %div3A_669 : vector<16xf32>
            %mul3A_777 = arith.mulf %get3A_587, %div3A_751 : vector<16xf32>
            %add3A_778 = arith.addf %mul3A_776, %mul3A_777 : vector<16xf32>
            %add3A_779 = arith.addf %while3A_512, %add3A_778 : vector<16xf32>
            %mul3A_780 = arith.mulf %get3A_557, %div3A_669 : vector<16xf32>
            %mul3A_781 = arith.mulf %get3A_591, %div3A_751 : vector<16xf32>
            %add3A_782 = arith.addf %mul3A_780, %mul3A_781 : vector<16xf32>
            %add3A_783 = arith.addf %while3A_513, %add3A_782 : vector<16xf32>
            %max3A_784 = arith.maximumf %get3A_529, %get3A_563 : vector<16xf32>
            %max3A_785 = arith.maximumf %while3A_514, %max3A_784 : vector<16xf32>
            %max3A_786 = arith.maximumf %get3A_533, %get3A_567 : vector<16xf32>
            %max3A_787 = arith.maximumf %while3A_515, %max3A_786 : vector<16xf32>
            %max3A_788 = arith.maximumf %get3A_537, %get3A_571 : vector<16xf32>
            %max3A_789 = arith.maximumf %while3A_516, %max3A_788 : vector<16xf32>
            %max3A_790 = arith.maximumf %get3A_541, %get3A_575 : vector<16xf32>
            %max3A_791 = arith.maximumf %while3A_517, %max3A_790 : vector<16xf32>
            %max3A_792 = arith.maximumf %get3A_545, %get3A_579 : vector<16xf32>
            %max3A_793 = arith.maximumf %while3A_518, %max3A_792 : vector<16xf32>
            %max3A_794 = arith.maximumf %get3A_549, %get3A_583 : vector<16xf32>
            %max3A_795 = arith.maximumf %while3A_519, %max3A_794 : vector<16xf32>
            %max3A_796 = arith.maximumf %get3A_553, %get3A_587 : vector<16xf32>
            %max3A_797 = arith.maximumf %while3A_520, %max3A_796 : vector<16xf32>
            %max3A_798 = arith.maximumf %get3A_557, %get3A_591 : vector<16xf32>
            %max3A_799 = arith.maximumf %while3A_521, %max3A_798 : vector<16xf32>
            scf.yield %add3A_755, %add3A_759, %add3A_763, %add3A_767, %add3A_771, %add3A_775, %add3A_779, %add3A_783, %max3A_785, %max3A_787, %max3A_789, %max3A_791, %max3A_793, %max3A_795, %max3A_797, %max3A_799 : vector<16xf32>, vector<16xf32>, vector<16xf32>, vector<16xf32>, vector<16xf32>, vector<16xf32>, vector<16xf32>, vector<16xf32>, vector<16xf32>, vector<16xf32>, vector<16xf32>, vector<16xf32>, vector<16xf32>, vector<16xf32>, vector<16xf32>, vector<16xf32>
          }
          %while3A_379 = arith.constant 1 : i32
          %while3A_380:16 = scf.for %while3A_505 = %while3A_376 to %while3A_372 step %while3A_379 iter_args(%while3A_506 = %while3A_378#0, %while3A_507 = %while3A_378#1, %while3A_508 = %while3A_378#2, %while3A_509 = %while3A_378#3, %while3A_510 = %while3A_378#4, %while3A_511 = %while3A_378#5, %while3A_512 = %while3A_378#6, %while3A_513 = %while3A_378#7, %while3A_514 = %while3A_378#8, %while3A_515 = %while3A_378#9, %while3A_516 = %while3A_378#10, %while3A_517 = %while3A_378#11, %while3A_518 = %while3A_378#12, %while3A_519 = %while3A_378#13, %while3A_520 = %while3A_378#14, %while3A_521 = %while3A_378#15) -> (vector<16xf32>, vector<16xf32>, vector<16xf32>, vector<16xf32>, vector<16xf32>, vector<16xf32>, vector<16xf32>, vector<16xf32>, vector<16xf32>, vector<16xf32>, vector<16xf32>, vector<16xf32>, vector<16xf32>, vector<16xf32>, vector<16xf32>, vector<16xf32>)  : i32 {
            %sub3A_522 = arith.subi %max3A_338, %multiple_of3A_284 : i32
            %mul3A_523 = arith.constant 2 : i32
            %mul3A_524 = arith.muli %mul3A_523, %while3A_505 : i32
            %add3A_525 = arith.addi %sub3A_522, %mul3A_524 : i32
            %get3A_526 = arith.index_cast %rem3A_278 : i32 to index
            %get3A_527 = arith.index_cast %add3A_525 : i32 to index
            %get3A_528 = arith.constant 0 : index
            %get3A_529 = tpu.vector_load %arg8[%get3A_526, %get3A_527, %get3A_528] {strides = array<i32>} : memref<2x256x128xf32, #tpu.memory_space<vmem>>, vector<16xf32>,
            %get3A_530 = arith.index_cast %rem3A_278 : i32 to index
            %get3A_531 = arith.index_cast %add3A_525 : i32 to index
            %get3A_532 = arith.constant 16 : index
            %get3A_533 = tpu.vector_load %arg8[%get3A_530, %get3A_531, %get3A_532] {strides = array<i32>} : memref<2x256x128xf32, #tpu.memory_space<vmem>>, vector<16xf32>,
            %get3A_534 = arith.index_cast %rem3A_278 : i32 to index
            %get3A_535 = arith.index_cast %add3A_525 : i32 to index
            %get3A_536 = arith.constant 32 : index
            %get3A_537 = tpu.vector_load %arg8[%get3A_534, %get3A_535, %get3A_536] {strides = array<i32>} : memref<2x256x128xf32, #tpu.memory_space<vmem>>, vector<16xf32>,
            %get3A_538 = arith.index_cast %rem3A_278 : i32 to index
            %get3A_539 = arith.index_cast %add3A_525 : i32 to index
            %get3A_540 = arith.constant 48 : index
            %get3A_541 = tpu.vector_load %arg8[%get3A_538, %get3A_539, %get3A_540] {strides = array<i32>} : memref<2x256x128xf32, #tpu.memory_space<vmem>>, vector<16xf32>,
            %get3A_542 = arith.index_cast %rem3A_278 : i32 to index
            %get3A_543 = arith.index_cast %add3A_525 : i32 to index
            %get3A_544 = arith.constant 64 : index
            %get3A_545 = tpu.vector_load %arg8[%get3A_542, %get3A_543, %get3A_544] {strides = array<i32>} : memref<2x256x128xf32, #tpu.memory_space<vmem>>, vector<16xf32>,
            %get3A_546 = arith.index_cast %rem3A_278 : i32 to index
            %get3A_547 = arith.index_cast %add3A_525 : i32 to index
            %get3A_548 = arith.constant 80 : index
            %get3A_549 = tpu.vector_load %arg8[%get3A_546, %get3A_547, %get3A_548] {strides = array<i32>} : memref<2x256x128xf32, #tpu.memory_space<vmem>>, vector<16xf32>,
            %get3A_550 = arith.index_cast %rem3A_278 : i32 to index
            %get3A_551 = arith.index_cast %add3A_525 : i32 to index
            %get3A_552 = arith.constant 96 : index
            %get3A_553 = tpu.vector_load %arg8[%get3A_550, %get3A_551, %get3A_552] {strides = array<i32>} : memref<2x256x128xf32, #tpu.memory_space<vmem>>, vector<16xf32>,
            %get3A_554 = arith.index_cast %rem3A_278 : i32 to index
            %get3A_555 = arith.index_cast %add3A_525 : i32 to index
            %get3A_556 = arith.constant 112 : index
            %get3A_557 = tpu.vector_load %arg8[%get3A_554, %get3A_555, %get3A_556] {strides = array<i32>} : memref<2x256x128xf32, #tpu.memory_space<vmem>>, vector<16xf32>,
            %add3A_558 = arith.constant 1 : i32
            %add3A_559 = arith.addi %add3A_525, %add3A_558 : i32
            %get3A_560 = arith.index_cast %rem3A_278 : i32 to index
            %get3A_561 = arith.index_cast %add3A_559 : i32 to index
            %get3A_562 = arith.constant 0 : index
            %get3A_563 = tpu.vector_load %arg8[%get3A_560, %get3A_561, %get3A_562] {strides = array<i32>} : memref<2x256x128xf32, #tpu.memory_space<vmem>>, vector<16xf32>,
            %get3A_564 = arith.index_cast %rem3A_278 : i32 to index
            %get3A_565 = arith.index_cast %add3A_559 : i32 to index
            %get3A_566 = arith.constant 16 : index
            %get3A_567 = tpu.vector_load %arg8[%get3A_564, %get3A_565, %get3A_566] {strides = array<i32>} : memref<2x256x128xf32, #tpu.memory_space<vmem>>, vector<16xf32>,
            %get3A_568 = arith.index_cast %rem3A_278 : i32 to index
            %get3A_569 = arith.index_cast %add3A_559 : i32 to index
            %get3A_570 = arith.constant 32 : index
            %get3A_571 = tpu.vector_load %arg8[%get3A_568, %get3A_569, %get3A_570] {strides = array<i32>} : memref<2x256x128xf32, #tpu.memory_space<vmem>>, vector<16xf32>,
            %get3A_572 = arith.index_cast %rem3A_278 : i32 to index
            %get3A_573 = arith.index_cast %add3A_559 : i32 to index
            %get3A_574 = arith.constant 48 : index
            %get3A_575 = tpu.vector_load %arg8[%get3A_572, %get3A_573, %get3A_574] {strides = array<i32>} : memref<2x256x128xf32, #tpu.memory_space<vmem>>, vector<16xf32>,
            %get3A_576 = arith.index_cast %rem3A_278 : i32 to index
            %get3A_577 = arith.index_cast %add3A_559 : i32 to index
            %get3A_578 = arith.constant 64 : index
            %get3A_579 = tpu.vector_load %arg8[%get3A_576, %get3A_577, %get3A_578] {strides = array<i32>} : memref<2x256x128xf32, #tpu.memory_space<vmem>>, vector<16xf32>,
            %get3A_580 = arith.index_cast %rem3A_278 : i32 to index
            %get3A_581 = arith.index_cast %add3A_559 : i32 to index
            %get3A_582 = arith.constant 80 : index
            %get3A_583 = tpu.vector_load %arg8[%get3A_580, %get3A_581, %get3A_582] {strides = array<i32>} : memref<2x256x128xf32, #tpu.memory_space<vmem>>, vector<16xf32>,
            %get3A_584 = arith.index_cast %rem3A_278 : i32 to index
            %get3A_585 = arith.index_cast %add3A_559 : i32 to index
            %get3A_586 = arith.constant 96 : index
            %get3A_587 = tpu.vector_load %arg8[%get3A_584, %get3A_585, %get3A_586] {strides = array<i32>} : memref<2x256x128xf32, #tpu.memory_space<vmem>>, vector<16xf32>,
            %get3A_588 = arith.index_cast %rem3A_278 : i32 to index
            %get3A_589 = arith.index_cast %add3A_559 : i32 to index
            %get3A_590 = arith.constant 112 : index
            %get3A_591 = tpu.vector_load %arg8[%get3A_588, %get3A_589, %get3A_590] {strides = array<i32>} : memref<2x256x128xf32, #tpu.memory_space<vmem>>, vector<16xf32>,
            %mul3A_592 = arith.mulf %get3A_529, %get3A_172 : vector<16xf32>
            %mul3A_593 = arith.mulf %get3A_533, %get3A_174 : vector<16xf32>
            %mul3A_594 = arith.mulf %get3A_537, %get3A_176 : vector<16xf32>
            %mul3A_595 = arith.mulf %get3A_541, %get3A_178 : vector<16xf32>
            %mul3A_596 = arith.mulf %get3A_545, %get3A_180 : vector<16xf32>
            %mul3A_597 = arith.mulf %get3A_549, %get3A_182 : vector<16xf32>
            %mul3A_598 = arith.mulf %get3A_553, %get3A_184 : vector<16xf32>
            %mul3A_599 = arith.mulf %get3A_557, %get3A_186 : vector<16xf32>
            %add3A_600 = arith.addf %mul3A_592, %mul3A_593 : vector<16xf32>
            %add3A_601 = arith.addf %mul3A_594, %mul3A_595 : vector<16xf32>
            %add3A_602 = arith.addf %add3A_600, %add3A_601 : vector<16xf32>
            %add3A_603 = arith.addf %mul3A_596, %mul3A_597 : vector<16xf32>
            %add3A_604 = arith.addf %mul3A_598, %mul3A_599 : vector<16xf32>
            %add3A_605 = arith.addf %add3A_603, %add3A_604 : vector<16xf32>
            %add3A_606 = arith.addf %add3A_602, %add3A_605 : vector<16xf32>
            %xor3A = arith.constant 8 : i32
            %xor3A_607 = vector.broadcast %xor3A : i32 to vector<16xi32>
            %xor3A_608 = arith.xori %iota3A, %xor3A_607 : vector<16xi32>
            %lt3A_609 = arith.constant 0 : i32
            %lt3A_610 = vector.broadcast %lt3A_609 : i32 to vector<16xi32>
            %lt3A_611 = arith.cmpi slt, %xor3A_608, %lt3A_610 : vector<16xi32>
            %add3A_612 = arith.constant 16 : i32
            %add3A_613 = vector.broadcast %add3A_612 : i32 to vector<16xi32>
            %add3A_614 = arith.addi %xor3A_608, %add3A_613 : vector<16xi32>
            %select_n3A_615 = arith.select %lt3A_611, %add3A_614, %xor3A_608 : vector<16xi1>, vector<16xi32>
            %broadcast_in_dim3A_616 = vector.shape_cast %select_n3A_615 : vector<16xi32> to vector<16x1xi32>
            %gather3A = vector.shape_cast %broadcast_in_dim3A_616 : vector<16x1xi32> to vector<16xi32>
            %gather3A_617 = tpu.dynamic_gather %add3A_606[%gather3A] in [0] : vector<16xf32>, vector<16xi32> -> vector<16xf32>
            %add3A_618 = arith.addf %add3A_606, %gather3A_617 : vector<16xf32>
            %xor3A_619 = arith.constant 4 : i32
            %xor3A_620 = vector.broadcast %xor3A_619 : i32 to vector<16xi32>
            %xor3A_621 = arith.xori %iota3A, %xor3A_620 : vector<16xi32>
            %lt3A_622 = arith.constant 0 : i32
            %lt3A_623 = vector.broadcast %lt3A_622 : i32 to vector<16xi32>
            %lt3A_624 = arith.cmpi slt, %xor3A_621, %lt3A_623 : vector<16xi32>
            %add3A_625 = arith.constant 16 : i32
            %add3A_626 = vector.broadcast %add3A_625 : i32 to vector<16xi32>
            %add3A_627 = arith.addi %xor3A_621, %add3A_626 : vector<16xi32>
            %select_n3A_628 = arith.select %lt3A_624, %add3A_627, %xor3A_621 : vector<16xi1>, vector<16xi32>
            %broadcast_in_dim3A_629 = vector.shape_cast %select_n3A_628 : vector<16xi32> to vector<16x1xi32>
            %gather3A_630 = vector.shape_cast %broadcast_in_dim3A_629 : vector<16x1xi32> to vector<16xi32>
            %gather3A_631 = tpu.dynamic_gather %add3A_618[%gather3A_630] in [0] : vector<16xf32>, vector<16xi32> -> vector<16xf32>
            %add3A_632 = arith.addf %add3A_618, %gather3A_631 : vector<16xf32>
            %xor3A_633 = arith.constant 2 : i32
            %xor3A_634 = vector.broadcast %xor3A_633 : i32 to vector<16xi32>
            %xor3A_635 = arith.xori %iota3A, %xor3A_634 : vector<16xi32>
            %lt3A_636 = arith.constant 0 : i32
            %lt3A_637 = vector.broadcast %lt3A_636 : i32 to vector<16xi32>
            %lt3A_638 = arith.cmpi slt, %xor3A_635, %lt3A_637 : vector<16xi32>
            %add3A_639 = arith.constant 16 : i32
            %add3A_640 = vector.broadcast %add3A_639 : i32 to vector<16xi32>
            %add3A_641 = arith.addi %xor3A_635, %add3A_640 : vector<16xi32>
            %select_n3A_642 = arith.select %lt3A_638, %add3A_641, %xor3A_635 : vector<16xi1>, vector<16xi32>
            %broadcast_in_dim3A_643 = vector.shape_cast %select_n3A_642 : vector<16xi32> to vector<16x1xi32>
            %gather3A_644 = vector.shape_cast %broadcast_in_dim3A_643 : vector<16x1xi32> to vector<16xi32>
            %gather3A_645 = tpu.dynamic_gather %add3A_632[%gather3A_644] in [0] : vector<16xf32>, vector<16xi32> -> vector<16xf32>
            %add3A_646 = arith.addf %add3A_632, %gather3A_645 : vector<16xf32>
            %xor3A_647 = arith.constant 1 : i32
            %xor3A_648 = vector.broadcast %xor3A_647 : i32 to vector<16xi32>
            %xor3A_649 = arith.xori %iota3A, %xor3A_648 : vector<16xi32>
            %lt3A_650 = arith.constant 0 : i32
            %lt3A_651 = vector.broadcast %lt3A_650 : i32 to vector<16xi32>
            %lt3A_652 = arith.cmpi slt, %xor3A_649, %lt3A_651 : vector<16xi32>
            %add3A_653 = arith.constant 16 : i32
            %add3A_654 = vector.broadcast %add3A_653 : i32 to vector<16xi32>
            %add3A_655 = arith.addi %xor3A_649, %add3A_654 : vector<16xi32>
            %select_n3A_656 = arith.select %lt3A_652, %add3A_655, %xor3A_649 : vector<16xi1>, vector<16xi32>
            %broadcast_in_dim3A_657 = vector.shape_cast %select_n3A_656 : vector<16xi32> to vector<16x1xi32>
            %gather3A_658 = vector.shape_cast %broadcast_in_dim3A_657 : vector<16x1xi32> to vector<16xi32>
            %gather3A_659 = tpu.dynamic_gather %add3A_646[%gather3A_658] in [0] : vector<16xf32>, vector<16xi32> -> vector<16xf32>
            %add3A_660 = arith.addf %add3A_646, %gather3A_659 : vector<16xf32>
            %add3A_661 = arith.addf %add3A_660, %get3A_188 : vector<16xf32>
            %neg3A = arith.constant 0.000000e+00 : f32
            %neg3A_662 = vector.broadcast %neg3A : f32 to vector<16xf32>
            %neg3A_663 = arith.subf %neg3A_662, %add3A_661 : vector<16xf32>
            %exp3A = math.exp %neg3A_663 : vector<16xf32>
            %add3A_664 = arith.constant 1.000000e+00 : f32
            %add3A_665 = vector.broadcast %add3A_664 : f32 to vector<16xf32>
            %add3A_666 = arith.addf %add3A_665, %exp3A : vector<16xf32>
            %div3A_667 = arith.constant 1.000000e+00 : f32
            %div3A_668 = vector.broadcast %div3A_667 : f32 to vector<16xf32>
            %div3A_669 = arith.divf %div3A_668, %add3A_666 : vector<16xf32>
            %mul3A_670 = arith.mulf %get3A_563, %get3A_172 : vector<16xf32>
            %mul3A_671 = arith.mulf %get3A_567, %get3A_174 : vector<16xf32>
            %mul3A_672 = arith.mulf %get3A_571, %get3A_176 : vector<16xf32>
            %mul3A_673 = arith.mulf %get3A_575, %get3A_178 : vector<16xf32>
            %mul3A_674 = arith.mulf %get3A_579, %get3A_180 : vector<16xf32>
            %mul3A_675 = arith.mulf %get3A_583, %get3A_182 : vector<16xf32>
            %mul3A_676 = arith.mulf %get3A_587, %get3A_184 : vector<16xf32>
            %mul3A_677 = arith.mulf %get3A_591, %get3A_186 : vector<16xf32>
            %add3A_678 = arith.addf %mul3A_670, %mul3A_671 : vector<16xf32>
            %add3A_679 = arith.addf %mul3A_672, %mul3A_673 : vector<16xf32>
            %add3A_680 = arith.addf %add3A_678, %add3A_679 : vector<16xf32>
            %add3A_681 = arith.addf %mul3A_674, %mul3A_675 : vector<16xf32>
            %add3A_682 = arith.addf %mul3A_676, %mul3A_677 : vector<16xf32>
            %add3A_683 = arith.addf %add3A_681, %add3A_682 : vector<16xf32>
            %add3A_684 = arith.addf %add3A_680, %add3A_683 : vector<16xf32>
            %xor3A_685 = arith.constant 8 : i32
            %xor3A_686 = vector.broadcast %xor3A_685 : i32 to vector<16xi32>
            %xor3A_687 = arith.xori %iota3A, %xor3A_686 : vector<16xi32>
            %lt3A_688 = arith.constant 0 : i32
            %lt3A_689 = vector.broadcast %lt3A_688 : i32 to vector<16xi32>
            %lt3A_690 = arith.cmpi slt, %xor3A_687, %lt3A_689 : vector<16xi32>
            %add3A_691 = arith.constant 16 : i32
            %add3A_692 = vector.broadcast %add3A_691 : i32 to vector<16xi32>
            %add3A_693 = arith.addi %xor3A_687, %add3A_692 : vector<16xi32>
            %select_n3A_694 = arith.select %lt3A_690, %add3A_693, %xor3A_687 : vector<16xi1>, vector<16xi32>
            %broadcast_in_dim3A_695 = vector.shape_cast %select_n3A_694 : vector<16xi32> to vector<16x1xi32>
            %gather3A_696 = vector.shape_cast %broadcast_in_dim3A_695 : vector<16x1xi32> to vector<16xi32>
            %gather3A_697 = tpu.dynamic_gather %add3A_684[%gather3A_696] in [0] : vector<16xf32>, vector<16xi32> -> vector<16xf32>
            %add3A_698 = arith.addf %add3A_684, %gather3A_697 : vector<16xf32>
            %xor3A_699 = arith.constant 4 : i32
            %xor3A_700 = vector.broadcast %xor3A_699 : i32 to vector<16xi32>
            %xor3A_701 = arith.xori %iota3A, %xor3A_700 : vector<16xi32>
            %lt3A_702 = arith.constant 0 : i32
            %lt3A_703 = vector.broadcast %lt3A_702 : i32 to vector<16xi32>
            %lt3A_704 = arith.cmpi slt, %xor3A_701, %lt3A_703 : vector<16xi32>
            %add3A_705 = arith.constant 16 : i32
            %add3A_706 = vector.broadcast %add3A_705 : i32 to vector<16xi32>
            %add3A_707 = arith.addi %xor3A_701, %add3A_706 : vector<16xi32>
            %select_n3A_708 = arith.select %lt3A_704, %add3A_707, %xor3A_701 : vector<16xi1>, vector<16xi32>
            %broadcast_in_dim3A_709 = vector.shape_cast %select_n3A_708 : vector<16xi32> to vector<16x1xi32>
            %gather3A_710 = vector.shape_cast %broadcast_in_dim3A_709 : vector<16x1xi32> to vector<16xi32>
            %gather3A_711 = tpu.dynamic_gather %add3A_698[%gather3A_710] in [0] : vector<16xf32>, vector<16xi32> -> vector<16xf32>
            %add3A_712 = arith.addf %add3A_698, %gather3A_711 : vector<16xf32>
            %xor3A_713 = arith.constant 2 : i32
            %xor3A_714 = vector.broadcast %xor3A_713 : i32 to vector<16xi32>
            %xor3A_715 = arith.xori %iota3A, %xor3A_714 : vector<16xi32>
            %lt3A_716 = arith.constant 0 : i32
            %lt3A_717 = vector.broadcast %lt3A_716 : i32 to vector<16xi32>
            %lt3A_718 = arith.cmpi slt, %xor3A_715, %lt3A_717 : vector<16xi32>
            %add3A_719 = arith.constant 16 : i32
            %add3A_720 = vector.broadcast %add3A_719 : i32 to vector<16xi32>
            %add3A_721 = arith.addi %xor3A_715, %add3A_720 : vector<16xi32>
            %select_n3A_722 = arith.select %lt3A_718, %add3A_721, %xor3A_715 : vector<16xi1>, vector<16xi32>
            %broadcast_in_dim3A_723 = vector.shape_cast %select_n3A_722 : vector<16xi32> to vector<16x1xi32>
            %gather3A_724 = vector.shape_cast %broadcast_in_dim3A_723 : vector<16x1xi32> to vector<16xi32>
            %gather3A_725 = tpu.dynamic_gather %add3A_712[%gather3A_724] in [0] : vector<16xf32>, vector<16xi32> -> vector<16xf32>
            %add3A_726 = arith.addf %add3A_712, %gather3A_725 : vector<16xf32>
            %xor3A_727 = arith.constant 1 : i32
            %xor3A_728 = vector.broadcast %xor3A_727 : i32 to vector<16xi32>
            %xor3A_729 = arith.xori %iota3A, %xor3A_728 : vector<16xi32>
            %lt3A_730 = arith.constant 0 : i32
            %lt3A_731 = vector.broadcast %lt3A_730 : i32 to vector<16xi32>
            %lt3A_732 = arith.cmpi slt, %xor3A_729, %lt3A_731 : vector<16xi32>
            %add3A_733 = arith.constant 16 : i32
            %add3A_734 = vector.broadcast %add3A_733 : i32 to vector<16xi32>
            %add3A_735 = arith.addi %xor3A_729, %add3A_734 : vector<16xi32>
            %select_n3A_736 = arith.select %lt3A_732, %add3A_735, %xor3A_729 : vector<16xi1>, vector<16xi32>
            %broadcast_in_dim3A_737 = vector.shape_cast %select_n3A_736 : vector<16xi32> to vector<16x1xi32>
            %gather3A_738 = vector.shape_cast %broadcast_in_dim3A_737 : vector<16x1xi32> to vector<16xi32>
            %gather3A_739 = tpu.dynamic_gather %add3A_726[%gather3A_738] in [0] : vector<16xf32>, vector<16xi32> -> vector<16xf32>
            %add3A_740 = arith.addf %add3A_726, %gather3A_739 : vector<16xf32>
            %add3A_741 = arith.addf %add3A_740, %get3A_188 : vector<16xf32>
            %neg3A_742 = arith.constant 0.000000e+00 : f32
            %neg3A_743 = vector.broadcast %neg3A_742 : f32 to vector<16xf32>
            %neg3A_744 = arith.subf %neg3A_743, %add3A_741 : vector<16xf32>
            %exp3A_745 = math.exp %neg3A_744 : vector<16xf32>
            %add3A_746 = arith.constant 1.000000e+00 : f32
            %add3A_747 = vector.broadcast %add3A_746 : f32 to vector<16xf32>
            %add3A_748 = arith.addf %add3A_747, %exp3A_745 : vector<16xf32>
            %div3A_749 = arith.constant 1.000000e+00 : f32
            %div3A_750 = vector.broadcast %div3A_749 : f32 to vector<16xf32>
            %div3A_751 = arith.divf %div3A_750, %add3A_748 : vector<16xf32>
            %mul3A_752 = arith.mulf %get3A_529, %div3A_669 : vector<16xf32>
            %mul3A_753 = arith.mulf %get3A_563, %div3A_751 : vector<16xf32>
            %add3A_754 = arith.addf %mul3A_752, %mul3A_753 : vector<16xf32>
            %add3A_755 = arith.addf %while3A_506, %add3A_754 : vector<16xf32>
            %mul3A_756 = arith.mulf %get3A_533, %div3A_669 : vector<16xf32>
            %mul3A_757 = arith.mulf %get3A_567, %div3A_751 : vector<16xf32>
            %add3A_758 = arith.addf %mul3A_756, %mul3A_757 : vector<16xf32>
            %add3A_759 = arith.addf %while3A_507, %add3A_758 : vector<16xf32>
            %mul3A_760 = arith.mulf %get3A_537, %div3A_669 : vector<16xf32>
            %mul3A_761 = arith.mulf %get3A_571, %div3A_751 : vector<16xf32>
            %add3A_762 = arith.addf %mul3A_760, %mul3A_761 : vector<16xf32>
            %add3A_763 = arith.addf %while3A_508, %add3A_762 : vector<16xf32>
            %mul3A_764 = arith.mulf %get3A_541, %div3A_669 : vector<16xf32>
            %mul3A_765 = arith.mulf %get3A_575, %div3A_751 : vector<16xf32>
            %add3A_766 = arith.addf %mul3A_764, %mul3A_765 : vector<16xf32>
            %add3A_767 = arith.addf %while3A_509, %add3A_766 : vector<16xf32>
            %mul3A_768 = arith.mulf %get3A_545, %div3A_669 : vector<16xf32>
            %mul3A_769 = arith.mulf %get3A_579, %div3A_751 : vector<16xf32>
            %add3A_770 = arith.addf %mul3A_768, %mul3A_769 : vector<16xf32>
            %add3A_771 = arith.addf %while3A_510, %add3A_770 : vector<16xf32>
            %mul3A_772 = arith.mulf %get3A_549, %div3A_669 : vector<16xf32>
            %mul3A_773 = arith.mulf %get3A_583, %div3A_751 : vector<16xf32>
            %add3A_774 = arith.addf %mul3A_772, %mul3A_773 : vector<16xf32>
            %add3A_775 = arith.addf %while3A_511, %add3A_774 : vector<16xf32>
            %mul3A_776 = arith.mulf %get3A_553, %div3A_669 : vector<16xf32>
            %mul3A_777 = arith.mulf %get3A_587, %div3A_751 : vector<16xf32>
            %add3A_778 = arith.addf %mul3A_776, %mul3A_777 : vector<16xf32>
            %add3A_779 = arith.addf %while3A_512, %add3A_778 : vector<16xf32>
            %mul3A_780 = arith.mulf %get3A_557, %div3A_669 : vector<16xf32>
            %mul3A_781 = arith.mulf %get3A_591, %div3A_751 : vector<16xf32>
            %add3A_782 = arith.addf %mul3A_780, %mul3A_781 : vector<16xf32>
            %add3A_783 = arith.addf %while3A_513, %add3A_782 : vector<16xf32>
            %max3A_784 = arith.maximumf %get3A_529, %get3A_563 : vector<16xf32>
            %max3A_785 = arith.maximumf %while3A_514, %max3A_784 : vector<16xf32>
            %max3A_786 = arith.maximumf %get3A_533, %get3A_567 : vector<16xf32>
            %max3A_787 = arith.maximumf %while3A_515, %max3A_786 : vector<16xf32>
            %max3A_788 = arith.maximumf %get3A_537, %get3A_571 : vector<16xf32>
            %max3A_789 = arith.maximumf %while3A_516, %max3A_788 : vector<16xf32>
            %max3A_790 = arith.maximumf %get3A_541, %get3A_575 : vector<16xf32>
            %max3A_791 = arith.maximumf %while3A_517, %max3A_790 : vector<16xf32>
            %max3A_792 = arith.maximumf %get3A_545, %get3A_579 : vector<16xf32>
            %max3A_793 = arith.maximumf %while3A_518, %max3A_792 : vector<16xf32>
            %max3A_794 = arith.maximumf %get3A_549, %get3A_583 : vector<16xf32>
            %max3A_795 = arith.maximumf %while3A_519, %max3A_794 : vector<16xf32>
            %max3A_796 = arith.maximumf %get3A_553, %get3A_587 : vector<16xf32>
            %max3A_797 = arith.maximumf %while3A_520, %max3A_796 : vector<16xf32>
            %max3A_798 = arith.maximumf %get3A_557, %get3A_591 : vector<16xf32>
            %max3A_799 = arith.maximumf %while3A_521, %max3A_798 : vector<16xf32>
            scf.yield %add3A_755, %add3A_759, %add3A_763, %add3A_767, %add3A_771, %add3A_775, %add3A_779, %add3A_783, %max3A_785, %max3A_787, %max3A_789, %max3A_791, %max3A_793, %max3A_795, %max3A_797, %max3A_799 : vector<16xf32>, vector<16xf32>, vector<16xf32>, vector<16xf32>, vector<16xf32>, vector<16xf32>, vector<16xf32>, vector<16xf32>, vector<16xf32>, vector<16xf32>, vector<16xf32>, vector<16xf32>, vector<16xf32>, vector<16xf32>, vector<16xf32>, vector<16xf32>
          }
          %mul3A_381 = arith.constant 2 : i32
          %mul3A_382 = arith.muli %mul3A_381, %select_n3A_369 : i32
          %add3A_383 = arith.addi %max3A_338, %mul3A_382 : i32
          %while3A_384 = arith.subi %min3A_339, %add3A_383 : i32
          %while3A_385 = arith.addi %add3A_383, %while3A_384 : i32
          %while3A_386 = arith.constant 1 : i32
          %while3A_387 = arith.divsi %while3A_384, %while3A_386 : i32
          %while3A_388 = arith.muli %while3A_387, %while3A_386 : i32
          %while3A_389 = arith.addi %add3A_383, %while3A_388 : i32
          %while3A_390 = arith.constant 1 : i32
          %while3A_391:16 = scf.for %while3A_505 = %add3A_383 to %while3A_389 step %while3A_390 iter_args(%while3A_506 = %while3A_380#0, %while3A_507 = %while3A_380#1, %while3A_508 = %while3A_380#2, %while3A_509 = %while3A_380#3, %while3A_510 = %while3A_380#4, %while3A_511 = %while3A_380#5, %while3A_512 = %while3A_380#6, %while3A_513 = %while3A_380#7, %while3A_514 = %while3A_380#8, %while3A_515 = %while3A_380#9, %while3A_516 = %while3A_380#10, %while3A_517 = %while3A_380#11, %while3A_518 = %while3A_380#12, %while3A_519 = %while3A_380#13, %while3A_520 = %while3A_380#14, %while3A_521 = %while3A_380#15) -> (vector<16xf32>, vector<16xf32>, vector<16xf32>, vector<16xf32>, vector<16xf32>, vector<16xf32>, vector<16xf32>, vector<16xf32>, vector<16xf32>, vector<16xf32>, vector<16xf32>, vector<16xf32>, vector<16xf32>, vector<16xf32>, vector<16xf32>, vector<16xf32>)  : i32 {
            %sub3A_522 = arith.subi %while3A_505, %multiple_of3A_284 : i32
            %get3A_523 = arith.index_cast %rem3A_278 : i32 to index
            %get3A_524 = arith.index_cast %sub3A_522 : i32 to index
            %get3A_525 = arith.constant 0 : index
            %get3A_526 = tpu.vector_load %arg8[%get3A_523, %get3A_524, %get3A_525] {strides = array<i32>} : memref<2x256x128xf32, #tpu.memory_space<vmem>>, vector<16xf32>,
            %get3A_527 = arith.index_cast %rem3A_278 : i32 to index
            %get3A_528 = arith.index_cast %sub3A_522 : i32 to index
            %get3A_529 = arith.constant 16 : index
            %get3A_530 = tpu.vector_load %arg8[%get3A_527, %get3A_528, %get3A_529] {strides = array<i32>} : memref<2x256x128xf32, #tpu.memory_space<vmem>>, vector<16xf32>,
            %get3A_531 = arith.index_cast %rem3A_278 : i32 to index
            %get3A_532 = arith.index_cast %sub3A_522 : i32 to index
            %get3A_533 = arith.constant 32 : index
            %get3A_534 = tpu.vector_load %arg8[%get3A_531, %get3A_532, %get3A_533] {strides = array<i32>} : memref<2x256x128xf32, #tpu.memory_space<vmem>>, vector<16xf32>,
            %get3A_535 = arith.index_cast %rem3A_278 : i32 to index
            %get3A_536 = arith.index_cast %sub3A_522 : i32 to index
            %get3A_537 = arith.constant 48 : index
            %get3A_538 = tpu.vector_load %arg8[%get3A_535, %get3A_536, %get3A_537] {strides = array<i32>} : memref<2x256x128xf32, #tpu.memory_space<vmem>>, vector<16xf32>,
            %get3A_539 = arith.index_cast %rem3A_278 : i32 to index
            %get3A_540 = arith.index_cast %sub3A_522 : i32 to index
            %get3A_541 = arith.constant 64 : index
            %get3A_542 = tpu.vector_load %arg8[%get3A_539, %get3A_540, %get3A_541] {strides = array<i32>} : memref<2x256x128xf32, #tpu.memory_space<vmem>>, vector<16xf32>,
            %get3A_543 = arith.index_cast %rem3A_278 : i32 to index
            %get3A_544 = arith.index_cast %sub3A_522 : i32 to index
            %get3A_545 = arith.constant 80 : index
            %get3A_546 = tpu.vector_load %arg8[%get3A_543, %get3A_544, %get3A_545] {strides = array<i32>} : memref<2x256x128xf32, #tpu.memory_space<vmem>>, vector<16xf32>,
            %get3A_547 = arith.index_cast %rem3A_278 : i32 to index
            %get3A_548 = arith.index_cast %sub3A_522 : i32 to index
            %get3A_549 = arith.constant 96 : index
            %get3A_550 = tpu.vector_load %arg8[%get3A_547, %get3A_548, %get3A_549] {strides = array<i32>} : memref<2x256x128xf32, #tpu.memory_space<vmem>>, vector<16xf32>,
            %get3A_551 = arith.index_cast %rem3A_278 : i32 to index
            %get3A_552 = arith.index_cast %sub3A_522 : i32 to index
            %get3A_553 = arith.constant 112 : index
            %get3A_554 = tpu.vector_load %arg8[%get3A_551, %get3A_552, %get3A_553] {strides = array<i32>} : memref<2x256x128xf32, #tpu.memory_space<vmem>>, vector<16xf32>,
            %mul3A_555 = arith.mulf %get3A_526, %get3A_172 : vector<16xf32>
            %mul3A_556 = arith.mulf %get3A_530, %get3A_174 : vector<16xf32>
            %mul3A_557 = arith.mulf %get3A_534, %get3A_176 : vector<16xf32>
            %mul3A_558 = arith.mulf %get3A_538, %get3A_178 : vector<16xf32>
            %mul3A_559 = arith.mulf %get3A_542, %get3A_180 : vector<16xf32>
            %mul3A_560 = arith.mulf %get3A_546, %get3A_182 : vector<16xf32>
            %mul3A_561 = arith.mulf %get3A_550, %get3A_184 : vector<16xf32>
            %mul3A_562 = arith.mulf %get3A_554, %get3A_186 : vector<16xf32>
            %add3A_563 = arith.addf %mul3A_555, %mul3A_556 : vector<16xf32>
            %add3A_564 = arith.addf %mul3A_557, %mul3A_558 : vector<16xf32>
            %add3A_565 = arith.addf %add3A_563, %add3A_564 : vector<16xf32>
            %add3A_566 = arith.addf %mul3A_559, %mul3A_560 : vector<16xf32>
            %add3A_567 = arith.addf %mul3A_561, %mul3A_562 : vector<16xf32>
            %add3A_568 = arith.addf %add3A_566, %add3A_567 : vector<16xf32>
            %add3A_569 = arith.addf %add3A_565, %add3A_568 : vector<16xf32>
            %xor3A = arith.constant 8 : i32
            %xor3A_570 = vector.broadcast %xor3A : i32 to vector<16xi32>
            %xor3A_571 = arith.xori %iota3A, %xor3A_570 : vector<16xi32>
            %lt3A_572 = arith.constant 0 : i32
            %lt3A_573 = vector.broadcast %lt3A_572 : i32 to vector<16xi32>
            %lt3A_574 = arith.cmpi slt, %xor3A_571, %lt3A_573 : vector<16xi32>
            %add3A_575 = arith.constant 16 : i32
            %add3A_576 = vector.broadcast %add3A_575 : i32 to vector<16xi32>
            %add3A_577 = arith.addi %xor3A_571, %add3A_576 : vector<16xi32>
            %select_n3A_578 = arith.select %lt3A_574, %add3A_577, %xor3A_571 : vector<16xi1>, vector<16xi32>
            %broadcast_in_dim3A_579 = vector.shape_cast %select_n3A_578 : vector<16xi32> to vector<16x1xi32>
            %gather3A = vector.shape_cast %broadcast_in_dim3A_579 : vector<16x1xi32> to vector<16xi32>
            %gather3A_580 = tpu.dynamic_gather %add3A_569[%gather3A] in [0] : vector<16xf32>, vector<16xi32> -> vector<16xf32>
            %add3A_581 = arith.addf %add3A_569, %gather3A_580 : vector<16xf32>
            %xor3A_582 = arith.constant 4 : i32
            %xor3A_583 = vector.broadcast %xor3A_582 : i32 to vector<16xi32>
            %xor3A_584 = arith.xori %iota3A, %xor3A_583 : vector<16xi32>
            %lt3A_585 = arith.constant 0 : i32
            %lt3A_586 = vector.broadcast %lt3A_585 : i32 to vector<16xi32>
            %lt3A_587 = arith.cmpi slt, %xor3A_584, %lt3A_586 : vector<16xi32>
            %add3A_588 = arith.constant 16 : i32
            %add3A_589 = vector.broadcast %add3A_588 : i32 to vector<16xi32>
            %add3A_590 = arith.addi %xor3A_584, %add3A_589 : vector<16xi32>
            %select_n3A_591 = arith.select %lt3A_587, %add3A_590, %xor3A_584 : vector<16xi1>, vector<16xi32>
            %broadcast_in_dim3A_592 = vector.shape_cast %select_n3A_591 : vector<16xi32> to vector<16x1xi32>
            %gather3A_593 = vector.shape_cast %broadcast_in_dim3A_592 : vector<16x1xi32> to vector<16xi32>
            %gather3A_594 = tpu.dynamic_gather %add3A_581[%gather3A_593] in [0] : vector<16xf32>, vector<16xi32> -> vector<16xf32>
            %add3A_595 = arith.addf %add3A_581, %gather3A_594 : vector<16xf32>
            %xor3A_596 = arith.constant 2 : i32
            %xor3A_597 = vector.broadcast %xor3A_596 : i32 to vector<16xi32>
            %xor3A_598 = arith.xori %iota3A, %xor3A_597 : vector<16xi32>
            %lt3A_599 = arith.constant 0 : i32
            %lt3A_600 = vector.broadcast %lt3A_599 : i32 to vector<16xi32>
            %lt3A_601 = arith.cmpi slt, %xor3A_598, %lt3A_600 : vector<16xi32>
            %add3A_602 = arith.constant 16 : i32
            %add3A_603 = vector.broadcast %add3A_602 : i32 to vector<16xi32>
            %add3A_604 = arith.addi %xor3A_598, %add3A_603 : vector<16xi32>
            %select_n3A_605 = arith.select %lt3A_601, %add3A_604, %xor3A_598 : vector<16xi1>, vector<16xi32>
            %broadcast_in_dim3A_606 = vector.shape_cast %select_n3A_605 : vector<16xi32> to vector<16x1xi32>
            %gather3A_607 = vector.shape_cast %broadcast_in_dim3A_606 : vector<16x1xi32> to vector<16xi32>
            %gather3A_608 = tpu.dynamic_gather %add3A_595[%gather3A_607] in [0] : vector<16xf32>, vector<16xi32> -> vector<16xf32>
            %add3A_609 = arith.addf %add3A_595, %gather3A_608 : vector<16xf32>
            %xor3A_610 = arith.constant 1 : i32
            %xor3A_611 = vector.broadcast %xor3A_610 : i32 to vector<16xi32>
            %xor3A_612 = arith.xori %iota3A, %xor3A_611 : vector<16xi32>
            %lt3A_613 = arith.constant 0 : i32
            %lt3A_614 = vector.broadcast %lt3A_613 : i32 to vector<16xi32>
            %lt3A_615 = arith.cmpi slt, %xor3A_612, %lt3A_614 : vector<16xi32>
            %add3A_616 = arith.constant 16 : i32
            %add3A_617 = vector.broadcast %add3A_616 : i32 to vector<16xi32>
            %add3A_618 = arith.addi %xor3A_612, %add3A_617 : vector<16xi32>
            %select_n3A_619 = arith.select %lt3A_615, %add3A_618, %xor3A_612 : vector<16xi1>, vector<16xi32>
            %broadcast_in_dim3A_620 = vector.shape_cast %select_n3A_619 : vector<16xi32> to vector<16x1xi32>
            %gather3A_621 = vector.shape_cast %broadcast_in_dim3A_620 : vector<16x1xi32> to vector<16xi32>
            %gather3A_622 = tpu.dynamic_gather %add3A_609[%gather3A_621] in [0] : vector<16xf32>, vector<16xi32> -> vector<16xf32>
            %add3A_623 = arith.addf %add3A_609, %gather3A_622 : vector<16xf32>
            %add3A_624 = arith.addf %add3A_623, %get3A_188 : vector<16xf32>
            %neg3A = arith.constant 0.000000e+00 : f32
            %neg3A_625 = vector.broadcast %neg3A : f32 to vector<16xf32>
            %neg3A_626 = arith.subf %neg3A_625, %add3A_624 : vector<16xf32>
            %exp3A = math.exp %neg3A_626 : vector<16xf32>
            %add3A_627 = arith.constant 1.000000e+00 : f32
            %add3A_628 = vector.broadcast %add3A_627 : f32 to vector<16xf32>
            %add3A_629 = arith.addf %add3A_628, %exp3A : vector<16xf32>
            %div3A_630 = arith.constant 1.000000e+00 : f32
            %div3A_631 = vector.broadcast %div3A_630 : f32 to vector<16xf32>
            %div3A_632 = arith.divf %div3A_631, %add3A_629 : vector<16xf32>
            %mul3A_633 = arith.mulf %get3A_526, %div3A_632 : vector<16xf32>
            %add3A_634 = arith.addf %while3A_506, %mul3A_633 : vector<16xf32>
            %mul3A_635 = arith.mulf %get3A_530, %div3A_632 : vector<16xf32>
            %add3A_636 = arith.addf %while3A_507, %mul3A_635 : vector<16xf32>
            %mul3A_637 = arith.mulf %get3A_534, %div3A_632 : vector<16xf32>
            %add3A_638 = arith.addf %while3A_508, %mul3A_637 : vector<16xf32>
            %mul3A_639 = arith.mulf %get3A_538, %div3A_632 : vector<16xf32>
            %add3A_640 = arith.addf %while3A_509, %mul3A_639 : vector<16xf32>
            %mul3A_641 = arith.mulf %get3A_542, %div3A_632 : vector<16xf32>
            %add3A_642 = arith.addf %while3A_510, %mul3A_641 : vector<16xf32>
            %mul3A_643 = arith.mulf %get3A_546, %div3A_632 : vector<16xf32>
            %add3A_644 = arith.addf %while3A_511, %mul3A_643 : vector<16xf32>
            %mul3A_645 = arith.mulf %get3A_550, %div3A_632 : vector<16xf32>
            %add3A_646 = arith.addf %while3A_512, %mul3A_645 : vector<16xf32>
            %mul3A_647 = arith.mulf %get3A_554, %div3A_632 : vector<16xf32>
            %add3A_648 = arith.addf %while3A_513, %mul3A_647 : vector<16xf32>
            %max3A_649 = arith.maximumf %while3A_514, %get3A_526 : vector<16xf32>
            %max3A_650 = arith.maximumf %while3A_515, %get3A_530 : vector<16xf32>
            %max3A_651 = arith.maximumf %while3A_516, %get3A_534 : vector<16xf32>
            %max3A_652 = arith.maximumf %while3A_517, %get3A_538 : vector<16xf32>
            %max3A_653 = arith.maximumf %while3A_518, %get3A_542 : vector<16xf32>
            %max3A_654 = arith.maximumf %while3A_519, %get3A_546 : vector<16xf32>
            %max3A_655 = arith.maximumf %while3A_520, %get3A_550 : vector<16xf32>
            %max3A_656 = arith.maximumf %while3A_521, %get3A_554 : vector<16xf32>
            scf.yield %add3A_634, %add3A_636, %add3A_638, %add3A_640, %add3A_642, %add3A_644, %add3A_646, %add3A_648, %max3A_649, %max3A_650, %max3A_651, %max3A_652, %max3A_653, %max3A_654, %max3A_655, %max3A_656 : vector<16xf32>, vector<16xf32>, vector<16xf32>, vector<16xf32>, vector<16xf32>, vector<16xf32>, vector<16xf32>, vector<16xf32>, vector<16xf32>, vector<16xf32>, vector<16xf32>, vector<16xf32>, vector<16xf32>, vector<16xf32>, vector<16xf32>, vector<16xf32>
          }
          %while3A_392 = arith.constant 1 : i32
          %while3A_393:16 = scf.for %while3A_505 = %while3A_389 to %while3A_385 step %while3A_392 iter_args(%while3A_506 = %while3A_391#0, %while3A_507 = %while3A_391#1, %while3A_508 = %while3A_391#2, %while3A_509 = %while3A_391#3, %while3A_510 = %while3A_391#4, %while3A_511 = %while3A_391#5, %while3A_512 = %while3A_391#6, %while3A_513 = %while3A_391#7, %while3A_514 = %while3A_391#8, %while3A_515 = %while3A_391#9, %while3A_516 = %while3A_391#10, %while3A_517 = %while3A_391#11, %while3A_518 = %while3A_391#12, %while3A_519 = %while3A_391#13, %while3A_520 = %while3A_391#14, %while3A_521 = %while3A_391#15) -> (vector<16xf32>, vector<16xf32>, vector<16xf32>, vector<16xf32>, vector<16xf32>, vector<16xf32>, vector<16xf32>, vector<16xf32>, vector<16xf32>, vector<16xf32>, vector<16xf32>, vector<16xf32>, vector<16xf32>, vector<16xf32>, vector<16xf32>, vector<16xf32>)  : i32 {
            %sub3A_522 = arith.subi %while3A_505, %multiple_of3A_284 : i32
            %get3A_523 = arith.index_cast %rem3A_278 : i32 to index
            %get3A_524 = arith.index_cast %sub3A_522 : i32 to index
            %get3A_525 = arith.constant 0 : index
            %get3A_526 = tpu.vector_load %arg8[%get3A_523, %get3A_524, %get3A_525] {strides = array<i32>} : memref<2x256x128xf32, #tpu.memory_space<vmem>>, vector<16xf32>,
            %get3A_527 = arith.index_cast %rem3A_278 : i32 to index
            %get3A_528 = arith.index_cast %sub3A_522 : i32 to index
            %get3A_529 = arith.constant 16 : index
            %get3A_530 = tpu.vector_load %arg8[%get3A_527, %get3A_528, %get3A_529] {strides = array<i32>} : memref<2x256x128xf32, #tpu.memory_space<vmem>>, vector<16xf32>,
            %get3A_531 = arith.index_cast %rem3A_278 : i32 to index
            %get3A_532 = arith.index_cast %sub3A_522 : i32 to index
            %get3A_533 = arith.constant 32 : index
            %get3A_534 = tpu.vector_load %arg8[%get3A_531, %get3A_532, %get3A_533] {strides = array<i32>} : memref<2x256x128xf32, #tpu.memory_space<vmem>>, vector<16xf32>,
            %get3A_535 = arith.index_cast %rem3A_278 : i32 to index
            %get3A_536 = arith.index_cast %sub3A_522 : i32 to index
            %get3A_537 = arith.constant 48 : index
            %get3A_538 = tpu.vector_load %arg8[%get3A_535, %get3A_536, %get3A_537] {strides = array<i32>} : memref<2x256x128xf32, #tpu.memory_space<vmem>>, vector<16xf32>,
            %get3A_539 = arith.index_cast %rem3A_278 : i32 to index
            %get3A_540 = arith.index_cast %sub3A_522 : i32 to index
            %get3A_541 = arith.constant 64 : index
            %get3A_542 = tpu.vector_load %arg8[%get3A_539, %get3A_540, %get3A_541] {strides = array<i32>} : memref<2x256x128xf32, #tpu.memory_space<vmem>>, vector<16xf32>,
            %get3A_543 = arith.index_cast %rem3A_278 : i32 to index
            %get3A_544 = arith.index_cast %sub3A_522 : i32 to index
            %get3A_545 = arith.constant 80 : index
            %get3A_546 = tpu.vector_load %arg8[%get3A_543, %get3A_544, %get3A_545] {strides = array<i32>} : memref<2x256x128xf32, #tpu.memory_space<vmem>>, vector<16xf32>,
            %get3A_547 = arith.index_cast %rem3A_278 : i32 to index
            %get3A_548 = arith.index_cast %sub3A_522 : i32 to index
            %get3A_549 = arith.constant 96 : index
            %get3A_550 = tpu.vector_load %arg8[%get3A_547, %get3A_548, %get3A_549] {strides = array<i32>} : memref<2x256x128xf32, #tpu.memory_space<vmem>>, vector<16xf32>,
            %get3A_551 = arith.index_cast %rem3A_278 : i32 to index
            %get3A_552 = arith.index_cast %sub3A_522 : i32 to index
            %get3A_553 = arith.constant 112 : index
            %get3A_554 = tpu.vector_load %arg8[%get3A_551, %get3A_552, %get3A_553] {strides = array<i32>} : memref<2x256x128xf32, #tpu.memory_space<vmem>>, vector<16xf32>,
            %mul3A_555 = arith.mulf %get3A_526, %get3A_172 : vector<16xf32>
            %mul3A_556 = arith.mulf %get3A_530, %get3A_174 : vector<16xf32>
            %mul3A_557 = arith.mulf %get3A_534, %get3A_176 : vector<16xf32>
            %mul3A_558 = arith.mulf %get3A_538, %get3A_178 : vector<16xf32>
            %mul3A_559 = arith.mulf %get3A_542, %get3A_180 : vector<16xf32>
            %mul3A_560 = arith.mulf %get3A_546, %get3A_182 : vector<16xf32>
            %mul3A_561 = arith.mulf %get3A_550, %get3A_184 : vector<16xf32>
            %mul3A_562 = arith.mulf %get3A_554, %get3A_186 : vector<16xf32>
            %add3A_563 = arith.addf %mul3A_555, %mul3A_556 : vector<16xf32>
            %add3A_564 = arith.addf %mul3A_557, %mul3A_558 : vector<16xf32>
            %add3A_565 = arith.addf %add3A_563, %add3A_564 : vector<16xf32>
            %add3A_566 = arith.addf %mul3A_559, %mul3A_560 : vector<16xf32>
            %add3A_567 = arith.addf %mul3A_561, %mul3A_562 : vector<16xf32>
            %add3A_568 = arith.addf %add3A_566, %add3A_567 : vector<16xf32>
            %add3A_569 = arith.addf %add3A_565, %add3A_568 : vector<16xf32>
            %xor3A = arith.constant 8 : i32
            %xor3A_570 = vector.broadcast %xor3A : i32 to vector<16xi32>
            %xor3A_571 = arith.xori %iota3A, %xor3A_570 : vector<16xi32>
            %lt3A_572 = arith.constant 0 : i32
            %lt3A_573 = vector.broadcast %lt3A_572 : i32 to vector<16xi32>
            %lt3A_574 = arith.cmpi slt, %xor3A_571, %lt3A_573 : vector<16xi32>
            %add3A_575 = arith.constant 16 : i32
            %add3A_576 = vector.broadcast %add3A_575 : i32 to vector<16xi32>
            %add3A_577 = arith.addi %xor3A_571, %add3A_576 : vector<16xi32>
            %select_n3A_578 = arith.select %lt3A_574, %add3A_577, %xor3A_571 : vector<16xi1>, vector<16xi32>
            %broadcast_in_dim3A_579 = vector.shape_cast %select_n3A_578 : vector<16xi32> to vector<16x1xi32>
            %gather3A = vector.shape_cast %broadcast_in_dim3A_579 : vector<16x1xi32> to vector<16xi32>
            %gather3A_580 = tpu.dynamic_gather %add3A_569[%gather3A] in [0] : vector<16xf32>, vector<16xi32> -> vector<16xf32>
            %add3A_581 = arith.addf %add3A_569, %gather3A_580 : vector<16xf32>
            %xor3A_582 = arith.constant 4 : i32
            %xor3A_583 = vector.broadcast %xor3A_582 : i32 to vector<16xi32>
            %xor3A_584 = arith.xori %iota3A, %xor3A_583 : vector<16xi32>
            %lt3A_585 = arith.constant 0 : i32
            %lt3A_586 = vector.broadcast %lt3A_585 : i32 to vector<16xi32>
            %lt3A_587 = arith.cmpi slt, %xor3A_584, %lt3A_586 : vector<16xi32>
            %add3A_588 = arith.constant 16 : i32
            %add3A_589 = vector.broadcast %add3A_588 : i32 to vector<16xi32>
            %add3A_590 = arith.addi %xor3A_584, %add3A_589 : vector<16xi32>
            %select_n3A_591 = arith.select %lt3A_587, %add3A_590, %xor3A_584 : vector<16xi1>, vector<16xi32>
            %broadcast_in_dim3A_592 = vector.shape_cast %select_n3A_591 : vector<16xi32> to vector<16x1xi32>
            %gather3A_593 = vector.shape_cast %broadcast_in_dim3A_592 : vector<16x1xi32> to vector<16xi32>
            %gather3A_594 = tpu.dynamic_gather %add3A_581[%gather3A_593] in [0] : vector<16xf32>, vector<16xi32> -> vector<16xf32>
            %add3A_595 = arith.addf %add3A_581, %gather3A_594 : vector<16xf32>
            %xor3A_596 = arith.constant 2 : i32
            %xor3A_597 = vector.broadcast %xor3A_596 : i32 to vector<16xi32>
            %xor3A_598 = arith.xori %iota3A, %xor3A_597 : vector<16xi32>
            %lt3A_599 = arith.constant 0 : i32
            %lt3A_600 = vector.broadcast %lt3A_599 : i32 to vector<16xi32>
            %lt3A_601 = arith.cmpi slt, %xor3A_598, %lt3A_600 : vector<16xi32>
            %add3A_602 = arith.constant 16 : i32
            %add3A_603 = vector.broadcast %add3A_602 : i32 to vector<16xi32>
            %add3A_604 = arith.addi %xor3A_598, %add3A_603 : vector<16xi32>
            %select_n3A_605 = arith.select %lt3A_601, %add3A_604, %xor3A_598 : vector<16xi1>, vector<16xi32>
            %broadcast_in_dim3A_606 = vector.shape_cast %select_n3A_605 : vector<16xi32> to vector<16x1xi32>
            %gather3A_607 = vector.shape_cast %broadcast_in_dim3A_606 : vector<16x1xi32> to vector<16xi32>
            %gather3A_608 = tpu.dynamic_gather %add3A_595[%gather3A_607] in [0] : vector<16xf32>, vector<16xi32> -> vector<16xf32>
            %add3A_609 = arith.addf %add3A_595, %gather3A_608 : vector<16xf32>
            %xor3A_610 = arith.constant 1 : i32
            %xor3A_611 = vector.broadcast %xor3A_610 : i32 to vector<16xi32>
            %xor3A_612 = arith.xori %iota3A, %xor3A_611 : vector<16xi32>
            %lt3A_613 = arith.constant 0 : i32
            %lt3A_614 = vector.broadcast %lt3A_613 : i32 to vector<16xi32>
            %lt3A_615 = arith.cmpi slt, %xor3A_612, %lt3A_614 : vector<16xi32>
            %add3A_616 = arith.constant 16 : i32
            %add3A_617 = vector.broadcast %add3A_616 : i32 to vector<16xi32>
            %add3A_618 = arith.addi %xor3A_612, %add3A_617 : vector<16xi32>
            %select_n3A_619 = arith.select %lt3A_615, %add3A_618, %xor3A_612 : vector<16xi1>, vector<16xi32>
            %broadcast_in_dim3A_620 = vector.shape_cast %select_n3A_619 : vector<16xi32> to vector<16x1xi32>
            %gather3A_621 = vector.shape_cast %broadcast_in_dim3A_620 : vector<16x1xi32> to vector<16xi32>
            %gather3A_622 = tpu.dynamic_gather %add3A_609[%gather3A_621] in [0] : vector<16xf32>, vector<16xi32> -> vector<16xf32>
            %add3A_623 = arith.addf %add3A_609, %gather3A_622 : vector<16xf32>
            %add3A_624 = arith.addf %add3A_623, %get3A_188 : vector<16xf32>
            %neg3A = arith.constant 0.000000e+00 : f32
            %neg3A_625 = vector.broadcast %neg3A : f32 to vector<16xf32>
            %neg3A_626 = arith.subf %neg3A_625, %add3A_624 : vector<16xf32>
            %exp3A = math.exp %neg3A_626 : vector<16xf32>
            %add3A_627 = arith.constant 1.000000e+00 : f32
            %add3A_628 = vector.broadcast %add3A_627 : f32 to vector<16xf32>
            %add3A_629 = arith.addf %add3A_628, %exp3A : vector<16xf32>
            %div3A_630 = arith.constant 1.000000e+00 : f32
            %div3A_631 = vector.broadcast %div3A_630 : f32 to vector<16xf32>
            %div3A_632 = arith.divf %div3A_631, %add3A_629 : vector<16xf32>
            %mul3A_633 = arith.mulf %get3A_526, %div3A_632 : vector<16xf32>
            %add3A_634 = arith.addf %while3A_506, %mul3A_633 : vector<16xf32>
            %mul3A_635 = arith.mulf %get3A_530, %div3A_632 : vector<16xf32>
            %add3A_636 = arith.addf %while3A_507, %mul3A_635 : vector<16xf32>
            %mul3A_637 = arith.mulf %get3A_534, %div3A_632 : vector<16xf32>
            %add3A_638 = arith.addf %while3A_508, %mul3A_637 : vector<16xf32>
            %mul3A_639 = arith.mulf %get3A_538, %div3A_632 : vector<16xf32>
            %add3A_640 = arith.addf %while3A_509, %mul3A_639 : vector<16xf32>
            %mul3A_641 = arith.mulf %get3A_542, %div3A_632 : vector<16xf32>
            %add3A_642 = arith.addf %while3A_510, %mul3A_641 : vector<16xf32>
            %mul3A_643 = arith.mulf %get3A_546, %div3A_632 : vector<16xf32>
            %add3A_644 = arith.addf %while3A_511, %mul3A_643 : vector<16xf32>
            %mul3A_645 = arith.mulf %get3A_550, %div3A_632 : vector<16xf32>
            %add3A_646 = arith.addf %while3A_512, %mul3A_645 : vector<16xf32>
            %mul3A_647 = arith.mulf %get3A_554, %div3A_632 : vector<16xf32>
            %add3A_648 = arith.addf %while3A_513, %mul3A_647 : vector<16xf32>
            %max3A_649 = arith.maximumf %while3A_514, %get3A_526 : vector<16xf32>
            %max3A_650 = arith.maximumf %while3A_515, %get3A_530 : vector<16xf32>
            %max3A_651 = arith.maximumf %while3A_516, %get3A_534 : vector<16xf32>
            %max3A_652 = arith.maximumf %while3A_517, %get3A_538 : vector<16xf32>
            %max3A_653 = arith.maximumf %while3A_518, %get3A_542 : vector<16xf32>
            %max3A_654 = arith.maximumf %while3A_519, %get3A_546 : vector<16xf32>
            %max3A_655 = arith.maximumf %while3A_520, %get3A_550 : vector<16xf32>
            %max3A_656 = arith.maximumf %while3A_521, %get3A_554 : vector<16xf32>
            scf.yield %add3A_634, %add3A_636, %add3A_638, %add3A_640, %add3A_642, %add3A_644, %add3A_646, %add3A_648, %max3A_649, %max3A_650, %max3A_651, %max3A_652, %max3A_653, %max3A_654, %max3A_655, %max3A_656 : vector<16xf32>, vector<16xf32>, vector<16xf32>, vector<16xf32>, vector<16xf32>, vector<16xf32>, vector<16xf32>, vector<16xf32>, vector<16xf32>, vector<16xf32>, vector<16xf32>, vector<16xf32>, vector<16xf32>, vector<16xf32>, vector<16xf32>, vector<16xf32>
          }
          %get3A_394 = arith.index_cast %scan3A_320 : i32 to index
          %get3A_395 = arith.constant 0 : index
          %get3A_396 = tpu.vector_load %arg14[%get3A_394, %get3A_395] {strides = array<i32>} : memref<32x256xf32, #tpu.memory_space<vmem>>, vector<16xf32>,
          %add3A_397 = arith.addf %get3A_396, %while3A_393#0 : vector<16xf32>
          %swap3A = arith.index_cast %scan3A_320 : i32 to index
          %swap3A_398 = arith.constant 0 : index
          %swap3A_399 = tpu.vector_load %arg14[%swap3A, %swap3A_398] {strides = array<i32>} : memref<32x256xf32, #tpu.memory_space<vmem>>, vector<16xf32>,
          tpu.vector_store %arg14[%swap3A, %swap3A_398], %add3A_397 {strides = array<i32>} : memref<32x256xf32, #tpu.memory_space<vmem>>, vector<16xf32>,
          %get3A_400 = arith.index_cast %scan3A_320 : i32 to index
          %get3A_401 = arith.constant 128 : index
          %get3A_402 = tpu.vector_load %arg14[%get3A_400, %get3A_401] {strides = array<i32>} : memref<32x256xf32, #tpu.memory_space<vmem>>, vector<16xf32>,
          %max3A_403 = arith.maximumf %get3A_402, %while3A_393#8 : vector<16xf32>
          %swap3A_404 = arith.index_cast %scan3A_320 : i32 to index
          %swap3A_405 = arith.constant 128 : index
          %swap3A_406 = tpu.vector_load %arg14[%swap3A_404, %swap3A_405] {strides = array<i32>} : memref<32x256xf32, #tpu.memory_space<vmem>>, vector<16xf32>,
          tpu.vector_store %arg14[%swap3A_404, %swap3A_405], %max3A_403 {strides = array<i32>} : memref<32x256xf32, #tpu.memory_space<vmem>>, vector<16xf32>,
          %get3A_407 = arith.index_cast %scan3A_320 : i32 to index
          %get3A_408 = arith.constant 16 : index
          %get3A_409 = tpu.vector_load %arg14[%get3A_407, %get3A_408] {strides = array<i32>} : memref<32x256xf32, #tpu.memory_space<vmem>>, vector<16xf32>,
          %add3A_410 = arith.addf %get3A_409, %while3A_393#1 : vector<16xf32>
          %swap3A_411 = arith.index_cast %scan3A_320 : i32 to index
          %swap3A_412 = arith.constant 16 : index
          %swap3A_413 = tpu.vector_load %arg14[%swap3A_411, %swap3A_412] {strides = array<i32>} : memref<32x256xf32, #tpu.memory_space<vmem>>, vector<16xf32>,
          tpu.vector_store %arg14[%swap3A_411, %swap3A_412], %add3A_410 {strides = array<i32>} : memref<32x256xf32, #tpu.memory_space<vmem>>, vector<16xf32>,
          %get3A_414 = arith.index_cast %scan3A_320 : i32 to index
          %get3A_415 = arith.constant 144 : index
          %get3A_416 = tpu.vector_load %arg14[%get3A_414, %get3A_415] {strides = array<i32>} : memref<32x256xf32, #tpu.memory_space<vmem>>, vector<16xf32>,
          %max3A_417 = arith.maximumf %get3A_416, %while3A_393#9 : vector<16xf32>
          %swap3A_418 = arith.index_cast %scan3A_320 : i32 to index
          %swap3A_419 = arith.constant 144 : index
          %swap3A_420 = tpu.vector_load %arg14[%swap3A_418, %swap3A_419] {strides = array<i32>} : memref<32x256xf32, #tpu.memory_space<vmem>>, vector<16xf32>,
          tpu.vector_store %arg14[%swap3A_418, %swap3A_419], %max3A_417 {strides = array<i32>} : memref<32x256xf32, #tpu.memory_space<vmem>>, vector<16xf32>,
          %get3A_421 = arith.index_cast %scan3A_320 : i32 to index
          %get3A_422 = arith.constant 32 : index
          %get3A_423 = tpu.vector_load %arg14[%get3A_421, %get3A_422] {strides = array<i32>} : memref<32x256xf32, #tpu.memory_space<vmem>>, vector<16xf32>,
          %add3A_424 = arith.addf %get3A_423, %while3A_393#2 : vector<16xf32>
          %swap3A_425 = arith.index_cast %scan3A_320 : i32 to index
          %swap3A_426 = arith.constant 32 : index
          %swap3A_427 = tpu.vector_load %arg14[%swap3A_425, %swap3A_426] {strides = array<i32>} : memref<32x256xf32, #tpu.memory_space<vmem>>, vector<16xf32>,
          tpu.vector_store %arg14[%swap3A_425, %swap3A_426], %add3A_424 {strides = array<i32>} : memref<32x256xf32, #tpu.memory_space<vmem>>, vector<16xf32>,
          %get3A_428 = arith.index_cast %scan3A_320 : i32 to index
          %get3A_429 = arith.constant 160 : index
          %get3A_430 = tpu.vector_load %arg14[%get3A_428, %get3A_429] {strides = array<i32>} : memref<32x256xf32, #tpu.memory_space<vmem>>, vector<16xf32>,
          %max3A_431 = arith.maximumf %get3A_430, %while3A_393#10 : vector<16xf32>
          %swap3A_432 = arith.index_cast %scan3A_320 : i32 to index
          %swap3A_433 = arith.constant 160 : index
          %swap3A_434 = tpu.vector_load %arg14[%swap3A_432, %swap3A_433] {strides = array<i32>} : memref<32x256xf32, #tpu.memory_space<vmem>>, vector<16xf32>,
          tpu.vector_store %arg14[%swap3A_432, %swap3A_433], %max3A_431 {strides = array<i32>} : memref<32x256xf32, #tpu.memory_space<vmem>>, vector<16xf32>,
          %get3A_435 = arith.index_cast %scan3A_320 : i32 to index
          %get3A_436 = arith.constant 48 : index
          %get3A_437 = tpu.vector_load %arg14[%get3A_435, %get3A_436] {strides = array<i32>} : memref<32x256xf32, #tpu.memory_space<vmem>>, vector<16xf32>,
          %add3A_438 = arith.addf %get3A_437, %while3A_393#3 : vector<16xf32>
          %swap3A_439 = arith.index_cast %scan3A_320 : i32 to index
          %swap3A_440 = arith.constant 48 : index
          %swap3A_441 = tpu.vector_load %arg14[%swap3A_439, %swap3A_440] {strides = array<i32>} : memref<32x256xf32, #tpu.memory_space<vmem>>, vector<16xf32>,
          tpu.vector_store %arg14[%swap3A_439, %swap3A_440], %add3A_438 {strides = array<i32>} : memref<32x256xf32, #tpu.memory_space<vmem>>, vector<16xf32>,
          %get3A_442 = arith.index_cast %scan3A_320 : i32 to index
          %get3A_443 = arith.constant 176 : index
          %get3A_444 = tpu.vector_load %arg14[%get3A_442, %get3A_443] {strides = array<i32>} : memref<32x256xf32, #tpu.memory_space<vmem>>, vector<16xf32>,
          %max3A_445 = arith.maximumf %get3A_444, %while3A_393#11 : vector<16xf32>
          %swap3A_446 = arith.index_cast %scan3A_320 : i32 to index
          %swap3A_447 = arith.constant 176 : index
          %swap3A_448 = tpu.vector_load %arg14[%swap3A_446, %swap3A_447] {strides = array<i32>} : memref<32x256xf32, #tpu.memory_space<vmem>>, vector<16xf32>,
          tpu.vector_store %arg14[%swap3A_446, %swap3A_447], %max3A_445 {strides = array<i32>} : memref<32x256xf32, #tpu.memory_space<vmem>>, vector<16xf32>,
          %get3A_449 = arith.index_cast %scan3A_320 : i32 to index
          %get3A_450 = arith.constant 64 : index
          %get3A_451 = tpu.vector_load %arg14[%get3A_449, %get3A_450] {strides = array<i32>} : memref<32x256xf32, #tpu.memory_space<vmem>>, vector<16xf32>,
          %add3A_452 = arith.addf %get3A_451, %while3A_393#4 : vector<16xf32>
          %swap3A_453 = arith.index_cast %scan3A_320 : i32 to index
          %swap3A_454 = arith.constant 64 : index
          %swap3A_455 = tpu.vector_load %arg14[%swap3A_453, %swap3A_454] {strides = array<i32>} : memref<32x256xf32, #tpu.memory_space<vmem>>, vector<16xf32>,
          tpu.vector_store %arg14[%swap3A_453, %swap3A_454], %add3A_452 {strides = array<i32>} : memref<32x256xf32, #tpu.memory_space<vmem>>, vector<16xf32>,
          %get3A_456 = arith.index_cast %scan3A_320 : i32 to index
          %get3A_457 = arith.constant 192 : index
          %get3A_458 = tpu.vector_load %arg14[%get3A_456, %get3A_457] {strides = array<i32>} : memref<32x256xf32, #tpu.memory_space<vmem>>, vector<16xf32>,
          %max3A_459 = arith.maximumf %get3A_458, %while3A_393#12 : vector<16xf32>
          %swap3A_460 = arith.index_cast %scan3A_320 : i32 to index
          %swap3A_461 = arith.constant 192 : index
          %swap3A_462 = tpu.vector_load %arg14[%swap3A_460, %swap3A_461] {strides = array<i32>} : memref<32x256xf32, #tpu.memory_space<vmem>>, vector<16xf32>,
          tpu.vector_store %arg14[%swap3A_460, %swap3A_461], %max3A_459 {strides = array<i32>} : memref<32x256xf32, #tpu.memory_space<vmem>>, vector<16xf32>,
          %get3A_463 = arith.index_cast %scan3A_320 : i32 to index
          %get3A_464 = arith.constant 80 : index
          %get3A_465 = tpu.vector_load %arg14[%get3A_463, %get3A_464] {strides = array<i32>} : memref<32x256xf32, #tpu.memory_space<vmem>>, vector<16xf32>,
          %add3A_466 = arith.addf %get3A_465, %while3A_393#5 : vector<16xf32>
          %swap3A_467 = arith.index_cast %scan3A_320 : i32 to index
          %swap3A_468 = arith.constant 80 : index
          %swap3A_469 = tpu.vector_load %arg14[%swap3A_467, %swap3A_468] {strides = array<i32>} : memref<32x256xf32, #tpu.memory_space<vmem>>, vector<16xf32>,
          tpu.vector_store %arg14[%swap3A_467, %swap3A_468], %add3A_466 {strides = array<i32>} : memref<32x256xf32, #tpu.memory_space<vmem>>, vector<16xf32>,
          %get3A_470 = arith.index_cast %scan3A_320 : i32 to index
          %get3A_471 = arith.constant 208 : index
          %get3A_472 = tpu.vector_load %arg14[%get3A_470, %get3A_471] {strides = array<i32>} : memref<32x256xf32, #tpu.memory_space<vmem>>, vector<16xf32>,
          %max3A_473 = arith.maximumf %get3A_472, %while3A_393#13 : vector<16xf32>
          %swap3A_474 = arith.index_cast %scan3A_320 : i32 to index
          %swap3A_475 = arith.constant 208 : index
          %swap3A_476 = tpu.vector_load %arg14[%swap3A_474, %swap3A_475] {strides = array<i32>} : memref<32x256xf32, #tpu.memory_space<vmem>>, vector<16xf32>,
          tpu.vector_store %arg14[%swap3A_474, %swap3A_475], %max3A_473 {strides = array<i32>} : memref<32x256xf32, #tpu.memory_space<vmem>>, vector<16xf32>,
          %get3A_477 = arith.index_cast %scan3A_320 : i32 to index
          %get3A_478 = arith.constant 96 : index
          %get3A_479 = tpu.vector_load %arg14[%get3A_477, %get3A_478] {strides = array<i32>} : memref<32x256xf32, #tpu.memory_space<vmem>>, vector<16xf32>,
          %add3A_480 = arith.addf %get3A_479, %while3A_393#6 : vector<16xf32>
          %swap3A_481 = arith.index_cast %scan3A_320 : i32 to index
          %swap3A_482 = arith.constant 96 : index
          %swap3A_483 = tpu.vector_load %arg14[%swap3A_481, %swap3A_482] {strides = array<i32>} : memref<32x256xf32, #tpu.memory_space<vmem>>, vector<16xf32>,
          tpu.vector_store %arg14[%swap3A_481, %swap3A_482], %add3A_480 {strides = array<i32>} : memref<32x256xf32, #tpu.memory_space<vmem>>, vector<16xf32>,
          %get3A_484 = arith.index_cast %scan3A_320 : i32 to index
          %get3A_485 = arith.constant 224 : index
          %get3A_486 = tpu.vector_load %arg14[%get3A_484, %get3A_485] {strides = array<i32>} : memref<32x256xf32, #tpu.memory_space<vmem>>, vector<16xf32>,
          %max3A_487 = arith.maximumf %get3A_486, %while3A_393#14 : vector<16xf32>
          %swap3A_488 = arith.index_cast %scan3A_320 : i32 to index
          %swap3A_489 = arith.constant 224 : index
          %swap3A_490 = tpu.vector_load %arg14[%swap3A_488, %swap3A_489] {strides = array<i32>} : memref<32x256xf32, #tpu.memory_space<vmem>>, vector<16xf32>,
          tpu.vector_store %arg14[%swap3A_488, %swap3A_489], %max3A_487 {strides = array<i32>} : memref<32x256xf32, #tpu.memory_space<vmem>>, vector<16xf32>,
          %get3A_491 = arith.index_cast %scan3A_320 : i32 to index
          %get3A_492 = arith.constant 112 : index
          %get3A_493 = tpu.vector_load %arg14[%get3A_491, %get3A_492] {strides = array<i32>} : memref<32x256xf32, #tpu.memory_space<vmem>>, vector<16xf32>,
          %add3A_494 = arith.addf %get3A_493, %while3A_393#7 : vector<16xf32>
          %swap3A_495 = arith.index_cast %scan3A_320 : i32 to index
          %swap3A_496 = arith.constant 112 : index
          %swap3A_497 = tpu.vector_load %arg14[%swap3A_495, %swap3A_496] {strides = array<i32>} : memref<32x256xf32, #tpu.memory_space<vmem>>, vector<16xf32>,
          tpu.vector_store %arg14[%swap3A_495, %swap3A_496], %add3A_494 {strides = array<i32>} : memref<32x256xf32, #tpu.memory_space<vmem>>, vector<16xf32>,
          %get3A_498 = arith.index_cast %scan3A_320 : i32 to index
          %get3A_499 = arith.constant 240 : index
          %get3A_500 = tpu.vector_load %arg14[%get3A_498, %get3A_499] {strides = array<i32>} : memref<32x256xf32, #tpu.memory_space<vmem>>, vector<16xf32>,
          %max3A_501 = arith.maximumf %get3A_500, %while3A_393#15 : vector<16xf32>
          %swap3A_502 = arith.index_cast %scan3A_320 : i32 to index
          %swap3A_503 = arith.constant 240 : index
          %swap3A_504 = tpu.vector_load %arg14[%swap3A_502, %swap3A_503] {strides = array<i32>} : memref<32x256xf32, #tpu.memory_space<vmem>>, vector<16xf32>,
          tpu.vector_store %arg14[%swap3A_502, %swap3A_503], %max3A_501 {strides = array<i32>} : memref<32x256xf32, #tpu.memory_space<vmem>>, vector<16xf32>,
        } else {
        }
        %scan3A_344 = arith.constant 0 : i32
        scf.yield %scan3A_344 : i32
      }
      %scan3A_313 = arith.constant 32 : i32
      %add3A_314 = arith.constant 2 : i32
      %add3A_315 = arith.addi %while3A_275, %add3A_314 : i32
      %lt3A = arith.cmpi slt, %add3A_315, %select_n3A_256 : i32
      %convert_element_type3A_316 = arith.extui %lt3A : i1 to i32
      %cond3A_317 = arith.constant 0 : i32
      %cond3A_318 = arith.cmpi ne, %convert_element_type3A_316, %cond3A_317 : i32
      scf.if %cond3A_318 {
        %add3A_320 = arith.constant 2 : i32
        %add3A_321 = arith.addi %while3A_275, %add3A_320 : i32
        %mul3A_322 = arith.constant 256 : i32
        %mul3A_323 = arith.muli %add3A_321, %mul3A_322 : i32
        %add3A_324 = arith.addi %mul3A_229, %mul3A_323 : i32
        %min3A_325 = arith.constant 99744 : i32
        %min3A_326 = arith.minsi %add3A_324, %min3A_325 : i32
        %multiple_of3A_327 = tpu.assume_multiple %min3A_326, 8 : i32
        %dma_start3A = arith.constant 0 : i32
        %dma_start3A_328 = arith.constant 0 : i32
        %dma_start3A_329 = tpu.memref_slice %arg8[%rem3A_278, %dma_start3A, %dma_start3A_328] : memref<2x256x128xf32, #tpu.memory_space<vmem>> -> memref<1x256x128xf32, #tpu.memory_space<vmem>>
        %dma_start3A_330 = tpu.memref_squeeze %dma_start3A_329 : memref<1x256x128xf32, #tpu.memory_space<vmem>> -> memref<256x128xf32, #tpu.memory_space<vmem>>
        %dma_start3A_331 = arith.constant 0 : i32
        %dma_start3A_332 = tpu.memref_slice %arg2[%multiple_of3A_327, %dma_start3A_331] : memref<100000x128xf32, #tpu.memory_space<hbm>> -> memref<256x128xf32, #tpu.memory_space<hbm>>
        %dma_start3A_333 = tpu.memref_slice %arg15[%rem3A_278] : memref<2x!tpu.dma_semaphore, #tpu.memory_space<semaphore_mem>> -> memref<1x!tpu.dma_semaphore, #tpu.memory_space<semaphore_mem>>
        %dma_start3A_334 = tpu.memref_squeeze %dma_start3A_333 : memref<1x!tpu.dma_semaphore, #tpu.memory_space<semaphore_mem>> -> memref<!tpu.dma_semaphore, #tpu.memory_space<semaphore_mem>>
        %dma_start3A_335 = arith.constant 0 : i32
        %dma_start3A_336 = arith.constant 0 : i32
        %dma_start3A_337 = tpu.memref_slice %arg8[%rem3A_278, %dma_start3A_335, %dma_start3A_336] : memref<2x256x128xf32, #tpu.memory_space<vmem>> -> memref<1x256x128xf32, #tpu.memory_space<vmem>>
        %dma_start3A_338 = tpu.memref_squeeze %dma_start3A_337 : memref<1x256x128xf32, #tpu.memory_space<vmem>> -> memref<256x128xf32, #tpu.memory_space<vmem>>
        %dma_start3A_339 = arith.constant 0 : i32
        %dma_start3A_340 = tpu.memref_slice %arg2[%multiple_of3A_327, %dma_start3A_339] : memref<100000x128xf32, #tpu.memory_space<hbm>> -> memref<256x128xf32, #tpu.memory_space<hbm>>
        tpu.enqueue_dma source(%dma_start3A_340 : memref<256x128xf32, #tpu.memory_space<hbm>>) target(%dma_start3A_338 : memref<256x128xf32, #tpu.memory_space<vmem>>) target_semaphore(%dma_start3A_334 : memref<!tpu.dma_semaphore, #tpu.memory_space<semaphore_mem>>)
      } else {
      }
      %while3A_319 = arith.constant 0 : i32
      scf.yield %while3A_319 : i32
    }
    %while3A_273 = arith.constant 1 : i32
    %while3A_274 = scf.for %while3A_275 = %while3A_270 to %while3A_266 step %while3A_273 iter_args(%while3A_276 = %while3A_272) -> (i32)  : i32 {
      %rem3A_277 = arith.constant 2 : i32
      %rem3A_278 = arith.remsi %while3A_275, %rem3A_277 : i32
      %mul3A_279 = arith.constant 256 : i32
      %mul3A_280 = arith.muli %while3A_275, %mul3A_279 : i32
      %add3A_281 = arith.addi %mul3A_229, %mul3A_280 : i32
      %min3A_282 = arith.constant 99744 : i32
      %min3A_283 = arith.minsi %add3A_281, %min3A_282 : i32
      %multiple_of3A_284 = tpu.assume_multiple %min3A_283, 8 : i32
      %max3A = arith.maxsi %squeeze3A, %add3A_281 : i32
      %add3A_285 = arith.constant 256 : i32
      %add3A_286 = arith.addi %add3A_281, %add3A_285 : i32
      %min3A_287 = arith.minsi %add3A_286, %squeeze3A_211 : i32
      %mul3A_288 = arith.constant 256 : i32
      %mul3A_289 = arith.muli %while3A_275, %mul3A_288 : i32
      %add3A_290 = arith.addi %mul3A_229, %mul3A_289 : i32
      %min3A_291 = arith.constant 99744 : i32
      %min3A_292 = arith.minsi %add3A_290, %min3A_291 : i32
      %multiple_of3A_293 = tpu.assume_multiple %min3A_292, 8 : i32
      %dma_wait3A = arith.constant 0 : i32
      %dma_wait3A_294 = arith.constant 0 : i32
      %dma_wait3A_295 = tpu.memref_slice %arg8[%rem3A_278, %dma_wait3A, %dma_wait3A_294] : memref<2x256x128xf32, #tpu.memory_space<vmem>> -> memref<1x256x128xf32, #tpu.memory_space<vmem>>
      %dma_wait3A_296 = tpu.memref_squeeze %dma_wait3A_295 : memref<1x256x128xf32, #tpu.memory_space<vmem>> -> memref<256x128xf32, #tpu.memory_space<vmem>>
      %dma_wait3A_297 = arith.constant 0 : i32
      %dma_wait3A_298 = tpu.memref_slice %arg2[%multiple_of3A_293, %dma_wait3A_297] : memref<100000x128xf32, #tpu.memory_space<hbm>> -> memref<256x128xf32, #tpu.memory_space<hbm>>
      %dma_wait3A_299 = tpu.memref_slice %arg15[%rem3A_278] : memref<2x!tpu.dma_semaphore, #tpu.memory_space<semaphore_mem>> -> memref<1x!tpu.dma_semaphore, #tpu.memory_space<semaphore_mem>>
      %dma_wait3A_300 = tpu.memref_squeeze %dma_wait3A_299 : memref<1x!tpu.dma_semaphore, #tpu.memory_space<semaphore_mem>> -> memref<!tpu.dma_semaphore, #tpu.memory_space<semaphore_mem>>
      %dma_wait3A_301 = arith.constant 0 : i32
      %dma_wait3A_302 = arith.constant 0 : i32
      %dma_wait3A_303 = tpu.memref_slice %arg8[%rem3A_278, %dma_wait3A_301, %dma_wait3A_302] : memref<2x256x128xf32, #tpu.memory_space<vmem>> -> memref<1x256x128xf32, #tpu.memory_space<vmem>>
      %dma_wait3A_304 = tpu.memref_squeeze %dma_wait3A_303 : memref<1x256x128xf32, #tpu.memory_space<vmem>> -> memref<256x128xf32, #tpu.memory_space<vmem>>
      %dma_wait3A_305 = arith.constant 0 : i32
      %dma_wait3A_306 = tpu.memref_slice %arg2[%multiple_of3A_293, %dma_wait3A_305] : memref<100000x128xf32, #tpu.memory_space<hbm>> -> memref<256x128xf32, #tpu.memory_space<hbm>>
      tpu.wait_dma2 semaphore(%dma_wait3A_300 : memref<!tpu.dma_semaphore, #tpu.memory_space<semaphore_mem>>) src(%dma_wait3A_306 : memref<256x128xf32, #tpu.memory_space<hbm>>) dst(%dma_wait3A_304 : memref<256x128xf32, #tpu.memory_space<vmem>>)
      %scan3A_307 = arith.constant 0 : i32
      %scan3A_308 = arith.constant 0 : i32
      %scan3A_309 = arith.constant 32 : i32
      %scan3A_310 = arith.addi %scan3A_308, %scan3A_309 : i32
      %scan3A_311 = arith.constant 1 : i32
      %scan3A_312 = scf.for %scan3A_320 = %scan3A_308 to %scan3A_310 step %scan3A_311 iter_args(%scan3A_321 = %scan3A_307) -> (i32)  : i32 {
        %add3A_322 = arith.addi %mul3A_2, %scan3A_320 : i32
        %get3A_323 = arith.constant 0 : i32
        %get3A_324 = arith.index_cast %get3A_323 : i32 to index
        %get3A_325 = arith.index_cast %add3A_322 : i32 to index
        %get3A_326 = tpu.vector_load %arg10[%get3A_324, %get3A_325] {strides = array<i32>} : memref<1x1056xi32, #tpu.memory_space<vmem>>, vector<16xi32>,
        %slice3A_327 = vector.extract_strided_slice %get3A_326 {offsets = [0], sizes = [1], strides = [1]} : vector<16xi32> to vector<1xi32>
        %squeeze3A_328 = vector.extract %slice3A_327[0] : i32 from vector<1xi32>
        %add3A_329 = arith.addi %mul3A_2, %scan3A_320 : i32
        %add3A_330 = arith.constant 1 : i32
        %add3A_331 = arith.addi %add3A_329, %add3A_330 : i32
        %get3A_332 = arith.constant 0 : i32
        %get3A_333 = arith.index_cast %get3A_332 : i32 to index
        %get3A_334 = arith.index_cast %add3A_331 : i32 to index
        %get3A_335 = tpu.vector_load %arg10[%get3A_333, %get3A_334] {strides = array<i32>} : memref<1x1056xi32, #tpu.memory_space<vmem>>, vector<16xi32>,
        %slice3A_336 = vector.extract_strided_slice %get3A_335 {offsets = [0], sizes = [1], strides = [1]} : vector<16xi32> to vector<1xi32>
        %squeeze3A_337 = vector.extract %slice3A_336[0] : i32 from vector<1xi32>
        %max3A_338 = arith.maxsi %squeeze3A_328, %max3A : i32
        %min3A_339 = arith.minsi %squeeze3A_337, %min3A_287 : i32
        %gt3A_340 = arith.cmpi sgt, %min3A_339, %max3A_338 : i32
        %convert_element_type3A_341 = arith.extui %gt3A_340 : i1 to i32
        %cond3A_342 = arith.constant 0 : i32
        %cond3A_343 = arith.cmpi ne, %convert_element_type3A_341, %cond3A_342 : i32
        scf.if %cond3A_343 {
          %sub3A_345 = arith.subi %min3A_339, %max3A_338 : i32
          %jit3A_346 = arith.constant 2 : i32
          %div3A_347 = arith.divsi %sub3A_345, %jit3A_346 : i32
          %sign3A_348 = arith.constant 0 : i32
          %sign3A_349 = arith.cmpi sgt, %sub3A_345, %sign3A_348 : i32
          %sign3A_350 = arith.extui %sign3A_349 : i1 to i32
          %sign3A_351 = arith.constant 0 : i32
          %sign3A_352 = arith.cmpi slt, %sub3A_345, %sign3A_351 : i32
          %sign3A_353 = arith.extui %sign3A_352 : i1 to i32
          %sign3A_354 = arith.subi %sign3A_350, %sign3A_353 : i32
          %sign3A_355 = arith.constant 0 : i32
          %sign3A_356 = arith.cmpi sgt, %jit3A_346, %sign3A_355 : i32
          %sign3A_357 = arith.extui %sign3A_356 : i1 to i32
          %sign3A_358 = arith.constant 0 : i32
          %sign3A_359 = arith.cmpi slt, %jit3A_346, %sign3A_358 : i32
          %sign3A_360 = arith.extui %sign3A_359 : i1 to i32
          %sign3A_361 = arith.subi %sign3A_357, %sign3A_360 : i32
          %ne3A_362 = arith.cmpi ne, %sign3A_354, %sign3A_361 : i32
          %rem3A_363 = arith.remsi %sub3A_345, %jit3A_346 : i32
          %ne3A_364 = arith.constant 0 : i32
          %ne3A_365 = arith.cmpi ne, %rem3A_363, %ne3A_364 : i32
          %and3A_366 = arith.andi %ne3A_362, %ne3A_365 : i1
          %sub3A_367 = arith.constant 1 : i32
          %sub3A_368 = arith.subi %div3A_347, %sub3A_367 : i32
          %select_n3A_369 = arith.select %and3A_366, %sub3A_368, %div3A_347 : i32
          %while3A_370 = arith.constant 0 : i32
          %while3A_371 = arith.subi %select_n3A_369, %while3A_370 : i32
          %while3A_372 = arith.addi %while3A_370, %while3A_371 : i32
          %while3A_373 = arith.constant 1 : i32
          %while3A_374 = arith.divsi %while3A_371, %while3A_373 : i32
          %while3A_375 = arith.muli %while3A_374, %while3A_373 : i32
          %while3A_376 = arith.addi %while3A_370, %while3A_375 : i32
          %while3A_377 = arith.constant 1 : i32
          %while3A_378:16 = scf.for %while3A_505 = %while3A_370 to %while3A_376 step %while3A_377 iter_args(%while3A_506 = %broadcast_in_dim3A_190, %while3A_507 = %broadcast_in_dim3A_190, %while3A_508 = %broadcast_in_dim3A_190, %while3A_509 = %broadcast_in_dim3A_190, %while3A_510 = %broadcast_in_dim3A_190, %while3A_511 = %broadcast_in_dim3A_190, %while3A_512 = %broadcast_in_dim3A_190, %while3A_513 = %broadcast_in_dim3A_190, %while3A_514 = %broadcast_in_dim3A_192, %while3A_515 = %broadcast_in_dim3A_192, %while3A_516 = %broadcast_in_dim3A_192, %while3A_517 = %broadcast_in_dim3A_192, %while3A_518 = %broadcast_in_dim3A_192, %while3A_519 = %broadcast_in_dim3A_192, %while3A_520 = %broadcast_in_dim3A_192, %while3A_521 = %broadcast_in_dim3A_192) -> (vector<16xf32>, vector<16xf32>, vector<16xf32>, vector<16xf32>, vector<16xf32>, vector<16xf32>, vector<16xf32>, vector<16xf32>, vector<16xf32>, vector<16xf32>, vector<16xf32>, vector<16xf32>, vector<16xf32>, vector<16xf32>, vector<16xf32>, vector<16xf32>)  : i32 {
            %sub3A_522 = arith.subi %max3A_338, %multiple_of3A_284 : i32
            %mul3A_523 = arith.constant 2 : i32
            %mul3A_524 = arith.muli %mul3A_523, %while3A_505 : i32
            %add3A_525 = arith.addi %sub3A_522, %mul3A_524 : i32
            %get3A_526 = arith.index_cast %rem3A_278 : i32 to index
            %get3A_527 = arith.index_cast %add3A_525 : i32 to index
            %get3A_528 = arith.constant 0 : index
            %get3A_529 = tpu.vector_load %arg8[%get3A_526, %get3A_527, %get3A_528] {strides = array<i32>} : memref<2x256x128xf32, #tpu.memory_space<vmem>>, vector<16xf32>,
            %get3A_530 = arith.index_cast %rem3A_278 : i32 to index
            %get3A_531 = arith.index_cast %add3A_525 : i32 to index
            %get3A_532 = arith.constant 16 : index
            %get3A_533 = tpu.vector_load %arg8[%get3A_530, %get3A_531, %get3A_532] {strides = array<i32>} : memref<2x256x128xf32, #tpu.memory_space<vmem>>, vector<16xf32>,
            %get3A_534 = arith.index_cast %rem3A_278 : i32 to index
            %get3A_535 = arith.index_cast %add3A_525 : i32 to index
            %get3A_536 = arith.constant 32 : index
            %get3A_537 = tpu.vector_load %arg8[%get3A_534, %get3A_535, %get3A_536] {strides = array<i32>} : memref<2x256x128xf32, #tpu.memory_space<vmem>>, vector<16xf32>,
            %get3A_538 = arith.index_cast %rem3A_278 : i32 to index
            %get3A_539 = arith.index_cast %add3A_525 : i32 to index
            %get3A_540 = arith.constant 48 : index
            %get3A_541 = tpu.vector_load %arg8[%get3A_538, %get3A_539, %get3A_540] {strides = array<i32>} : memref<2x256x128xf32, #tpu.memory_space<vmem>>, vector<16xf32>,
            %get3A_542 = arith.index_cast %rem3A_278 : i32 to index
            %get3A_543 = arith.index_cast %add3A_525 : i32 to index
            %get3A_544 = arith.constant 64 : index
            %get3A_545 = tpu.vector_load %arg8[%get3A_542, %get3A_543, %get3A_544] {strides = array<i32>} : memref<2x256x128xf32, #tpu.memory_space<vmem>>, vector<16xf32>,
            %get3A_546 = arith.index_cast %rem3A_278 : i32 to index
            %get3A_547 = arith.index_cast %add3A_525 : i32 to index
            %get3A_548 = arith.constant 80 : index
            %get3A_549 = tpu.vector_load %arg8[%get3A_546, %get3A_547, %get3A_548] {strides = array<i32>} : memref<2x256x128xf32, #tpu.memory_space<vmem>>, vector<16xf32>,
            %get3A_550 = arith.index_cast %rem3A_278 : i32 to index
            %get3A_551 = arith.index_cast %add3A_525 : i32 to index
            %get3A_552 = arith.constant 96 : index
            %get3A_553 = tpu.vector_load %arg8[%get3A_550, %get3A_551, %get3A_552] {strides = array<i32>} : memref<2x256x128xf32, #tpu.memory_space<vmem>>, vector<16xf32>,
            %get3A_554 = arith.index_cast %rem3A_278 : i32 to index
            %get3A_555 = arith.index_cast %add3A_525 : i32 to index
            %get3A_556 = arith.constant 112 : index
            %get3A_557 = tpu.vector_load %arg8[%get3A_554, %get3A_555, %get3A_556] {strides = array<i32>} : memref<2x256x128xf32, #tpu.memory_space<vmem>>, vector<16xf32>,
            %add3A_558 = arith.constant 1 : i32
            %add3A_559 = arith.addi %add3A_525, %add3A_558 : i32
            %get3A_560 = arith.index_cast %rem3A_278 : i32 to index
            %get3A_561 = arith.index_cast %add3A_559 : i32 to index
            %get3A_562 = arith.constant 0 : index
            %get3A_563 = tpu.vector_load %arg8[%get3A_560, %get3A_561, %get3A_562] {strides = array<i32>} : memref<2x256x128xf32, #tpu.memory_space<vmem>>, vector<16xf32>,
            %get3A_564 = arith.index_cast %rem3A_278 : i32 to index
            %get3A_565 = arith.index_cast %add3A_559 : i32 to index
            %get3A_566 = arith.constant 16 : index
            %get3A_567 = tpu.vector_load %arg8[%get3A_564, %get3A_565, %get3A_566] {strides = array<i32>} : memref<2x256x128xf32, #tpu.memory_space<vmem>>, vector<16xf32>,
            %get3A_568 = arith.index_cast %rem3A_278 : i32 to index
            %get3A_569 = arith.index_cast %add3A_559 : i32 to index
            %get3A_570 = arith.constant 32 : index
            %get3A_571 = tpu.vector_load %arg8[%get3A_568, %get3A_569, %get3A_570] {strides = array<i32>} : memref<2x256x128xf32, #tpu.memory_space<vmem>>, vector<16xf32>,
            %get3A_572 = arith.index_cast %rem3A_278 : i32 to index
            %get3A_573 = arith.index_cast %add3A_559 : i32 to index
            %get3A_574 = arith.constant 48 : index
            %get3A_575 = tpu.vector_load %arg8[%get3A_572, %get3A_573, %get3A_574] {strides = array<i32>} : memref<2x256x128xf32, #tpu.memory_space<vmem>>, vector<16xf32>,
            %get3A_576 = arith.index_cast %rem3A_278 : i32 to index
            %get3A_577 = arith.index_cast %add3A_559 : i32 to index
            %get3A_578 = arith.constant 64 : index
            %get3A_579 = tpu.vector_load %arg8[%get3A_576, %get3A_577, %get3A_578] {strides = array<i32>} : memref<2x256x128xf32, #tpu.memory_space<vmem>>, vector<16xf32>,
            %get3A_580 = arith.index_cast %rem3A_278 : i32 to index
            %get3A_581 = arith.index_cast %add3A_559 : i32 to index
            %get3A_582 = arith.constant 80 : index
            %get3A_583 = tpu.vector_load %arg8[%get3A_580, %get3A_581, %get3A_582] {strides = array<i32>} : memref<2x256x128xf32, #tpu.memory_space<vmem>>, vector<16xf32>,
            %get3A_584 = arith.index_cast %rem3A_278 : i32 to index
            %get3A_585 = arith.index_cast %add3A_559 : i32 to index
            %get3A_586 = arith.constant 96 : index
            %get3A_587 = tpu.vector_load %arg8[%get3A_584, %get3A_585, %get3A_586] {strides = array<i32>} : memref<2x256x128xf32, #tpu.memory_space<vmem>>, vector<16xf32>,
            %get3A_588 = arith.index_cast %rem3A_278 : i32 to index
            %get3A_589 = arith.index_cast %add3A_559 : i32 to index
            %get3A_590 = arith.constant 112 : index
            %get3A_591 = tpu.vector_load %arg8[%get3A_588, %get3A_589, %get3A_590] {strides = array<i32>} : memref<2x256x128xf32, #tpu.memory_space<vmem>>, vector<16xf32>,
            %mul3A_592 = arith.mulf %get3A_529, %get3A_172 : vector<16xf32>
            %mul3A_593 = arith.mulf %get3A_533, %get3A_174 : vector<16xf32>
            %mul3A_594 = arith.mulf %get3A_537, %get3A_176 : vector<16xf32>
            %mul3A_595 = arith.mulf %get3A_541, %get3A_178 : vector<16xf32>
            %mul3A_596 = arith.mulf %get3A_545, %get3A_180 : vector<16xf32>
            %mul3A_597 = arith.mulf %get3A_549, %get3A_182 : vector<16xf32>
            %mul3A_598 = arith.mulf %get3A_553, %get3A_184 : vector<16xf32>
            %mul3A_599 = arith.mulf %get3A_557, %get3A_186 : vector<16xf32>
            %add3A_600 = arith.addf %mul3A_592, %mul3A_593 : vector<16xf32>
            %add3A_601 = arith.addf %mul3A_594, %mul3A_595 : vector<16xf32>
            %add3A_602 = arith.addf %add3A_600, %add3A_601 : vector<16xf32>
            %add3A_603 = arith.addf %mul3A_596, %mul3A_597 : vector<16xf32>
            %add3A_604 = arith.addf %mul3A_598, %mul3A_599 : vector<16xf32>
            %add3A_605 = arith.addf %add3A_603, %add3A_604 : vector<16xf32>
            %add3A_606 = arith.addf %add3A_602, %add3A_605 : vector<16xf32>
            %xor3A = arith.constant 8 : i32
            %xor3A_607 = vector.broadcast %xor3A : i32 to vector<16xi32>
            %xor3A_608 = arith.xori %iota3A, %xor3A_607 : vector<16xi32>
            %lt3A_609 = arith.constant 0 : i32
            %lt3A_610 = vector.broadcast %lt3A_609 : i32 to vector<16xi32>
            %lt3A_611 = arith.cmpi slt, %xor3A_608, %lt3A_610 : vector<16xi32>
            %add3A_612 = arith.constant 16 : i32
            %add3A_613 = vector.broadcast %add3A_612 : i32 to vector<16xi32>
            %add3A_614 = arith.addi %xor3A_608, %add3A_613 : vector<16xi32>
            %select_n3A_615 = arith.select %lt3A_611, %add3A_614, %xor3A_608 : vector<16xi1>, vector<16xi32>
            %broadcast_in_dim3A_616 = vector.shape_cast %select_n3A_615 : vector<16xi32> to vector<16x1xi32>
            %gather3A = vector.shape_cast %broadcast_in_dim3A_616 : vector<16x1xi32> to vector<16xi32>
            %gather3A_617 = tpu.dynamic_gather %add3A_606[%gather3A] in [0] : vector<16xf32>, vector<16xi32> -> vector<16xf32>
            %add3A_618 = arith.addf %add3A_606, %gather3A_617 : vector<16xf32>
            %xor3A_619 = arith.constant 4 : i32
            %xor3A_620 = vector.broadcast %xor3A_619 : i32 to vector<16xi32>
            %xor3A_621 = arith.xori %iota3A, %xor3A_620 : vector<16xi32>
            %lt3A_622 = arith.constant 0 : i32
            %lt3A_623 = vector.broadcast %lt3A_622 : i32 to vector<16xi32>
            %lt3A_624 = arith.cmpi slt, %xor3A_621, %lt3A_623 : vector<16xi32>
            %add3A_625 = arith.constant 16 : i32
            %add3A_626 = vector.broadcast %add3A_625 : i32 to vector<16xi32>
            %add3A_627 = arith.addi %xor3A_621, %add3A_626 : vector<16xi32>
            %select_n3A_628 = arith.select %lt3A_624, %add3A_627, %xor3A_621 : vector<16xi1>, vector<16xi32>
            %broadcast_in_dim3A_629 = vector.shape_cast %select_n3A_628 : vector<16xi32> to vector<16x1xi32>
            %gather3A_630 = vector.shape_cast %broadcast_in_dim3A_629 : vector<16x1xi32> to vector<16xi32>
            %gather3A_631 = tpu.dynamic_gather %add3A_618[%gather3A_630] in [0] : vector<16xf32>, vector<16xi32> -> vector<16xf32>
            %add3A_632 = arith.addf %add3A_618, %gather3A_631 : vector<16xf32>
            %xor3A_633 = arith.constant 2 : i32
            %xor3A_634 = vector.broadcast %xor3A_633 : i32 to vector<16xi32>
            %xor3A_635 = arith.xori %iota3A, %xor3A_634 : vector<16xi32>
            %lt3A_636 = arith.constant 0 : i32
            %lt3A_637 = vector.broadcast %lt3A_636 : i32 to vector<16xi32>
            %lt3A_638 = arith.cmpi slt, %xor3A_635, %lt3A_637 : vector<16xi32>
            %add3A_639 = arith.constant 16 : i32
            %add3A_640 = vector.broadcast %add3A_639 : i32 to vector<16xi32>
            %add3A_641 = arith.addi %xor3A_635, %add3A_640 : vector<16xi32>
            %select_n3A_642 = arith.select %lt3A_638, %add3A_641, %xor3A_635 : vector<16xi1>, vector<16xi32>
            %broadcast_in_dim3A_643 = vector.shape_cast %select_n3A_642 : vector<16xi32> to vector<16x1xi32>
            %gather3A_644 = vector.shape_cast %broadcast_in_dim3A_643 : vector<16x1xi32> to vector<16xi32>
            %gather3A_645 = tpu.dynamic_gather %add3A_632[%gather3A_644] in [0] : vector<16xf32>, vector<16xi32> -> vector<16xf32>
            %add3A_646 = arith.addf %add3A_632, %gather3A_645 : vector<16xf32>
            %xor3A_647 = arith.constant 1 : i32
            %xor3A_648 = vector.broadcast %xor3A_647 : i32 to vector<16xi32>
            %xor3A_649 = arith.xori %iota3A, %xor3A_648 : vector<16xi32>
            %lt3A_650 = arith.constant 0 : i32
            %lt3A_651 = vector.broadcast %lt3A_650 : i32 to vector<16xi32>
            %lt3A_652 = arith.cmpi slt, %xor3A_649, %lt3A_651 : vector<16xi32>
            %add3A_653 = arith.constant 16 : i32
            %add3A_654 = vector.broadcast %add3A_653 : i32 to vector<16xi32>
            %add3A_655 = arith.addi %xor3A_649, %add3A_654 : vector<16xi32>
            %select_n3A_656 = arith.select %lt3A_652, %add3A_655, %xor3A_649 : vector<16xi1>, vector<16xi32>
            %broadcast_in_dim3A_657 = vector.shape_cast %select_n3A_656 : vector<16xi32> to vector<16x1xi32>
            %gather3A_658 = vector.shape_cast %broadcast_in_dim3A_657 : vector<16x1xi32> to vector<16xi32>
            %gather3A_659 = tpu.dynamic_gather %add3A_646[%gather3A_658] in [0] : vector<16xf32>, vector<16xi32> -> vector<16xf32>
            %add3A_660 = arith.addf %add3A_646, %gather3A_659 : vector<16xf32>
            %add3A_661 = arith.addf %add3A_660, %get3A_188 : vector<16xf32>
            %neg3A = arith.constant 0.000000e+00 : f32
            %neg3A_662 = vector.broadcast %neg3A : f32 to vector<16xf32>
            %neg3A_663 = arith.subf %neg3A_662, %add3A_661 : vector<16xf32>
            %exp3A = math.exp %neg3A_663 : vector<16xf32>
            %add3A_664 = arith.constant 1.000000e+00 : f32
            %add3A_665 = vector.broadcast %add3A_664 : f32 to vector<16xf32>
            %add3A_666 = arith.addf %add3A_665, %exp3A : vector<16xf32>
            %div3A_667 = arith.constant 1.000000e+00 : f32
            %div3A_668 = vector.broadcast %div3A_667 : f32 to vector<16xf32>
            %div3A_669 = arith.divf %div3A_668, %add3A_666 : vector<16xf32>
            %mul3A_670 = arith.mulf %get3A_563, %get3A_172 : vector<16xf32>
            %mul3A_671 = arith.mulf %get3A_567, %get3A_174 : vector<16xf32>
            %mul3A_672 = arith.mulf %get3A_571, %get3A_176 : vector<16xf32>
            %mul3A_673 = arith.mulf %get3A_575, %get3A_178 : vector<16xf32>
            %mul3A_674 = arith.mulf %get3A_579, %get3A_180 : vector<16xf32>
            %mul3A_675 = arith.mulf %get3A_583, %get3A_182 : vector<16xf32>
            %mul3A_676 = arith.mulf %get3A_587, %get3A_184 : vector<16xf32>
            %mul3A_677 = arith.mulf %get3A_591, %get3A_186 : vector<16xf32>
            %add3A_678 = arith.addf %mul3A_670, %mul3A_671 : vector<16xf32>
            %add3A_679 = arith.addf %mul3A_672, %mul3A_673 : vector<16xf32>
            %add3A_680 = arith.addf %add3A_678, %add3A_679 : vector<16xf32>
            %add3A_681 = arith.addf %mul3A_674, %mul3A_675 : vector<16xf32>
            %add3A_682 = arith.addf %mul3A_676, %mul3A_677 : vector<16xf32>
            %add3A_683 = arith.addf %add3A_681, %add3A_682 : vector<16xf32>
            %add3A_684 = arith.addf %add3A_680, %add3A_683 : vector<16xf32>
            %xor3A_685 = arith.constant 8 : i32
            %xor3A_686 = vector.broadcast %xor3A_685 : i32 to vector<16xi32>
            %xor3A_687 = arith.xori %iota3A, %xor3A_686 : vector<16xi32>
            %lt3A_688 = arith.constant 0 : i32
            %lt3A_689 = vector.broadcast %lt3A_688 : i32 to vector<16xi32>
            %lt3A_690 = arith.cmpi slt, %xor3A_687, %lt3A_689 : vector<16xi32>
            %add3A_691 = arith.constant 16 : i32
            %add3A_692 = vector.broadcast %add3A_691 : i32 to vector<16xi32>
            %add3A_693 = arith.addi %xor3A_687, %add3A_692 : vector<16xi32>
            %select_n3A_694 = arith.select %lt3A_690, %add3A_693, %xor3A_687 : vector<16xi1>, vector<16xi32>
            %broadcast_in_dim3A_695 = vector.shape_cast %select_n3A_694 : vector<16xi32> to vector<16x1xi32>
            %gather3A_696 = vector.shape_cast %broadcast_in_dim3A_695 : vector<16x1xi32> to vector<16xi32>
            %gather3A_697 = tpu.dynamic_gather %add3A_684[%gather3A_696] in [0] : vector<16xf32>, vector<16xi32> -> vector<16xf32>
            %add3A_698 = arith.addf %add3A_684, %gather3A_697 : vector<16xf32>
            %xor3A_699 = arith.constant 4 : i32
            %xor3A_700 = vector.broadcast %xor3A_699 : i32 to vector<16xi32>
            %xor3A_701 = arith.xori %iota3A, %xor3A_700 : vector<16xi32>
            %lt3A_702 = arith.constant 0 : i32
            %lt3A_703 = vector.broadcast %lt3A_702 : i32 to vector<16xi32>
            %lt3A_704 = arith.cmpi slt, %xor3A_701, %lt3A_703 : vector<16xi32>
            %add3A_705 = arith.constant 16 : i32
            %add3A_706 = vector.broadcast %add3A_705 : i32 to vector<16xi32>
            %add3A_707 = arith.addi %xor3A_701, %add3A_706 : vector<16xi32>
            %select_n3A_708 = arith.select %lt3A_704, %add3A_707, %xor3A_701 : vector<16xi1>, vector<16xi32>
            %broadcast_in_dim3A_709 = vector.shape_cast %select_n3A_708 : vector<16xi32> to vector<16x1xi32>
            %gather3A_710 = vector.shape_cast %broadcast_in_dim3A_709 : vector<16x1xi32> to vector<16xi32>
            %gather3A_711 = tpu.dynamic_gather %add3A_698[%gather3A_710] in [0] : vector<16xf32>, vector<16xi32> -> vector<16xf32>
            %add3A_712 = arith.addf %add3A_698, %gather3A_711 : vector<16xf32>
            %xor3A_713 = arith.constant 2 : i32
            %xor3A_714 = vector.broadcast %xor3A_713 : i32 to vector<16xi32>
            %xor3A_715 = arith.xori %iota3A, %xor3A_714 : vector<16xi32>
            %lt3A_716 = arith.constant 0 : i32
            %lt3A_717 = vector.broadcast %lt3A_716 : i32 to vector<16xi32>
            %lt3A_718 = arith.cmpi slt, %xor3A_715, %lt3A_717 : vector<16xi32>
            %add3A_719 = arith.constant 16 : i32
            %add3A_720 = vector.broadcast %add3A_719 : i32 to vector<16xi32>
            %add3A_721 = arith.addi %xor3A_715, %add3A_720 : vector<16xi32>
            %select_n3A_722 = arith.select %lt3A_718, %add3A_721, %xor3A_715 : vector<16xi1>, vector<16xi32>
            %broadcast_in_dim3A_723 = vector.shape_cast %select_n3A_722 : vector<16xi32> to vector<16x1xi32>
            %gather3A_724 = vector.shape_cast %broadcast_in_dim3A_723 : vector<16x1xi32> to vector<16xi32>
            %gather3A_725 = tpu.dynamic_gather %add3A_712[%gather3A_724] in [0] : vector<16xf32>, vector<16xi32> -> vector<16xf32>
            %add3A_726 = arith.addf %add3A_712, %gather3A_725 : vector<16xf32>
            %xor3A_727 = arith.constant 1 : i32
            %xor3A_728 = vector.broadcast %xor3A_727 : i32 to vector<16xi32>
            %xor3A_729 = arith.xori %iota3A, %xor3A_728 : vector<16xi32>
            %lt3A_730 = arith.constant 0 : i32
            %lt3A_731 = vector.broadcast %lt3A_730 : i32 to vector<16xi32>
            %lt3A_732 = arith.cmpi slt, %xor3A_729, %lt3A_731 : vector<16xi32>
            %add3A_733 = arith.constant 16 : i32
            %add3A_734 = vector.broadcast %add3A_733 : i32 to vector<16xi32>
            %add3A_735 = arith.addi %xor3A_729, %add3A_734 : vector<16xi32>
            %select_n3A_736 = arith.select %lt3A_732, %add3A_735, %xor3A_729 : vector<16xi1>, vector<16xi32>
            %broadcast_in_dim3A_737 = vector.shape_cast %select_n3A_736 : vector<16xi32> to vector<16x1xi32>
            %gather3A_738 = vector.shape_cast %broadcast_in_dim3A_737 : vector<16x1xi32> to vector<16xi32>
            %gather3A_739 = tpu.dynamic_gather %add3A_726[%gather3A_738] in [0] : vector<16xf32>, vector<16xi32> -> vector<16xf32>
            %add3A_740 = arith.addf %add3A_726, %gather3A_739 : vector<16xf32>
            %add3A_741 = arith.addf %add3A_740, %get3A_188 : vector<16xf32>
            %neg3A_742 = arith.constant 0.000000e+00 : f32
            %neg3A_743 = vector.broadcast %neg3A_742 : f32 to vector<16xf32>
            %neg3A_744 = arith.subf %neg3A_743, %add3A_741 : vector<16xf32>
            %exp3A_745 = math.exp %neg3A_744 : vector<16xf32>
            %add3A_746 = arith.constant 1.000000e+00 : f32
            %add3A_747 = vector.broadcast %add3A_746 : f32 to vector<16xf32>
            %add3A_748 = arith.addf %add3A_747, %exp3A_745 : vector<16xf32>
            %div3A_749 = arith.constant 1.000000e+00 : f32
            %div3A_750 = vector.broadcast %div3A_749 : f32 to vector<16xf32>
            %div3A_751 = arith.divf %div3A_750, %add3A_748 : vector<16xf32>
            %mul3A_752 = arith.mulf %get3A_529, %div3A_669 : vector<16xf32>
            %mul3A_753 = arith.mulf %get3A_563, %div3A_751 : vector<16xf32>
            %add3A_754 = arith.addf %mul3A_752, %mul3A_753 : vector<16xf32>
            %add3A_755 = arith.addf %while3A_506, %add3A_754 : vector<16xf32>
            %mul3A_756 = arith.mulf %get3A_533, %div3A_669 : vector<16xf32>
            %mul3A_757 = arith.mulf %get3A_567, %div3A_751 : vector<16xf32>
            %add3A_758 = arith.addf %mul3A_756, %mul3A_757 : vector<16xf32>
            %add3A_759 = arith.addf %while3A_507, %add3A_758 : vector<16xf32>
            %mul3A_760 = arith.mulf %get3A_537, %div3A_669 : vector<16xf32>
            %mul3A_761 = arith.mulf %get3A_571, %div3A_751 : vector<16xf32>
            %add3A_762 = arith.addf %mul3A_760, %mul3A_761 : vector<16xf32>
            %add3A_763 = arith.addf %while3A_508, %add3A_762 : vector<16xf32>
            %mul3A_764 = arith.mulf %get3A_541, %div3A_669 : vector<16xf32>
            %mul3A_765 = arith.mulf %get3A_575, %div3A_751 : vector<16xf32>
            %add3A_766 = arith.addf %mul3A_764, %mul3A_765 : vector<16xf32>
            %add3A_767 = arith.addf %while3A_509, %add3A_766 : vector<16xf32>
            %mul3A_768 = arith.mulf %get3A_545, %div3A_669 : vector<16xf32>
            %mul3A_769 = arith.mulf %get3A_579, %div3A_751 : vector<16xf32>
            %add3A_770 = arith.addf %mul3A_768, %mul3A_769 : vector<16xf32>
            %add3A_771 = arith.addf %while3A_510, %add3A_770 : vector<16xf32>
            %mul3A_772 = arith.mulf %get3A_549, %div3A_669 : vector<16xf32>
            %mul3A_773 = arith.mulf %get3A_583, %div3A_751 : vector<16xf32>
            %add3A_774 = arith.addf %mul3A_772, %mul3A_773 : vector<16xf32>
            %add3A_775 = arith.addf %while3A_511, %add3A_774 : vector<16xf32>
            %mul3A_776 = arith.mulf %get3A_553, %div3A_669 : vector<16xf32>
            %mul3A_777 = arith.mulf %get3A_587, %div3A_751 : vector<16xf32>
            %add3A_778 = arith.addf %mul3A_776, %mul3A_777 : vector<16xf32>
            %add3A_779 = arith.addf %while3A_512, %add3A_778 : vector<16xf32>
            %mul3A_780 = arith.mulf %get3A_557, %div3A_669 : vector<16xf32>
            %mul3A_781 = arith.mulf %get3A_591, %div3A_751 : vector<16xf32>
            %add3A_782 = arith.addf %mul3A_780, %mul3A_781 : vector<16xf32>
            %add3A_783 = arith.addf %while3A_513, %add3A_782 : vector<16xf32>
            %max3A_784 = arith.maximumf %get3A_529, %get3A_563 : vector<16xf32>
            %max3A_785 = arith.maximumf %while3A_514, %max3A_784 : vector<16xf32>
            %max3A_786 = arith.maximumf %get3A_533, %get3A_567 : vector<16xf32>
            %max3A_787 = arith.maximumf %while3A_515, %max3A_786 : vector<16xf32>
            %max3A_788 = arith.maximumf %get3A_537, %get3A_571 : vector<16xf32>
            %max3A_789 = arith.maximumf %while3A_516, %max3A_788 : vector<16xf32>
            %max3A_790 = arith.maximumf %get3A_541, %get3A_575 : vector<16xf32>
            %max3A_791 = arith.maximumf %while3A_517, %max3A_790 : vector<16xf32>
            %max3A_792 = arith.maximumf %get3A_545, %get3A_579 : vector<16xf32>
            %max3A_793 = arith.maximumf %while3A_518, %max3A_792 : vector<16xf32>
            %max3A_794 = arith.maximumf %get3A_549, %get3A_583 : vector<16xf32>
            %max3A_795 = arith.maximumf %while3A_519, %max3A_794 : vector<16xf32>
            %max3A_796 = arith.maximumf %get3A_553, %get3A_587 : vector<16xf32>
            %max3A_797 = arith.maximumf %while3A_520, %max3A_796 : vector<16xf32>
            %max3A_798 = arith.maximumf %get3A_557, %get3A_591 : vector<16xf32>
            %max3A_799 = arith.maximumf %while3A_521, %max3A_798 : vector<16xf32>
            scf.yield %add3A_755, %add3A_759, %add3A_763, %add3A_767, %add3A_771, %add3A_775, %add3A_779, %add3A_783, %max3A_785, %max3A_787, %max3A_789, %max3A_791, %max3A_793, %max3A_795, %max3A_797, %max3A_799 : vector<16xf32>, vector<16xf32>, vector<16xf32>, vector<16xf32>, vector<16xf32>, vector<16xf32>, vector<16xf32>, vector<16xf32>, vector<16xf32>, vector<16xf32>, vector<16xf32>, vector<16xf32>, vector<16xf32>, vector<16xf32>, vector<16xf32>, vector<16xf32>
          }
          %while3A_379 = arith.constant 1 : i32
          %while3A_380:16 = scf.for %while3A_505 = %while3A_376 to %while3A_372 step %while3A_379 iter_args(%while3A_506 = %while3A_378#0, %while3A_507 = %while3A_378#1, %while3A_508 = %while3A_378#2, %while3A_509 = %while3A_378#3, %while3A_510 = %while3A_378#4, %while3A_511 = %while3A_378#5, %while3A_512 = %while3A_378#6, %while3A_513 = %while3A_378#7, %while3A_514 = %while3A_378#8, %while3A_515 = %while3A_378#9, %while3A_516 = %while3A_378#10, %while3A_517 = %while3A_378#11, %while3A_518 = %while3A_378#12, %while3A_519 = %while3A_378#13, %while3A_520 = %while3A_378#14, %while3A_521 = %while3A_378#15) -> (vector<16xf32>, vector<16xf32>, vector<16xf32>, vector<16xf32>, vector<16xf32>, vector<16xf32>, vector<16xf32>, vector<16xf32>, vector<16xf32>, vector<16xf32>, vector<16xf32>, vector<16xf32>, vector<16xf32>, vector<16xf32>, vector<16xf32>, vector<16xf32>)  : i32 {
            %sub3A_522 = arith.subi %max3A_338, %multiple_of3A_284 : i32
            %mul3A_523 = arith.constant 2 : i32
            %mul3A_524 = arith.muli %mul3A_523, %while3A_505 : i32
            %add3A_525 = arith.addi %sub3A_522, %mul3A_524 : i32
            %get3A_526 = arith.index_cast %rem3A_278 : i32 to index
            %get3A_527 = arith.index_cast %add3A_525 : i32 to index
            %get3A_528 = arith.constant 0 : index
            %get3A_529 = tpu.vector_load %arg8[%get3A_526, %get3A_527, %get3A_528] {strides = array<i32>} : memref<2x256x128xf32, #tpu.memory_space<vmem>>, vector<16xf32>,
            %get3A_530 = arith.index_cast %rem3A_278 : i32 to index
            %get3A_531 = arith.index_cast %add3A_525 : i32 to index
            %get3A_532 = arith.constant 16 : index
            %get3A_533 = tpu.vector_load %arg8[%get3A_530, %get3A_531, %get3A_532] {strides = array<i32>} : memref<2x256x128xf32, #tpu.memory_space<vmem>>, vector<16xf32>,
            %get3A_534 = arith.index_cast %rem3A_278 : i32 to index
            %get3A_535 = arith.index_cast %add3A_525 : i32 to index
            %get3A_536 = arith.constant 32 : index
            %get3A_537 = tpu.vector_load %arg8[%get3A_534, %get3A_535, %get3A_536] {strides = array<i32>} : memref<2x256x128xf32, #tpu.memory_space<vmem>>, vector<16xf32>,
            %get3A_538 = arith.index_cast %rem3A_278 : i32 to index
            %get3A_539 = arith.index_cast %add3A_525 : i32 to index
            %get3A_540 = arith.constant 48 : index
            %get3A_541 = tpu.vector_load %arg8[%get3A_538, %get3A_539, %get3A_540] {strides = array<i32>} : memref<2x256x128xf32, #tpu.memory_space<vmem>>, vector<16xf32>,
            %get3A_542 = arith.index_cast %rem3A_278 : i32 to index
            %get3A_543 = arith.index_cast %add3A_525 : i32 to index
            %get3A_544 = arith.constant 64 : index
            %get3A_545 = tpu.vector_load %arg8[%get3A_542, %get3A_543, %get3A_544] {strides = array<i32>} : memref<2x256x128xf32, #tpu.memory_space<vmem>>, vector<16xf32>,
            %get3A_546 = arith.index_cast %rem3A_278 : i32 to index
            %get3A_547 = arith.index_cast %add3A_525 : i32 to index
            %get3A_548 = arith.constant 80 : index
            %get3A_549 = tpu.vector_load %arg8[%get3A_546, %get3A_547, %get3A_548] {strides = array<i32>} : memref<2x256x128xf32, #tpu.memory_space<vmem>>, vector<16xf32>,
            %get3A_550 = arith.index_cast %rem3A_278 : i32 to index
            %get3A_551 = arith.index_cast %add3A_525 : i32 to index
            %get3A_552 = arith.constant 96 : index
            %get3A_553 = tpu.vector_load %arg8[%get3A_550, %get3A_551, %get3A_552] {strides = array<i32>} : memref<2x256x128xf32, #tpu.memory_space<vmem>>, vector<16xf32>,
            %get3A_554 = arith.index_cast %rem3A_278 : i32 to index
            %get3A_555 = arith.index_cast %add3A_525 : i32 to index
            %get3A_556 = arith.constant 112 : index
            %get3A_557 = tpu.vector_load %arg8[%get3A_554, %get3A_555, %get3A_556] {strides = array<i32>} : memref<2x256x128xf32, #tpu.memory_space<vmem>>, vector<16xf32>,
            %add3A_558 = arith.constant 1 : i32
            %add3A_559 = arith.addi %add3A_525, %add3A_558 : i32
            %get3A_560 = arith.index_cast %rem3A_278 : i32 to index
            %get3A_561 = arith.index_cast %add3A_559 : i32 to index
            %get3A_562 = arith.constant 0 : index
            %get3A_563 = tpu.vector_load %arg8[%get3A_560, %get3A_561, %get3A_562] {strides = array<i32>} : memref<2x256x128xf32, #tpu.memory_space<vmem>>, vector<16xf32>,
            %get3A_564 = arith.index_cast %rem3A_278 : i32 to index
            %get3A_565 = arith.index_cast %add3A_559 : i32 to index
            %get3A_566 = arith.constant 16 : index
            %get3A_567 = tpu.vector_load %arg8[%get3A_564, %get3A_565, %get3A_566] {strides = array<i32>} : memref<2x256x128xf32, #tpu.memory_space<vmem>>, vector<16xf32>,
            %get3A_568 = arith.index_cast %rem3A_278 : i32 to index
            %get3A_569 = arith.index_cast %add3A_559 : i32 to index
            %get3A_570 = arith.constant 32 : index
            %get3A_571 = tpu.vector_load %arg8[%get3A_568, %get3A_569, %get3A_570] {strides = array<i32>} : memref<2x256x128xf32, #tpu.memory_space<vmem>>, vector<16xf32>,
            %get3A_572 = arith.index_cast %rem3A_278 : i32 to index
            %get3A_573 = arith.index_cast %add3A_559 : i32 to index
            %get3A_574 = arith.constant 48 : index
            %get3A_575 = tpu.vector_load %arg8[%get3A_572, %get3A_573, %get3A_574] {strides = array<i32>} : memref<2x256x128xf32, #tpu.memory_space<vmem>>, vector<16xf32>,
            %get3A_576 = arith.index_cast %rem3A_278 : i32 to index
            %get3A_577 = arith.index_cast %add3A_559 : i32 to index
            %get3A_578 = arith.constant 64 : index
            %get3A_579 = tpu.vector_load %arg8[%get3A_576, %get3A_577, %get3A_578] {strides = array<i32>} : memref<2x256x128xf32, #tpu.memory_space<vmem>>, vector<16xf32>,
            %get3A_580 = arith.index_cast %rem3A_278 : i32 to index
            %get3A_581 = arith.index_cast %add3A_559 : i32 to index
            %get3A_582 = arith.constant 80 : index
            %get3A_583 = tpu.vector_load %arg8[%get3A_580, %get3A_581, %get3A_582] {strides = array<i32>} : memref<2x256x128xf32, #tpu.memory_space<vmem>>, vector<16xf32>,
            %get3A_584 = arith.index_cast %rem3A_278 : i32 to index
            %get3A_585 = arith.index_cast %add3A_559 : i32 to index
            %get3A_586 = arith.constant 96 : index
            %get3A_587 = tpu.vector_load %arg8[%get3A_584, %get3A_585, %get3A_586] {strides = array<i32>} : memref<2x256x128xf32, #tpu.memory_space<vmem>>, vector<16xf32>,
            %get3A_588 = arith.index_cast %rem3A_278 : i32 to index
            %get3A_589 = arith.index_cast %add3A_559 : i32 to index
            %get3A_590 = arith.constant 112 : index
            %get3A_591 = tpu.vector_load %arg8[%get3A_588, %get3A_589, %get3A_590] {strides = array<i32>} : memref<2x256x128xf32, #tpu.memory_space<vmem>>, vector<16xf32>,
            %mul3A_592 = arith.mulf %get3A_529, %get3A_172 : vector<16xf32>
            %mul3A_593 = arith.mulf %get3A_533, %get3A_174 : vector<16xf32>
            %mul3A_594 = arith.mulf %get3A_537, %get3A_176 : vector<16xf32>
            %mul3A_595 = arith.mulf %get3A_541, %get3A_178 : vector<16xf32>
            %mul3A_596 = arith.mulf %get3A_545, %get3A_180 : vector<16xf32>
            %mul3A_597 = arith.mulf %get3A_549, %get3A_182 : vector<16xf32>
            %mul3A_598 = arith.mulf %get3A_553, %get3A_184 : vector<16xf32>
            %mul3A_599 = arith.mulf %get3A_557, %get3A_186 : vector<16xf32>
            %add3A_600 = arith.addf %mul3A_592, %mul3A_593 : vector<16xf32>
            %add3A_601 = arith.addf %mul3A_594, %mul3A_595 : vector<16xf32>
            %add3A_602 = arith.addf %add3A_600, %add3A_601 : vector<16xf32>
            %add3A_603 = arith.addf %mul3A_596, %mul3A_597 : vector<16xf32>
            %add3A_604 = arith.addf %mul3A_598, %mul3A_599 : vector<16xf32>
            %add3A_605 = arith.addf %add3A_603, %add3A_604 : vector<16xf32>
            %add3A_606 = arith.addf %add3A_602, %add3A_605 : vector<16xf32>
            %xor3A = arith.constant 8 : i32
            %xor3A_607 = vector.broadcast %xor3A : i32 to vector<16xi32>
            %xor3A_608 = arith.xori %iota3A, %xor3A_607 : vector<16xi32>
            %lt3A_609 = arith.constant 0 : i32
            %lt3A_610 = vector.broadcast %lt3A_609 : i32 to vector<16xi32>
            %lt3A_611 = arith.cmpi slt, %xor3A_608, %lt3A_610 : vector<16xi32>
            %add3A_612 = arith.constant 16 : i32
            %add3A_613 = vector.broadcast %add3A_612 : i32 to vector<16xi32>
            %add3A_614 = arith.addi %xor3A_608, %add3A_613 : vector<16xi32>
            %select_n3A_615 = arith.select %lt3A_611, %add3A_614, %xor3A_608 : vector<16xi1>, vector<16xi32>
            %broadcast_in_dim3A_616 = vector.shape_cast %select_n3A_615 : vector<16xi32> to vector<16x1xi32>
            %gather3A = vector.shape_cast %broadcast_in_dim3A_616 : vector<16x1xi32> to vector<16xi32>
            %gather3A_617 = tpu.dynamic_gather %add3A_606[%gather3A] in [0] : vector<16xf32>, vector<16xi32> -> vector<16xf32>
            %add3A_618 = arith.addf %add3A_606, %gather3A_617 : vector<16xf32>
            %xor3A_619 = arith.constant 4 : i32
            %xor3A_620 = vector.broadcast %xor3A_619 : i32 to vector<16xi32>
            %xor3A_621 = arith.xori %iota3A, %xor3A_620 : vector<16xi32>
            %lt3A_622 = arith.constant 0 : i32
            %lt3A_623 = vector.broadcast %lt3A_622 : i32 to vector<16xi32>
            %lt3A_624 = arith.cmpi slt, %xor3A_621, %lt3A_623 : vector<16xi32>
            %add3A_625 = arith.constant 16 : i32
            %add3A_626 = vector.broadcast %add3A_625 : i32 to vector<16xi32>
            %add3A_627 = arith.addi %xor3A_621, %add3A_626 : vector<16xi32>
            %select_n3A_628 = arith.select %lt3A_624, %add3A_627, %xor3A_621 : vector<16xi1>, vector<16xi32>
            %broadcast_in_dim3A_629 = vector.shape_cast %select_n3A_628 : vector<16xi32> to vector<16x1xi32>
            %gather3A_630 = vector.shape_cast %broadcast_in_dim3A_629 : vector<16x1xi32> to vector<16xi32>
            %gather3A_631 = tpu.dynamic_gather %add3A_618[%gather3A_630] in [0] : vector<16xf32>, vector<16xi32> -> vector<16xf32>
            %add3A_632 = arith.addf %add3A_618, %gather3A_631 : vector<16xf32>
            %xor3A_633 = arith.constant 2 : i32
            %xor3A_634 = vector.broadcast %xor3A_633 : i32 to vector<16xi32>
            %xor3A_635 = arith.xori %iota3A, %xor3A_634 : vector<16xi32>
            %lt3A_636 = arith.constant 0 : i32
            %lt3A_637 = vector.broadcast %lt3A_636 : i32 to vector<16xi32>
            %lt3A_638 = arith.cmpi slt, %xor3A_635, %lt3A_637 : vector<16xi32>
            %add3A_639 = arith.constant 16 : i32
            %add3A_640 = vector.broadcast %add3A_639 : i32 to vector<16xi32>
            %add3A_641 = arith.addi %xor3A_635, %add3A_640 : vector<16xi32>
            %select_n3A_642 = arith.select %lt3A_638, %add3A_641, %xor3A_635 : vector<16xi1>, vector<16xi32>
            %broadcast_in_dim3A_643 = vector.shape_cast %select_n3A_642 : vector<16xi32> to vector<16x1xi32>
            %gather3A_644 = vector.shape_cast %broadcast_in_dim3A_643 : vector<16x1xi32> to vector<16xi32>
            %gather3A_645 = tpu.dynamic_gather %add3A_632[%gather3A_644] in [0] : vector<16xf32>, vector<16xi32> -> vector<16xf32>
            %add3A_646 = arith.addf %add3A_632, %gather3A_645 : vector<16xf32>
            %xor3A_647 = arith.constant 1 : i32
            %xor3A_648 = vector.broadcast %xor3A_647 : i32 to vector<16xi32>
            %xor3A_649 = arith.xori %iota3A, %xor3A_648 : vector<16xi32>
            %lt3A_650 = arith.constant 0 : i32
            %lt3A_651 = vector.broadcast %lt3A_650 : i32 to vector<16xi32>
            %lt3A_652 = arith.cmpi slt, %xor3A_649, %lt3A_651 : vector<16xi32>
            %add3A_653 = arith.constant 16 : i32
            %add3A_654 = vector.broadcast %add3A_653 : i32 to vector<16xi32>
            %add3A_655 = arith.addi %xor3A_649, %add3A_654 : vector<16xi32>
            %select_n3A_656 = arith.select %lt3A_652, %add3A_655, %xor3A_649 : vector<16xi1>, vector<16xi32>
            %broadcast_in_dim3A_657 = vector.shape_cast %select_n3A_656 : vector<16xi32> to vector<16x1xi32>
            %gather3A_658 = vector.shape_cast %broadcast_in_dim3A_657 : vector<16x1xi32> to vector<16xi32>
            %gather3A_659 = tpu.dynamic_gather %add3A_646[%gather3A_658] in [0] : vector<16xf32>, vector<16xi32> -> vector<16xf32>
            %add3A_660 = arith.addf %add3A_646, %gather3A_659 : vector<16xf32>
            %add3A_661 = arith.addf %add3A_660, %get3A_188 : vector<16xf32>
            %neg3A = arith.constant 0.000000e+00 : f32
            %neg3A_662 = vector.broadcast %neg3A : f32 to vector<16xf32>
            %neg3A_663 = arith.subf %neg3A_662, %add3A_661 : vector<16xf32>
            %exp3A = math.exp %neg3A_663 : vector<16xf32>
            %add3A_664 = arith.constant 1.000000e+00 : f32
            %add3A_665 = vector.broadcast %add3A_664 : f32 to vector<16xf32>
            %add3A_666 = arith.addf %add3A_665, %exp3A : vector<16xf32>
            %div3A_667 = arith.constant 1.000000e+00 : f32
            %div3A_668 = vector.broadcast %div3A_667 : f32 to vector<16xf32>
            %div3A_669 = arith.divf %div3A_668, %add3A_666 : vector<16xf32>
            %mul3A_670 = arith.mulf %get3A_563, %get3A_172 : vector<16xf32>
            %mul3A_671 = arith.mulf %get3A_567, %get3A_174 : vector<16xf32>
            %mul3A_672 = arith.mulf %get3A_571, %get3A_176 : vector<16xf32>
            %mul3A_673 = arith.mulf %get3A_575, %get3A_178 : vector<16xf32>
            %mul3A_674 = arith.mulf %get3A_579, %get3A_180 : vector<16xf32>
            %mul3A_675 = arith.mulf %get3A_583, %get3A_182 : vector<16xf32>
            %mul3A_676 = arith.mulf %get3A_587, %get3A_184 : vector<16xf32>
            %mul3A_677 = arith.mulf %get3A_591, %get3A_186 : vector<16xf32>
            %add3A_678 = arith.addf %mul3A_670, %mul3A_671 : vector<16xf32>
            %add3A_679 = arith.addf %mul3A_672, %mul3A_673 : vector<16xf32>
            %add3A_680 = arith.addf %add3A_678, %add3A_679 : vector<16xf32>
            %add3A_681 = arith.addf %mul3A_674, %mul3A_675 : vector<16xf32>
            %add3A_682 = arith.addf %mul3A_676, %mul3A_677 : vector<16xf32>
            %add3A_683 = arith.addf %add3A_681, %add3A_682 : vector<16xf32>
            %add3A_684 = arith.addf %add3A_680, %add3A_683 : vector<16xf32>
            %xor3A_685 = arith.constant 8 : i32
            %xor3A_686 = vector.broadcast %xor3A_685 : i32 to vector<16xi32>
            %xor3A_687 = arith.xori %iota3A, %xor3A_686 : vector<16xi32>
            %lt3A_688 = arith.constant 0 : i32
            %lt3A_689 = vector.broadcast %lt3A_688 : i32 to vector<16xi32>
            %lt3A_690 = arith.cmpi slt, %xor3A_687, %lt3A_689 : vector<16xi32>
            %add3A_691 = arith.constant 16 : i32
            %add3A_692 = vector.broadcast %add3A_691 : i32 to vector<16xi32>
            %add3A_693 = arith.addi %xor3A_687, %add3A_692 : vector<16xi32>
            %select_n3A_694 = arith.select %lt3A_690, %add3A_693, %xor3A_687 : vector<16xi1>, vector<16xi32>
            %broadcast_in_dim3A_695 = vector.shape_cast %select_n3A_694 : vector<16xi32> to vector<16x1xi32>
            %gather3A_696 = vector.shape_cast %broadcast_in_dim3A_695 : vector<16x1xi32> to vector<16xi32>
            %gather3A_697 = tpu.dynamic_gather %add3A_684[%gather3A_696] in [0] : vector<16xf32>, vector<16xi32> -> vector<16xf32>
            %add3A_698 = arith.addf %add3A_684, %gather3A_697 : vector<16xf32>
            %xor3A_699 = arith.constant 4 : i32
            %xor3A_700 = vector.broadcast %xor3A_699 : i32 to vector<16xi32>
            %xor3A_701 = arith.xori %iota3A, %xor3A_700 : vector<16xi32>
            %lt3A_702 = arith.constant 0 : i32
            %lt3A_703 = vector.broadcast %lt3A_702 : i32 to vector<16xi32>
            %lt3A_704 = arith.cmpi slt, %xor3A_701, %lt3A_703 : vector<16xi32>
            %add3A_705 = arith.constant 16 : i32
            %add3A_706 = vector.broadcast %add3A_705 : i32 to vector<16xi32>
            %add3A_707 = arith.addi %xor3A_701, %add3A_706 : vector<16xi32>
            %select_n3A_708 = arith.select %lt3A_704, %add3A_707, %xor3A_701 : vector<16xi1>, vector<16xi32>
            %broadcast_in_dim3A_709 = vector.shape_cast %select_n3A_708 : vector<16xi32> to vector<16x1xi32>
            %gather3A_710 = vector.shape_cast %broadcast_in_dim3A_709 : vector<16x1xi32> to vector<16xi32>
            %gather3A_711 = tpu.dynamic_gather %add3A_698[%gather3A_710] in [0] : vector<16xf32>, vector<16xi32> -> vector<16xf32>
            %add3A_712 = arith.addf %add3A_698, %gather3A_711 : vector<16xf32>
            %xor3A_713 = arith.constant 2 : i32
            %xor3A_714 = vector.broadcast %xor3A_713 : i32 to vector<16xi32>
            %xor3A_715 = arith.xori %iota3A, %xor3A_714 : vector<16xi32>
            %lt3A_716 = arith.constant 0 : i32
            %lt3A_717 = vector.broadcast %lt3A_716 : i32 to vector<16xi32>
            %lt3A_718 = arith.cmpi slt, %xor3A_715, %lt3A_717 : vector<16xi32>
            %add3A_719 = arith.constant 16 : i32
            %add3A_720 = vector.broadcast %add3A_719 : i32 to vector<16xi32>
            %add3A_721 = arith.addi %xor3A_715, %add3A_720 : vector<16xi32>
            %select_n3A_722 = arith.select %lt3A_718, %add3A_721, %xor3A_715 : vector<16xi1>, vector<16xi32>
            %broadcast_in_dim3A_723 = vector.shape_cast %select_n3A_722 : vector<16xi32> to vector<16x1xi32>
            %gather3A_724 = vector.shape_cast %broadcast_in_dim3A_723 : vector<16x1xi32> to vector<16xi32>
            %gather3A_725 = tpu.dynamic_gather %add3A_712[%gather3A_724] in [0] : vector<16xf32>, vector<16xi32> -> vector<16xf32>
            %add3A_726 = arith.addf %add3A_712, %gather3A_725 : vector<16xf32>
            %xor3A_727 = arith.constant 1 : i32
            %xor3A_728 = vector.broadcast %xor3A_727 : i32 to vector<16xi32>
            %xor3A_729 = arith.xori %iota3A, %xor3A_728 : vector<16xi32>
            %lt3A_730 = arith.constant 0 : i32
            %lt3A_731 = vector.broadcast %lt3A_730 : i32 to vector<16xi32>
            %lt3A_732 = arith.cmpi slt, %xor3A_729, %lt3A_731 : vector<16xi32>
            %add3A_733 = arith.constant 16 : i32
            %add3A_734 = vector.broadcast %add3A_733 : i32 to vector<16xi32>
            %add3A_735 = arith.addi %xor3A_729, %add3A_734 : vector<16xi32>
            %select_n3A_736 = arith.select %lt3A_732, %add3A_735, %xor3A_729 : vector<16xi1>, vector<16xi32>
            %broadcast_in_dim3A_737 = vector.shape_cast %select_n3A_736 : vector<16xi32> to vector<16x1xi32>
            %gather3A_738 = vector.shape_cast %broadcast_in_dim3A_737 : vector<16x1xi32> to vector<16xi32>
            %gather3A_739 = tpu.dynamic_gather %add3A_726[%gather3A_738] in [0] : vector<16xf32>, vector<16xi32> -> vector<16xf32>
            %add3A_740 = arith.addf %add3A_726, %gather3A_739 : vector<16xf32>
            %add3A_741 = arith.addf %add3A_740, %get3A_188 : vector<16xf32>
            %neg3A_742 = arith.constant 0.000000e+00 : f32
            %neg3A_743 = vector.broadcast %neg3A_742 : f32 to vector<16xf32>
            %neg3A_744 = arith.subf %neg3A_743, %add3A_741 : vector<16xf32>
            %exp3A_745 = math.exp %neg3A_744 : vector<16xf32>
            %add3A_746 = arith.constant 1.000000e+00 : f32
            %add3A_747 = vector.broadcast %add3A_746 : f32 to vector<16xf32>
            %add3A_748 = arith.addf %add3A_747, %exp3A_745 : vector<16xf32>
            %div3A_749 = arith.constant 1.000000e+00 : f32
            %div3A_750 = vector.broadcast %div3A_749 : f32 to vector<16xf32>
            %div3A_751 = arith.divf %div3A_750, %add3A_748 : vector<16xf32>
            %mul3A_752 = arith.mulf %get3A_529, %div3A_669 : vector<16xf32>
            %mul3A_753 = arith.mulf %get3A_563, %div3A_751 : vector<16xf32>
            %add3A_754 = arith.addf %mul3A_752, %mul3A_753 : vector<16xf32>
            %add3A_755 = arith.addf %while3A_506, %add3A_754 : vector<16xf32>
            %mul3A_756 = arith.mulf %get3A_533, %div3A_669 : vector<16xf32>
            %mul3A_757 = arith.mulf %get3A_567, %div3A_751 : vector<16xf32>
            %add3A_758 = arith.addf %mul3A_756, %mul3A_757 : vector<16xf32>
            %add3A_759 = arith.addf %while3A_507, %add3A_758 : vector<16xf32>
            %mul3A_760 = arith.mulf %get3A_537, %div3A_669 : vector<16xf32>
            %mul3A_761 = arith.mulf %get3A_571, %div3A_751 : vector<16xf32>
            %add3A_762 = arith.addf %mul3A_760, %mul3A_761 : vector<16xf32>
            %add3A_763 = arith.addf %while3A_508, %add3A_762 : vector<16xf32>
            %mul3A_764 = arith.mulf %get3A_541, %div3A_669 : vector<16xf32>
            %mul3A_765 = arith.mulf %get3A_575, %div3A_751 : vector<16xf32>
            %add3A_766 = arith.addf %mul3A_764, %mul3A_765 : vector<16xf32>
            %add3A_767 = arith.addf %while3A_509, %add3A_766 : vector<16xf32>
            %mul3A_768 = arith.mulf %get3A_545, %div3A_669 : vector<16xf32>
            %mul3A_769 = arith.mulf %get3A_579, %div3A_751 : vector<16xf32>
            %add3A_770 = arith.addf %mul3A_768, %mul3A_769 : vector<16xf32>
            %add3A_771 = arith.addf %while3A_510, %add3A_770 : vector<16xf32>
            %mul3A_772 = arith.mulf %get3A_549, %div3A_669 : vector<16xf32>
            %mul3A_773 = arith.mulf %get3A_583, %div3A_751 : vector<16xf32>
            %add3A_774 = arith.addf %mul3A_772, %mul3A_773 : vector<16xf32>
            %add3A_775 = arith.addf %while3A_511, %add3A_774 : vector<16xf32>
            %mul3A_776 = arith.mulf %get3A_553, %div3A_669 : vector<16xf32>
            %mul3A_777 = arith.mulf %get3A_587, %div3A_751 : vector<16xf32>
            %add3A_778 = arith.addf %mul3A_776, %mul3A_777 : vector<16xf32>
            %add3A_779 = arith.addf %while3A_512, %add3A_778 : vector<16xf32>
            %mul3A_780 = arith.mulf %get3A_557, %div3A_669 : vector<16xf32>
            %mul3A_781 = arith.mulf %get3A_591, %div3A_751 : vector<16xf32>
            %add3A_782 = arith.addf %mul3A_780, %mul3A_781 : vector<16xf32>
            %add3A_783 = arith.addf %while3A_513, %add3A_782 : vector<16xf32>
            %max3A_784 = arith.maximumf %get3A_529, %get3A_563 : vector<16xf32>
            %max3A_785 = arith.maximumf %while3A_514, %max3A_784 : vector<16xf32>
            %max3A_786 = arith.maximumf %get3A_533, %get3A_567 : vector<16xf32>
            %max3A_787 = arith.maximumf %while3A_515, %max3A_786 : vector<16xf32>
            %max3A_788 = arith.maximumf %get3A_537, %get3A_571 : vector<16xf32>
            %max3A_789 = arith.maximumf %while3A_516, %max3A_788 : vector<16xf32>
            %max3A_790 = arith.maximumf %get3A_541, %get3A_575 : vector<16xf32>
            %max3A_791 = arith.maximumf %while3A_517, %max3A_790 : vector<16xf32>
            %max3A_792 = arith.maximumf %get3A_545, %get3A_579 : vector<16xf32>
            %max3A_793 = arith.maximumf %while3A_518, %max3A_792 : vector<16xf32>
            %max3A_794 = arith.maximumf %get3A_549, %get3A_583 : vector<16xf32>
            %max3A_795 = arith.maximumf %while3A_519, %max3A_794 : vector<16xf32>
            %max3A_796 = arith.maximumf %get3A_553, %get3A_587 : vector<16xf32>
            %max3A_797 = arith.maximumf %while3A_520, %max3A_796 : vector<16xf32>
            %max3A_798 = arith.maximumf %get3A_557, %get3A_591 : vector<16xf32>
            %max3A_799 = arith.maximumf %while3A_521, %max3A_798 : vector<16xf32>
            scf.yield %add3A_755, %add3A_759, %add3A_763, %add3A_767, %add3A_771, %add3A_775, %add3A_779, %add3A_783, %max3A_785, %max3A_787, %max3A_789, %max3A_791, %max3A_793, %max3A_795, %max3A_797, %max3A_799 : vector<16xf32>, vector<16xf32>, vector<16xf32>, vector<16xf32>, vector<16xf32>, vector<16xf32>, vector<16xf32>, vector<16xf32>, vector<16xf32>, vector<16xf32>, vector<16xf32>, vector<16xf32>, vector<16xf32>, vector<16xf32>, vector<16xf32>, vector<16xf32>
          }
          %mul3A_381 = arith.constant 2 : i32
          %mul3A_382 = arith.muli %mul3A_381, %select_n3A_369 : i32
          %add3A_383 = arith.addi %max3A_338, %mul3A_382 : i32
          %while3A_384 = arith.subi %min3A_339, %add3A_383 : i32
          %while3A_385 = arith.addi %add3A_383, %while3A_384 : i32
          %while3A_386 = arith.constant 1 : i32
          %while3A_387 = arith.divsi %while3A_384, %while3A_386 : i32
          %while3A_388 = arith.muli %while3A_387, %while3A_386 : i32
          %while3A_389 = arith.addi %add3A_383, %while3A_388 : i32
          %while3A_390 = arith.constant 1 : i32
          %while3A_391:16 = scf.for %while3A_505 = %add3A_383 to %while3A_389 step %while3A_390 iter_args(%while3A_506 = %while3A_380#0, %while3A_507 = %while3A_380#1, %while3A_508 = %while3A_380#2, %while3A_509 = %while3A_380#3, %while3A_510 = %while3A_380#4, %while3A_511 = %while3A_380#5, %while3A_512 = %while3A_380#6, %while3A_513 = %while3A_380#7, %while3A_514 = %while3A_380#8, %while3A_515 = %while3A_380#9, %while3A_516 = %while3A_380#10, %while3A_517 = %while3A_380#11, %while3A_518 = %while3A_380#12, %while3A_519 = %while3A_380#13, %while3A_520 = %while3A_380#14, %while3A_521 = %while3A_380#15) -> (vector<16xf32>, vector<16xf32>, vector<16xf32>, vector<16xf32>, vector<16xf32>, vector<16xf32>, vector<16xf32>, vector<16xf32>, vector<16xf32>, vector<16xf32>, vector<16xf32>, vector<16xf32>, vector<16xf32>, vector<16xf32>, vector<16xf32>, vector<16xf32>)  : i32 {
            %sub3A_522 = arith.subi %while3A_505, %multiple_of3A_284 : i32
            %get3A_523 = arith.index_cast %rem3A_278 : i32 to index
            %get3A_524 = arith.index_cast %sub3A_522 : i32 to index
            %get3A_525 = arith.constant 0 : index
            %get3A_526 = tpu.vector_load %arg8[%get3A_523, %get3A_524, %get3A_525] {strides = array<i32>} : memref<2x256x128xf32, #tpu.memory_space<vmem>>, vector<16xf32>,
            %get3A_527 = arith.index_cast %rem3A_278 : i32 to index
            %get3A_528 = arith.index_cast %sub3A_522 : i32 to index
            %get3A_529 = arith.constant 16 : index
            %get3A_530 = tpu.vector_load %arg8[%get3A_527, %get3A_528, %get3A_529] {strides = array<i32>} : memref<2x256x128xf32, #tpu.memory_space<vmem>>, vector<16xf32>,
            %get3A_531 = arith.index_cast %rem3A_278 : i32 to index
            %get3A_532 = arith.index_cast %sub3A_522 : i32 to index
            %get3A_533 = arith.constant 32 : index
            %get3A_534 = tpu.vector_load %arg8[%get3A_531, %get3A_532, %get3A_533] {strides = array<i32>} : memref<2x256x128xf32, #tpu.memory_space<vmem>>, vector<16xf32>,
            %get3A_535 = arith.index_cast %rem3A_278 : i32 to index
            %get3A_536 = arith.index_cast %sub3A_522 : i32 to index
            %get3A_537 = arith.constant 48 : index
            %get3A_538 = tpu.vector_load %arg8[%get3A_535, %get3A_536, %get3A_537] {strides = array<i32>} : memref<2x256x128xf32, #tpu.memory_space<vmem>>, vector<16xf32>,
            %get3A_539 = arith.index_cast %rem3A_278 : i32 to index
            %get3A_540 = arith.index_cast %sub3A_522 : i32 to index
            %get3A_541 = arith.constant 64 : index
            %get3A_542 = tpu.vector_load %arg8[%get3A_539, %get3A_540, %get3A_541] {strides = array<i32>} : memref<2x256x128xf32, #tpu.memory_space<vmem>>, vector<16xf32>,
            %get3A_543 = arith.index_cast %rem3A_278 : i32 to index
            %get3A_544 = arith.index_cast %sub3A_522 : i32 to index
            %get3A_545 = arith.constant 80 : index
            %get3A_546 = tpu.vector_load %arg8[%get3A_543, %get3A_544, %get3A_545] {strides = array<i32>} : memref<2x256x128xf32, #tpu.memory_space<vmem>>, vector<16xf32>,
            %get3A_547 = arith.index_cast %rem3A_278 : i32 to index
            %get3A_548 = arith.index_cast %sub3A_522 : i32 to index
            %get3A_549 = arith.constant 96 : index
            %get3A_550 = tpu.vector_load %arg8[%get3A_547, %get3A_548, %get3A_549] {strides = array<i32>} : memref<2x256x128xf32, #tpu.memory_space<vmem>>, vector<16xf32>,
            %get3A_551 = arith.index_cast %rem3A_278 : i32 to index
            %get3A_552 = arith.index_cast %sub3A_522 : i32 to index
            %get3A_553 = arith.constant 112 : index
            %get3A_554 = tpu.vector_load %arg8[%get3A_551, %get3A_552, %get3A_553] {strides = array<i32>} : memref<2x256x128xf32, #tpu.memory_space<vmem>>, vector<16xf32>,
            %mul3A_555 = arith.mulf %get3A_526, %get3A_172 : vector<16xf32>
            %mul3A_556 = arith.mulf %get3A_530, %get3A_174 : vector<16xf32>
            %mul3A_557 = arith.mulf %get3A_534, %get3A_176 : vector<16xf32>
            %mul3A_558 = arith.mulf %get3A_538, %get3A_178 : vector<16xf32>
            %mul3A_559 = arith.mulf %get3A_542, %get3A_180 : vector<16xf32>
            %mul3A_560 = arith.mulf %get3A_546, %get3A_182 : vector<16xf32>
            %mul3A_561 = arith.mulf %get3A_550, %get3A_184 : vector<16xf32>
            %mul3A_562 = arith.mulf %get3A_554, %get3A_186 : vector<16xf32>
            %add3A_563 = arith.addf %mul3A_555, %mul3A_556 : vector<16xf32>
            %add3A_564 = arith.addf %mul3A_557, %mul3A_558 : vector<16xf32>
            %add3A_565 = arith.addf %add3A_563, %add3A_564 : vector<16xf32>
            %add3A_566 = arith.addf %mul3A_559, %mul3A_560 : vector<16xf32>
            %add3A_567 = arith.addf %mul3A_561, %mul3A_562 : vector<16xf32>
            %add3A_568 = arith.addf %add3A_566, %add3A_567 : vector<16xf32>
            %add3A_569 = arith.addf %add3A_565, %add3A_568 : vector<16xf32>
            %xor3A = arith.constant 8 : i32
            %xor3A_570 = vector.broadcast %xor3A : i32 to vector<16xi32>
            %xor3A_571 = arith.xori %iota3A, %xor3A_570 : vector<16xi32>
            %lt3A_572 = arith.constant 0 : i32
            %lt3A_573 = vector.broadcast %lt3A_572 : i32 to vector<16xi32>
            %lt3A_574 = arith.cmpi slt, %xor3A_571, %lt3A_573 : vector<16xi32>
            %add3A_575 = arith.constant 16 : i32
            %add3A_576 = vector.broadcast %add3A_575 : i32 to vector<16xi32>
            %add3A_577 = arith.addi %xor3A_571, %add3A_576 : vector<16xi32>
            %select_n3A_578 = arith.select %lt3A_574, %add3A_577, %xor3A_571 : vector<16xi1>, vector<16xi32>
            %broadcast_in_dim3A_579 = vector.shape_cast %select_n3A_578 : vector<16xi32> to vector<16x1xi32>
            %gather3A = vector.shape_cast %broadcast_in_dim3A_579 : vector<16x1xi32> to vector<16xi32>
            %gather3A_580 = tpu.dynamic_gather %add3A_569[%gather3A] in [0] : vector<16xf32>, vector<16xi32> -> vector<16xf32>
            %add3A_581 = arith.addf %add3A_569, %gather3A_580 : vector<16xf32>
            %xor3A_582 = arith.constant 4 : i32
            %xor3A_583 = vector.broadcast %xor3A_582 : i32 to vector<16xi32>
            %xor3A_584 = arith.xori %iota3A, %xor3A_583 : vector<16xi32>
            %lt3A_585 = arith.constant 0 : i32
            %lt3A_586 = vector.broadcast %lt3A_585 : i32 to vector<16xi32>
            %lt3A_587 = arith.cmpi slt, %xor3A_584, %lt3A_586 : vector<16xi32>
            %add3A_588 = arith.constant 16 : i32
            %add3A_589 = vector.broadcast %add3A_588 : i32 to vector<16xi32>
            %add3A_590 = arith.addi %xor3A_584, %add3A_589 : vector<16xi32>
            %select_n3A_591 = arith.select %lt3A_587, %add3A_590, %xor3A_584 : vector<16xi1>, vector<16xi32>
            %broadcast_in_dim3A_592 = vector.shape_cast %select_n3A_591 : vector<16xi32> to vector<16x1xi32>
            %gather3A_593 = vector.shape_cast %broadcast_in_dim3A_592 : vector<16x1xi32> to vector<16xi32>
            %gather3A_594 = tpu.dynamic_gather %add3A_581[%gather3A_593] in [0] : vector<16xf32>, vector<16xi32> -> vector<16xf32>
            %add3A_595 = arith.addf %add3A_581, %gather3A_594 : vector<16xf32>
            %xor3A_596 = arith.constant 2 : i32
            %xor3A_597 = vector.broadcast %xor3A_596 : i32 to vector<16xi32>
            %xor3A_598 = arith.xori %iota3A, %xor3A_597 : vector<16xi32>
            %lt3A_599 = arith.constant 0 : i32
            %lt3A_600 = vector.broadcast %lt3A_599 : i32 to vector<16xi32>
            %lt3A_601 = arith.cmpi slt, %xor3A_598, %lt3A_600 : vector<16xi32>
            %add3A_602 = arith.constant 16 : i32
            %add3A_603 = vector.broadcast %add3A_602 : i32 to vector<16xi32>
            %add3A_604 = arith.addi %xor3A_598, %add3A_603 : vector<16xi32>
            %select_n3A_605 = arith.select %lt3A_601, %add3A_604, %xor3A_598 : vector<16xi1>, vector<16xi32>
            %broadcast_in_dim3A_606 = vector.shape_cast %select_n3A_605 : vector<16xi32> to vector<16x1xi32>
            %gather3A_607 = vector.shape_cast %broadcast_in_dim3A_606 : vector<16x1xi32> to vector<16xi32>
            %gather3A_608 = tpu.dynamic_gather %add3A_595[%gather3A_607] in [0] : vector<16xf32>, vector<16xi32> -> vector<16xf32>
            %add3A_609 = arith.addf %add3A_595, %gather3A_608 : vector<16xf32>
            %xor3A_610 = arith.constant 1 : i32
            %xor3A_611 = vector.broadcast %xor3A_610 : i32 to vector<16xi32>
            %xor3A_612 = arith.xori %iota3A, %xor3A_611 : vector<16xi32>
            %lt3A_613 = arith.constant 0 : i32
            %lt3A_614 = vector.broadcast %lt3A_613 : i32 to vector<16xi32>
            %lt3A_615 = arith.cmpi slt, %xor3A_612, %lt3A_614 : vector<16xi32>
            %add3A_616 = arith.constant 16 : i32
            %add3A_617 = vector.broadcast %add3A_616 : i32 to vector<16xi32>
            %add3A_618 = arith.addi %xor3A_612, %add3A_617 : vector<16xi32>
            %select_n3A_619 = arith.select %lt3A_615, %add3A_618, %xor3A_612 : vector<16xi1>, vector<16xi32>
            %broadcast_in_dim3A_620 = vector.shape_cast %select_n3A_619 : vector<16xi32> to vector<16x1xi32>
            %gather3A_621 = vector.shape_cast %broadcast_in_dim3A_620 : vector<16x1xi32> to vector<16xi32>
            %gather3A_622 = tpu.dynamic_gather %add3A_609[%gather3A_621] in [0] : vector<16xf32>, vector<16xi32> -> vector<16xf32>
            %add3A_623 = arith.addf %add3A_609, %gather3A_622 : vector<16xf32>
            %add3A_624 = arith.addf %add3A_623, %get3A_188 : vector<16xf32>
            %neg3A = arith.constant 0.000000e+00 : f32
            %neg3A_625 = vector.broadcast %neg3A : f32 to vector<16xf32>
            %neg3A_626 = arith.subf %neg3A_625, %add3A_624 : vector<16xf32>
            %exp3A = math.exp %neg3A_626 : vector<16xf32>
            %add3A_627 = arith.constant 1.000000e+00 : f32
            %add3A_628 = vector.broadcast %add3A_627 : f32 to vector<16xf32>
            %add3A_629 = arith.addf %add3A_628, %exp3A : vector<16xf32>
            %div3A_630 = arith.constant 1.000000e+00 : f32
            %div3A_631 = vector.broadcast %div3A_630 : f32 to vector<16xf32>
            %div3A_632 = arith.divf %div3A_631, %add3A_629 : vector<16xf32>
            %mul3A_633 = arith.mulf %get3A_526, %div3A_632 : vector<16xf32>
            %add3A_634 = arith.addf %while3A_506, %mul3A_633 : vector<16xf32>
            %mul3A_635 = arith.mulf %get3A_530, %div3A_632 : vector<16xf32>
            %add3A_636 = arith.addf %while3A_507, %mul3A_635 : vector<16xf32>
            %mul3A_637 = arith.mulf %get3A_534, %div3A_632 : vector<16xf32>
            %add3A_638 = arith.addf %while3A_508, %mul3A_637 : vector<16xf32>
            %mul3A_639 = arith.mulf %get3A_538, %div3A_632 : vector<16xf32>
            %add3A_640 = arith.addf %while3A_509, %mul3A_639 : vector<16xf32>
            %mul3A_641 = arith.mulf %get3A_542, %div3A_632 : vector<16xf32>
            %add3A_642 = arith.addf %while3A_510, %mul3A_641 : vector<16xf32>
            %mul3A_643 = arith.mulf %get3A_546, %div3A_632 : vector<16xf32>
            %add3A_644 = arith.addf %while3A_511, %mul3A_643 : vector<16xf32>
            %mul3A_645 = arith.mulf %get3A_550, %div3A_632 : vector<16xf32>
            %add3A_646 = arith.addf %while3A_512, %mul3A_645 : vector<16xf32>
            %mul3A_647 = arith.mulf %get3A_554, %div3A_632 : vector<16xf32>
            %add3A_648 = arith.addf %while3A_513, %mul3A_647 : vector<16xf32>
            %max3A_649 = arith.maximumf %while3A_514, %get3A_526 : vector<16xf32>
            %max3A_650 = arith.maximumf %while3A_515, %get3A_530 : vector<16xf32>
            %max3A_651 = arith.maximumf %while3A_516, %get3A_534 : vector<16xf32>
            %max3A_652 = arith.maximumf %while3A_517, %get3A_538 : vector<16xf32>
            %max3A_653 = arith.maximumf %while3A_518, %get3A_542 : vector<16xf32>
            %max3A_654 = arith.maximumf %while3A_519, %get3A_546 : vector<16xf32>
            %max3A_655 = arith.maximumf %while3A_520, %get3A_550 : vector<16xf32>
            %max3A_656 = arith.maximumf %while3A_521, %get3A_554 : vector<16xf32>
            scf.yield %add3A_634, %add3A_636, %add3A_638, %add3A_640, %add3A_642, %add3A_644, %add3A_646, %add3A_648, %max3A_649, %max3A_650, %max3A_651, %max3A_652, %max3A_653, %max3A_654, %max3A_655, %max3A_656 : vector<16xf32>, vector<16xf32>, vector<16xf32>, vector<16xf32>, vector<16xf32>, vector<16xf32>, vector<16xf32>, vector<16xf32>, vector<16xf32>, vector<16xf32>, vector<16xf32>, vector<16xf32>, vector<16xf32>, vector<16xf32>, vector<16xf32>, vector<16xf32>
          }
          %while3A_392 = arith.constant 1 : i32
          %while3A_393:16 = scf.for %while3A_505 = %while3A_389 to %while3A_385 step %while3A_392 iter_args(%while3A_506 = %while3A_391#0, %while3A_507 = %while3A_391#1, %while3A_508 = %while3A_391#2, %while3A_509 = %while3A_391#3, %while3A_510 = %while3A_391#4, %while3A_511 = %while3A_391#5, %while3A_512 = %while3A_391#6, %while3A_513 = %while3A_391#7, %while3A_514 = %while3A_391#8, %while3A_515 = %while3A_391#9, %while3A_516 = %while3A_391#10, %while3A_517 = %while3A_391#11, %while3A_518 = %while3A_391#12, %while3A_519 = %while3A_391#13, %while3A_520 = %while3A_391#14, %while3A_521 = %while3A_391#15) -> (vector<16xf32>, vector<16xf32>, vector<16xf32>, vector<16xf32>, vector<16xf32>, vector<16xf32>, vector<16xf32>, vector<16xf32>, vector<16xf32>, vector<16xf32>, vector<16xf32>, vector<16xf32>, vector<16xf32>, vector<16xf32>, vector<16xf32>, vector<16xf32>)  : i32 {
            %sub3A_522 = arith.subi %while3A_505, %multiple_of3A_284 : i32
            %get3A_523 = arith.index_cast %rem3A_278 : i32 to index
            %get3A_524 = arith.index_cast %sub3A_522 : i32 to index
            %get3A_525 = arith.constant 0 : index
            %get3A_526 = tpu.vector_load %arg8[%get3A_523, %get3A_524, %get3A_525] {strides = array<i32>} : memref<2x256x128xf32, #tpu.memory_space<vmem>>, vector<16xf32>,
            %get3A_527 = arith.index_cast %rem3A_278 : i32 to index
            %get3A_528 = arith.index_cast %sub3A_522 : i32 to index
            %get3A_529 = arith.constant 16 : index
            %get3A_530 = tpu.vector_load %arg8[%get3A_527, %get3A_528, %get3A_529] {strides = array<i32>} : memref<2x256x128xf32, #tpu.memory_space<vmem>>, vector<16xf32>,
            %get3A_531 = arith.index_cast %rem3A_278 : i32 to index
            %get3A_532 = arith.index_cast %sub3A_522 : i32 to index
            %get3A_533 = arith.constant 32 : index
            %get3A_534 = tpu.vector_load %arg8[%get3A_531, %get3A_532, %get3A_533] {strides = array<i32>} : memref<2x256x128xf32, #tpu.memory_space<vmem>>, vector<16xf32>,
            %get3A_535 = arith.index_cast %rem3A_278 : i32 to index
            %get3A_536 = arith.index_cast %sub3A_522 : i32 to index
            %get3A_537 = arith.constant 48 : index
            %get3A_538 = tpu.vector_load %arg8[%get3A_535, %get3A_536, %get3A_537] {strides = array<i32>} : memref<2x256x128xf32, #tpu.memory_space<vmem>>, vector<16xf32>,
            %get3A_539 = arith.index_cast %rem3A_278 : i32 to index
            %get3A_540 = arith.index_cast %sub3A_522 : i32 to index
            %get3A_541 = arith.constant 64 : index
            %get3A_542 = tpu.vector_load %arg8[%get3A_539, %get3A_540, %get3A_541] {strides = array<i32>} : memref<2x256x128xf32, #tpu.memory_space<vmem>>, vector<16xf32>,
            %get3A_543 = arith.index_cast %rem3A_278 : i32 to index
            %get3A_544 = arith.index_cast %sub3A_522 : i32 to index
            %get3A_545 = arith.constant 80 : index
            %get3A_546 = tpu.vector_load %arg8[%get3A_543, %get3A_544, %get3A_545] {strides = array<i32>} : memref<2x256x128xf32, #tpu.memory_space<vmem>>, vector<16xf32>,
            %get3A_547 = arith.index_cast %rem3A_278 : i32 to index
            %get3A_548 = arith.index_cast %sub3A_522 : i32 to index
            %get3A_549 = arith.constant 96 : index
            %get3A_550 = tpu.vector_load %arg8[%get3A_547, %get3A_548, %get3A_549] {strides = array<i32>} : memref<2x256x128xf32, #tpu.memory_space<vmem>>, vector<16xf32>,
            %get3A_551 = arith.index_cast %rem3A_278 : i32 to index
            %get3A_552 = arith.index_cast %sub3A_522 : i32 to index
            %get3A_553 = arith.constant 112 : index
            %get3A_554 = tpu.vector_load %arg8[%get3A_551, %get3A_552, %get3A_553] {strides = array<i32>} : memref<2x256x128xf32, #tpu.memory_space<vmem>>, vector<16xf32>,
            %mul3A_555 = arith.mulf %get3A_526, %get3A_172 : vector<16xf32>
            %mul3A_556 = arith.mulf %get3A_530, %get3A_174 : vector<16xf32>
            %mul3A_557 = arith.mulf %get3A_534, %get3A_176 : vector<16xf32>
            %mul3A_558 = arith.mulf %get3A_538, %get3A_178 : vector<16xf32>
            %mul3A_559 = arith.mulf %get3A_542, %get3A_180 : vector<16xf32>
            %mul3A_560 = arith.mulf %get3A_546, %get3A_182 : vector<16xf32>
            %mul3A_561 = arith.mulf %get3A_550, %get3A_184 : vector<16xf32>
            %mul3A_562 = arith.mulf %get3A_554, %get3A_186 : vector<16xf32>
            %add3A_563 = arith.addf %mul3A_555, %mul3A_556 : vector<16xf32>
            %add3A_564 = arith.addf %mul3A_557, %mul3A_558 : vector<16xf32>
            %add3A_565 = arith.addf %add3A_563, %add3A_564 : vector<16xf32>
            %add3A_566 = arith.addf %mul3A_559, %mul3A_560 : vector<16xf32>
            %add3A_567 = arith.addf %mul3A_561, %mul3A_562 : vector<16xf32>
            %add3A_568 = arith.addf %add3A_566, %add3A_567 : vector<16xf32>
            %add3A_569 = arith.addf %add3A_565, %add3A_568 : vector<16xf32>
            %xor3A = arith.constant 8 : i32
            %xor3A_570 = vector.broadcast %xor3A : i32 to vector<16xi32>
            %xor3A_571 = arith.xori %iota3A, %xor3A_570 : vector<16xi32>
            %lt3A_572 = arith.constant 0 : i32
            %lt3A_573 = vector.broadcast %lt3A_572 : i32 to vector<16xi32>
            %lt3A_574 = arith.cmpi slt, %xor3A_571, %lt3A_573 : vector<16xi32>
            %add3A_575 = arith.constant 16 : i32
            %add3A_576 = vector.broadcast %add3A_575 : i32 to vector<16xi32>
            %add3A_577 = arith.addi %xor3A_571, %add3A_576 : vector<16xi32>
            %select_n3A_578 = arith.select %lt3A_574, %add3A_577, %xor3A_571 : vector<16xi1>, vector<16xi32>
            %broadcast_in_dim3A_579 = vector.shape_cast %select_n3A_578 : vector<16xi32> to vector<16x1xi32>
            %gather3A = vector.shape_cast %broadcast_in_dim3A_579 : vector<16x1xi32> to vector<16xi32>
            %gather3A_580 = tpu.dynamic_gather %add3A_569[%gather3A] in [0] : vector<16xf32>, vector<16xi32> -> vector<16xf32>
            %add3A_581 = arith.addf %add3A_569, %gather3A_580 : vector<16xf32>
            %xor3A_582 = arith.constant 4 : i32
            %xor3A_583 = vector.broadcast %xor3A_582 : i32 to vector<16xi32>
            %xor3A_584 = arith.xori %iota3A, %xor3A_583 : vector<16xi32>
            %lt3A_585 = arith.constant 0 : i32
            %lt3A_586 = vector.broadcast %lt3A_585 : i32 to vector<16xi32>
            %lt3A_587 = arith.cmpi slt, %xor3A_584, %lt3A_586 : vector<16xi32>
            %add3A_588 = arith.constant 16 : i32
            %add3A_589 = vector.broadcast %add3A_588 : i32 to vector<16xi32>
            %add3A_590 = arith.addi %xor3A_584, %add3A_589 : vector<16xi32>
            %select_n3A_591 = arith.select %lt3A_587, %add3A_590, %xor3A_584 : vector<16xi1>, vector<16xi32>
            %broadcast_in_dim3A_592 = vector.shape_cast %select_n3A_591 : vector<16xi32> to vector<16x1xi32>
            %gather3A_593 = vector.shape_cast %broadcast_in_dim3A_592 : vector<16x1xi32> to vector<16xi32>
            %gather3A_594 = tpu.dynamic_gather %add3A_581[%gather3A_593] in [0] : vector<16xf32>, vector<16xi32> -> vector<16xf32>
            %add3A_595 = arith.addf %add3A_581, %gather3A_594 : vector<16xf32>
            %xor3A_596 = arith.constant 2 : i32
            %xor3A_597 = vector.broadcast %xor3A_596 : i32 to vector<16xi32>
            %xor3A_598 = arith.xori %iota3A, %xor3A_597 : vector<16xi32>
            %lt3A_599 = arith.constant 0 : i32
            %lt3A_600 = vector.broadcast %lt3A_599 : i32 to vector<16xi32>
            %lt3A_601 = arith.cmpi slt, %xor3A_598, %lt3A_600 : vector<16xi32>
            %add3A_602 = arith.constant 16 : i32
            %add3A_603 = vector.broadcast %add3A_602 : i32 to vector<16xi32>
            %add3A_604 = arith.addi %xor3A_598, %add3A_603 : vector<16xi32>
            %select_n3A_605 = arith.select %lt3A_601, %add3A_604, %xor3A_598 : vector<16xi1>, vector<16xi32>
            %broadcast_in_dim3A_606 = vector.shape_cast %select_n3A_605 : vector<16xi32> to vector<16x1xi32>
            %gather3A_607 = vector.shape_cast %broadcast_in_dim3A_606 : vector<16x1xi32> to vector<16xi32>
            %gather3A_608 = tpu.dynamic_gather %add3A_595[%gather3A_607] in [0] : vector<16xf32>, vector<16xi32> -> vector<16xf32>
            %add3A_609 = arith.addf %add3A_595, %gather3A_608 : vector<16xf32>
            %xor3A_610 = arith.constant 1 : i32
            %xor3A_611 = vector.broadcast %xor3A_610 : i32 to vector<16xi32>
            %xor3A_612 = arith.xori %iota3A, %xor3A_611 : vector<16xi32>
            %lt3A_613 = arith.constant 0 : i32
            %lt3A_614 = vector.broadcast %lt3A_613 : i32 to vector<16xi32>
            %lt3A_615 = arith.cmpi slt, %xor3A_612, %lt3A_614 : vector<16xi32>
            %add3A_616 = arith.constant 16 : i32
            %add3A_617 = vector.broadcast %add3A_616 : i32 to vector<16xi32>
            %add3A_618 = arith.addi %xor3A_612, %add3A_617 : vector<16xi32>
            %select_n3A_619 = arith.select %lt3A_615, %add3A_618, %xor3A_612 : vector<16xi1>, vector<16xi32>
            %broadcast_in_dim3A_620 = vector.shape_cast %select_n3A_619 : vector<16xi32> to vector<16x1xi32>
            %gather3A_621 = vector.shape_cast %broadcast_in_dim3A_620 : vector<16x1xi32> to vector<16xi32>
            %gather3A_622 = tpu.dynamic_gather %add3A_609[%gather3A_621] in [0] : vector<16xf32>, vector<16xi32> -> vector<16xf32>
            %add3A_623 = arith.addf %add3A_609, %gather3A_622 : vector<16xf32>
            %add3A_624 = arith.addf %add3A_623, %get3A_188 : vector<16xf32>
            %neg3A = arith.constant 0.000000e+00 : f32
            %neg3A_625 = vector.broadcast %neg3A : f32 to vector<16xf32>
            %neg3A_626 = arith.subf %neg3A_625, %add3A_624 : vector<16xf32>
            %exp3A = math.exp %neg3A_626 : vector<16xf32>
            %add3A_627 = arith.constant 1.000000e+00 : f32
            %add3A_628 = vector.broadcast %add3A_627 : f32 to vector<16xf32>
            %add3A_629 = arith.addf %add3A_628, %exp3A : vector<16xf32>
            %div3A_630 = arith.constant 1.000000e+00 : f32
            %div3A_631 = vector.broadcast %div3A_630 : f32 to vector<16xf32>
            %div3A_632 = arith.divf %div3A_631, %add3A_629 : vector<16xf32>
            %mul3A_633 = arith.mulf %get3A_526, %div3A_632 : vector<16xf32>
            %add3A_634 = arith.addf %while3A_506, %mul3A_633 : vector<16xf32>
            %mul3A_635 = arith.mulf %get3A_530, %div3A_632 : vector<16xf32>
            %add3A_636 = arith.addf %while3A_507, %mul3A_635 : vector<16xf32>
            %mul3A_637 = arith.mulf %get3A_534, %div3A_632 : vector<16xf32>
            %add3A_638 = arith.addf %while3A_508, %mul3A_637 : vector<16xf32>
            %mul3A_639 = arith.mulf %get3A_538, %div3A_632 : vector<16xf32>
            %add3A_640 = arith.addf %while3A_509, %mul3A_639 : vector<16xf32>
            %mul3A_641 = arith.mulf %get3A_542, %div3A_632 : vector<16xf32>
            %add3A_642 = arith.addf %while3A_510, %mul3A_641 : vector<16xf32>
            %mul3A_643 = arith.mulf %get3A_546, %div3A_632 : vector<16xf32>
            %add3A_644 = arith.addf %while3A_511, %mul3A_643 : vector<16xf32>
            %mul3A_645 = arith.mulf %get3A_550, %div3A_632 : vector<16xf32>
            %add3A_646 = arith.addf %while3A_512, %mul3A_645 : vector<16xf32>
            %mul3A_647 = arith.mulf %get3A_554, %div3A_632 : vector<16xf32>
            %add3A_648 = arith.addf %while3A_513, %mul3A_647 : vector<16xf32>
            %max3A_649 = arith.maximumf %while3A_514, %get3A_526 : vector<16xf32>
            %max3A_650 = arith.maximumf %while3A_515, %get3A_530 : vector<16xf32>
            %max3A_651 = arith.maximumf %while3A_516, %get3A_534 : vector<16xf32>
            %max3A_652 = arith.maximumf %while3A_517, %get3A_538 : vector<16xf32>
            %max3A_653 = arith.maximumf %while3A_518, %get3A_542 : vector<16xf32>
            %max3A_654 = arith.maximumf %while3A_519, %get3A_546 : vector<16xf32>
            %max3A_655 = arith.maximumf %while3A_520, %get3A_550 : vector<16xf32>
            %max3A_656 = arith.maximumf %while3A_521, %get3A_554 : vector<16xf32>
            scf.yield %add3A_634, %add3A_636, %add3A_638, %add3A_640, %add3A_642, %add3A_644, %add3A_646, %add3A_648, %max3A_649, %max3A_650, %max3A_651, %max3A_652, %max3A_653, %max3A_654, %max3A_655, %max3A_656 : vector<16xf32>, vector<16xf32>, vector<16xf32>, vector<16xf32>, vector<16xf32>, vector<16xf32>, vector<16xf32>, vector<16xf32>, vector<16xf32>, vector<16xf32>, vector<16xf32>, vector<16xf32>, vector<16xf32>, vector<16xf32>, vector<16xf32>, vector<16xf32>
          }
          %get3A_394 = arith.index_cast %scan3A_320 : i32 to index
          %get3A_395 = arith.constant 0 : index
          %get3A_396 = tpu.vector_load %arg14[%get3A_394, %get3A_395] {strides = array<i32>} : memref<32x256xf32, #tpu.memory_space<vmem>>, vector<16xf32>,
          %add3A_397 = arith.addf %get3A_396, %while3A_393#0 : vector<16xf32>
          %swap3A = arith.index_cast %scan3A_320 : i32 to index
          %swap3A_398 = arith.constant 0 : index
          %swap3A_399 = tpu.vector_load %arg14[%swap3A, %swap3A_398] {strides = array<i32>} : memref<32x256xf32, #tpu.memory_space<vmem>>, vector<16xf32>,
          tpu.vector_store %arg14[%swap3A, %swap3A_398], %add3A_397 {strides = array<i32>} : memref<32x256xf32, #tpu.memory_space<vmem>>, vector<16xf32>,
          %get3A_400 = arith.index_cast %scan3A_320 : i32 to index
          %get3A_401 = arith.constant 128 : index
          %get3A_402 = tpu.vector_load %arg14[%get3A_400, %get3A_401] {strides = array<i32>} : memref<32x256xf32, #tpu.memory_space<vmem>>, vector<16xf32>,
          %max3A_403 = arith.maximumf %get3A_402, %while3A_393#8 : vector<16xf32>
          %swap3A_404 = arith.index_cast %scan3A_320 : i32 to index
          %swap3A_405 = arith.constant 128 : index
          %swap3A_406 = tpu.vector_load %arg14[%swap3A_404, %swap3A_405] {strides = array<i32>} : memref<32x256xf32, #tpu.memory_space<vmem>>, vector<16xf32>,
          tpu.vector_store %arg14[%swap3A_404, %swap3A_405], %max3A_403 {strides = array<i32>} : memref<32x256xf32, #tpu.memory_space<vmem>>, vector<16xf32>,
          %get3A_407 = arith.index_cast %scan3A_320 : i32 to index
          %get3A_408 = arith.constant 16 : index
          %get3A_409 = tpu.vector_load %arg14[%get3A_407, %get3A_408] {strides = array<i32>} : memref<32x256xf32, #tpu.memory_space<vmem>>, vector<16xf32>,
          %add3A_410 = arith.addf %get3A_409, %while3A_393#1 : vector<16xf32>
          %swap3A_411 = arith.index_cast %scan3A_320 : i32 to index
          %swap3A_412 = arith.constant 16 : index
          %swap3A_413 = tpu.vector_load %arg14[%swap3A_411, %swap3A_412] {strides = array<i32>} : memref<32x256xf32, #tpu.memory_space<vmem>>, vector<16xf32>,
          tpu.vector_store %arg14[%swap3A_411, %swap3A_412], %add3A_410 {strides = array<i32>} : memref<32x256xf32, #tpu.memory_space<vmem>>, vector<16xf32>,
          %get3A_414 = arith.index_cast %scan3A_320 : i32 to index
          %get3A_415 = arith.constant 144 : index
          %get3A_416 = tpu.vector_load %arg14[%get3A_414, %get3A_415] {strides = array<i32>} : memref<32x256xf32, #tpu.memory_space<vmem>>, vector<16xf32>,
          %max3A_417 = arith.maximumf %get3A_416, %while3A_393#9 : vector<16xf32>
          %swap3A_418 = arith.index_cast %scan3A_320 : i32 to index
          %swap3A_419 = arith.constant 144 : index
          %swap3A_420 = tpu.vector_load %arg14[%swap3A_418, %swap3A_419] {strides = array<i32>} : memref<32x256xf32, #tpu.memory_space<vmem>>, vector<16xf32>,
          tpu.vector_store %arg14[%swap3A_418, %swap3A_419], %max3A_417 {strides = array<i32>} : memref<32x256xf32, #tpu.memory_space<vmem>>, vector<16xf32>,
          %get3A_421 = arith.index_cast %scan3A_320 : i32 to index
          %get3A_422 = arith.constant 32 : index
          %get3A_423 = tpu.vector_load %arg14[%get3A_421, %get3A_422] {strides = array<i32>} : memref<32x256xf32, #tpu.memory_space<vmem>>, vector<16xf32>,
          %add3A_424 = arith.addf %get3A_423, %while3A_393#2 : vector<16xf32>
          %swap3A_425 = arith.index_cast %scan3A_320 : i32 to index
          %swap3A_426 = arith.constant 32 : index
          %swap3A_427 = tpu.vector_load %arg14[%swap3A_425, %swap3A_426] {strides = array<i32>} : memref<32x256xf32, #tpu.memory_space<vmem>>, vector<16xf32>,
          tpu.vector_store %arg14[%swap3A_425, %swap3A_426], %add3A_424 {strides = array<i32>} : memref<32x256xf32, #tpu.memory_space<vmem>>, vector<16xf32>,
          %get3A_428 = arith.index_cast %scan3A_320 : i32 to index
          %get3A_429 = arith.constant 160 : index
          %get3A_430 = tpu.vector_load %arg14[%get3A_428, %get3A_429] {strides = array<i32>} : memref<32x256xf32, #tpu.memory_space<vmem>>, vector<16xf32>,
          %max3A_431 = arith.maximumf %get3A_430, %while3A_393#10 : vector<16xf32>
          %swap3A_432 = arith.index_cast %scan3A_320 : i32 to index
          %swap3A_433 = arith.constant 160 : index
          %swap3A_434 = tpu.vector_load %arg14[%swap3A_432, %swap3A_433] {strides = array<i32>} : memref<32x256xf32, #tpu.memory_space<vmem>>, vector<16xf32>,
          tpu.vector_store %arg14[%swap3A_432, %swap3A_433], %max3A_431 {strides = array<i32>} : memref<32x256xf32, #tpu.memory_space<vmem>>, vector<16xf32>,
          %get3A_435 = arith.index_cast %scan3A_320 : i32 to index
          %get3A_436 = arith.constant 48 : index
          %get3A_437 = tpu.vector_load %arg14[%get3A_435, %get3A_436] {strides = array<i32>} : memref<32x256xf32, #tpu.memory_space<vmem>>, vector<16xf32>,
          %add3A_438 = arith.addf %get3A_437, %while3A_393#3 : vector<16xf32>
          %swap3A_439 = arith.index_cast %scan3A_320 : i32 to index
          %swap3A_440 = arith.constant 48 : index
          %swap3A_441 = tpu.vector_load %arg14[%swap3A_439, %swap3A_440] {strides = array<i32>} : memref<32x256xf32, #tpu.memory_space<vmem>>, vector<16xf32>,
          tpu.vector_store %arg14[%swap3A_439, %swap3A_440], %add3A_438 {strides = array<i32>} : memref<32x256xf32, #tpu.memory_space<vmem>>, vector<16xf32>,
          %get3A_442 = arith.index_cast %scan3A_320 : i32 to index
          %get3A_443 = arith.constant 176 : index
          %get3A_444 = tpu.vector_load %arg14[%get3A_442, %get3A_443] {strides = array<i32>} : memref<32x256xf32, #tpu.memory_space<vmem>>, vector<16xf32>,
          %max3A_445 = arith.maximumf %get3A_444, %while3A_393#11 : vector<16xf32>
          %swap3A_446 = arith.index_cast %scan3A_320 : i32 to index
          %swap3A_447 = arith.constant 176 : index
          %swap3A_448 = tpu.vector_load %arg14[%swap3A_446, %swap3A_447] {strides = array<i32>} : memref<32x256xf32, #tpu.memory_space<vmem>>, vector<16xf32>,
          tpu.vector_store %arg14[%swap3A_446, %swap3A_447], %max3A_445 {strides = array<i32>} : memref<32x256xf32, #tpu.memory_space<vmem>>, vector<16xf32>,
          %get3A_449 = arith.index_cast %scan3A_320 : i32 to index
          %get3A_450 = arith.constant 64 : index
          %get3A_451 = tpu.vector_load %arg14[%get3A_449, %get3A_450] {strides = array<i32>} : memref<32x256xf32, #tpu.memory_space<vmem>>, vector<16xf32>,
          %add3A_452 = arith.addf %get3A_451, %while3A_393#4 : vector<16xf32>
          %swap3A_453 = arith.index_cast %scan3A_320 : i32 to index
          %swap3A_454 = arith.constant 64 : index
          %swap3A_455 = tpu.vector_load %arg14[%swap3A_453, %swap3A_454] {strides = array<i32>} : memref<32x256xf32, #tpu.memory_space<vmem>>, vector<16xf32>,
          tpu.vector_store %arg14[%swap3A_453, %swap3A_454], %add3A_452 {strides = array<i32>} : memref<32x256xf32, #tpu.memory_space<vmem>>, vector<16xf32>,
          %get3A_456 = arith.index_cast %scan3A_320 : i32 to index
          %get3A_457 = arith.constant 192 : index
          %get3A_458 = tpu.vector_load %arg14[%get3A_456, %get3A_457] {strides = array<i32>} : memref<32x256xf32, #tpu.memory_space<vmem>>, vector<16xf32>,
          %max3A_459 = arith.maximumf %get3A_458, %while3A_393#12 : vector<16xf32>
          %swap3A_460 = arith.index_cast %scan3A_320 : i32 to index
          %swap3A_461 = arith.constant 192 : index
          %swap3A_462 = tpu.vector_load %arg14[%swap3A_460, %swap3A_461] {strides = array<i32>} : memref<32x256xf32, #tpu.memory_space<vmem>>, vector<16xf32>,
          tpu.vector_store %arg14[%swap3A_460, %swap3A_461], %max3A_459 {strides = array<i32>} : memref<32x256xf32, #tpu.memory_space<vmem>>, vector<16xf32>,
          %get3A_463 = arith.index_cast %scan3A_320 : i32 to index
          %get3A_464 = arith.constant 80 : index
          %get3A_465 = tpu.vector_load %arg14[%get3A_463, %get3A_464] {strides = array<i32>} : memref<32x256xf32, #tpu.memory_space<vmem>>, vector<16xf32>,
          %add3A_466 = arith.addf %get3A_465, %while3A_393#5 : vector<16xf32>
          %swap3A_467 = arith.index_cast %scan3A_320 : i32 to index
          %swap3A_468 = arith.constant 80 : index
          %swap3A_469 = tpu.vector_load %arg14[%swap3A_467, %swap3A_468] {strides = array<i32>} : memref<32x256xf32, #tpu.memory_space<vmem>>, vector<16xf32>,
          tpu.vector_store %arg14[%swap3A_467, %swap3A_468], %add3A_466 {strides = array<i32>} : memref<32x256xf32, #tpu.memory_space<vmem>>, vector<16xf32>,
          %get3A_470 = arith.index_cast %scan3A_320 : i32 to index
          %get3A_471 = arith.constant 208 : index
          %get3A_472 = tpu.vector_load %arg14[%get3A_470, %get3A_471] {strides = array<i32>} : memref<32x256xf32, #tpu.memory_space<vmem>>, vector<16xf32>,
          %max3A_473 = arith.maximumf %get3A_472, %while3A_393#13 : vector<16xf32>
          %swap3A_474 = arith.index_cast %scan3A_320 : i32 to index
          %swap3A_475 = arith.constant 208 : index
          %swap3A_476 = tpu.vector_load %arg14[%swap3A_474, %swap3A_475] {strides = array<i32>} : memref<32x256xf32, #tpu.memory_space<vmem>>, vector<16xf32>,
          tpu.vector_store %arg14[%swap3A_474, %swap3A_475], %max3A_473 {strides = array<i32>} : memref<32x256xf32, #tpu.memory_space<vmem>>, vector<16xf32>,
          %get3A_477 = arith.index_cast %scan3A_320 : i32 to index
          %get3A_478 = arith.constant 96 : index
          %get3A_479 = tpu.vector_load %arg14[%get3A_477, %get3A_478] {strides = array<i32>} : memref<32x256xf32, #tpu.memory_space<vmem>>, vector<16xf32>,
          %add3A_480 = arith.addf %get3A_479, %while3A_393#6 : vector<16xf32>
          %swap3A_481 = arith.index_cast %scan3A_320 : i32 to index
          %swap3A_482 = arith.constant 96 : index
          %swap3A_483 = tpu.vector_load %arg14[%swap3A_481, %swap3A_482] {strides = array<i32>} : memref<32x256xf32, #tpu.memory_space<vmem>>, vector<16xf32>,
          tpu.vector_store %arg14[%swap3A_481, %swap3A_482], %add3A_480 {strides = array<i32>} : memref<32x256xf32, #tpu.memory_space<vmem>>, vector<16xf32>,
          %get3A_484 = arith.index_cast %scan3A_320 : i32 to index
          %get3A_485 = arith.constant 224 : index
          %get3A_486 = tpu.vector_load %arg14[%get3A_484, %get3A_485] {strides = array<i32>} : memref<32x256xf32, #tpu.memory_space<vmem>>, vector<16xf32>,
          %max3A_487 = arith.maximumf %get3A_486, %while3A_393#14 : vector<16xf32>
          %swap3A_488 = arith.index_cast %scan3A_320 : i32 to index
          %swap3A_489 = arith.constant 224 : index
          %swap3A_490 = tpu.vector_load %arg14[%swap3A_488, %swap3A_489] {strides = array<i32>} : memref<32x256xf32, #tpu.memory_space<vmem>>, vector<16xf32>,
          tpu.vector_store %arg14[%swap3A_488, %swap3A_489], %max3A_487 {strides = array<i32>} : memref<32x256xf32, #tpu.memory_space<vmem>>, vector<16xf32>,
          %get3A_491 = arith.index_cast %scan3A_320 : i32 to index
          %get3A_492 = arith.constant 112 : index
          %get3A_493 = tpu.vector_load %arg14[%get3A_491, %get3A_492] {strides = array<i32>} : memref<32x256xf32, #tpu.memory_space<vmem>>, vector<16xf32>,
          %add3A_494 = arith.addf %get3A_493, %while3A_393#7 : vector<16xf32>
          %swap3A_495 = arith.index_cast %scan3A_320 : i32 to index
          %swap3A_496 = arith.constant 112 : index
          %swap3A_497 = tpu.vector_load %arg14[%swap3A_495, %swap3A_496] {strides = array<i32>} : memref<32x256xf32, #tpu.memory_space<vmem>>, vector<16xf32>,
          tpu.vector_store %arg14[%swap3A_495, %swap3A_496], %add3A_494 {strides = array<i32>} : memref<32x256xf32, #tpu.memory_space<vmem>>, vector<16xf32>,
          %get3A_498 = arith.index_cast %scan3A_320 : i32 to index
          %get3A_499 = arith.constant 240 : index
          %get3A_500 = tpu.vector_load %arg14[%get3A_498, %get3A_499] {strides = array<i32>} : memref<32x256xf32, #tpu.memory_space<vmem>>, vector<16xf32>,
          %max3A_501 = arith.maximumf %get3A_500, %while3A_393#15 : vector<16xf32>
          %swap3A_502 = arith.index_cast %scan3A_320 : i32 to index
          %swap3A_503 = arith.constant 240 : index
          %swap3A_504 = tpu.vector_load %arg14[%swap3A_502, %swap3A_503] {strides = array<i32>} : memref<32x256xf32, #tpu.memory_space<vmem>>, vector<16xf32>,
          tpu.vector_store %arg14[%swap3A_502, %swap3A_503], %max3A_501 {strides = array<i32>} : memref<32x256xf32, #tpu.memory_space<vmem>>, vector<16xf32>,
        } else {
        }
        %scan3A_344 = arith.constant 0 : i32
        scf.yield %scan3A_344 : i32
      }
      %scan3A_313 = arith.constant 32 : i32
      %add3A_314 = arith.constant 2 : i32
      %add3A_315 = arith.addi %while3A_275, %add3A_314 : i32
      %lt3A = arith.cmpi slt, %add3A_315, %select_n3A_256 : i32
      %convert_element_type3A_316 = arith.extui %lt3A : i1 to i32
      %cond3A_317 = arith.constant 0 : i32
      %cond3A_318 = arith.cmpi ne, %convert_element_type3A_316, %cond3A_317 : i32
      scf.if %cond3A_318 {
        %add3A_320 = arith.constant 2 : i32
        %add3A_321 = arith.addi %while3A_275, %add3A_320 : i32
        %mul3A_322 = arith.constant 256 : i32
        %mul3A_323 = arith.muli %add3A_321, %mul3A_322 : i32
        %add3A_324 = arith.addi %mul3A_229, %mul3A_323 : i32
        %min3A_325 = arith.constant 99744 : i32
        %min3A_326 = arith.minsi %add3A_324, %min3A_325 : i32
        %multiple_of3A_327 = tpu.assume_multiple %min3A_326, 8 : i32
        %dma_start3A = arith.constant 0 : i32
        %dma_start3A_328 = arith.constant 0 : i32
        %dma_start3A_329 = tpu.memref_slice %arg8[%rem3A_278, %dma_start3A, %dma_start3A_328] : memref<2x256x128xf32, #tpu.memory_space<vmem>> -> memref<1x256x128xf32, #tpu.memory_space<vmem>>
        %dma_start3A_330 = tpu.memref_squeeze %dma_start3A_329 : memref<1x256x128xf32, #tpu.memory_space<vmem>> -> memref<256x128xf32, #tpu.memory_space<vmem>>
        %dma_start3A_331 = arith.constant 0 : i32
        %dma_start3A_332 = tpu.memref_slice %arg2[%multiple_of3A_327, %dma_start3A_331] : memref<100000x128xf32, #tpu.memory_space<hbm>> -> memref<256x128xf32, #tpu.memory_space<hbm>>
        %dma_start3A_333 = tpu.memref_slice %arg15[%rem3A_278] : memref<2x!tpu.dma_semaphore, #tpu.memory_space<semaphore_mem>> -> memref<1x!tpu.dma_semaphore, #tpu.memory_space<semaphore_mem>>
        %dma_start3A_334 = tpu.memref_squeeze %dma_start3A_333 : memref<1x!tpu.dma_semaphore, #tpu.memory_space<semaphore_mem>> -> memref<!tpu.dma_semaphore, #tpu.memory_space<semaphore_mem>>
        %dma_start3A_335 = arith.constant 0 : i32
        %dma_start3A_336 = arith.constant 0 : i32
        %dma_start3A_337 = tpu.memref_slice %arg8[%rem3A_278, %dma_start3A_335, %dma_start3A_336] : memref<2x256x128xf32, #tpu.memory_space<vmem>> -> memref<1x256x128xf32, #tpu.memory_space<vmem>>
        %dma_start3A_338 = tpu.memref_squeeze %dma_start3A_337 : memref<1x256x128xf32, #tpu.memory_space<vmem>> -> memref<256x128xf32, #tpu.memory_space<vmem>>
        %dma_start3A_339 = arith.constant 0 : i32
        %dma_start3A_340 = tpu.memref_slice %arg2[%multiple_of3A_327, %dma_start3A_339] : memref<100000x128xf32, #tpu.memory_space<hbm>> -> memref<256x128xf32, #tpu.memory_space<hbm>>
        tpu.enqueue_dma source(%dma_start3A_340 : memref<256x128xf32, #tpu.memory_space<hbm>>) target(%dma_start3A_338 : memref<256x128xf32, #tpu.memory_space<vmem>>) target_semaphore(%dma_start3A_334 : memref<!tpu.dma_semaphore, #tpu.memory_space<semaphore_mem>>)
      } else {
      }
      %while3A_319 = arith.constant 0 : i32
      scf.yield %while3A_319 : i32
    }
    %multiple_of3A = tpu.assume_multiple %mul3A_2, 32 : i32
    "tpu.region"() ({
      %run_scoped3A = tpu.sem_alloc : memref<!tpu.dma_semaphore, #tpu.memory_space<semaphore_mem>>
      %dma_start3A = arith.constant 0 : i32
      %dma_start3A_275 = tpu.memref_slice %arg6[%multiple_of3A, %dma_start3A] : memref<1024x256xf32, #tpu.memory_space<hbm>> -> memref<32x256xf32, #tpu.memory_space<hbm>>
      %dma_start3A_276 = arith.constant 0 : i32
      %dma_start3A_277 = tpu.memref_slice %arg6[%multiple_of3A, %dma_start3A_276] : memref<1024x256xf32, #tpu.memory_space<hbm>> -> memref<32x256xf32, #tpu.memory_space<hbm>>
      tpu.enqueue_dma source(%arg14 : memref<32x256xf32, #tpu.memory_space<vmem>>) target(%dma_start3A_277 : memref<32x256xf32, #tpu.memory_space<hbm>>) target_semaphore(%run_scoped3A : memref<!tpu.dma_semaphore, #tpu.memory_space<semaphore_mem>>)
      %dma_wait3A = arith.constant 0 : i32
      %dma_wait3A_278 = tpu.memref_slice %arg6[%multiple_of3A, %dma_wait3A] : memref<1024x256xf32, #tpu.memory_space<hbm>> -> memref<32x256xf32, #tpu.memory_space<hbm>>
      %dma_wait3A_279 = arith.constant 0 : i32
      %dma_wait3A_280 = tpu.memref_slice %arg6[%multiple_of3A, %dma_wait3A_279] : memref<1024x256xf32, #tpu.memory_space<hbm>> -> memref<32x256xf32, #tpu.memory_space<hbm>>
      tpu.wait_dma2 semaphore(%run_scoped3A : memref<!tpu.dma_semaphore, #tpu.memory_space<semaphore_mem>>) src(%arg14 : memref<32x256xf32, #tpu.memory_space<vmem>>) dst(%dma_wait3A_280 : memref<32x256xf32, #tpu.memory_space<hbm>>)
      tpu.yield
    }) : () -> ()
    return
  }
}

</mosaic_0001>

<sc_bundles>
// kernel: kernel.3.cloned.1.call-start
scs
__scs_entry_jumppad:
0x0: {  	(pc) =	sbr.rel $0x88, $3  }
0x1: {  	(tag) =	ssettag $0x0;
	lr =	simm.s32 $0x1  }
0x2: {  	[smem:$0x3F9D] =	sst lr;
	_ =	strace $0xD0000000  }
0x3: {  	_ = 	snop  }
0x4: {  	_ = 	snop  }
0x5: {  	_ = 	snop  }
0x6: {  	_ = 	snop  }
0x7: {  	_ = 	snop  }
__scs_overlays_trampoline_lowered:
0x8: {  	[smem:$0x3FAC] =	sst s0  }
0x9: {  	[smem:$0x3FAD] =	sst s1  }
0xa: {  	[smem:$0x3FAE] =	sst s2  }
0xb: {  	[smem:$0x3FAF] =	sst s3  }
0xc: {  	[smem:$0x3FB0] =	sst s4  }
0xd: {  	[smem:$0x3FB1] =	sst s5  }
0xe: {  	[smem:$0x3FB2] =	sst s6  }
0xf: {  	[smem:$0x3FB3] =	sst s7  }
0x10: {  	[smem:$0x3FB4] =	sst s8  }
0x11: {  	[smem:$0x3FB5] =	sst s9;
	s0 =	simm.s32 @!p0 $0x0  }
0x12: {  	s1 =	sld [smem:$0x3F9B];
	s0 =	simm.s32 @p0 $0x1  }
0x13: {  	[smem:$0x3FB6] =	sst s0;
	s0 =	simm.s32 @!p1 $0x0  }
0x14: {  	s2 =	sld [smem:$0x3F9A];
	s0 =	simm.s32 @p1 $0x1  }
0x15: {  	[smem:$0x3FB7] =	sst s0;
	s0 =	simm.s32 @!p2 $0x0  }
0x16: {  	s3 =	sld [smem:$0x3FDB];
	s0 =	simm.s32 @p2 $0x1  }
0x17: {  	s4 =	simm.s32 $0x1BF5;
	[smem:$0x3FB9] =	sst s0  }
0x18: {  	s0 =	sld [smem:$0x3F9C];
	_ =	swait.ge [sflag:s4], $0x0  }
0x19: {  	s7 =	sld [smem:$0x3F9D]  }
0x1a: {  	s8 =	sadd.s32 $0xFFFFE003, lr  }
0x1b: {  	s9 =	sadd.s32 $0xFFFFFEF7, lr;
	s5 =	simm.s32 $0xFFFFFFFF;
	p2 =	slt.u32 s8, $0xFFFFF086  }
0x1c: {  	p1 =	slt.u32 s9, $0xF7A;
	s5 =	simm.s32 @!p2 $0x0  }
0x1d: {  	s5 =	simm.s32 @p1 $0x1;
	p0 =	seq.s32 s7, s2  }
0x1e: {  	s7 =	smul.u32 @!p0 $0xF7A, s2;
	p2 =	seq.s32 @!p0 s5, $0x0  }
0x1f: {  	s9 =	smul.u32 $0xF7A, s1;
	s8 =	simm.s32 @!p0 $0x1BF5;
	p2 =	por !p2, p0  }
0x20: {  	[sflag:s8] =	ssyncset.s32 @!p0 $0xFFFFF086;
	s6 =	sadd.s32 @!p0 s3, s7;
	s7 =	simm.s32 @!p0 $0x108  }
0x21: {  	s3 =	sadd.s32 s3, s9;
	s6 =	sadd.s32 @!p0 $0x88, s6;
	s7 =	simm.s32 @p2 $0x1082  }
0x22: {  	[simem:s7], [sflag:s8] =	dma.local @!p0 [hbm:s6], $0xF7A  }
0x23: {  	s9 =	sor.u32 $0xD0000000, s2;
	s6 =	simm.s32 $0x108;
	_ =	swait.ge @!p0 [sflag:s8], $0x0  }
0x24: {  	s3 =	sadd.s32 $0x88, s3;
	s6 =	simm.s32 @!p1 $0x1082;
	[sflag:s4] =	ssyncset.s32 $0xFFFFF086  }
0x25: {  	[simem:s6], [sflag:s4] =	dma.local [hbm:s3], $0xF7A  }
0x26: {  	[smem:$0x3F9D] =	sst s1;
	(tag) =	ssettag s2;
	_ =	strace s9  }
0x27: {  	s1 =	sld [smem:$0x3FAD]  }
0x28: {  	s2 =	sld [smem:$0x3FAE]  }
0x29: {  	s4 =	sld [smem:$0x3FB0]  }
0x2a: {  	p0 =	seq.s32 s5, $0x0;
	s5 =	sld [smem:$0x3FB1]  }
0x2b: {  	s6 =	sld [smem:$0x3FB2]  }
0x2c: {  	s7 =	sld [smem:$0x3FB3]  }
0x2d: {  	s3 =	simm.s32 $0x108;
	s8 =	sld [smem:$0x3FB4]  }
0x2e: {  	s3 =	simm.s32 @!p0 $0x1082;
	s9 =	sld [smem:$0x3FB5]  }
0x2f: {  	lr =	sadd.s32 s0, s3;
	s0 =	sld [smem:$0x3FAC]  }
0x30: {  	s3 =	sld [smem:$0x3FAF]  }
0x31: {  	[smem:$0x3FB8] =	sst s10  }
0x32: {  	s10 =	sld [smem:$0x3FB6];
	_ =	sdelay $0x3  }
0x33: {  	p0 =	seq.s32 s10, $0x1;
	s10 =	sld [smem:$0x3FB8];
	_ =	sdelay $0x3  }
0x34: {  	[smem:$0x3FB8] =	sst s10  }
0x35: {  	s10 =	sld [smem:$0x3FB7];
	_ =	sdelay $0x3  }
0x36: {  	p1 =	seq.s32 s10, $0x1;
	s10 =	sld [smem:$0x3FB8];
	_ =	sdelay $0x3  }
0x37: {  	[smem:$0x3FB8] =	sst s10  }
0x38: {  	s10 =	sld [smem:$0x3FB9]  }
0x39: {  	_ = 	snop;
	(pc) =	sbr.ind lr, $3  }
0x3a: {  	_ = 	snop  }
0x3b: {  	_ = 	snop  }
0x3c: {  	p2 =	seq.s32 s10, $0x1;
	s10 =	sld [smem:$0x3FB8]  }
0x3d: {  	_ =	shalt  }
0x3e: {  	_ =	shalt  }
0x3f: {  	_ =	shalt  }
0x40: {  	_ =	shalt  }
0x41: {  	_ =	shalt  }
0x42: {  	_ =	shalt  }
0x43: {  	_ =	shalt  }
0x44: {  	_ =	shalt  }
0x45: {  	_ =	shalt  }
0x46: {  	_ =	shalt  }
0x47: {  	_ =	shalt  }
0x48: {  	_ =	shalt  }
0x49: {  	_ =	shalt  }
0x4a: {  	_ =	shalt  }
0x4b: {  	_ =	shalt  }
0x4c: {  	_ =	shalt  }
0x4d: {  	_ =	shalt  }
0x4e: {  	_ =	shalt  }
0x4f: {  	_ =	shalt  }
0x50: {  	_ =	shalt  }
0x51: {  	_ =	shalt  }
0x52: {  	_ =	shalt  }
0x53: {  	_ =	shalt  }
0x54: {  	_ =	shalt  }
0x55: {  	_ =	shalt  }
0x56: {  	_ =	shalt  }
0x57: {  	_ =	shalt  }
0x58: {  	_ =	shalt  }
0x59: {  	_ =	shalt  }
0x5a: {  	_ =	shalt  }
0x5b: {  	_ =	shalt  }
0x5c: {  	_ =	shalt  }
0x5d: {  	_ =	shalt  }
0x5e: {  	_ =	shalt  }
0x5f: {  	_ =	shalt  }
0x60: {  	_ =	shalt  }
0x61: {  	_ =	shalt  }
0x62: {  	_ =	shalt  }
0x63: {  	_ =	shalt  }
0x64: {  	_ =	shalt  }
0x65: {  	_ =	shalt  }
0x66: {  	_ =	shalt  }
0x67: {  	_ =	shalt  }
0x68: {  	_ =	shalt  }
0x69: {  	_ =	shalt  }
0x6a: {  	_ =	shalt  }
0x6b: {  	_ =	shalt  }
0x6c: {  	_ =	shalt  }
0x6d: {  	_ =	shalt  }
0x6e: {  	_ =	shalt  }
0x6f: {  	_ =	shalt  }
0x70: {  	_ =	shalt  }
0x71: {  	_ =	shalt  }
0x72: {  	_ =	shalt  }
0x73: {  	_ =	shalt  }
0x74: {  	_ =	shalt  }
0x75: {  	_ =	shalt  }
0x76: {  	_ =	shalt  }
0x77: {  	_ =	shalt  }
0x78: {  	_ =	shalt  }
0x79: {  	_ =	shalt  }
0x7a: {  	_ =	shalt  }
0x7b: {  	_ =	shalt  }
0x7c: {  	_ =	shalt  }
0x7d: {  	_ =	shalt  }
0x7e: {  	_ =	shalt  }
0x7f: {  	_ =	shalt  }
0x80: {  	_ =	shalt  }
0x81: {  	_ =	shalt  }
0x82: {  	_ =	shalt  }
0x83: {  	_ =	shalt  }
0x84: {  	_ =	shalt  }
0x85: {  	_ =	shalt  }
0x86: {  	_ =	shalt  }
0x87: {  	_ =	shalt  }
.Lfunc_end0:
.L_simem_size_0:
called_computation_lowered:
.L_overlay_start_0:
0x88: {  	s2 =	sld [smem:$0x3FD9]  }
0x89: {  	s3 =	sld [smem:$0x3FFE];
	_ =	sdelay $0x1  }
0x8a: {  	s1 =	srdreg.scid  }
0x8b: {  	s0 =	sand.u32 $0x1, s1  }
0x8c: {  	s17 =	sshll.u32 s0, $0xA;
	s2 =	sadd.s32 s3, s2  }
0x8d: {  	s2 =	sadd.s32 s2, s17  }
0x8e: {  	[smem:$0x3FC4] =	sst s2  }
0x8f: {  	_ = 	snop  }
0x90: {  	s2 =	sld [smem:$0x3FC9]  }
0x91: {  	s18 =	sld [smem:$0x3FC8]  }
0x92: {  	s4 =	sld [smem:$0x3FC7]  }
0x93: {  	s5 =	sld [smem:$0x3FD0];
	(tm) =	ssettm $0x1  }
0x94: {  	s6 =	sld [smem:$0x3FFB];
	_ =	sdelay $0x3  }
0x95: {  	_ =	strace s6  }
0x96: {  	s6 =	sld [smem:$0x3FFC];
	_ =	sdelay $0x3  }
0x97: {  	_ =	strace s6  }
0x98: {  	s6 =	sld [smem:$0x3FFD];
	_ =	sdelay $0x3  }
0x99: {  	_ =	strace s6  }
0x9a: {  	_ =	strace $0x8FFFFFFF  }
0x9b: {  	s19 =	sld [smem:$0x3FDB];
	_ =	sdelay $0x1  }
0x9c: {  	s7 =	simm.s32 $_scs_section_size  }
0x9d: {  	s8 =	simm.s32 $_size__tile_overlayer_lowered;
	s9 =	simm.s32 $_tile_overlayer_lowered  }
0x9e: {  	s22 =	simm.s32 $0x1BFF;
	s21 =	sshll.u32 s9, $0x1;
	s6 =	sadd.s32 s7, s19  }
0x9f: {  	s10 =	simm.s32 $0x0;
	s20 =	sshll.u32 s8, $0x1;
	s8 =	sadd.s32 s21, s6  }
0xa0: {  	[timem:s10], [sflag:s22] =	dma.local [hbm:s8], s20  }
0xa1: {  	_ =	swait.ge [sflag:s22], s20  }
0xa2: {  	s7 =	ssub.s32 $0x0, s20;
	[sflag:s22] =	ssyncset.done $0x0  }
0xa3: {  	[sflag:s22] =	ssyncadd.s32 s7;
	_ =	sdelay $0x1  }
0xa4: {  	s23 =	simm.s32 $0x1B8B  }
0xa5: {  	_ =	swait.ge [sflag:s23], $0x1  }
0xa6: {  	[sflag:s23] =	ssyncset.done $0x0  }
0xa7: {  	s25 =	simm.s32 $0x1B8E;
	s24 =	sld [smem:$0x3FFE];
	[sflag:s23] =	ssyncadd.s32 $0xFFFFFFFF  }
0xa8: {  	s26 =	simm.s32 $execute0_lowered;
	[smem:$0x3FD2] =	sst s25  }
0xa9: {  	s8 =	sshll.u32 s26, $0x1;
	_ =	strace $0x80000046;
	[dreg:$0x1] =	wrdreg $0xFFFFFFFF  }
0xaa: {  	s28 =	simm.s32 $_size_execute0_lowered;
	s6 =	sadd.s32 s6, s8;
	[dreg:$0x0] =	wrdreg $0x0  }
0xab: {  	s8 =	sshll.u32 s28, $0x1;
	[dreg:$0x2] =	wrdreg s6  }
0xac: {  	[dreg:$0x3] =	wrdreg s8  }
0xad: {  	[dreg:$0x4] =	wrdreg $0xC0  }
0xae: {  	_ =	task [dreg:s10], $0x5FFFF  }
0xaf: {  	[dreg:$0x1] =	wrdreg $0xFFFFFFFF  }
0xb0: {  	[dreg:$0x0] =	wrdreg $0x60  }
0xb1: {  	[dreg:$0x2] =	wrdreg s2  }
0xb2: {  	[dreg:$0x3] =	wrdreg s18  }
0xb3: {  	[dreg:$0x4] =	wrdreg s4  }
0xb4: {  	[dreg:$0x5] =	wrdreg s24  }
0xb5: {  	[dreg:$0x6] =	wrdreg s5  }
0xb6: {  	[dreg:$0x7] =	wrdreg $0x9  }
0xb7: {  	_ =	task.clear_ibuf [dreg:s10], $0x8FFFF;
	_ =	strace $0x90000046  }
0xb8: {  	s29 =	simm.s32 $0x9;
	_ =	strace $0x80000048  }
0xb9: {  	_ =	swait.ge [sflag:s29], $0x1  }
0xba: {  	[sflag:s29] =	ssyncadd.s32 $0xFFFFFFFF  }
0xbb: {  	_ =	strace $0x90000048  }
0xbc: {  	_ =	sfence  }
0xbd: {  	s30 =	sld [smem:$0x0];
	_ =	sdelay $0x2  }
0xbe: {  	s31 =	sshll.u32 s1, $0xD;
	s1 =	sshrl.u32 s1, $0x2  }
0xbf: {  	s3 =	sand.u32 $0x4000, s31;
	s1 =	sadd.s32 s1, s30  }
0xc0: {  	s0 =	sor.u32 s3, s0;
	s1 =	sshll.u32 s1, $0x11  }
0xc1: {  	s0 =	sor.u32 s1, s0  }
0xc2: {  	s0 =	sadd.s32 $0x8F2B, s0  }
0xc3: {  	[sflag:s0] =	ssyncadd.remote.s32 $0x1  }
0xc4: {  	_ =	sfence.sel $0xFFFF  }
0xc5: {  	[dreg:$0x0] =	wrdreg $0xFFFFFFFF;
	(pc) =	sbr.abs _section_cstart, $3  }
0xc6: {  	[dreg:$0x1] =	wrdreg $0xFFFFFFFF  }
0xc7: {  	_ =	task.clear_ibuf [dreg:s10], $0x2FFFF;
	_ =	strace $0x9FFFFFFF  }
0xc8: {  	(tm) =	ssettm $0x7FFFFFFF  }
0xc9: {  	_ =	shalt  }
tec
execute0_lowered:
.L_overlay_start_1:
0x0: {  	(tag) =	ssettag $0x1  }
0x1: {  	s0 =	rddreg [dreg:$0x0]  }
0x2: {  	s1 =	rddreg [dreg:$0x1]  }
0x3: {  	s3 =	rddreg [dreg:$0x3]  }
0x4: {  	s2 =	rddreg [dreg:$0x4]  }
0x5: {  	v0 =	vimm.s32 $0xEDCBA987;
	v1 =	vimm.s32 $0x65432100;
	v2 =	vimm.s32 $0xFFEDCBA9;
	s4 =	simm.s32 $0x0;
	s5 =	srdreg.scid;
	s11 =	stileid.u32  }
0x6: {  	v3 =	vimm.s32 $0x87654321;
	v54 =	vimm.s32 $0xBA987654;
	[smem:$0x7FF] =	sst s4;
	s6 =	sadd.s32 $0x800, s3;
	s5 =	sand.u32 $0x1, s5  }
0x7: {  	v55 =	vimm.s32 $0x98765432;
	s3 =	sadd.s32 $0xA00, s3;
	s7 =	sshll.u32 s11, $0x1;
	_ =	strace $0x80000047  }
0x8: {  	v53 =	vimm.s32 $0xFFFEDCBA;
	v57 =	vimm.s32 $0xFEDCBA98;
	v4 =	vimm.s32 $0xF0E0D0C;
	[dreg:$0x6] =	wrdreg s6;
	s25 =	ssub.s32 $0x2, s5;
	s8 =	smul.u32 $0x480, s5  }
0x9: {  	vm2 =	vcmask $0x1F00;
	vm1 =	vcmask $0x2F20;
	v58 =	vimm.s32 $0x76543210;
	s10 =	sor.u32 s5, s7;
	s5 =	smul.u32 $0x90, s5;
	s9 =	sshrl.u32 s25, $0x1  }
0xa: {  	v59 =	vimm.s32 $0xBA98FEDC;
	v60 =	vimm.s32 $0x32107654;
	s26 =	smul.u32 $0x90, s10;
	s18 =	sshll.u32 s10, $0x5;
	s20 =	sshll.u32 s10, $0xA  }
0xb: {  	v61 =	vimm.s32 $0xDCFE98BA;
	v5 =	vimm.s32 $0x54761032;
	v6 =	vimm.s32 $0xEFCDAB89;
	s8 =	sshrl.u32 s8, $0x3;
	[dreg:$0x11] =	wrdreg s18;
	s2 =	sadd.s32 s2, s20  }
0xc: {  	v7 =	vimm.s32 $0x67452301;
	v0 =	vunpack.c.l.s4.s8 v0;
	v1 =	vunpack.c.l.s4.s8 v1;
	s6 =	ssub.s32 s25, s9;
	s9 =	sadd.s32 s3, s26;
	[dreg:$0x14] =	wrdreg s2  }
0xd: {  	v2 =	vunpack.c.l.s4.s8 v2;
	v3 =	vunpack.c.l.s4.s8 v3;
	v56 =	vunpack.c.l.s4.s8 v54;
	s8 =	sadd.s32 s3, s8;
	s3 =	sadd.s32 s3, s5;
	[dreg:$0xc] =	wrdreg s9  }
0xe: {  	v4 =	vunpack.c.0.s8.s32 v4;
	v6 =	vunpack.c.l.s4.s8 v6;
	v7 =	vunpack.c.l.s4.s8 v7;
	s12 =	sadd.s32 $0x120, s8;
	[dreg:$0x12] =	wrdreg s3  }
0xf: {  	v5 =	vunpack.c.l.s4.s8 v5;
	v0 =	vunpack.c.0.s8.s32 v0;
	v1 =	vunpack.c.0.s8.s32 v1;
	s28 =	sadd.s32 $0x240, s8;
	[dreg:$0x7] =	wrdreg s12  }
0x10: {  	v51 =	vunpack.c.0.s8.s32 v2;
	v6 =	vunpack.c.0.s8.s32 v6;
	v7 =	vunpack.c.0.s8.s32 v7;
	s29 =	sadd.s32 $0x360, s8;
	[dreg:$0x8] =	wrdreg s28  }
0x11: {  	v52 =	vunpack.c.0.s8.s32 v3;
	v2 =	vunpack.c.l.s4.s8 v53;
	v3 =	vunpack.c.l.s4.s8 v57;
	s19 =	sadd.s32 $0x10480, s18;
	s31 =	sadd.s32 $0x480, s8;
	[dreg:$0x9] =	wrdreg s29  }
0x12: {  	v0 =	vand.u32 $0xF, v0;
	v14 =	vmov s19;
	v42 =	vcombine.low v7, v6;
	s13 =	sadd.s32 $0x5A0, s8;
	[dreg:$0xa] =	wrdreg s31  }
0x13: {  	v8 =	vcombine.low v1, v0;
	v0 =	vunpack.c.l.s4.s8 v55;
	v1 =	vunpack.c.0.s8.s32 v56;
	s14 =	sadd.s32 $0x6C0, s8;
	[dreg:$0xb] =	wrdreg s13  }
0x14: {  	v5 =	vunpack.c.0.s8.s32 v5;
	v10 =	vcombine.low v52, v51;
	v2 =	vunpack.c.0.s8.s32 v2;
	s15 =	sadd.s32 $0x7E0, s8;
	[tilespmem:$0x1FFE0] =	vst v14;
	[dreg:$0xd] =	wrdreg s14  }
0x15: {  	v3 =	vunpack.c.0.s8.s32 v3;
	s16 =	sadd.s32 $0x900, s8;
	[dreg:$0xe] =	wrdreg s15;
	[tilespmem:$0x1FF50] =	vst v42;
	v0 =	vunpack.c.0.s8.s32 v0;
	v1 =	vnsel vm2, $0xF, v1  }
0x16: {  	s17 =	sadd.s32 $0xA20, s8;
	[dreg:$0xf] =	wrdreg s16;
	v52 =	vand.u32 $0xF, v42;
	[tilespmem:$0x1FFA0] =	vst v10;
	v12 =	vsel vm1, v4, v1;
	v4 =	vunpack.c.l.s4.s8 v61  }
0x17: {  	s21 =	sadd.s32 $0xB40, s8;
	[dreg:$0x10] =	wrdreg s17;
	[tilespmem:$0x1FF80] =	vst v52;
	v1 =	vunpack.c.l.s4.s8 v59;
	v11 =	vcombine.low v0, v2;
	v2 =	vunpack.c.l.s4.s8 v60  }
0x18: {  	s7 =	smul.u32 $0x187, s11;
	s23 =	sadd.s32 $0xC60, s8;
	v13 =	vnsel vm2, $0xF, v3;
	[dreg:$0x13] =	wrdreg s21;
	[tilespmem:$0x1FF90] =	vst v8;
	v0 =	vunpack.c.l.s4.s8 v58;
	v4 =	vunpack.c.0.s8.s32 v4  }
0x19: {  	s22 =	smul.u32 $0x61C0, s11;
	s24 =	sadd.s32 $0xD80, s8;
	[dreg:$0x15] =	wrdreg s23;
	[tilespmem:$0x1FFD0] =	vst v13;
	v1 =	vunpack.c.0.s8.s32 v1;
	v2 =	vunpack.c.0.s8.s32 v2  }
0x1a: {  	s30 =	sadd.s32 $0x187, s7;
	s25 =	sadd.s32 $0xEA0, s8;
	[dreg:$0x16] =	wrdreg s24;
	[tilespmem:$0x1FFC0] =	vst v12;
	v0 =	vunpack.c.0.s8.s32 v0;
	v36 =	vcombine.low v5, v4  }
0x1b: {  	s2 =	sshrl.u32 s22, $0x2;
	s26 =	sadd.s32 $0xFC0, s8;
	[dreg:$0x17] =	wrdreg s25;
	v62 =	vand.u32 $0xF, v3;
	[tilespmem:$0x1FFB0] =	vst v11;
	v37 =	vcombine.low v2, v1  }
.Ltmp0:
0x1c: {  	s2 =	sadd.s32 $0x10010, s2;
	[dreg:$0x18] =	wrdreg s26;
	v1 =	vcombine.low v62, v0;
	[tilespmem:$0x1FF40] =	vst v36;
	(pc) =	sbr.rel .LBB2_1-.Ltmp0, $4  }
0x1d: {  	s5 =	simm.s32 $0x10900;
	s28 =	sadd.s32 $0x10E0, s8;
	[dreg:$0x1b] =	wrdreg s2;
	[tilespmem:$0x1FF30] =	vst v37  }
0x1e: {  	s29 =	smax.u32 s6, $0x1;
	s31 =	smul.u32 $0x1870, s11;
	[dreg:$0x19] =	wrdreg s28;
	v43 =	vand.u32 $0xF, v36;
	[tilespmem:$0x1FF60] =	vst v1  }
0x1f: {  	v9 =	vlaneseq.u32;
	vm0 =	vmmov $0x3fff;
	s3 =	simm.s32 $0x10000;
	s9 =	simm.s32 $0x0;
	[dreg:$0x1a] =	wrdreg s29;
	v63 =	vand.u32 $0xF, v37;
	[tilespmem:$0x1FFF0] =	vst v43  }
0x20: {  	v15 =	vimm.s32 $0x0;
	s6 =	simm.s32 $0x3;
	s2 =	simm.s32 $0x10480;
	vm2 =	vmmov $0xff;
	vm1 =	vmmov $0xfff;
	[dreg:$0x1c] =	wrdreg s31;
	[tilespmem:$0x1FF70] =	vst v63  }
.LBB2_76:
0x21: {  	s8 =	rddreg [dreg:$0x14];
	s9 =	simm.s32 $0x10E80  }
0x22: {  	[hbm4b:s8+s4] =	stream.linear.scatter [tilespmem:s9], [sflag:$0x3], $0x2000, $0x38;
	[tilespmem:$0x12E80] =	vst v63  }
0x23: {  	_ =	swait.ge [sflag:s6], $0x2000  }
0x24: {  	s29 =	rddreg [dreg:$0x1d]  }
0x25: {  	s31 =	rddreg [dreg:$0x1a];
	s9 =	sadd.s32 $0x1, s29  }
0x26: {  	p0 =	sne.s32 s9, s31  }
.Ltmp1:
0x27: {  	_ = 	snop;
	(pc) =	sbr.rel @!p0 .LBB2_77-.Ltmp1, $3  }
0x28: {  	_ =	sdelay $0x1  }
0x29: {  	[sflag:s6] =	ssyncset.done $0x0  }
0x2a: {  	[sflag:s6] =	ssyncadd.s32 $0xFFFFE000  }
.LBB2_1:
0x2b: {  	[dreg:$0x1d] =	wrdreg s9  }
0x2c: {  	s8 =	rddreg [dreg:$0x2];
	s28 =	simm.s32 $0x10D80  }
0x2d: {  	[tilespmem:s28], [sflag:$0x3] =	stream.linear.gather [hbm4b:s8+s4], $0x80, $0x38;
	[tilespmem:$0x12E80] =	vst v63  }
0x2e: {  	_ =	swait.ge [sflag:s6], $0x80  }
0x2f: {  	[sflag:s6] =	ssyncset.done $0x0  }
0x30: {  	s31 =	simm.s32 $0x10E00;
	s29 =	rddreg [dreg:$0x6];
	[sflag:s6] =	ssyncadd.s32 $0xFFFFFF80  }
0x31: {  	[tilespmem:s31], [sflag:$0x3] =	stream.linear.gather [hbm4b:s29+s4], $0x80, $0x38;
	[tilespmem:$0x12E80] =	vst v63  }
0x32: {  	_ =	swait.ge [sflag:s6], $0x80  }
0x33: {  	[sflag:s6] =	ssyncset.done $0x0  }
0x34: {  	v0 =	vimm.s32 $0x186A0;
	s8 =	simm.s32 $0x0;
	[sflag:s6] =	ssyncadd.s32 $0xFFFFFF80  }
.LBB2_2:
0x35: {  	p0 =	sne.s32 s8, $0x1040  }
.Ltmp2:
0x36: {  	_ = 	snop;
	(pc) =	sbr.rel @p0 .LBB2_2-.Ltmp2, $3  }
0x37: {  	_ =	sdelay $0x1  }
0x38: {  	s9 =	sshra.s32 s8, $0x2  }
0x39: {  	s8 =	sadd.s32 $0x40, s8;
	[tilespmem:s9+$0x10480] =	vst v0  }
.Ltmp3:
0x3a: {  	(pc) =	sbr.rel .LBB2_4-.Ltmp3, $3  }
0x3b: {  	_ =	sdelay $0x1  }
0x3c: {  	s9 =	rddreg [dreg:$0x1b]  }
0x3d: {  	s8 =	simm.s32 $0x0;
	s10 =	rddreg [dreg:$0x1c]  }
.LBB2_7:
0x3e: {  	_ =	sdelay $0x4  }
0x3f: {  	[tilespmem:v0+s2+$0x0] =	vst.idx.msk vm3, v1  }
.LBB2_8:
0x40: {  	s8 =	sadd.s32 $0x1, s8  }
0x41: {  	p0 =	sne.s32 s8, $0x7  }
.Ltmp4:
0x42: {  	_ = 	snop;
	(pc) =	sbr.rel @!p0 .LBB2_9-.Ltmp4, $2  }
0x43: {  	_ =	sdelay $0x2  }
0x44: {  	s10 =	sadd.s32 $0x400, s10;
	s9 =	sadd.s32 $0x400, s9  }
.LBB2_4:
0x45: {  	s11 =	sshll.u32 s8, $0x6  }
0x46: {  	s14 =	sadd.s32 s7, s11  }
0x47: {  	s11 =	sadd.s32 $0x40, s14  }
0x48: {  	s11 =	smin.u32 s30, s11  }
0x49: {  	s11 =	smin.u32 s11, $0x186A  }
0x4a: {  	p0 =	sle.u32 s11, s14  }
.Ltmp5:
0x4b: {  	_ = 	snop;
	(pc) =	sbr.rel @p0 .LBB2_8-.Ltmp5, $1  }
0x4c: {  	_ =	sdelay $0x3  }
0x4d: {  	s12 =	sshll.u32 s14, $0x4  }
0x4e: {  	s12 =	smax.u32 s12, $0x10  }
0x4f: {  	p0 =	sgt.s32 s10, $0x10;
	s13 =	smov.u32 s10;
	s12 =	smin.u32 s12, $0x182A0  }
0x50: {  	s13 =	simm.s32 @!p0 $0x10;
	s12 =	sadd.s32 $0xFFFFFFF0, s12  }
0x51: {  	s13 =	smin.u32 s13, $0x182A0;
	s12 =	sshrl.u32 s12, $0x3  }
0x52: {  	s15 =	sshll.u32 s13, $0x2;
	s12 =	sadd.s32 s1, s12  }
0x53: {  	[tilespmem:s3], [sflag:$0x3] =	stream.linear.gather [hbm4b:s12+s4], $0x410, $0x38;
	[tilespmem:$0x12E80] =	vst v63  }
0x54: {  	s15 =	ssub.s32 $0x0, s15;
	_ =	swait.ge [sflag:s6], $0x410  }
0x55: {  	s31 =	sshra.s32 s15, $0x2;
	s12 =	ssub.s32 $0x10, s13;
	[sflag:s6] =	ssyncset.done $0x0  }
0x56: {  	s13 =	sadd.s32 s31, s9;
	s15 =	sadd.s32 s10, s12;
	[sflag:s6] =	ssyncadd.s32 $0xFFFFFBF0  }
0x57: {  	p0 =	sgt.s32 s15, $0x1;
	v0 =	vld [tilespmem:s13+$0x0]  }
0x58: {  	p1 =	seq.s32 s15, $0x0;
	s15 =	simm.s32 @!p0 $0x1  }
0x59: {  	v1 =	vld [tilespmem:s15+$0xFFFF];
	_ =	sdelay $0x2  }
0x5a: {  	v2 =	vperm.xlane v0, v8;
	_ =	sdelay $0x1  }
0x5b: {  	v1 =	vpsel p1, v2, v1;
	v2 =	vmov s10  }
0x5c: {  	s14 =	sadd.s32 $0x1, s14;
	vm3 =	vne.s32 v0, v1;
	vm4 =	veq.s32 v2, v9  }
0x5d: {  	p0 =	slt.u32 s14, s11;
	vm3 =	vmor vm4, vm3  }
.Ltmp6:
0x5e: {  	_ = 	snop;
	(pc) =	sbr.rel @!p0 .LBB2_7-.Ltmp6, $2  }
0x5f: {  	_ =	sdelay $0x2  }
0x60: {  	s15 =	sadd.s32 $0x10, s10;
	v1 =	vor.u32 s10, v9  }
.LBB2_6:
0x61: {  	s16 =	sadd.s32 s15, s12;
	s14 =	sadd.s32 $0x1, s14;
	[tilespmem:v0+s2+$0x0] =	vst.idx.msk vm3, v1;
	s13 =	sadd.s32 $0x10, s13  }
0x62: {  	v0 =	vld [tilespmem:s13+$0x0];
	p1 =	sgt.s32 s16, $0x1;
	p0 =	slt.u32 s14, s11;
	s17 =	smov.u32 s16  }
0x63: {  	s17 =	simm.s32 @!p1 $0x1  }
0x64: {  	v1 =	vld [tilespmem:s17+$0xFFFF];
	_ =	sdelay $0x2  }
0x65: {  	v2 =	vperm.xlane v0, v8  }
0x66: {  	p1 =	seq.s32 s16, $0x0  }
0x67: {  	v1 =	vpsel p1, v2, v1;
	v2 =	vmov s15  }
0x68: {  	vm3 =	vne.s32 v0, v1;
	vm4 =	veq.s32 v2, v9  }
0x69: {  	vm3 =	vmor vm4, vm3  }
.Ltmp7:
0x6a: {  	(pc) =	sbr.rel @p0 .LBB2_6-.Ltmp7, $2  }
0x6b: {  	_ =	sdelay $0x2  }
0x6c: {  	v1 =	vor.u32 s15, v9;
	s15 =	sadd.s32 $0x10, s15  }
.Ltmp8:
0x6d: {  	_ = 	snop;
	(pc) =	sbr.rel .LBB2_7-.Ltmp8, $1  }
0x6e: {  	_ =	sdelay $0x3  }
.LBB2_9:
0x6f: {  	s8 =	simm.s32 $0x0;
	s9 =	rddreg [dreg:$0xc]  }
0x70: {  	[hbm4b:s9+s8] =	stream.linear.scatter [tilespmem:s2], [sflag:$0x3], $0x480, $0x38;
	[tilespmem:$0x12E80] =	vst v63  }
0x71: {  	_ =	swait.ge [sflag:s6], $0x480  }
0x72: {  	[sflag:s6] =	ssyncset.done $0x0  }
0x73: {  	[sflag:s6] =	ssyncadd.s32 $0xFFFFFB80  }
0x74: {  	[bflag:$0x0] =	sbarrier.arrive $0xFFFF  }
0x75: {  	s31 =	rddreg [dreg:$0x12]  }
0x76: {  	[tilespmem:s5], [sflag:$0x3] =	stream.linear.gather [hbm4b:s31+s8], $0x480, $0x38;
	[tilespmem:$0x12E80] =	vst v63  }
0x77: {  	_ =	swait.ge [sflag:s6], $0x480  }
0x78: {  	[sflag:s6] =	ssyncset.done $0x0  }
0x79: {  	s8 =	simm.s32 $0x0;
	[sflag:s6] =	ssyncadd.s32 $0xFFFFFB80  }
0x7a: {  	s9 =	simm.s32 $0x40;
	v0 =	vld [tilespmem:s8+$0x10900]  }
.LBB2_10:
0x7b: {  	p0 =	sne.s32 s9, $0x1040;
	v1 =	vld [tilespmem:s8+$0x10480];
	_ =	sdelay $0x2  }
.Ltmp9:
0x7c: {  	(pc) =	sbr.rel @p0 .LBB2_10-.Ltmp9, $4  }
0x7d: {  	_ = 	snop  }
0x7e: {  	vm3 =	vlt.s32 v1, v0  }
0x7f: {  	s10 =	sshra.s32 s9, $0x2;
	v1 =	vsel vm3, v1, v0  }
0x80: {  	s9 =	sadd.s32 $0x40, s9;
	v0 =	vld [tilespmem:s10+$0x10900];
	[tilespmem:s8+$0x10480] =	vst v1;
	s8 =	smov.u32 s10  }
0x81: {  	v1 =	vld [tilespmem:s8+$0x10480];
	_ =	sdelay $0x4  }
0x82: {  	vm3 =	vlt.s32 v1, v0  }
0x83: {  	v0 =	vsel vm3, v1, v0  }
0x84: {  	s31 =	simm.s32 $0x0;
	s9 =	rddreg [dreg:$0x7];
	[tilespmem:s8+$0x10480] =	vst v0  }
0x85: {  	[tilespmem:s5], [sflag:$0x3] =	stream.linear.gather [hbm4b:s9+s31], $0x480, $0x38;
	[tilespmem:$0x12E80] =	vst v63  }
0x86: {  	_ =	swait.ge [sflag:s6], $0x480  }
0x87: {  	[sflag:s6] =	ssyncset.done $0x0  }
0x88: {  	s8 =	simm.s32 $0x0;
	[sflag:s6] =	ssyncadd.s32 $0xFFFFFB80  }
0x89: {  	s9 =	simm.s32 $0x40;
	v0 =	vld [tilespmem:s8+$0x10900]  }
.LBB2_12:
0x8a: {  	p0 =	sne.s32 s9, $0x1040;
	v1 =	vld [tilespmem:s8+$0x10480];
	_ =	sdelay $0x2  }
.Ltmp10:
0x8b: {  	(pc) =	sbr.rel @p0 .LBB2_12-.Ltmp10, $4  }
0x8c: {  	_ = 	snop  }
0x8d: {  	vm3 =	vlt.s32 v1, v0  }
0x8e: {  	s10 =	sshra.s32 s9, $0x2;
	v1 =	vsel vm3, v1, v0  }
0x8f: {  	s9 =	sadd.s32 $0x40, s9;
	v0 =	vld [tilespmem:s10+$0x10900];
	[tilespmem:s8+$0x10480] =	vst v1;
	s8 =	smov.u32 s10  }
0x90: {  	v1 =	vld [tilespmem:s8+$0x10480];
	_ =	sdelay $0x4  }
0x91: {  	vm3 =	vlt.s32 v1, v0  }
0x92: {  	v0 =	vsel vm3, v1, v0  }
0x93: {  	s31 =	simm.s32 $0x0;
	s9 =	rddreg [dreg:$0x8];
	[tilespmem:s8+$0x10480] =	vst v0  }
0x94: {  	[tilespmem:s5], [sflag:$0x3] =	stream.linear.gather [hbm4b:s9+s31], $0x480, $0x38;
	[tilespmem:$0x12E80] =	vst v63  }
0x95: {  	_ =	swait.ge [sflag:s6], $0x480  }
0x96: {  	[sflag:s6] =	ssyncset.done $0x0  }
0x97: {  	s8 =	simm.s32 $0x0;
	[sflag:s6] =	ssyncadd.s32 $0xFFFFFB80  }
0x98: {  	s9 =	simm.s32 $0x40;
	v0 =	vld [tilespmem:s8+$0x10900]  }
.LBB2_14:
0x99: {  	p0 =	sne.s32 s9, $0x1040;
	v1 =	vld [tilespmem:s8+$0x10480];
	_ =	sdelay $0x2  }
.Ltmp11:
0x9a: {  	(pc) =	sbr.rel @p0 .LBB2_14-.Ltmp11, $4  }
0x9b: {  	_ = 	snop  }
0x9c: {  	vm3 =	vlt.s32 v1, v0  }
0x9d: {  	s10 =	sshra.s32 s9, $0x2;
	v1 =	vsel vm3, v1, v0  }
0x9e: {  	s9 =	sadd.s32 $0x40, s9;
	v0 =	vld [tilespmem:s10+$0x10900];
	[tilespmem:s8+$0x10480] =	vst v1;
	s8 =	smov.u32 s10  }
0x9f: {  	v1 =	vld [tilespmem:s8+$0x10480];
	_ =	sdelay $0x4  }
0xa0: {  	vm3 =	vlt.s32 v1, v0  }
0xa1: {  	v0 =	vsel vm3, v1, v0  }
0xa2: {  	s31 =	simm.s32 $0x0;
	s9 =	rddreg [dreg:$0x9];
	[tilespmem:s8+$0x10480] =	vst v0  }
0xa3: {  	[tilespmem:s5], [sflag:$0x3] =	stream.linear.gather [hbm4b:s9+s31], $0x480, $0x38;
	[tilespmem:$0x12E80] =	vst v63  }
0xa4: {  	_ =	swait.ge [sflag:s6], $0x480  }
0xa5: {  	[sflag:s6] =	ssyncset.done $0x0  }
0xa6: {  	s8 =	simm.s32 $0x0;
	[sflag:s6] =	ssyncadd.s32 $0xFFFFFB80  }
0xa7: {  	s9 =	simm.s32 $0x40;
	v0 =	vld [tilespmem:s8+$0x10900]  }
.LBB2_16:
0xa8: {  	p0 =	sne.s32 s9, $0x1040;
	v1 =	vld [tilespmem:s8+$0x10480];
	_ =	sdelay $0x2  }
.Ltmp12:
0xa9: {  	(pc) =	sbr.rel @p0 .LBB2_16-.Ltmp12, $4  }
0xaa: {  	_ = 	snop  }
0xab: {  	vm3 =	vlt.s32 v1, v0  }
0xac: {  	s10 =	sshra.s32 s9, $0x2;
	v1 =	vsel vm3, v1, v0  }
0xad: {  	s9 =	sadd.s32 $0x40, s9;
	v0 =	vld [tilespmem:s10+$0x10900];
	[tilespmem:s8+$0x10480] =	vst v1;
	s8 =	smov.u32 s10  }
0xae: {  	v1 =	vld [tilespmem:s8+$0x10480];
	_ =	sdelay $0x4  }
0xaf: {  	vm3 =	vlt.s32 v1, v0  }
0xb0: {  	v0 =	vsel vm3, v1, v0  }
0xb1: {  	s31 =	simm.s32 $0x0;
	s9 =	rddreg [dreg:$0xa];
	[tilespmem:s8+$0x10480] =	vst v0  }
0xb2: {  	[tilespmem:s5], [sflag:$0x3] =	stream.linear.gather [hbm4b:s9+s31], $0x480, $0x38;
	[tilespmem:$0x12E80] =	vst v63  }
0xb3: {  	_ =	swait.ge [sflag:s6], $0x480  }
0xb4: {  	[sflag:s6] =	ssyncset.done $0x0  }
0xb5: {  	s8 =	simm.s32 $0x0;
	[sflag:s6] =	ssyncadd.s32 $0xFFFFFB80  }
0xb6: {  	s9 =	simm.s32 $0x40;
	v0 =	vld [tilespmem:s8+$0x10900]  }
.LBB2_18:
0xb7: {  	p0 =	sne.s32 s9, $0x1040;
	v1 =	vld [tilespmem:s8+$0x10480];
	_ =	sdelay $0x2  }
.Ltmp13:
0xb8: {  	(pc) =	sbr.rel @p0 .LBB2_18-.Ltmp13, $4  }
0xb9: {  	_ = 	snop  }
0xba: {  	vm3 =	vlt.s32 v1, v0  }
0xbb: {  	s10 =	sshra.s32 s9, $0x2;
	v1 =	vsel vm3, v1, v0  }
0xbc: {  	s9 =	sadd.s32 $0x40, s9;
	v0 =	vld [tilespmem:s10+$0x10900];
	[tilespmem:s8+$0x10480] =	vst v1;
	s8 =	smov.u32 s10  }
0xbd: {  	v1 =	vld [tilespmem:s8+$0x10480];
	_ =	sdelay $0x4  }
0xbe: {  	vm3 =	vlt.s32 v1, v0  }
0xbf: {  	v0 =	vsel vm3, v1, v0  }
0xc0: {  	s31 =	simm.s32 $0x0;
	s9 =	rddreg [dreg:$0xb];
	[tilespmem:s8+$0x10480] =	vst v0  }
0xc1: {  	[tilespmem:s5], [sflag:$0x3] =	stream.linear.gather [hbm4b:s9+s31], $0x480, $0x38;
	[tilespmem:$0x12E80] =	vst v63  }
0xc2: {  	_ =	swait.ge [sflag:s6], $0x480  }
0xc3: {  	[sflag:s6] =	ssyncset.done $0x0  }
0xc4: {  	s8 =	simm.s32 $0x0;
	[sflag:s6] =	ssyncadd.s32 $0xFFFFFB80  }
0xc5: {  	s9 =	simm.s32 $0x40;
	v0 =	vld [tilespmem:s8+$0x10900]  }
.LBB2_20:
0xc6: {  	p0 =	sne.s32 s9, $0x1040;
	v1 =	vld [tilespmem:s8+$0x10480];
	_ =	sdelay $0x2  }
.Ltmp14:
0xc7: {  	(pc) =	sbr.rel @p0 .LBB2_20-.Ltmp14, $4  }
0xc8: {  	_ = 	snop  }
0xc9: {  	vm3 =	vlt.s32 v1, v0  }
0xca: {  	s10 =	sshra.s32 s9, $0x2;
	v1 =	vsel vm3, v1, v0  }
0xcb: {  	s9 =	sadd.s32 $0x40, s9;
	v0 =	vld [tilespmem:s10+$0x10900];
	[tilespmem:s8+$0x10480] =	vst v1;
	s8 =	smov.u32 s10  }
0xcc: {  	v1 =	vld [tilespmem:s8+$0x10480];
	_ =	sdelay $0x4  }
0xcd: {  	vm3 =	vlt.s32 v1, v0  }
0xce: {  	v0 =	vsel vm3, v1, v0  }
0xcf: {  	s31 =	simm.s32 $0x0;
	s9 =	rddreg [dreg:$0xd];
	[tilespmem:s8+$0x10480] =	vst v0  }
0xd0: {  	[tilespmem:s5], [sflag:$0x3] =	stream.linear.gather [hbm4b:s9+s31], $0x480, $0x38;
	[tilespmem:$0x12E80] =	vst v63  }
0xd1: {  	_ =	swait.ge [sflag:s6], $0x480  }
0xd2: {  	[sflag:s6] =	ssyncset.done $0x0  }
0xd3: {  	s8 =	simm.s32 $0x0;
	[sflag:s6] =	ssyncadd.s32 $0xFFFFFB80  }
0xd4: {  	s9 =	simm.s32 $0x40;
	v0 =	vld [tilespmem:s8+$0x10900]  }
.LBB2_22:
0xd5: {  	p0 =	sne.s32 s9, $0x1040;
	v1 =	vld [tilespmem:s8+$0x10480];
	_ =	sdelay $0x2  }
.Ltmp15:
0xd6: {  	(pc) =	sbr.rel @p0 .LBB2_22-.Ltmp15, $4  }
0xd7: {  	_ = 	snop  }
0xd8: {  	vm3 =	vlt.s32 v1, v0  }
0xd9: {  	s10 =	sshra.s32 s9, $0x2;
	v1 =	vsel vm3, v1, v0  }
0xda: {  	s9 =	sadd.s32 $0x40, s9;
	v0 =	vld [tilespmem:s10+$0x10900];
	[tilespmem:s8+$0x10480] =	vst v1;
	s8 =	smov.u32 s10  }
0xdb: {  	v1 =	vld [tilespmem:s8+$0x10480];
	_ =	sdelay $0x4  }
0xdc: {  	vm3 =	vlt.s32 v1, v0  }
0xdd: {  	v0 =	vsel vm3, v1, v0  }
0xde: {  	s31 =	simm.s32 $0x0;
	s9 =	rddreg [dreg:$0xe];
	[tilespmem:s8+$0x10480] =	vst v0  }
0xdf: {  	[tilespmem:s5], [sflag:$0x3] =	stream.linear.gather [hbm4b:s9+s31], $0x480, $0x38;
	[tilespmem:$0x12E80] =	vst v63  }
0xe0: {  	_ =	swait.ge [sflag:s6], $0x480  }
0xe1: {  	[sflag:s6] =	ssyncset.done $0x0  }
0xe2: {  	s8 =	simm.s32 $0x0;
	[sflag:s6] =	ssyncadd.s32 $0xFFFFFB80  }
0xe3: {  	s9 =	simm.s32 $0x40;
	v0 =	vld [tilespmem:s8+$0x10900]  }
.LBB2_24:
0xe4: {  	p0 =	sne.s32 s9, $0x1040;
	v1 =	vld [tilespmem:s8+$0x10480];
	_ =	sdelay $0x2  }
.Ltmp16:
0xe5: {  	(pc) =	sbr.rel @p0 .LBB2_24-.Ltmp16, $4  }
0xe6: {  	_ = 	snop  }
0xe7: {  	vm3 =	vlt.s32 v1, v0  }
0xe8: {  	s10 =	sshra.s32 s9, $0x2;
	v1 =	vsel vm3, v1, v0  }
0xe9: {  	s9 =	sadd.s32 $0x40, s9;
	v0 =	vld [tilespmem:s10+$0x10900];
	[tilespmem:s8+$0x10480] =	vst v1;
	s8 =	smov.u32 s10  }
0xea: {  	v1 =	vld [tilespmem:s8+$0x10480];
	_ =	sdelay $0x4  }
0xeb: {  	vm3 =	vlt.s32 v1, v0  }
0xec: {  	v0 =	vsel vm3, v1, v0  }
0xed: {  	s31 =	simm.s32 $0x0;
	s9 =	rddreg [dreg:$0xf];
	[tilespmem:s8+$0x10480] =	vst v0  }
0xee: {  	[tilespmem:s5], [sflag:$0x3] =	stream.linear.gather [hbm4b:s9+s31], $0x480, $0x38;
	[tilespmem:$0x12E80] =	vst v63  }
0xef: {  	_ =	swait.ge [sflag:s6], $0x480  }
0xf0: {  	[sflag:s6] =	ssyncset.done $0x0  }
0xf1: {  	s8 =	simm.s32 $0x0;
	[sflag:s6] =	ssyncadd.s32 $0xFFFFFB80  }
0xf2: {  	s9 =	simm.s32 $0x40;
	v0 =	vld [tilespmem:s8+$0x10900]  }
.LBB2_26:
0xf3: {  	p0 =	sne.s32 s9, $0x1040;
	v1 =	vld [tilespmem:s8+$0x10480];
	_ =	sdelay $0x2  }
.Ltmp17:
0xf4: {  	(pc) =	sbr.rel @p0 .LBB2_26-.Ltmp17, $4  }
0xf5: {  	_ = 	snop  }
0xf6: {  	vm3 =	vlt.s32 v1, v0  }
0xf7: {  	s10 =	sshra.s32 s9, $0x2;
	v1 =	vsel vm3, v1, v0  }
0xf8: {  	s9 =	sadd.s32 $0x40, s9;
	v0 =	vld [tilespmem:s10+$0x10900];
	[tilespmem:s8+$0x10480] =	vst v1;
	s8 =	smov.u32 s10  }
0xf9: {  	v1 =	vld [tilespmem:s8+$0x10480];
	_ =	sdelay $0x4  }
0xfa: {  	vm3 =	vlt.s32 v1, v0  }
0xfb: {  	v0 =	vsel vm3, v1, v0  }
0xfc: {  	s31 =	simm.s32 $0x0;
	s9 =	rddreg [dreg:$0x10];
	[tilespmem:s8+$0x10480] =	vst v0  }
0xfd: {  	[tilespmem:s5], [sflag:$0x3] =	stream.linear.gather [hbm4b:s9+s31], $0x480, $0x38;
	[tilespmem:$0x12E80] =	vst v63  }
0xfe: {  	_ =	swait.ge [sflag:s6], $0x480  }
0xff: {  	[sflag:s6] =	ssyncset.done $0x0  }
0x100: {  	s8 =	simm.s32 $0x0;
	[sflag:s6] =	ssyncadd.s32 $0xFFFFFB80  }
0x101: {  	s9 =	simm.s32 $0x40;
	v0 =	vld [tilespmem:s8+$0x10900]  }
.LBB2_28:
0x102: {  	p0 =	sne.s32 s9, $0x1040;
	v1 =	vld [tilespmem:s8+$0x10480];
	_ =	sdelay $0x2  }
.Ltmp18:
0x103: {  	(pc) =	sbr.rel @p0 .LBB2_28-.Ltmp18, $4  }
0x104: {  	_ = 	snop  }
0x105: {  	vm3 =	vlt.s32 v1, v0  }
0x106: {  	s10 =	sshra.s32 s9, $0x2;
	v1 =	vsel vm3, v1, v0  }
0x107: {  	s9 =	sadd.s32 $0x40, s9;
	v0 =	vld [tilespmem:s10+$0x10900];
	[tilespmem:s8+$0x10480] =	vst v1;
	s8 =	smov.u32 s10  }
0x108: {  	v1 =	vld [tilespmem:s8+$0x10480];
	_ =	sdelay $0x4  }
0x109: {  	vm3 =	vlt.s32 v1, v0  }
0x10a: {  	v0 =	vsel vm3, v1, v0  }
0x10b: {  	s31 =	simm.s32 $0x0;
	s9 =	rddreg [dreg:$0x13];
	[tilespmem:s8+$0x10480] =	vst v0  }
0x10c: {  	[tilespmem:s5], [sflag:$0x3] =	stream.linear.gather [hbm4b:s9+s31], $0x480, $0x38;
	[tilespmem:$0x12E80] =	vst v63  }
0x10d: {  	_ =	swait.ge [sflag:s6], $0x480  }
0x10e: {  	[sflag:s6] =	ssyncset.done $0x0  }
0x10f: {  	s8 =	simm.s32 $0x0;
	[sflag:s6] =	ssyncadd.s32 $0xFFFFFB80  }
0x110: {  	s9 =	simm.s32 $0x40;
	v0 =	vld [tilespmem:s8+$0x10900]  }
.LBB2_30:
0x111: {  	p0 =	sne.s32 s9, $0x1040;
	v1 =	vld [tilespmem:s8+$0x10480];
	_ =	sdelay $0x2  }
.Ltmp19:
0x112: {  	(pc) =	sbr.rel @p0 .LBB2_30-.Ltmp19, $4  }
0x113: {  	_ = 	snop  }
0x114: {  	vm3 =	vlt.s32 v1, v0  }
0x115: {  	s10 =	sshra.s32 s9, $0x2;
	v1 =	vsel vm3, v1, v0  }
0x116: {  	s9 =	sadd.s32 $0x40, s9;
	v0 =	vld [tilespmem:s10+$0x10900];
	[tilespmem:s8+$0x10480] =	vst v1;
	s8 =	smov.u32 s10  }
0x117: {  	v1 =	vld [tilespmem:s8+$0x10480];
	_ =	sdelay $0x4  }
0x118: {  	vm3 =	vlt.s32 v1, v0  }
0x119: {  	v0 =	vsel vm3, v1, v0  }
0x11a: {  	s31 =	simm.s32 $0x0;
	s9 =	rddreg [dreg:$0x15];
	[tilespmem:s8+$0x10480] =	vst v0  }
0x11b: {  	[tilespmem:s5], [sflag:$0x3] =	stream.linear.gather [hbm4b:s9+s31], $0x480, $0x38;
	[tilespmem:$0x12E80] =	vst v63  }
0x11c: {  	_ =	swait.ge [sflag:s6], $0x480  }
0x11d: {  	[sflag:s6] =	ssyncset.done $0x0  }
0x11e: {  	s8 =	simm.s32 $0x0;
	[sflag:s6] =	ssyncadd.s32 $0xFFFFFB80  }
0x11f: {  	s9 =	simm.s32 $0x40;
	v0 =	vld [tilespmem:s8+$0x10900]  }
.LBB2_32:
0x120: {  	p0 =	sne.s32 s9, $0x1040;
	v1 =	vld [tilespmem:s8+$0x10480];
	_ =	sdelay $0x2  }
.Ltmp20:
0x121: {  	(pc) =	sbr.rel @p0 .LBB2_32-.Ltmp20, $4  }
0x122: {  	_ = 	snop  }
0x123: {  	vm3 =	vlt.s32 v1, v0  }
0x124: {  	s10 =	sshra.s32 s9, $0x2;
	v1 =	vsel vm3, v1, v0  }
0x125: {  	s9 =	sadd.s32 $0x40, s9;
	v0 =	vld [tilespmem:s10+$0x10900];
	[tilespmem:s8+$0x10480] =	vst v1;
	s8 =	smov.u32 s10  }
0x126: {  	v1 =	vld [tilespmem:s8+$0x10480];
	_ =	sdelay $0x4  }
0x127: {  	vm3 =	vlt.s32 v1, v0  }
0x128: {  	v0 =	vsel vm3, v1, v0  }
0x129: {  	s31 =	simm.s32 $0x0;
	s9 =	rddreg [dreg:$0x16];
	[tilespmem:s8+$0x10480] =	vst v0  }
0x12a: {  	[tilespmem:s5], [sflag:$0x3] =	stream.linear.gather [hbm4b:s9+s31], $0x480, $0x38;
	[tilespmem:$0x12E80] =	vst v63  }
0x12b: {  	_ =	swait.ge [sflag:s6], $0x480  }
0x12c: {  	[sflag:s6] =	ssyncset.done $0x0  }
0x12d: {  	s8 =	simm.s32 $0x0;
	[sflag:s6] =	ssyncadd.s32 $0xFFFFFB80  }
0x12e: {  	s9 =	simm.s32 $0x40;
	v0 =	vld [tilespmem:s8+$0x10900]  }
.LBB2_34:
0x12f: {  	p0 =	sne.s32 s9, $0x1040;
	v1 =	vld [tilespmem:s8+$0x10480];
	_ =	sdelay $0x2  }
.Ltmp21:
0x130: {  	(pc) =	sbr.rel @p0 .LBB2_34-.Ltmp21, $4  }
0x131: {  	_ = 	snop  }
0x132: {  	vm3 =	vlt.s32 v1, v0  }
0x133: {  	s10 =	sshra.s32 s9, $0x2;
	v1 =	vsel vm3, v1, v0  }
0x134: {  	s9 =	sadd.s32 $0x40, s9;
	v0 =	vld [tilespmem:s10+$0x10900];
	[tilespmem:s8+$0x10480] =	vst v1;
	s8 =	smov.u32 s10  }
0x135: {  	v1 =	vld [tilespmem:s8+$0x10480];
	_ =	sdelay $0x4  }
0x136: {  	vm3 =	vlt.s32 v1, v0  }
0x137: {  	v0 =	vsel vm3, v1, v0  }
0x138: {  	s31 =	simm.s32 $0x0;
	s9 =	rddreg [dreg:$0x17];
	[tilespmem:s8+$0x10480] =	vst v0  }
0x139: {  	[tilespmem:s5], [sflag:$0x3] =	stream.linear.gather [hbm4b:s9+s31], $0x480, $0x38;
	[tilespmem:$0x12E80] =	vst v63  }
0x13a: {  	_ =	swait.ge [sflag:s6], $0x480  }
0x13b: {  	[sflag:s6] =	ssyncset.done $0x0  }
0x13c: {  	s8 =	simm.s32 $0x0;
	[sflag:s6] =	ssyncadd.s32 $0xFFFFFB80  }
0x13d: {  	s9 =	simm.s32 $0x40;
	v0 =	vld [tilespmem:s8+$0x10900]  }
.LBB2_36:
0x13e: {  	p0 =	sne.s32 s9, $0x1040;
	v1 =	vld [tilespmem:s8+$0x10480];
	_ =	sdelay $0x2  }
.Ltmp22:
0x13f: {  	(pc) =	sbr.rel @p0 .LBB2_36-.Ltmp22, $4  }
0x140: {  	_ = 	snop  }
0x141: {  	vm3 =	vlt.s32 v1, v0  }
0x142: {  	s10 =	sshra.s32 s9, $0x2;
	v1 =	vsel vm3, v1, v0  }
0x143: {  	s9 =	sadd.s32 $0x40, s9;
	v0 =	vld [tilespmem:s10+$0x10900];
	[tilespmem:s8+$0x10480] =	vst v1;
	s8 =	smov.u32 s10  }
0x144: {  	v1 =	vld [tilespmem:s8+$0x10480];
	_ =	sdelay $0x4  }
0x145: {  	vm3 =	vlt.s32 v1, v0  }
0x146: {  	v0 =	vsel vm3, v1, v0  }
0x147: {  	s31 =	simm.s32 $0x0;
	s9 =	rddreg [dreg:$0x18];
	[tilespmem:s8+$0x10480] =	vst v0  }
0x148: {  	[tilespmem:s5], [sflag:$0x3] =	stream.linear.gather [hbm4b:s9+s31], $0x480, $0x38;
	[tilespmem:$0x12E80] =	vst v63  }
0x149: {  	_ =	swait.ge [sflag:s6], $0x480  }
0x14a: {  	[sflag:s6] =	ssyncset.done $0x0  }
0x14b: {  	s8 =	simm.s32 $0x0;
	[sflag:s6] =	ssyncadd.s32 $0xFFFFFB80  }
0x14c: {  	s9 =	simm.s32 $0x40;
	v0 =	vld [tilespmem:s8+$0x10900]  }
.LBB2_38:
0x14d: {  	p0 =	sne.s32 s9, $0x1040;
	v1 =	vld [tilespmem:s8+$0x10480];
	_ =	sdelay $0x2  }
.Ltmp23:
0x14e: {  	(pc) =	sbr.rel @p0 .LBB2_38-.Ltmp23, $4  }
0x14f: {  	_ = 	snop  }
0x150: {  	vm3 =	vlt.s32 v1, v0  }
0x151: {  	s10 =	sshra.s32 s9, $0x2;
	v1 =	vsel vm3, v1, v0  }
0x152: {  	s9 =	sadd.s32 $0x40, s9;
	v0 =	vld [tilespmem:s10+$0x10900];
	[tilespmem:s8+$0x10480] =	vst v1;
	s8 =	smov.u32 s10  }
0x153: {  	v1 =	vld [tilespmem:s8+$0x10480];
	_ =	sdelay $0x4  }
0x154: {  	vm3 =	vlt.s32 v1, v0  }
0x155: {  	v0 =	vsel vm3, v1, v0  }
0x156: {  	s31 =	simm.s32 $0x0;
	s9 =	rddreg [dreg:$0x19];
	[tilespmem:s8+$0x10480] =	vst v0  }
0x157: {  	[tilespmem:s5], [sflag:$0x3] =	stream.linear.gather [hbm4b:s9+s31], $0x480, $0x38;
	[tilespmem:$0x12E80] =	vst v63  }
0x158: {  	_ =	swait.ge [sflag:s6], $0x480  }
0x159: {  	[sflag:s6] =	ssyncset.done $0x0  }
0x15a: {  	s8 =	simm.s32 $0x0;
	[sflag:s6] =	ssyncadd.s32 $0xFFFFFB80  }
0x15b: {  	s9 =	simm.s32 $0x40;
	v0 =	vld [tilespmem:s8+$0x10900]  }
.LBB2_40:
0x15c: {  	p0 =	sne.s32 s9, $0x1040;
	v1 =	vld [tilespmem:s8+$0x10480];
	_ =	sdelay $0x2  }
.Ltmp24:
0x15d: {  	(pc) =	sbr.rel @p0 .LBB2_40-.Ltmp24, $4  }
0x15e: {  	_ = 	snop  }
0x15f: {  	vm3 =	vlt.s32 v1, v0  }
0x160: {  	s10 =	sshra.s32 s9, $0x2;
	v1 =	vsel vm3, v1, v0  }
0x161: {  	s9 =	sadd.s32 $0x40, s9;
	v0 =	vld [tilespmem:s10+$0x10900];
	[tilespmem:s8+$0x10480] =	vst v1;
	s8 =	smov.u32 s10  }
0x162: {  	v1 =	vld [tilespmem:s8+$0x10480];
	_ =	sdelay $0x4  }
0x163: {  	vm3 =	vlt.s32 v1, v0  }
0x164: {  	v0 =	vsel vm3, v1, v0  }
0x165: {  	s9 =	simm.s32 $0x1000;
	[tilespmem:s8+$0x10480] =	vst v0;
	v0 =	vimm.s32 $0x186A0;
	s8 =	simm.s32 $0x410  }
.LBB2_42:
0x166: {  	p0 =	sne.s32 s9, $0x0;
	v1 =	vld [tilespmem:s8+$0x10480];
	_ =	sdelay $0x4  }
0x167: {  	v2 =	vperm.xlane v1, v10  }
0x168: {  	vm3 =	veq.s32 v9, $0xF  }
0x169: {  	v2 =	vsel vm3, $0x186A0, v2  }
0x16a: {  	vm4 =	vlt.s32 v1, v2  }
0x16b: {  	v1 =	vsel vm4, v1, v2  }
0x16c: {  	v2 =	vperm.xlane v1, v11;
	_ =	sdelay $0x1  }
0x16d: {  	v2 =	vnsel vm0, $0x186A0, v2  }
0x16e: {  	vm4 =	vlt.s32 v1, v2  }
0x16f: {  	v1 =	vsel vm4, v1, v2  }
0x170: {  	v2 =	vperm.xlane v1, v12;
	_ =	sdelay $0x1  }
0x171: {  	v2 =	vnsel vm1, $0x186A0, v2  }
0x172: {  	vm4 =	vlt.s32 v1, v2  }
0x173: {  	v1 =	vsel vm4, v1, v2  }
0x174: {  	v2 =	vperm.xlane v1, v13;
	_ =	sdelay $0x1  }
0x175: {  	v2 =	vnsel vm2, $0x186A0, v2  }
.Ltmp25:
0x176: {  	vm4 =	vlt.s32 v1, v2;
	(pc) =	sbr.rel @p0 .LBB2_42-.Ltmp25, $4  }
0x177: {  	v1 =	vsel vm4, v1, v2  }
0x178: {  	vm4 =	vlt.s32 v1, v0  }
0x179: {  	v0 =	vsel vm4, v1, v0  }
0x17a: {  	[tilespmem:s8+$0x10480] =	vst v0;
	s8 =	sshra.s32 s9, $0x2;
	s9 =	sadd.s32 $0xFFFFFFC0, s9;
	v0 =	vperm.xlane v0, v15  }
0x17b: {  	v1 =	vld [tilespmem:s8+$0x10480];
	_ =	sdelay $0x4  }
0x17c: {  	v2 =	vperm.xlane v1, v10;
	_ =	sdelay $0x1  }
0x17d: {  	v2 =	vsel vm3, $0x186A0, v2  }
0x17e: {  	vm3 =	vlt.s32 v1, v2  }
0x17f: {  	v1 =	vsel vm3, v1, v2  }
0x180: {  	v2 =	vperm.xlane v1, v11;
	_ =	sdelay $0x1  }
0x181: {  	v2 =	vnsel vm0, $0x186A0, v2  }
0x182: {  	vm3 =	vlt.s32 v1, v2  }
0x183: {  	v1 =	vsel vm3, v1, v2  }
0x184: {  	v2 =	vperm.xlane v1, v12;
	_ =	sdelay $0x1  }
0x185: {  	v2 =	vnsel vm1, $0x186A0, v2  }
0x186: {  	vm3 =	vlt.s32 v1, v2  }
0x187: {  	v1 =	vsel vm3, v1, v2  }
0x188: {  	v2 =	vperm.xlane v1, v13;
	_ =	sdelay $0x1  }
0x189: {  	v2 =	vnsel vm2, $0x186A0, v2  }
0x18a: {  	vm3 =	vlt.s32 v1, v2  }
0x18b: {  	v1 =	vsel vm3, v1, v2  }
0x18c: {  	vm3 =	vlt.s32 v1, v0  }
0x18d: {  	v0 =	vsel vm3, v1, v0  }
0x18e: {  	[tilespmem:s8+$0x10480] =	vst v0  }
0x18f: {  	v0 =	vld [tilespmem:$0x10D80];
	_ =	sdelay $0x3  }
0x190: {  	v63 =	vld [tilespmem:$0x10DB0]  }
0x191: {  	[tilespmem:$0x1FF00] =	vst v0;
	v0 =	vld [tilespmem:$0x10D90]  }
0x192: {  	v34 =	vld [tilespmem:$0x10DC0]  }
0x193: {  	s31 =	simm.s32 $0x0;
	v40 =	vld [tilespmem:$0x10DD0]  }
0x194: {  	s9 =	sand.u32 $0x1800, s31;
	s8 =	sand.u32 $0x380, s31;
	v39 =	vld [tilespmem:$0x10DE0]  }
0x195: {  	v21 =	vld [tilespmem:$0x10DF0];
	s9 =	sor.u32 s8, s9  }
0x196: {  	v1 =	vimm.f32 $-Inf;
	v54 =	vld [tilespmem:$0x10E00];
	s8 =	sadd.s32 $0x10E80, s9;
	[tilespmem:$0x1FF10] =	vst v0  }
0x197: {  	v0 =	vld [tilespmem:$0x10DA0];
	[tilespmem:s8+$0x400] =	vst v1  }
0x198: {  	[tilespmem:s8+$0x410] =	vst v1  }
0x199: {  	[tilespmem:s8+$0x420] =	vst v1  }
0x19a: {  	[tilespmem:s8+$0x430] =	vst v1  }
0x19b: {  	[tilespmem:s8+$0x440] =	vst v1  }
0x19c: {  	[tilespmem:s8+$0x450] =	vst v1  }
0x19d: {  	[tilespmem:s8+$0x460] =	vst v1  }
0x19e: {  	[tilespmem:$0x1FF20] =	vst v0;
	v0 =	vimm.f32 $0.0e+00  }
0x19f: {  	[tilespmem:s9+$0x10E80] =	vst v0  }
0x1a0: {  	[tilespmem:s8+$0x40] =	vst v0  }
0x1a1: {  	[tilespmem:s8+$0x50] =	vst v0  }
0x1a2: {  	[tilespmem:s8+$0x60] =	vst v0  }
0x1a3: {  	[tilespmem:s8+$0x70] =	vst v0  }
0x1a4: {  	[tilespmem:s8+$0x10] =	vst v0  }
0x1a5: {  	s10 =	simm.s32 $0x100;
	s9 =	simm.s32 $0x80;
	[tilespmem:s8+$0x20] =	vst v0  }
0x1a6: {  	s11 =	sand.u32 $0x1800, s10;
	s10 =	simm.s32 $0x200;
	[tilespmem:s8+$0x30] =	vst v0;
	s12 =	sand.u32 $0x380, s9  }
.LBB2_44:
0x1a7: {  	p0 =	sne.s32 s10, $0x1F00;
	s11 =	sor.u32 s12, s11;
	[tilespmem:s8+$0x470] =	vst v1  }
0x1a8: {  	s8 =	sadd.s32 $0x10E80, s11;
	[tilespmem:s11+$0x10E80] =	vst v0  }
0x1a9: {  	[tilespmem:s8+$0x10] =	vst v0  }
0x1aa: {  	[tilespmem:s8+$0x20] =	vst v0  }
0x1ab: {  	[tilespmem:s8+$0x30] =	vst v0  }
0x1ac: {  	[tilespmem:s8+$0x400] =	vst v1  }
0x1ad: {  	[tilespmem:s8+$0x410] =	vst v1  }
0x1ae: {  	[tilespmem:s8+$0x420] =	vst v1  }
0x1af: {  	[tilespmem:s8+$0x430] =	vst v1  }
0x1b0: {  	[tilespmem:s8+$0x40] =	vst v0  }
0x1b1: {  	[tilespmem:s8+$0x440] =	vst v1  }
.Ltmp26:
0x1b2: {  	[tilespmem:s8+$0x50] =	vst v0;
	(pc) =	sbr.rel @p0 .LBB2_44-.Ltmp26, $4  }
0x1b3: {  	[tilespmem:s8+$0x450] =	vst v1  }
0x1b4: {  	[tilespmem:s8+$0x60] =	vst v0  }
0x1b5: {  	s9 =	sadd.s32 $0x80, s9;
	[tilespmem:s8+$0x460] =	vst v1  }
0x1b6: {  	s11 =	sand.u32 $0x1800, s10;
	s12 =	sand.u32 $0x380, s9;
	s10 =	sadd.s32 $0x100, s10;
	[tilespmem:s8+$0x70] =	vst v0  }
0x1b7: {  	s9 =	sor.u32 s12, s11;
	[tilespmem:s8+$0x470] =	vst v1  }
0x1b8: {  	s22 =	sadd.s32 $0x10E80, s9;
	[tilespmem:s9+$0x10E80] =	vst v0  }
0x1b9: {  	[tilespmem:s22+$0x10] =	vst v0  }
0x1ba: {  	[tilespmem:s22+$0x20] =	vst v0  }
0x1bb: {  	[tilespmem:s22+$0x30] =	vst v0  }
0x1bc: {  	[tilespmem:s22+$0x400] =	vst v1  }
0x1bd: {  	[tilespmem:s22+$0x410] =	vst v1  }
0x1be: {  	[tilespmem:s22+$0x420] =	vst v1  }
0x1bf: {  	[tilespmem:s22+$0x430] =	vst v1  }
0x1c0: {  	[tilespmem:s22+$0x40] =	vst v0  }
0x1c1: {  	[tilespmem:s22+$0x440] =	vst v1  }
0x1c2: {  	[tilespmem:s22+$0x50] =	vst v0  }
0x1c3: {  	[tilespmem:s22+$0x450] =	vst v1  }
0x1c4: {  	[tilespmem:s22+$0x60] =	vst v0  }
0x1c5: {  	[tilespmem:s22+$0x460] =	vst v1  }
0x1c6: {  	[tilespmem:s22+$0x70] =	vst v0  }
0x1c7: {  	s23 =	rddreg [dreg:$0x11];
	[tilespmem:s22+$0x470] =	vst v1  }
0x1c8: {  	v0 =	vld [tilespmem:s23+$0x10480];
	_ =	sdelay $0x4  }
0x1c9: {  	(v2sf) =	vpush v0, $0x0;
	_ =	sdelay $0x1  }
0x1ca: {  	v62 =	vld [tilespmem:s23+$0x104A0];
	_ =	sdelay $0x4  }
0x1cb: {  	(v2sf) =	vpush v62, $0x0;
	_ =	sdelay $0x7  }
0x1cc: {  	s29 =	spop (v2sf)  }
0x1cd: {  	s24 =	sand.u32 $0x7, s29  }
0x1ce: {  	s25 =	sshra.s32 s29, $0x1F;
	p0 =	slt.s32 s29, $0x1;
	p1 =	sne.s32 s24, $0x0  }
0x1cf: {  	s26 =	sshrl.u32 s25, $0x1D;
	p0 =	por !p0, !p1  }
0x1d0: {  	s9 =	simm.s32 $0x1;
	s8 =	sadd.s32 s26, s29;
	p0 =	por !p0, !p0  }
0x1d1: {  	s8 =	sshrl.u32 s8, $0x3;
	s9 =	simm.s32 @!p0 $0x0  }
0x1d2: {  	s8 =	ssub.s32 s8, s9  }
0x1d3: {  	s25 =	spop (v2sf);
	s15 =	sshll.u32 s8, $0x3  }
0x1d4: {  	s8 =	ssub.s32 s25, s15  }
0x1d5: {  	s8 =	sadd.s32 $0xFF, s8  }
0x1d6: {  	s28 =	sand.u32 $0xFF, s8  }
0x1d7: {  	s31 =	sshra.s32 s8, $0x1F;
	p6 =	slt.s32 s8, $0x1;
	p5 =	sne.s32 s28, $0x0  }
0x1d8: {  	s9 =	sshrl.u32 s31, $0x18;
	p0 =	por !p6, !p5  }
0x1d9: {  	s8 =	sadd.s32 s9, s8;
	s9 =	simm.s32 $0x1;
	p0 =	por !p0, !p0  }
0x1da: {  	s8 =	sshra.s32 s8, $0x8;
	s9 =	simm.s32 @!p0 $0x0  }
0x1db: {  	s12 =	ssub.s32 s8, s9  }
0x1dc: {  	p0 =	slt.s32 s12, $0x1  }
.Ltmp27:
0x1dd: {  	_ = 	snop;
	(pc) =	sbr.rel @p0 .LBB2_76-.Ltmp27, $1  }
0x1de: {  	_ =	sdelay $0x3  }
0x1df: {  	p0 =	slt.s32 s15, $0x185A0;
	s8 =	smov.u32 s15  }
0x1e0: {  	s8 =	simm.s32 @!p0 $0x185A0  }
0x1e1: {  	s8 =	sshll.u32 s8, $0x4  }
0x1e2: {  	p0 =	seq.s32 s12, $0x1;
	s8 =	sadd.s32 s0, s8  }
0x1e3: {  	[tilespmem:s4], [sflag:$0x1] =	stream.linear.gather [hbm4b:s8+s4], $0x8000, $0x38;
	[tilespmem:$0x12E80] =	vst v63  }
0x1e4: {  	s8 =	sadd.s32 @!p0 $0x100, s15  }
0x1e5: {  	[tilespmem:$0x1FEA0] =	vst v63;
	p1 =	slt.s32 @!p0 s8, $0x185A0  }
0x1e6: {  	[tilespmem:$0x1FEB0] =	vst v34;
	p1 =	por !p1, p0  }
.Ltmp28:
0x1e7: {  	[tilespmem:$0x1FEC0] =	vst v40;
	s8 =	simm.s32 @p1 $0x185A0;
	(pc) =	sbr.rel .LBB2_47-.Ltmp28, $4  }
0x1e8: {  	s13 =	sadd.s32 $0x100, s15;
	[tilespmem:$0x1FED0] =	vst v39;
	s8 =	sshll.u32 @!p0 s8, $0x4  }
0x1e9: {  	[tilespmem:$0x1FEE0] =	vst v21;
	s9 =	simm.s32 @!p0 $0x0;
	s10 =	simm.s32 @!p0 $0x8000;
	s8 =	sadd.s32 @!p0 s0, s8  }
0x1ea: {  	[tilespmem:s10], [sflag:$0x2] =	stream.linear.gather @!p0 [hbm4b:s8+s9], $0x8000, $0x38;
	[tilespmem:$0x12E80] =	vst v63  }
0x1eb: {  	s14 =	simm.s32 $0x0;
	s11 =	smov.u32 s15;
	[tilespmem:$0x1FEF0] =	vst v54;
	p0 =	por $0x0, $0x0  }
.LBB2_75:
0x1ec: {  	s8 =	sadd.s32 $0x2, s14  }
0x1ed: {  	p1 =	sge.s32 s8, s12  }
0x1ee: {  	s8 =	sshll.u32 @!p1 s8, $0x8  }
0x1ef: {  	s8 =	sadd.s32 @!p1 s15, s8  }
0x1f0: {  	p2 =	slt.s32 @!p1 s8, $0x185A0  }
0x1f1: {  	p2 =	por !p2, p1  }
0x1f2: {  	s8 =	simm.s32 @p2 $0x185A0  }
0x1f3: {  	s8 =	sshll.u32 @!p1 s8, $0x4  }
0x1f4: {  	s14 =	sadd.s32 $0x1, s14;
	s9 =	simm.s32 @!p1 $0x0;
	s8 =	sadd.s32 @!p1 s0, s8  }
0x1f5: {  	[tilespmem:s20], [sflag:s16] =	stream.linear.gather @!p1 [hbm4b:s8+s9], $0x8000, $0x38;
	[tilespmem:$0x12E80] =	vst v63  }
0x1f6: {  	p1 =	sne.s32 s14, s12  }
.Ltmp29:
0x1f7: {  	_ = 	snop;
	(pc) =	sbr.rel @!p1 .LBB2_76-.Ltmp29, $2  }
0x1f8: {  	_ =	sdelay $0x2  }
0x1f9: {  	p0 =	por !p0, !p0;
	s11 =	sadd.s32 $0x100, s11;
	s13 =	sadd.s32 $0x100, s13  }
.LBB2_47:
0x1fa: {  	s8 =	simm.s32 $0x1;
	p1 =	slt.s32 s11, $0x185A0  }
0x1fb: {  	s9 =	smov.u32 s11;
	s10 =	sand.u32 $0x1, s14;
	s16 =	sshll.u32 s14, $0x8  }
0x1fc: {  	s21 =	smov.u32 s25;
	s24 =	simm.s32 $0x0;
	s8 =	simm.s32 @!p0 $0x0  }
0x1fd: {  	s9 =	simm.s32 @!p1 $0x185A0;
	s28 =	sadd.s32 s15, s16;
	s16 =	sadd.s32 $0x1, s10  }
0x1fe: {  	s20 =	sshll.u32 s10, $0xF;
	s8 =	sshll.u32 s8, $0x11;
	s17 =	ssub.s32 $0x0, s9  }
.Ltmp30:
0x1ff: {  	s9 =	sshll.u32 s9, $0x9;
	p1 =	sgt.s32 s29, s28;
	(pc) =	sbr.rel .LBB2_48-.Ltmp30, $4  }
0x200: {  	s18 =	sadd.s32 $0x100, s28;
	_ =	swait.ge [sflag:s16], $0x8000;
	s28 =	smov.u32 @p1 s29  }
0x201: {  	p1 =	slt.s32 s18, s25;
	[sflag:s16] =	ssyncset.done $0x0;
	s9 =	ssub.s32 s8, s9  }
0x202: {  	s8 =	sshrl.u32 s8, $0x2;
	s21 =	smov.u32 @p1 s18;
	s9 =	sshra.s32 s9, $0x2  }
0x203: {  	[sflag:s16] =	ssyncadd.s32 $0xFFFF8000;
	s23 =	sor.u32 $0x40, s8;
	s22 =	sadd.s32 $0x80, s9  }
.LBB2_61:
0x204: {  	v63 =	vld [tilespmem:$0x1FEA0]  }
0x205: {  	v34 =	vld [tilespmem:$0x1FEB0]  }
0x206: {  	v40 =	vld [tilespmem:$0x1FEC0]  }
0x207: {  	v39 =	vld [tilespmem:$0x1FED0]  }
0x208: {  	v21 =	vld [tilespmem:$0x1FEE0]  }
.LBB2_73:
0x209: {  	s8 =	sshll.u32 s24, $0x8;
	s9 =	sshll.u32 s24, $0x7  }
0x20a: {  	s8 =	sand.u32 $0x1800, s8;
	s9 =	sand.u32 $0x380, s9  }
0x20b: {  	s8 =	sor.u32 s9, s8  }
0x20c: {  	v0 =	vld [tilespmem:s8+$0x10E80];
	s9 =	sadd.s32 $0x10E80, s8  }
0x20d: {  	v26 =	vld [tilespmem:s9+$0x400]  }
0x20e: {  	v2 =	vld [tilespmem:s9+$0x410]  }
0x20f: {  	v4 =	vld [tilespmem:s9+$0x420]  }
0x210: {  	v6 =	vld [tilespmem:s9+$0x430]  }
0x211: {  	v47 =	vld [tilespmem:s9+$0x440]  }
0x212: {  	v53 =	vld [tilespmem:s9+$0x450];
	v0 =	vadd.f32 v0, v12  }
0x213: {  	v55 =	vld [tilespmem:s9+$0x60]  }
0x214: {  	v57 =	vld [tilespmem:s9+$0x70];
	v45 =	vmax.f32 v2, v29;
	[tilespmem:s8+$0x10E80] =	vst v0  }
0x215: {  	v44 =	vld [tilespmem:s9+$0x40];
	v50 =	vmax.f32 v4, v28;
	[tilespmem:s9+$0x410] =	vst v45  }
0x216: {  	v59 =	vld [tilespmem:s9+$0x470];
	v58 =	vmax.f32 v47, v31;
	[tilespmem:s9+$0x420] =	vst v50  }
0x217: {  	v60 =	vmax.f32 v53, v32;
	[tilespmem:s9+$0x440] =	vst v58;
	v1 =	vld [tilespmem:s9+$0x10]  }
0x218: {  	v2 =	vadd.f32 v55, v24;
	v0 =	vmax.f32 v26, v27;
	[tilespmem:s9+$0x450] =	vst v60;
	v3 =	vld [tilespmem:s9+$0x20]  }
0x219: {  	v62 =	vadd.f32 v57, v48;
	[tilespmem:s9+$0x400] =	vst v0  }
0x21a: {  	v5 =	vld [tilespmem:s9+$0x30];
	v0 =	vadd.f32 v44, v20;
	[tilespmem:s9+$0x60] =	vst v2  }
0x21b: {  	v49 =	vld [tilespmem:s9+$0x50];
	[tilespmem:s9+$0x70] =	vst v62  }
0x21c: {  	[tilespmem:s9+$0x40] =	vst v0;
	v0 =	vmax.f32 v59, v35  }
0x21d: {  	[tilespmem:s9+$0x470] =	vst v0;
	v1 =	vadd.f32 v1, v17;
	v46 =	vadd.f32 v3, v56;
	v56 =	vmax.f32 v6, v30;
	v6 =	vld [tilespmem:s9+$0x460]  }
0x21e: {  	v8 =	vld [tilespmem:$0x1FF90];
	[tilespmem:s9+$0x430] =	vst v56  }
0x21f: {  	v10 =	vld [tilespmem:$0x1FFA0];
	v51 =	vadd.f32 v5, v41;
	[tilespmem:s9+$0x10] =	vst v1  }
0x220: {  	v11 =	vld [tilespmem:$0x1FFB0];
	[tilespmem:s9+$0x20] =	vst v46;
	v1 =	vadd.f32 v49, v38  }
0x221: {  	v13 =	vld [tilespmem:$0x1FFD0];
	[tilespmem:s9+$0x30] =	vst v51  }
0x222: {  	v14 =	vld [tilespmem:$0x1FFE0];
	[tilespmem:s9+$0x50] =	vst v1;
	v61 =	vmax.f32 v6, v33  }
0x223: {  	v9 =	vlaneseq.u32;
	v15 =	vimm.s32 $0x0;
	v12 =	vld [tilespmem:$0x1FFC0];
	[tilespmem:s9+$0x460] =	vst v61  }
.LBB2_74:
0x224: {  	s24 =	sadd.s32 $0x1, s24  }
0x225: {  	p1 =	sne.s32 s24, $0x20  }
.Ltmp31:
0x226: {  	_ = 	snop;
	(pc) =	sbr.rel @!p1 .LBB2_75-.Ltmp31, $1  }
0x227: {  	_ =	sdelay $0x3  }
.LBB2_48:
0x228: {  	_ =	sdelay $0x3  }
0x229: {  	v0 =	vld.idx.msk [tilespmem:v14+s24+$0x0 ss:$0x1], $0xffff  }
0x22a: {  	v1 =	vld.idx.msk [tilespmem:v14+s24+$0x1 ss:$0x1], $0xffff;
	_ =	sdelay $0x3  }
0x22b: {  	(v2sf) =	vpush v0, $0x0  }
0x22c: {  	(v2sf) =	vpush v1, $0x0;
	_ =	sdelay $0xd  }
0x22d: {  	s18 =	spop (v2sf)  }
0x22e: {  	s19 =	smov.u32 s28;
	s26 =	spop (v2sf)  }
0x22f: {  	s10 =	smov.u32 s21;
	p1 =	sgt.s32 s18, s28;
	p2 =	slt.s32 s26, s21  }
0x230: {  	s19 =	smov.u32 @p1 s18;
	s10 =	smov.u32 @p2 s26  }
0x231: {  	p1 =	sle.s32 s10, s19  }
.Ltmp32:
0x232: {  	_ = 	snop;
	(pc) =	sbr.rel @p1 .LBB2_74-.Ltmp32, $1  }
0x233: {  	_ =	sdelay $0x3  }
0x234: {  	s31 =	ssub.s32 s10, s19  }
0x235: {  	s8 =	sshra.s32 s31, $0x1  }
0x236: {  	p1 =	slt.s32 s8, $0x1  }
.Ltmp33:
0x237: {  	_ = 	snop;
	(pc) =	sbr.rel @p1 .LBB2_50-.Ltmp33, $3  }
0x238: {  	_ =	sdelay $0x1  }
0x239: {  	p2 =	sgt.s32 s18, s29;
	s9 =	smov.u32 s29  }
0x23a: {  	s9 =	smov.u32 @p2 s18  }
0x23b: {  	p1 =	sgt.s32 s9, s11;
	s18 =	smov.u32 s11  }
0x23c: {  	s18 =	smov.u32 @p1 s9  }
0x23d: {  	v0 =	vld [tilespmem:$0x1FF00];
	s18 =	sshll.u32 s18, $0x9  }
0x23e: {  	v1 =	vld [tilespmem:$0x1FF10];
	s18 =	sshra.s32 s18, $0x2  }
0x23f: {  	v10 =	vld [tilespmem:$0x1FF20];
	s18 =	sadd.s32 s18, s22  }
0x240: {  	v11 =	vld [tilespmem:s18+$0xFFFFFF80]  }
0x241: {  	v27 =	vld [tilespmem:s18+$0xFFFFFF90]  }
0x242: {  	v45 =	vld [tilespmem:s18+$0xFFFFFFA0]  }
0x243: {  	v59 =	vld [tilespmem:s18+$0xFFFFFFB0]  }
0x244: {  	v53 =	vld [tilespmem:s18+$0xFFFFFFC0]  }
0x245: {  	v48 =	vld [tilespmem:s18+$0xFFFFFFD0]  }
0x246: {  	v20 =	vld [tilespmem:s18+$0xFFFFFFE0]  }
0x247: {  	v51 =	vld [tilespmem:s18+$0xFFFFFFF0]  }
0x248: {  	v31 =	vld [tilespmem:s18+$0x0]  }
0x249: {  	v29 =	vld [tilespmem:s18+$0x10]  }
0x24a: {  	p3 =	sne.s32 s8, $0x1;
	v60 =	vld [tilespmem:s18+$0x20]  }
.Ltmp34:
0x24b: {  	v19 =	vld [tilespmem:s18+$0x30];
	v15 =	vmul.f32 v11, v0;
	v16 =	vmul.f32 v27, v1;
	(pc) =	sbr.rel @!p3 .LBB2_52-.Ltmp34, $4  }
0x24c: {  	v26 =	vld [tilespmem:s18+$0x40];
	v17 =	vmul.f32 v45, v10;
	v14 =	vmul.f32 v59, v63  }
0x24d: {  	v47 =	vld [tilespmem:s18+$0x50];
	v18 =	vmul.f32 v53, v34;
	v7 =	vmul.f32 v48, v40  }
0x24e: {  	v55 =	vimm.f32 $0.0e+00;
	v12 =	vld [tilespmem:s18+$0x60];
	v22 =	vmul.f32 v20, v39;
	v25 =	vmul.f32 v51, v21  }
0x24f: {  	v38 =	vimm.f32 $-Inf;
	s8 =	sadd.s32 $0xFFFFFFFF, s8;
	p2 =	por $0x0, $0x0;
	p1 =	por $0x0, $0x0;
	v46 =	vld [tilespmem:s18+$0x70];
	v49 =	vmul.f32 v31, v0;
	v6 =	vmul.f32 v29, v1  }
0x250: {  	_ =	sdelay $0x1  }
0x251: {  	v0 =	vmul.f32 v60, v10;
	v1 =	vmul.f32 v19, v63  }
0x252: {  	v2 =	vadd.f32 v16, v15;
	v3 =	vmul.f32 v26, v34;
	v4 =	vmul.f32 v47, v40  }
0x253: {  	v5 =	vadd.f32 v14, v17;
	v13 =	vmovc v10;
	v8 =	vmul.f32 v12, v39;
	v10 =	vmul.f32 v46, v21  }
0x254: {  	v7 =	vadd.f32 v7, v18;
	v0 =	vadd.f32 v1, v0  }
0x255: {  	v1 =	vadd.f32 v4, v3;
	v3 =	vadd.f32 v10, v8  }
0x256: {  	v9 =	vadd.f32 v25, v22;
	v6 =	vadd.f32 v6, v49  }
0x257: {  	v2 =	vadd.f32 v5, v2;
	v1 =	vadd.f32 v3, v1;
	v3 =	vld [tilespmem:$0x1FF60]  }
0x258: {  	v4 =	vadd.f32 v9, v7;
	v0 =	vadd.f32 v0, v6;
	_ =	sdelay $0x1  }
0x259: {  	v2 =	vadd.f32 v4, v2;
	v0 =	vadd.f32 v1, v0;
	_ =	sdelay $0x1  }
0x25a: {  	v1 =	vperm.xlane v2, v3;
	v3 =	vperm.xlane v0, v3;
	_ =	sdelay $0x1  }
0x25b: {  	v0 =	vadd.f32 v3, v0;
	v3 =	vld [tilespmem:$0x1FF70];
	_ =	sdelay $0x2  }
0x25c: {  	v1 =	vadd.f32 v1, v2  }
0x25d: {  	s18 =	sadd.s32 $0x100, s18;
	v28 =	vld [tilespmem:$0x1FF10]  }
0x25e: {  	v30 =	vld [tilespmem:s18+$0xFFFFFF80];
	v2 =	vperm.xlane v1, v3  }
0x25f: {  	v41 =	vld [tilespmem:s18+$0xFFFFFF90];
	v3 =	vperm.xlane v0, v3  }
0x260: {  	v24 =	vld [tilespmem:s18+$0xFFFFFFA0];
	v1 =	vadd.f32 v2, v1  }
0x261: {  	v44 =	vld [tilespmem:s18+$0xFFFFFFB0];
	v0 =	vadd.f32 v3, v0  }
0x262: {  	v50 =	vld [tilespmem:s18+$0xFFFFFFC0];
	v2 =	vperm.xlane v1, v43  }
0x263: {  	v57 =	vld [tilespmem:s18+$0xFFFFFFD0];
	v3 =	vperm.xlane v0, v43  }
0x264: {  	v61 =	vld [tilespmem:s18+$0xFFFFFFE0];
	v5 =	vmax.f32 v27, v29;
	v1 =	vadd.f32 v2, v1  }
0x265: {  	v42 =	vld [tilespmem:s18+$0xFFFFFFF0];
	v35 =	vmax.f32 v38, v5;
	v6 =	vmax.f32 v45, v60;
	v0 =	vadd.f32 v3, v0  }
0x266: {  	[tilespmem:$0x1FE00] =	vst v29;
	v9 =	vmax.f32 v59, v19;
	v29 =	vmax.f32 v38, v6;
	v6 =	vld [tilespmem:$0x1FF00];
	v3 =	vperm.xlane v1, v52  }
0x267: {  	[tilespmem:$0x1FE10] =	vst v27;
	v27 =	vmax.f32 v38, v9;
	v10 =	vmax.f32 v53, v26;
	v8 =	vld [tilespmem:s18+$0x0];
	v4 =	vperm.xlane v0, v52  }
0x268: {  	v16 =	vmul.f32 v41, v28;
	v17 =	vmul.f32 v24, v13;
	v1 =	vadd.f32 v3, v1  }
0x269: {  	v14 =	vmul.f32 v44, v63;
	v18 =	vmul.f32 v50, v34;
	v0 =	vadd.f32 v4, v0  }
0x26a: {  	v7 =	vmul.f32 v57, v40;
	v22 =	vmul.f32 v61, v39;
	v1 =	vadd.f32 v1, v54  }
0x26b: {  	v37 =	vld [tilespmem:s18+$0x10];
	v25 =	vmul.f32 v42, v21;
	v34 =	vmax.f32 v38, v10;
	v0 =	vadd.f32 v0, v54  }
0x26c: {  	p3 =	sne.s32 s8, $0x1;
	v9 =	vld [tilespmem:s18+$0x40];
	v15 =	vmul.f32 v30, v6;
	v49 =	vmul.f32 v8, v6;
	v5 =	vsub.f32 $0.0e+00, v1  }
.Ltmp35:
0x26d: {  	[tilespmem:$0x1FDF0] =	vst v11;
	v62 =	vmovc v51;
	v10 =	vld [tilespmem:s18+$0x50];
	v2 =	vmax.f32 v11, v31;
	v11 =	vmax.f32 v20, v12;
	v0 =	vsub.f32 $0.0e+00, v0;
	(pc) =	sbr.rel @!p3 .LBB2_54-.Ltmp35, $4  }
0x26e: {  	[tilespmem:$0x1FDE0] =	vst v12;
	v12 =	vmax.f32 v51, v46;
	v51 =	vmovc v31;
	v31 =	vld [tilespmem:s18+$0x60];
	v33 =	vmax.f32 v38, v11;
	v5 =	vmul.f32 $1.442695020e+00, v5  }
0x26f: {  	v3 =	vmax.f32 v48, v47;
	v4 =	vmax.f32 v38, v2;
	v2 =	vld [tilespmem:s18+$0x30];
	v0 =	vmul.f32 $1.442695020e+00, v0  }
0x270: {  	v36 =	vmax.f32 v38, v12;
	v32 =	vmax.f32 v38, v3;
	v38 =	vld [tilespmem:s18+$0x70];
	(erf) = vpow2.f32 v5  }
0x271: {  	v56 =	vmov v52;
	s8 =	sadd.s32 $0xFFFFFFFF, s8;
	p1 =	por $0x1, $0x1;
	v6 =	vmul.f32 v37, v28;
	v1 =	vld [tilespmem:s18+$0x20];
	(erf) = vpow2.f32 v0  }
0x272: {  	v28 =	vld [tilespmem:$0x1FF20]  }
0x273: {  	v58 =	vld [tilespmem:$0x1FEB0];
	_ =	sdelay $0x1  }
0x274: {  	v5 =	vadd.f32 v16, v15  }
0x275: {  	v11 =	vmul.f32 v10, v40;
	v12 =	vadd.f32 v14, v17;
	v14 =	vmul.f32 v31, v39  }
0x276: {  	v52 =	vmovc v20;
	v20 =	vmovc v43;
	v23 =	vmov v21;
	v3 =	vmul.f32 v2, v63;
	v0 =	vmul.f32 v1, v28  }
0x277: {  	v43 =	vmovc v9;
	v6 =	vadd.f32 v6, v49;
	v16 =	vmul.f32 v38, v23;
	v9 =	vmul.f32 v9, v58  }
0x278: {  	v0 =	vadd.f32 v3, v0  }
0x279: {  	v3 =	vadd.f32 v11, v9;
	v9 =	vadd.f32 v16, v14;
	_ =	sdelay $0x1  }
0x27a: {  	v0 =	vadd.f32 v0, v6;
	v6 =	vpop (erf)  }
0x27b: {  	v13 =	vadd.f32 v7, v18;
	v6 =	vadd.f32 $1.000000000e+00, v6  }
0x27c: {  	v15 =	vadd.f32 v25, v22;
	v3 =	vadd.f32 v9, v3;
	v9 =	vpop (erf)  }
0x27d: {  	v9 =	vadd.f32 $1.000000000e+00, v9;
	(erf) = vrcp.f32 v6;
	v6 =	vld [tilespmem:$0x1FF60]  }
0x27e: {  	v5 =	vadd.f32 v12, v5;
	v11 =	vadd.f32 v15, v13  }
0x27f: {  	(erf) = vrcp.f32 v9  }
0x280: {  	v12 =	vmax.f32 v44, v2;
	v5 =	vadd.f32 v11, v5  }
0x281: {  	v21 =	vld [tilespmem:$0x1FF70];
	v27 =	vmax.f32 v27, v12;
	v0 =	vadd.f32 v3, v0  }
0x282: {  	[tilespmem:$0x1FD10] =	vst v24;
	v15 =	vmax.f32 v61, v31;
	v16 =	vmax.f32 v42, v38;
	v3 =	vperm.xlane v5, v6  }
0x283: {  	[tilespmem:$0x1FD20] =	vst v1;
	v33 =	vmax.f32 v33, v15;
	v36 =	vmax.f32 v36, v16;
	v6 =	vperm.xlane v0, v6  }
0x284: {  	v11 =	vmax.f32 v41, v37;
	v3 =	vadd.f32 v3, v5;
	v5 =	vmax.f32 v24, v1;
	v1 =	vmovc v10  }
0x285: {  	[tilespmem:$0x1FD30] =	vst v44;
	s18 =	sadd.s32 $0x100, s18;
	v9 =	vmax.f32 v30, v8;
	v0 =	vadd.f32 v6, v0;
	v13 =	vmax.f32 v57, v1  }
0x286: {  	v44 =	vld [tilespmem:s18+$0xFFFFFFD0];
	[tilespmem:$0x1FDA0] =	vst v38;
	v35 =	vmax.f32 v35, v11;
	v38 =	vmax.f32 v4, v9;
	v14 =	vperm.xlane v3, v21  }
0x287: {  	v6 =	vmax.f32 v50, v43;
	[tilespmem:$0x1FD60] =	vst v1;
	v1 =	vld [tilespmem:$0x1FDF0];
	v17 =	vperm.xlane v0, v21;
	v32 =	vmax.f32 v32, v13;
	v4 =	vpop (erf)  }
0x288: {  	[tilespmem:$0x1FD90] =	vst v42;
	v42 =	vld [tilespmem:s18+$0xFFFFFF90];
	v9 =	vmul.f32 v4, v62;
	v22 =	vmul.f32 v4, v45;
	v3 =	vadd.f32 v14, v3;
	v13 =	vpop (erf)  }
0x289: {  	v10 =	vmovc v43;
	v43 =	vld [tilespmem:s18+$0xFFFFFFC0];
	v29 =	vmax.f32 v29, v5;
	v24 =	vmul.f32 v4, v59;
	v11 =	vmul.f32 v13, v46  }
0x28a: {  	[tilespmem:$0x1FCF0] =	vst v41;
	v41 =	vld [tilespmem:s18+$0x30];
	v0 =	vadd.f32 v17, v0;
	v12 =	vmul.f32 v13, v51;
	v5 =	vperm.xlane v3, v20  }
0x28b: {  	[tilespmem:$0x1FCE0] =	vst v8;
	v8 =	vld [tilespmem:s18+$0xFFFFFFF0];
	v34 =	vmax.f32 v34, v6;
	v25 =	vmul.f32 v13, v19;
	v26 =	vmul.f32 v13, v26  }
0x28c: {  	v6 =	vperm.xlane v0, v20;
	v3 =	vadd.f32 v5, v3;
	v5 =	vmul.f32 v4, v1;
	v1 =	vld [tilespmem:$0x1FE10]  }
0x28d: {  	[tilespmem:$0x1FD70] =	vst v61;
	v15 =	vmovc v39;
	v39 =	vld [tilespmem:s18+$0xFFFFFF80];
	v59 =	vimm.f32 $0.0e+00;
	v61 =	vmul.f32 v13, v47;
	v19 =	vmul.f32 v4, v52  }
0x28e: {  	[tilespmem:$0x1FCD0] =	vst v30;
	v30 =	vld [tilespmem:s18+$0xFFFFFFB0];
	v18 =	vmul.f32 v43, v58;
	v58 =	vimm.f32 $0.0e+00;
	v20 =	vmovc v40;
	v0 =	vadd.f32 v6, v0  }
0x28f: {  	[tilespmem:$0x1FD00] =	vst v37;
	v40 =	vld [tilespmem:s18+$0xFFFFFFA0];
	v11 =	vadd.f32 v11, v9;
	v7 =	vmul.f32 v44, v20;
	v14 =	vperm.xlane v3, v56  }
0x290: {  	v37 =	vmovc v23;
	v46 =	vld [tilespmem:s18+$0xFFFFFFE0];
	v24 =	vadd.f32 v25, v24;
	v9 =	vadd.f32 v12, v5;
	v12 =	vperm.xlane v0, v56  }
0x291: {  	v25 =	vmul.f32 v8, v37;
	v3 =	vadd.f32 v14, v3;
	v6 =	vmul.f32 v4, v1;
	v1 =	vld [tilespmem:$0x1FE00]  }
0x292: {  	v45 =	vld [tilespmem:s18+$0x20];
	v62 =	vadd.f32 v11, v55;
	v11 =	vmul.f32 v13, v60;
	v0 =	vadd.f32 v12, v0  }
0x293: {  	[tilespmem:$0x1FD80] =	vst v31;
	v60 =	vmul.f32 v4, v48;
	v12 =	vmul.f32 v4, v53;
	v4 =	vld [tilespmem:$0x1FF00];
	v3 =	vadd.f32 v3, v54  }
0x294: {  	v31 =	vmovc v15;
	v48 =	vld [tilespmem:s18+$0x0];
	v17 =	vmul.f32 v40, v28;
	v23 =	vadd.f32 v11, v22;
	v0 =	vadd.f32 v0, v54  }
0x295: {  	v47 =	vld [tilespmem:s18+$0x10];
	v22 =	vmul.f32 v46, v31;
	v11 =	vadd.f32 v61, v60;
	v3 =	vsub.f32 $0.0e+00, v3  }
0x296: {  	p3 =	sne.s32 s8, $0x1;
	v61 =	vimm.f32 $0.0e+00;
	v0 =	vsub.f32 $0.0e+00, v0;
	v5 =	vmul.f32 v13, v1;
	v1 =	vld [tilespmem:$0x1FF10]  }
.Ltmp36:
0x297: {  	v51 =	vld [tilespmem:s18+$0x40];
	v14 =	vmul.f32 v30, v63;
	v63 =	vimm.f32 $0.0e+00;
	v3 =	vmul.f32 $1.442695020e+00, v3;
	(pc) =	sbr.rel @!p3 .LBB2_56-.Ltmp36, $4  }
0x298: {  	v20 =	vld [tilespmem:s18+$0x50];
	v26 =	vadd.f32 v26, v12;
	v15 =	vmul.f32 v39, v4;
	v0 =	vmul.f32 $1.442695020e+00, v0  }
0x299: {  	v56 =	vld [tilespmem:$0x1FDE0];
	v49 =	vmul.f32 v48, v4;
	v4 =	vimm.f32 $0.0e+00;
	(erf) = vpow2.f32 v3  }
0x29a: {  	[tilespmem:$0x1FD40] =	vst v50;
	v12 =	vld [tilespmem:s18+$0x60];
	v21 =	vadd.f32 v5, v6;
	v5 =	vimm.f32 $0.0e+00;
	(erf) = vpow2.f32 v0  }
0x29b: {  	[tilespmem:$0x1FD50] =	vst v57;
	s8 =	sadd.s32 $0xFFFFFFFF, s8;
	p2 =	por $0x1, $0x1;
	v3 =	vld [tilespmem:s18+$0x70];
	v0 =	vimm.f32 $0.0e+00;
	v16 =	vmul.f32 v42, v1;
	v6 =	vmul.f32 v47, v1  }
.LBB2_57:
0x29c: {  	v31 =	vld [tilespmem:$0x1FD60]  }
0x29d: {  	v28 =	vld [tilespmem:$0x1FF20]  }
0x29e: {  	v60 =	vld [tilespmem:$0x1FEA0]  }
0x29f: {  	v54 =	vmax.f32 v39, v48;
	v1 =	vmov v48;
	v48 =	vld [tilespmem:$0x1FEB0]  }
0x2a0: {  	v50 =	vld [tilespmem:$0x1FEC0]  }
0x2a1: {  	v14 =	vadd.f32 v14, v17;
	v37 =	vld [tilespmem:$0x1FED0];
	v17 =	vadd.f32 v7, v18;
	v7 =	vmov v31  }
0x2a2: {  	[tilespmem:$0x1FCB0] =	vst v7;
	v7 =	vld [tilespmem:$0x1FEE0];
	_ =	sdelay $0x2  }
0x2a3: {  	v15 =	vadd.f32 v16, v15;
	v52 =	vmul.f32 v45, v28;
	v53 =	vmul.f32 v41, v60  }
0x2a4: {  	v57 =	vmovc v10;
	v22 =	vadd.f32 v25, v22;
	v16 =	vmul.f32 v51, v48;
	v10 =	vmul.f32 v20, v50  }
0x2a5: {  	v6 =	vadd.f32 v6, v49;
	v18 =	vmul.f32 v12, v37;
	v25 =	vmul.f32 v3, v7  }
0x2a6: {  	v14 =	vadd.f32 v14, v15;
	v49 =	vadd.f32 v53, v52  }
0x2a7: {  	v55 =	vmov v51;
	v51 =	vld [tilespmem:$0x1FF60];
	v16 =	vadd.f32 v10, v16;
	v15 =	vadd.f32 v25, v18  }
0x2a8: {  	v52 =	vmov v12;
	v12 =	vadd.f32 v22, v17  }
0x2a9: {  	v6 =	vadd.f32 v49, v6;
	v15 =	vadd.f32 v15, v16  }
0x2aa: {  	v13 =	vmul.f32 v13, v56;
	v22 =	vpop (erf);
	v12 =	vadd.f32 v12, v14  }
0x2ab: {  	v17 =	vmax.f32 v40, v45;
	v22 =	vadd.f32 $1.000000000e+00, v22;
	v6 =	vadd.f32 v15, v6  }
0x2ac: {  	v13 =	vadd.f32 v13, v19;
	v29 =	vmax.f32 v29, v17;
	v17 =	vld [tilespmem:$0x1FF70];
	v19 =	vperm.xlane v12, v51  }
0x2ad: {  	v25 =	vpop (erf);
	(erf) = vrcp.f32 v22;
	v22 =	vperm.xlane v6, v51  }
0x2ae: {  	v58 =	vadd.f32 v9, v58;
	v25 =	vadd.f32 $1.000000000e+00, v25  }
0x2af: {  	v9 =	vadd.f32 v19, v12;
	v6 =	vadd.f32 v22, v6  }
0x2b0: {  	v7 =	vld [tilespmem:$0x1FFF0];
	(erf) = vrcp.f32 v25  }
0x2b1: {  	v12 =	vperm.xlane v9, v17;
	v17 =	vperm.xlane v6, v17;
	_ =	sdelay $0x1  }
0x2b2: {  	v18 =	vmax.f32 v42, v47;
	v6 =	vadd.f32 v17, v6  }
0x2b3: {  	v35 =	vmax.f32 v35, v18;
	v18 =	vld [tilespmem:$0x1FDA0];
	v15 =	vmax.f32 v46, v52  }
0x2b4: {  	v33 =	vmax.f32 v33, v15;
	v17 =	vld [tilespmem:$0x1FD90];
	v15 =	vperm.xlane v6, v7;
	_ =	sdelay $0x1  }
0x2b5: {  	v6 =	vadd.f32 v15, v6;
	v15 =	vld [tilespmem:$0x1FCF0]  }
0x2b6: {  	v59 =	vadd.f32 v11, v59;
	v11 =	vpop (erf)  }
0x2b7: {  	v4 =	vadd.f32 v13, v4;
	v13 =	vpop (erf)  }
0x2b8: {  	v31 =	vmov v20;
	v18 =	vmul.f32 v13, v18;
	v20 =	vmul.f32 v11, v17;
	_ =	sdelay $0x1  }
0x2b9: {  	v22 =	vmul.f32 v11, v15;
	v15 =	vadd.f32 v18, v20;
	_ =	sdelay $0x1  }
0x2ba: {  	v62 =	vadd.f32 v15, v62;
	v15 =	vld [tilespmem:$0x1FD30]  }
0x2bb: {  	s18 =	sadd.s32 $0x100, s18;
	v10 =	vld [tilespmem:$0x1FD80]  }
0x2bc: {  	v61 =	vadd.f32 v21, v61;
	v21 =	vld [tilespmem:s18+$0xFFFFFFB0];
	v9 =	vadd.f32 v12, v9  }
0x2bd: {  	v38 =	vmax.f32 v38, v54;
	v0 =	vadd.f32 v24, v0;
	v54 =	vld [tilespmem:s18+$0x0];
	v14 =	vmax.f32 v44, v31  }
0x2be: {  	v24 =	vmovc v8;
	v32 =	vmax.f32 v32, v14;
	v25 =	vmax.f32 v8, v3;
	v8 =	vld [tilespmem:$0x1FCE0];
	v14 =	vperm.xlane v9, v7  }
0x2bf: {  	v36 =	vmax.f32 v36, v25;
	v25 =	vmul.f32 v11, v15;
	v15 =	vld [tilespmem:$0x1FD40]  }
0x2c0: {  	v56 =	vmovc v10;
	v10 =	vmov v55;
	v55 =	vmax.f32 v43, v55;
	v14 =	vadd.f32 v14, v9;
	v9 =	vld [tilespmem:$0x1FCD0]  }
0x2c1: {  	v34 =	vmax.f32 v34, v55;
	v55 =	vld [tilespmem:$0x1FF10];
	v16 =	vmax.f32 v30, v41  }
0x2c2: {  	v27 =	vmax.f32 v27, v16;
	v16 =	vld [tilespmem:s18+$0xFFFFFF90];
	v19 =	vmov v39  }
0x2c3: {  	[tilespmem:$0x1FCD0] =	vst v19;
	v19 =	vld [tilespmem:$0x1FF80]  }
0x2c4: {  	v5 =	vadd.f32 v26, v5;
	[tilespmem:$0x1FD90] =	vst v24;
	v24 =	vld [tilespmem:$0x1FD10];
	v26 =	vmul.f32 v11, v15;
	v15 =	vmov v40  }
0x2c5: {  	v63 =	vadd.f32 v23, v63;
	v9 =	vmul.f32 v11, v9;
	v23 =	vmul.f32 v13, v8;
	[tilespmem:$0x1FD10] =	vst v15;
	v15 =	vld [tilespmem:$0x1FD50]  }
0x2c6: {  	v8 =	vmov v1;
	v1 =	vld [tilespmem:$0x1FD20]  }
0x2c7: {  	v17 =	vmov v42;
	v9 =	vadd.f32 v23, v9;
	v23 =	vld [tilespmem:s18+$0xFFFFFFD0]  }
0x2c8: {  	v42 =	vmov v16;
	v16 =	vld [tilespmem:$0x1FEF0];
	[tilespmem:$0x1FCF0] =	vst v17;
	v17 =	vperm.xlane v14, v19  }
0x2c9: {  	v18 =	vld [tilespmem:s18+$0xFFFFFFC0]  }
0x2ca: {  	v49 =	vmul.f32 v13, v57;
	v14 =	vadd.f32 v17, v14;
	v57 =	vmul.f32 v11, v15;
	v15 =	vld [tilespmem:$0x1FCB0]  }
0x2cb: {  	v12 =	vld [tilespmem:s18+$0xFFFFFF80];
	v1 =	vmul.f32 v13, v1  }
0x2cc: {  	[tilespmem:$0x1FD80] =	vst v52;
	v7 =	vmov v3;
	v3 =	vld [tilespmem:s18+$0xFFFFFFA0];
	v19 =	vperm.xlane v6, v19  }
0x2cd: {  	[tilespmem:$0x1FDA0] =	vst v7;
	v7 =	vld [tilespmem:$0x1FD00];
	v24 =	vmul.f32 v11, v24  }
0x2ce: {  	[tilespmem:$0x1FCE0] =	vst v8;
	v8 =	vld [tilespmem:s18+$0xFFFFFFF0];
	v6 =	vadd.f32 v19, v6;
	v17 =	vadd.f32 v14, v16;
	v14 =	vmovc v43;
	v43 =	vmov v18  }
0x2cf: {  	v18 =	vmovc v44;
	v44 =	vmovc v23;
	v23 =	vadd.f32 v1, v24;
	v1 =	vmov v45;
	v52 =	vmul.f32 v13, v15;
	v15 =	vld [tilespmem:$0x1FD70]  }
0x2d0: {  	v6 =	vadd.f32 v6, v16;
	[tilespmem:$0x1FD20] =	vst v1;
	v1 =	vld [tilespmem:$0x1FEE0]  }
0x2d1: {  	[tilespmem:$0x1FD60] =	vst v31;
	v31 =	vld [tilespmem:$0x1FF00]  }
0x2d2: {  	v39 =	vmov v12;
	v12 =	vld [tilespmem:s18+$0xFFFFFFE0];
	v2 =	vmul.f32 v13, v2;
	v6 =	vsub.f32 $0.0e+00, v6  }
0x2d3: {  	v7 =	vmul.f32 v13, v7;
	v16 =	vmul.f32 v42, v55;
	[tilespmem:$0x1FD40] =	vst v14;
	v40 =	vmov v3;
	v3 =	vld [tilespmem:s18+$0x10]  }
0x2d4: {  	v53 =	vld [tilespmem:s18+$0x30];
	v6 =	vmul.f32 $1.442695020e+00, v6;
	v24 =	vadd.f32 v2, v25;
	[tilespmem:$0x1FD50] =	vst v18;
	v19 =	vmul.f32 v11, v15;
	v11 =	vmovc v30  }
0x2d5: {  	p3 =	sne.s32 s8, $0x1;
	v20 =	vsub.f32 $0.0e+00, v17;
	v25 =	vmul.f32 v8, v1;
	v18 =	vmul.f32 v43, v48;
	v48 =	vmovc v54;
	[tilespmem:$0x1FD30] =	vst v11;
	v11 =	vld [tilespmem:s18+$0x20]  }
.Ltmp37:
0x2d6: {  	v17 =	vmul.f32 v40, v28;
	v26 =	vadd.f32 v49, v26;
	v49 =	vmul.f32 v48, v31;
	v30 =	vmovc v21;
	(pc) =	sbr.rel @p3 .LBB2_57-.Ltmp37, $4  }
0x2d7: {  	v51 =	vld [tilespmem:s18+$0x40];
	v28 =	vmovc v47;
	v21 =	vadd.f32 v7, v22;
	v7 =	vmovc v46;
	v14 =	vmul.f32 v30, v60;
	v60 =	vmul.f32 $1.442695020e+00, v20  }
0x2d8: {  	v47 =	vmovc v3;
	v3 =	vld [tilespmem:s18+$0x70];
	v15 =	vmul.f32 v39, v31;
	v46 =	vmov v12;
	[tilespmem:$0x1FD70] =	vst v7;
	v7 =	vmul.f32 v44, v50  }
0x2d9: {  	v2 =	vmovc v41;
	v41 =	vmov v53;
	v12 =	vld [tilespmem:s18+$0x60];
	v22 =	vmul.f32 v46, v37;
	(erf) = vpow2.f32 v60  }
0x2da: {  	s8 =	sadd.s32 $0xFFFFFFFF, s8;
	[tilespmem:$0x1FD00] =	vst v28;
	v20 =	vld [tilespmem:s18+$0x50];
	(erf) = vpow2.f32 v6;
	v6 =	vmul.f32 v47, v55;
	v45 =	vmovc v11;
	v11 =	vadd.f32 v52, v57  }
0x2db: {  	v1 =	vld [tilespmem:$0x1FD90];
	_ =	sdelay $0x4  }
0x2dc: {  	[tilespmem:$0x1FDD0] =	vst v1;
	v1 =	vld [tilespmem:$0x1FCD0];
	_ =	sdelay $0x2  }
0x2dd: {  	[tilespmem:$0x1FE30] =	vst v29;
	v29 =	vld [tilespmem:$0x1FD60]  }
0x2de: {  	v31 =	vld [tilespmem:$0x1FD80]  }
0x2df: {  	[tilespmem:$0x1FDF0] =	vst v1;
	v1 =	vld [tilespmem:$0x1FCF0]  }
0x2e0: {  	[tilespmem:$0x1FE50] =	vst v46;
	v46 =	vld [tilespmem:$0x1FDA0]  }
0x2e1: {  	[tilespmem:$0x1FE70] =	vst v32;
	v32 =	vld [tilespmem:$0x1FD10]  }
0x2e2: {  	[tilespmem:$0x1FE80] =	vst v33;
	v33 =	vld [tilespmem:$0x1FD30]  }
0x2e3: {  	v53 =	vld [tilespmem:$0x1FD40]  }
0x2e4: {  	[tilespmem:$0x1FE10] =	vst v1;
	v1 =	vld [tilespmem:$0x1FD00]  }
0x2e5: {  	[tilespmem:$0x1FE90] =	vst v36;
	v36 =	vld [tilespmem:$0x1FD50]  }
0x2e6: {  	v52 =	vld [tilespmem:$0x1FD70]  }
0x2e7: {  	v37 =	vld [tilespmem:$0x1FF30]  }
0x2e8: {  	[tilespmem:$0x1FE40] =	vst v27;
	v27 =	vld [tilespmem:$0x1FF70]  }
0x2e9: {  	[tilespmem:$0x1FE00] =	vst v1;
	v1 =	vld [tilespmem:$0x1FD20]  }
0x2ea: {  	[tilespmem:$0x1FE60] =	vst v34;
	v34 =	vld [tilespmem:$0x1FFF0]  }
0x2eb: {  	[tilespmem:$0x1FE20] =	vst v35;
	v57 =	vld [tilespmem:$0x1FF80]  }
0x2ec: {  	[tilespmem:$0x1FCC0] =	vst v56;
	v55 =	vmov v10;
	v10 =	vld [tilespmem:$0x1FF20]  }
0x2ed: {  	v28 =	vmov v41;
	v60 =	vmov v45;
	[tilespmem:$0x1FDC0] =	vst v2;
	v54 =	vld [tilespmem:$0x1FEF0];
	v56 =	vmov v30  }
0x2ee: {  	v50 =	vmovc v8;
	v30 =	vmovc v58;
	v58 =	vmov v61;
	v35 =	vmov v51;
	v51 =	vld [tilespmem:$0x1FCE0];
	v61 =	vmov v29;
	[tilespmem:$0x1FDB0] =	vst v1  }
.LBB2_59:
0x2ef: {  	v8 =	vld [tilespmem:$0x1FEA0]  }
0x2f0: {  	v2 =	vadd.f32 v14, v17;
	v14 =	vld [tilespmem:$0x1FEB0]  }
0x2f1: {  	v1 =	vadd.f32 v16, v15;
	v15 =	vld [tilespmem:$0x1FEC0]  }
0x2f2: {  	v17 =	vld [tilespmem:$0x1FED0]  }
0x2f3: {  	v41 =	vadd.f32 v7, v18;
	v18 =	vld [tilespmem:$0x1FEE0];
	_ =	sdelay $0x1  }
0x2f4: {  	v16 =	vadd.f32 v25, v22  }
0x2f5: {  	v29 =	vmul.f32 v60, v10;
	v1 =	vadd.f32 v2, v1;
	v8 =	vmul.f32 v28, v8  }
0x2f6: {  	v41 =	vadd.f32 v16, v41;
	v14 =	vmul.f32 v35, v14;
	v15 =	vmul.f32 v20, v15  }
0x2f7: {  	v6 =	vadd.f32 v6, v49;
	v17 =	vmul.f32 v12, v17;
	v18 =	vmul.f32 v3, v18  }
0x2f8: {  	v1 =	vadd.f32 v41, v1;
	v7 =	vadd.f32 v8, v29  }
0x2f9: {  	v41 =	vld [tilespmem:$0x1FF60];
	v49 =	vadd.f32 v15, v14;
	v14 =	vadd.f32 v18, v17;
	_ =	sdelay $0x1  }
0x2fa: {  	v6 =	vadd.f32 v7, v6;
	v49 =	vadd.f32 v14, v49;
	_ =	sdelay $0x1  }
0x2fb: {  	v10 =	vadd.f32 v49, v6  }
0x2fc: {  	v49 =	vperm.xlane v1, v41  }
0x2fd: {  	v7 =	vperm.xlane v10, v41  }
0x2fe: {  	v1 =	vadd.f32 v49, v1  }
0x2ff: {  	v2 =	vadd.f32 v7, v10  }
0x300: {  	v6 =	vperm.xlane v1, v27  }
0x301: {  	v7 =	vperm.xlane v2, v27  }
0x302: {  	v1 =	vadd.f32 v6, v1  }
0x303: {  	v2 =	vadd.f32 v7, v2  }
0x304: {  	v6 =	vperm.xlane v1, v34  }
0x305: {  	v7 =	vperm.xlane v2, v34  }
0x306: {  	v1 =	vadd.f32 v6, v1  }
0x307: {  	v2 =	vadd.f32 v7, v2  }
0x308: {  	v6 =	vperm.xlane v1, v57  }
0x309: {  	v7 =	vperm.xlane v2, v57;
	_ =	sdelay $0x2  }
0x30a: {  	v1 =	vadd.f32 v6, v1;
	v6 =	vpop @p1 (erf)  }
0x30b: {  	v2 =	vadd.f32 v7, v2;
	v6 =	vadd.f32 @p1 $1.000000000e+00, v6;
	v7 =	vpop @p1 (erf)  }
0x30c: {  	v7 =	vadd.f32 @p1 $1.000000000e+00, v7  }
0x30d: {  	v1 =	vadd.f32 v1, v54;
	(erf) = vrcp.f32 @p1 v6  }
0x30e: {  	(erf) = vrcp.f32 @p1 v7  }
0x30f: {  	v1 =	vsub.f32 $0.0e+00, v1  }
0x310: {  	v2 =	vadd.f32 v2, v54  }
0x311: {  	v6 =	vld [tilespmem:$0x1FCC0];
	v1 =	vmul.f32 $1.442695020e+00, v1  }
0x312: {  	v2 =	vsub.f32 $0.0e+00, v2  }
0x313: {  	v16 =	vld [tilespmem:$0x1FE40];
	v10 =	vmax.f32 v39, v48;
	(erf) = vpow2.f32 v1;
	v1 =	vadd.f32 @p2 v9, v30  }
0x314: {  	v2 =	vmul.f32 $1.442695020e+00, v2;
	v9 =	vadd.f32 @p2 v24, v0;
	v0 =	vadd.f32 @p2 v26, v5;
	v5 =	vld [tilespmem:$0x1FDD0];
	_ =	sdelay $0x1  }
0x315: {  	v6 =	vmul.f32 @p2 v13, v6;
	(erf) = vpow2.f32 v2;
	v7 =	vpop @p1 (erf)  }
0x316: {  	v45 =	vmov v28;
	v8 =	vadd.f32 @p2 v23, v63;
	v49 =	vld [tilespmem:$0x1FE20];
	v27 =	vmax.f32 v38, v10;
	v10 =	vpop @p1 (erf)  }
0x317: {  	v63 =	vld [tilespmem:$0x1FE30];
	v13 =	vmax.f32 v56, v45;
	v2 =	vadd.f32 @p2 v6, v19;
	v15 =	vmul.f32 @p1 v10, v46  }
0x318: {  	v30 =	vmax.f32 v16, v13;
	v13 =	vld [tilespmem:$0x1FDF0];
	v14 =	vmul.f32 @p1 v7, v5  }
0x319: {  	v2 =	vadd.f32 @p2 v2, v4;
	v4 =	vld [tilespmem:$0x1FE10]  }
0x31a: {  	v41 =	vmax.f32 v42, v47;
	v5 =	vadd.f32 @p2 v11, v59;
	v11 =	vadd.f32 @p1 v15, v14;
	v14 =	vld [tilespmem:$0x1FE00]  }
0x31b: {  	v29 =	vmax.f32 v49, v41;
	v41 =	vmax.f32 v43, v35;
	v6 =	vadd.f32 @p2 v21, v58;
	v15 =	vpop (erf)  }
0x31c: {  	v22 =	vld [tilespmem:$0x1FDC0];
	v17 =	vmul.f32 @p1 v7, v33;
	v23 =	vmul.f32 @p1 v7, v53;
	v15 =	vadd.f32 $1.000000000e+00, v15  }
0x31d: {  	v58 =	vmax.f32 v40, v60;
	v19 =	vmul.f32 @p1 v7, v36;
	v13 =	vmul.f32 @p1 v7, v13  }
0x31e: {  	v28 =	vmax.f32 v63, v58;
	v16 =	vmul.f32 @p1 v10, v51;
	v18 =	vpop (erf);
	(erf) = vrcp.f32 v15;
	v15 =	vld [tilespmem:$0x1FDB0]  }
0x31f: {  	v4 =	vmul.f32 @p1 v7, v4;
	v18 =	vadd.f32 $1.000000000e+00, v18;
	v14 =	vmul.f32 @p1 v10, v14  }
0x320: {  	v21 =	vmovc @p1 v31;
	v13 =	vadd.f32 @p1 v16, v13;
	v16 =	vmul.f32 @p1 v7, v32;
	v7 =	vmul.f32 @p1 v7, v52  }
0x321: {  	v21 =	vpsel p1, v21, v0;
	v36 =	vmax.f32 v50, v3;
	v22 =	vmul.f32 @p1 v10, v22  }
0x322: {  	v52 =	vmax.f32 v44, v20;
	v11 =	vadd.f32 @p1 v11, v62;
	v7 =	vpsel p1, v7, v0  }
0x323: {  	(erf) = vrcp.f32 v18;
	v4 =	vadd.f32 @p1 v14, v4;
	v18 =	vmovc @p1 v61;
	v14 =	vmovc @p1 v55;
	v15 =	vmul.f32 @p1 v10, v15  }
0x324: {  	v18 =	vmul.f32 @p1 v10, v18;
	v14 =	vmul.f32 @p1 v10, v14;
	v10 =	vpsel p1, v10, v0  }
0x325: {  	v4 =	vpsel p1, v4, v0;
	v10 =	vmul.f32 @p1 v10, v21;
	v15 =	vadd.f32 @p1 v15, v16  }
0x326: {  	v16 =	vadd.f32 @p1 v22, v17;
	v14 =	vadd.f32 @p1 v14, v23;
	v22 =	vimm.f32 $0.0e+00  }
0x327: {  	v17 =	vadd.f32 @p1 v18, v19;
	v7 =	vadd.f32 @p1 v10, v7;
	v1 =	vpsel p2, v1, v22  }
0x328: {  	v10 =	vpsel p1, v13, v0;
	v6 =	vpsel p2, v6, v22;
	v9 =	vpsel p2, v9, v22  }
0x329: {  	v5 =	vpsel p2, v5, v22;
	v2 =	vpsel p2, v2, v22;
	v11 =	vpsel p1, v11, v22  }
0x32a: {  	v19 =	vld [tilespmem:$0x1FE50];
	v1 =	vadd.f32 @p1 v10, v1;
	v4 =	vadd.f32 @p1 v4, v6;
	v6 =	vpsel p2, v8, v22  }
0x32b: {  	v8 =	vpsel p1, v15, v0;
	v10 =	vpsel p1, v16, v0;
	v0 =	vpsel p2, v0, v22  }
0x32c: {  	v33 =	vpop (erf);
	v13 =	vpsel p1, v14, v0;
	v6 =	vadd.f32 @p1 v8, v6;
	v8 =	vadd.f32 @p1 v10, v9  }
0x32d: {  	v15 =	vmul.f32 v33, v50;
	v16 =	vmul.f32 v33, v39;
	v2 =	vadd.f32 @p1 v7, v2  }
0x32e: {  	v50 =	vmul.f32 v33, v40;
	v23 =	vmul.f32 v33, v44;
	v0 =	vadd.f32 @p1 v13, v0  }
0x32f: {  	v1 =	vpsel p1, v1, v22;
	v58 =	vpsel p1, v4, v22;
	v9 =	vmul.f32 v33, v19  }
0x330: {  	v19 =	vmax.f32 v19, v12;
	v59 =	vpsel p1, v6, v22;
	v13 =	vpop (erf);
	v14 =	vpsel p1, v17, v0  }
0x331: {  	v38 =	vmul.f32 v13, v3;
	v17 =	vmul.f32 v13, v48;
	v5 =	vadd.f32 @p1 v14, v5;
	v14 =	vld [tilespmem:$0x1FE60]  }
0x332: {  	v61 =	vpsel p1, v8, v22;
	v51 =	vmul.f32 v13, v60;
	v18 =	vmul.f32 v13, v35  }
0x333: {  	v21 =	vmul.f32 v13, v20;
	v12 =	vmul.f32 v13, v12;
	v3 =	vadd.f32 v38, v15  }
0x334: {  	v46 =	vadd.f32 v17, v16;
	v15 =	vmul.f32 v13, v47;
	v16 =	vmul.f32 v13, v45;
	v13 =	vld [tilespmem:$0x1FE70]  }
0x335: {  	v63 =	vld [tilespmem:$0x1FE90];
	v2 =	vpsel p1, v2, v22;
	v0 =	vpsel p1, v0, v22;
	v9 =	vadd.f32 v12, v9  }
0x336: {  	v48 =	vadd.f32 v3, v11;
	v31 =	vmax.f32 v14, v41;
	v14 =	vmul.f32 v33, v42  }
0x337: {  	v60 =	vld [tilespmem:$0x1FE80];
	v17 =	vmul.f32 v33, v43;
	v3 =	vadd.f32 v51, v50;
	v12 =	vadd.f32 v46, v1  }
.Ltmp38:
0x338: {  	v24 =	vadd.f32 v9, v2;
	v14 =	vadd.f32 v15, v14;
	v15 =	vmul.f32 v33, v56;
	(pc) =	sbr.rel .LBB2_60-.Ltmp38, $4  }
0x339: {  	v32 =	vmax.f32 v13, v52;
	v13 =	vadd.f32 v18, v17;
	v56 =	vadd.f32 v3, v59  }
0x33a: {  	v35 =	vmax.f32 v63, v36;
	v53 =	vadd.f32 v16, v15;
	v15 =	vadd.f32 v21, v23  }
0x33b: {  	v36 =	vld [tilespmem:$0x1FF40];
	v62 =	vpsel p1, v5, v22;
	v43 =	vmovc v34;
	v17 =	vadd.f32 v14, v58;
	v20 =	vadd.f32 v13, v0  }
0x33c: {  	v42 =	vld [tilespmem:$0x1FF50];
	v33 =	vmax.f32 v60, v19;
	v52 =	vmovc v57;
	v41 =	vadd.f32 v53, v61;
	v38 =	vadd.f32 v15, v62  }
.LBB2_50:
0x33d: {  	v27 =	vimm.f32 $-Inf  }
0x33e: {  	v12 =	vimm.f32 $0.0e+00;
	v17 =	vimm.f32 $0.0e+00;
	v56 =	vimm.f32 $0.0e+00  }
0x33f: {  	v41 =	vimm.f32 $0.0e+00;
	v20 =	vimm.f32 $0.0e+00;
	v38 =	vimm.f32 $0.0e+00  }
0x340: {  	v24 =	vimm.f32 $0.0e+00;
	v48 =	vimm.f32 $0.0e+00;
	v29 =	vimm.f32 $-Inf  }
0x341: {  	v28 =	vimm.f32 $-Inf;
	v30 =	vimm.f32 $-Inf;
	v31 =	vimm.f32 $-Inf  }
0x342: {  	v32 =	vimm.f32 $-Inf;
	v33 =	vimm.f32 $-Inf;
	v35 =	vimm.f32 $-Inf  }
.LBB2_60:
0x343: {  	s8 =	sand.u32 $0xFFFFFFFE, s31  }
0x344: {  	s8 =	sadd.s32 s19, s8  }
0x345: {  	p1 =	sge.s32 s8, s10  }
.Ltmp39:
0x346: {  	_ = 	snop;
	(pc) =	sbr.rel @p1 .LBB2_61-.Ltmp39, $1  }
0x347: {  	_ =	sdelay $0x3  }
0x348: {  	p1 =	slt.s32 s26, s25;
	s18 =	smov.u32 s25  }
0x349: {  	s19 =	smov.u32 s11;
	s18 =	smov.u32 @p1 s26  }
0x34a: {  	v0 =	vld [tilespmem:$0x1FF00];
	p1 =	sgt.s32 s9, s11;
	s26 =	smov.u32 s13;
	p2 =	slt.s32 s18, s13  }
0x34b: {  	v1 =	vld [tilespmem:$0x1FF10];
	s19 =	smov.u32 @p1 s9;
	s26 =	smov.u32 @p2 s18  }
0x34c: {  	v9 =	vld [tilespmem:$0x1FF20];
	s9 =	ssub.s32 s26, s19  }
0x34d: {  	v22 =	vld [tilespmem:$0x1FEA0];
	s26 =	sadd.s32 s19, s17;
	s9 =	sand.u32 $0x7FFFFE, s9  }
0x34e: {  	v34 =	vld [tilespmem:$0x1FEB0];
	s9 =	sadd.s32 s9, s26  }
0x34f: {  	v40 =	vld [tilespmem:$0x1FEC0];
	s9 =	sshll.u32 s9, $0x9  }
0x350: {  	v39 =	vld [tilespmem:$0x1FED0];
	s9 =	sshra.s32 s9, $0x2  }
0x351: {  	v26 =	vld [tilespmem:$0x1FEE0];
	s31 =	sadd.s32 s9, s23  }
0x352: {  	v53 =	vld [tilespmem:s31+$0xFFFFFFC0]  }
0x353: {  	v15 =	vld [tilespmem:s31+$0xFFFFFFD0]  }
0x354: {  	v14 =	vld [tilespmem:s31+$0xFFFFFFE0]  }
0x355: {  	[tilespmem:$0x1FC30] =	vst v48;
	v13 =	vld [tilespmem:s31+$0xFFFFFFF0]  }
0x356: {  	[tilespmem:$0x1FC40] =	vst v24;
	v10 =	vld [tilespmem:s31+$0x0]  }
0x357: {  	[tilespmem:$0x1FC50] =	vst v38;
	v11 =	vld [tilespmem:s31+$0x10]  }
0x358: {  	[tilespmem:$0x1FC60] =	vst v20;
	v8 =	vld [tilespmem:s31+$0x20]  }
0x359: {  	[tilespmem:$0x1FC70] =	vst v17;
	v18 =	vld [tilespmem:s31+$0x30]  }
0x35a: {  	[tilespmem:$0x1FC80] =	vst v56  }
0x35b: {  	[tilespmem:$0x1FC90] =	vst v41;
	v0 =	vmul.f32 v53, v0;
	v1 =	vmul.f32 v15, v1  }
0x35c: {  	[tilespmem:$0x1FCA0] =	vst v12;
	s9 =	sadd.s32 $0x1, s8;
	v2 =	vmul.f32 v14, v9;
	v3 =	vmul.f32 v13, v22  }
0x35d: {  	p4 =	slt.s32 s9, s10;
	v4 =	vmul.f32 v10, v34;
	v5 =	vmul.f32 v11, v40;
	[tilespmem:$0x1FBD0] =	vst v15  }
.Ltmp40:
0x35e: {  	v27 =	vmax.f32 v27, v53;
	v6 =	vmul.f32 v8, v39;
	v7 =	vmul.f32 v18, v26;
	[tilespmem:$0x1FBE0] =	vst v14;
	(pc) =	sbr.rel @!p4 .LBB2_63-.Ltmp40, $4  }
0x35f: {  	v29 =	vmax.f32 v29, v15;
	[tilespmem:$0x1FBF0] =	vst v13;
	v0 =	vadd.f32 v1, v0;
	v61 =	vadd.f32 v3, v2  }
0x360: {  	v28 =	vmax.f32 v28, v14;
	[tilespmem:$0x1FC00] =	vst v10;
	v62 =	vadd.f32 v5, v4;
	v63 =	vadd.f32 v7, v6  }
0x361: {  	p3 =	por $0x0, $0x0;
	v30 =	vmax.f32 v30, v13;
	v31 =	vmax.f32 v31, v10;
	[tilespmem:$0x1FC10] =	vst v11;
	v32 =	vmax.f32 v32, v11  }
0x362: {  	p1 =	por $0x0, $0x0;
	p2 =	por $0x0, $0x0;
	s8 =	sadd.s32 $0x80, s31;
	[tilespmem:$0x1FC20] =	vst v8;
	v33 =	vmax.f32 v33, v8;
	v8 =	vadd.f32 v61, v0;
	v11 =	vadd.f32 v63, v62  }
0x363: {  	v50 =	vld [tilespmem:s8+$0xFFFFFFC0]  }
0x364: {  	v61 =	vld [tilespmem:s8+$0xFFFFFFD0]  }
0x365: {  	v57 =	vld [tilespmem:s8+$0xFFFFFFE0]  }
0x366: {  	v1 =	vld [tilespmem:$0x1FF60]  }
0x367: {  	v45 =	vld [tilespmem:s8+$0xFFFFFFF0]  }
0x368: {  	v46 =	vld [tilespmem:s8+$0x0]  }
0x369: {  	v2 =	vld [tilespmem:$0x1FF00];
	v0 =	vadd.f32 v11, v8  }
0x36a: {  	v3 =	vld [tilespmem:$0x1FF10]  }
0x36b: {  	v54 =	vld [tilespmem:s8+$0x10];
	v1 =	vperm.xlane v0, v1  }
0x36c: {  	v52 =	vld [tilespmem:s8+$0x20]  }
0x36d: {  	v60 =	vld [tilespmem:s8+$0x30];
	v0 =	vadd.f32 v0, v1  }
0x36e: {  	v2 =	vmul.f32 v50, v2  }
0x36f: {  	v3 =	vmul.f32 v61, v3;
	v1 =	vperm.xlane v0, v37  }
0x370: {  	v35 =	vmax.f32 v35, v18;
	v4 =	vmul.f32 v57, v9;
	v59 =	vmul.f32 v45, v22  }
0x371: {  	s9 =	sadd.s32 $0x1, s9;
	v5 =	vmul.f32 v46, v34;
	v7 =	vmul.f32 v54, v40;
	v0 =	vadd.f32 v0, v1  }
0x372: {  	v23 =	vmovc v9;
	p4 =	slt.s32 s9, s10;
	v27 =	vmax.f32 v27, v50;
	v8 =	vmul.f32 v52, v39;
	v9 =	vmul.f32 v60, v26  }
.Ltmp41:
0x373: {  	v29 =	vmax.f32 v29, v61;
	v2 =	vadd.f32 v3, v2;
	v6 =	vperm.xlane v0, v36;
	(pc) =	sbr.rel @!p4 .LBB2_65-.Ltmp41, $4  }
0x374: {  	v28 =	vmax.f32 v28, v57;
	v62 =	vadd.f32 v7, v5;
	v63 =	vadd.f32 v9, v8  }
0x375: {  	v30 =	vmax.f32 v30, v45;
	v1 =	vadd.f32 v59, v4;
	v6 =	vadd.f32 v0, v6  }
0x376: {  	v31 =	vmax.f32 v31, v46;
	v32 =	vmax.f32 v32, v54;
	v33 =	vmax.f32 v33, v52  }
0x377: {  	s18 =	sadd.s32 $0x80, s8;
	p1 =	por $0x1, $0x1;
	v11 =	vadd.f32 v63, v62;
	v8 =	vadd.f32 v1, v2;
	v19 =	vperm.xlane v6, v42  }
0x378: {  	v3 =	vld [tilespmem:$0x1FEF0];
	_ =	sdelay $0x2  }
0x379: {  	v1 =	vld [tilespmem:s18+$0xFFFFFFC0];
	v0 =	vadd.f32 v6, v19  }
0x37a: {  	v13 =	vld [tilespmem:s18+$0xFFFFFFD0]  }
0x37b: {  	v0 =	vadd.f32 v0, v3;
	v3 =	vld [tilespmem:$0x1FF60]  }
0x37c: {  	v12 =	vld [tilespmem:s18+$0xFFFFFFE0]  }
0x37d: {  	v7 =	vld [tilespmem:s18+$0xFFFFFFF0];
	v0 =	vsub.f32 $0.0e+00, v0  }
0x37e: {  	v4 =	vld [tilespmem:s18+$0x0];
	v2 =	vadd.f32 v11, v8  }
0x37f: {  	v59 =	vld [tilespmem:s18+$0x30];
	v0 =	vmul.f32 $1.442695020e+00, v0  }
0x380: {  	v8 =	vld [tilespmem:$0x1FF10];
	v5 =	vperm.xlane v2, v3  }
0x381: {  	(erf) = vpow2.f32 v0;
	v0 =	vld [tilespmem:$0x1FF00]  }
0x382: {  	v5 =	vadd.f32 v2, v5;
	v2 =	vld [tilespmem:s18+$0x20]  }
0x383: {  	v3 =	vld [tilespmem:s18+$0x10]  }
0x384: {  	v35 =	vmax.f32 v35, v60;
	v9 =	vmul.f32 v12, v23;
	v6 =	vperm.xlane v5, v37  }
0x385: {  	v27 =	vmax.f32 v27, v1;
	v10 =	vmul.f32 v4, v34;
	v16 =	vmul.f32 v59, v26  }
0x386: {  	s8 =	sadd.s32 $0x1, s9;
	v8 =	vmul.f32 v13, v8;
	v0 =	vmul.f32 v1, v0;
	v5 =	vadd.f32 v5, v6  }
0x387: {  	p4 =	slt.s32 s8, s10;
	v29 =	vmax.f32 v29, v13;
	v6 =	vmul.f32 v7, v22;
	v15 =	vmul.f32 v2, v39  }
.Ltmp42:
0x388: {  	v11 =	vmul.f32 v3, v40;
	v14 =	vperm.xlane v5, v36;
	v0 =	vadd.f32 v8, v0;
	(pc) =	sbr.rel @!p4 .LBB2_67-.Ltmp42, $4  }
0x389: {  	v28 =	vmax.f32 v28, v12;
	v8 =	vadd.f32 v6, v9;
	v9 =	vadd.f32 v16, v15  }
0x38a: {  	v30 =	vmax.f32 v30, v7;
	v6 =	vadd.f32 v5, v14;
	v5 =	vadd.f32 v11, v10  }
0x38b: {  	[tilespmem:$0x1FBA0] =	vst v53;
	v31 =	vmax.f32 v31, v4;
	v32 =	vmax.f32 v32, v3;
	v33 =	vmax.f32 v33, v2  }
0x38c: {  	s9 =	sadd.s32 $0x80, s18;
	p2 =	por $0x1, $0x1;
	[tilespmem:$0x1FBB0] =	vst v18;
	v8 =	vadd.f32 v8, v0;
	v58 =	vpop (erf);
	v19 =	vperm.xlane v6, v42;
	v11 =	vadd.f32 v9, v5  }
0x38d: {  	v55 =	vld [tilespmem:$0x1FF60]  }
0x38e: {  	v0 =	vadd.f32 v6, v19;
	v6 =	vadd.f32 v11, v8;
	v8 =	vld [tilespmem:$0x1FEF0];
	_ =	sdelay $0x1  }
0x38f: {  	v5 =	vadd.f32 $1.000000000e+00, v58;
	_ =	sdelay $0x1  }
0x390: {  	v21 =	vld [tilespmem:s9+$0xFFFFFFC0];
	(erf) = vrcp.f32 v5;
	v5 =	vperm.xlane v6, v55  }
0x391: {  	v43 =	vld [tilespmem:s9+$0xFFFFFFD0];
	v0 =	vadd.f32 v0, v8  }
0x392: {  	v5 =	vadd.f32 v6, v5;
	v6 =	vld [tilespmem:$0x1FF00]  }
0x393: {  	v63 =	vld [tilespmem:$0x1FF10];
	v0 =	vsub.f32 $0.0e+00, v0  }
0x394: {  	v8 =	vperm.xlane v5, v37  }
0x395: {  	v44 =	vld [tilespmem:s9+$0xFFFFFFE0];
	v0 =	vmul.f32 $1.442695020e+00, v0  }
0x396: {  	v5 =	vadd.f32 v5, v8  }
0x397: {  	v25 =	vld [tilespmem:s9+$0x0];
	v6 =	vmul.f32 v21, v6;
	(erf) = vpow2.f32 v0  }
0x398: {  	v47 =	vld [tilespmem:s9+$0x10];
	v0 =	vmul.f32 v43, v63;
	v14 =	vperm.xlane v5, v36  }
0x399: {  	[tilespmem:$0x1FB80] =	vst v58  }
0x39a: {  	v58 =	vmovc v23;
	v19 =	vmul.f32 v44, v23;
	v23 =	vadd.f32 v0, v6;
	v6 =	vadd.f32 v5, v14;
	v5 =	vld [tilespmem:$0x1FC30];
	_ =	sdelay $0x1  }
0x39b: {  	v62 =	vld [tilespmem:s9+$0xFFFFFFF0];
	v15 =	vmul.f32 v25, v34;
	v10 =	vpop (erf)  }
0x39c: {  	v48 =	vld [tilespmem:s9+$0x20];
	v9 =	vmov v17;
	v8 =	vmul.f32 v47, v40;
	v17 =	vmul.f32 v10, v18  }
0x39d: {  	v51 =	vld [tilespmem:s9+$0x30]  }
0x39e: {  	v14 =	vadd.f32 v17, v5;
	v5 =	vadd.f32 v8, v15;
	v8 =	vld [tilespmem:$0x1FBD0];
	_ =	sdelay $0x3  }
0x39f: {  	v11 =	vmul.f32 v62, v22;
	v16 =	vmul.f32 v48, v39  }
0x3a0: {  	v18 =	vmul.f32 v51, v26;
	v26 =	vmul.f32 v10, v8;
	v8 =	vld [tilespmem:$0x1FCA0];
	_ =	sdelay $0x1  }
0x3a1: {  	v49 =	vadd.f32 v11, v19;
	v11 =	vadd.f32 v18, v16  }
0x3a2: {  	v0 =	vmul.f32 v10, v53  }
0x3a3: {  	s8 =	sadd.s32 $0x1, s8;
	v11 =	vadd.f32 v11, v5;
	v5 =	vld [tilespmem:$0x1FBF0]  }
0x3a4: {  	p4 =	slt.s32 s8, s10;
	v15 =	vadd.f32 v0, v8;
	v0 =	vld [tilespmem:$0x1FBE0]  }
.Ltmp43:
0x3a5: {  	v35 =	vmax.f32 v35, v59;
	v27 =	vmax.f32 v27, v21;
	v29 =	vmax.f32 v29, v43;
	(pc) =	sbr.rel @!p4 .LBB2_69-.Ltmp43, $4  }
0x3a6: {  	v28 =	vmax.f32 v28, v44;
	v30 =	vmax.f32 v30, v62;
	v31 =	vmax.f32 v31, v25  }
0x3a7: {  	v32 =	vmax.f32 v32, v47;
	v33 =	vmax.f32 v33, v48;
	v39 =	vmovc v22;
	v22 =	vmovc v38;
	v38 =	vmov v55;
	v18 =	vld [tilespmem:$0x1FC10]  }
0x3a8: {  	v40 =	vmovc v63;
	v16 =	vmovc v56;
	v19 =	vperm.xlane v6, v42;
	v17 =	vmov v41;
	v53 =	vmul.f32 v10, v5;
	v5 =	vld [tilespmem:$0x1FC00]  }
0x3a9: {  	s9 =	sadd.s32 $0x80, s9;
	p3 =	por $0x1, $0x1;
	v41 =	vmov v58;
	v8 =	vadd.f32 v49, v23;
	v49 =	vpop (erf);
	v23 =	vld [tilespmem:$0x1FC20];
	v0 =	vmul.f32 v10, v0  }
.LBB2_70:
0x3aa: {  	_ = 	snop  }
0x3ab: {  	v8 =	vadd.f32 v11, v8;
	_ =	sdelay $0x1  }
0x3ac: {  	v16 =	vadd.f32 v0, v16;
	v0 =	vperm.xlane v8, v38  }
0x3ad: {  	v36 =	vmul.f32 v10, v5;
	v9 =	vadd.f32 v26, v9  }
0x3ae: {  	v26 =	vmul.f32 v10, v18;
	v10 =	vmul.f32 v10, v23;
	v0 =	vadd.f32 v8, v0;
	_ =	sdelay $0x1  }
0x3af: {  	v24 =	vadd.f32 v10, v24;
	v10 =	vperm.xlane v0, v37  }
0x3b0: {  	v11 =	vld [tilespmem:s9+$0x10]  }
0x3b1: {  	v0 =	vadd.f32 v0, v10;
	v10 =	vld [tilespmem:$0x1FEC0]  }
0x3b2: {  	v55 =	vld [tilespmem:s9+$0xFFFFFFC0]  }
0x3b3: {  	v5 =	vld [tilespmem:$0x1FEF0];
	v6 =	vadd.f32 v6, v19;
	v19 =	vadd.f32 $1.000000000e+00, v49  }
0x3b4: {  	v56 =	vmov v61;
	v61 =	vmov v13;
	v13 =	vmov v43;
	v43 =	vld [tilespmem:s9+$0xFFFFFFD0]  }
0x3b5: {  	v18 =	vmovc v54;
	v54 =	vmovc v3;
	v3 =	vmov v47;
	(erf) = vrcp.f32 v19;
	v19 =	vld [tilespmem:s9+$0x20];
	v47 =	vmov v11  }
0x3b6: {  	v11 =	vmul.f32 v47, v10;
	v10 =	vld [tilespmem:$0x1FED0]  }
0x3b7: {  	v63 =	vmov v57;
	v57 =	vmov v12;
	v12 =	vmov v44;
	v44 =	vld [tilespmem:s9+$0xFFFFFFE0]  }
0x3b8: {  	v58 =	vmovc v45;
	v45 =	vmov v7;
	v7 =	vmov v62;
	v62 =	vld [tilespmem:s9+$0xFFFFFFF0];
	v6 =	vadd.f32 v6, v5  }
0x3b9: {  	v35 =	vmax.f32 v35, v51;
	v8 =	vld [tilespmem:$0x1FF00]  }
0x3ba: {  	v23 =	vmovc v52;
	v22 =	vadd.f32 v26, v22;
	v26 =	vmovc v59;
	v59 =	vmov v51;
	v51 =	vld [tilespmem:s9+$0x30];
	v6 =	vsub.f32 $0.0e+00, v6  }
0x3bb: {  	v52 =	vmovc v2;
	v2 =	vmovc v48;
	v33 =	vmax.f32 v33, v19;
	v48 =	vmov v19;
	v42 =	vmul.f32 v19, v10;
	v19 =	vld [tilespmem:$0x1FEE0]  }
0x3bc: {  	v20 =	vadd.f32 v36, v20;
	v36 =	vld [tilespmem:$0x1FF40];
	v6 =	vmul.f32 $1.442695020e+00, v6  }
0x3bd: {  	v34 =	vld [tilespmem:$0x1FEB0];
	v17 =	vadd.f32 v53, v17;
	v5 =	vmov v46  }
0x3be: {  	v46 =	vmovc v4;
	v4 =	vmovc v25;
	v25 =	vld [tilespmem:s9+$0x0];
	v27 =	vmax.f32 v27, v55;
	v49 =	vmul.f32 v44, v41;
	(erf) = vpow2.f32 v6  }
0x3bf: {  	v29 =	vmax.f32 v29, v43;
	v53 =	vmul.f32 v62, v39;
	v8 =	vmul.f32 v55, v8  }
0x3c0: {  	v28 =	vmax.f32 v28, v44;
	v6 =	vmul.f32 v43, v40;
	v19 =	vmul.f32 v51, v19  }
0x3c1: {  	s8 =	sadd.s32 $0x1, s8;
	v30 =	vmax.f32 v30, v62;
	v49 =	vadd.f32 v53, v49;
	v36 =	vperm.xlane v0, v36  }
0x3c2: {  	p4 =	slt.s32 s8, s10;
	v32 =	vmax.f32 v32, v47;
	v8 =	vadd.f32 v6, v8;
	v53 =	vadd.f32 v19, v42;
	v42 =	vld [tilespmem:$0x1FF50]  }
.Ltmp44:
0x3c3: {  	v31 =	vmax.f32 v31, v25;
	v34 =	vmul.f32 v25, v34;
	v6 =	vadd.f32 v0, v36;
	v10 =	vpop (erf);
	(pc) =	sbr.rel @p4 .LBB2_70-.Ltmp44, $4  }
0x3c4: {  	v8 =	vadd.f32 v49, v8;
	v37 =	vmul.f32 v10, v60;
	v0 =	vmul.f32 v10, v50  }
0x3c5: {  	v36 =	vld [tilespmem:$0x1FF40];
	v11 =	vadd.f32 v11, v34;
	v60 =	vmovc v26;
	v50 =	vmovc v1;
	v26 =	vmul.f32 v10, v56;
	v1 =	vmov v21  }
0x3c6: {  	v34 =	vld [tilespmem:$0x1FEB0];
	v21 =	vmovc v55;
	v14 =	vadd.f32 v37, v14;
	v15 =	vadd.f32 v0, v15;
	v0 =	vmul.f32 v10, v63  }
0x3c7: {  	s9 =	sadd.s32 $0x80, s9;
	v49 =	vpop (erf);
	v37 =	vld [tilespmem:$0x1FF30];
	v11 =	vadd.f32 v53, v11;
	v53 =	vmul.f32 v10, v58;
	v19 =	vperm.xlane v6, v42  }
0x3c8: {  	v38 =	vmovc v57;
	v39 =	vmovc v45;
	v55 =	vmov v54;
	v56 =	vmov v52;
	v63 =	vmov v50  }
0x3c9: {  	[tilespmem:$0x1FBC0] =	vst v13;
	v13 =	vmovc v61;
	v61 =	vmovc v43;
	v43 =	vmov v12;
	v57 =	vmov v44;
	v44 =	vmov v7;
	v40 =	vld [tilespmem:$0x1FEC0]  }
0x3ca: {  	[tilespmem:$0x1FB90] =	vst v46;
	v45 =	vmovc v62;
	v62 =	vmovc v4;
	v46 =	vmov v25;
	v25 =	vmov v3;
	v54 =	vmov v47;
	v58 =	vld [tilespmem:$0x1FB80]  }
0x3cb: {  	v47 =	vmovc v2;
	v52 =	vmovc v48;
	v48 =	vmov v1;
	v50 =	vmov v21;
	v21 =	vmov v39;
	v39 =	vld [tilespmem:$0x1FED0]  }
.LBB2_72:
0x3cc: {  	v41 =	vld [tilespmem:$0x1FEF0]  }
0x3cd: {  	v3 =	vld [tilespmem:$0x1FF60];
	_ =	sdelay $0x1  }
0x3ce: {  	v2 =	vadd.f32 @p1 v6, v19  }
0x3cf: {  	v1 =	vadd.f32 v11, v8  }
0x3d0: {  	v4 =	vadd.f32 @p2 $1.000000000e+00, v49;
	v2 =	vadd.f32 @p1 v2, v41  }
0x3d1: {  	v3 =	vperm.xlane v1, v3  }
0x3d2: {  	(erf) = vrcp.f32 @p2 v4;
	v2 =	vsub.f32 @p1 $0.0e+00, v2  }
0x3d3: {  	v1 =	vadd.f32 v1, v3  }
0x3d4: {  	v2 =	vmul.f32 @p1 $1.442695020e+00, v2  }
0x3d5: {  	v3 =	vperm.xlane v1, v37  }
0x3d6: {  	(erf) = vpow2.f32 @p1 v2  }
0x3d7: {  	v1 =	vadd.f32 v1, v3;
	_ =	sdelay $0x1  }
0x3d8: {  	v49 =	vperm.xlane v1, v36;
	_ =	sdelay $0x1  }
0x3d9: {  	v6 =	vmul.f32 @p3 v10, v23;
	v12 =	vld [tilespmem:$0x1FBD0];
	v3 =	vmul.f32 @p3 v10, v5;
	v5 =	vpop @p2 (erf);
	v1 =	vadd.f32 v1, v49  }
0x3da: {  	v4 =	vmul.f32 @p3 v10, v18;
	v10 =	vmul.f32 @p2 v5, v63;
	v63 =	vld [tilespmem:$0x1FBC0]  }
0x3db: {  	v2 =	vperm.xlane v1, v42;
	_ =	sdelay $0x1  }
0x3dc: {  	v1 =	vadd.f32 v1, v2;
	v8 =	vpop @p1 (erf)  }
0x3dd: {  	v2 =	vadd.f32 @p3 v26, v9;
	v9 =	vmul.f32 @p2 v5, v60;
	v8 =	vpsel p1, v8, v58  }
0x3de: {  	v11 =	vpsel p1, v63, v12;
	v12 =	vld [tilespmem:$0x1FBE0];
	v8 =	vadd.f32 @p1 $1.000000000e+00, v8  }
0x3df: {  	v9 =	vadd.f32 @p2 v9, v14;
	v14 =	vld [tilespmem:$0x1FBF0]  }
0x3e0: {  	v0 =	vadd.f32 @p3 v0, v16;
	v16 =	vld [tilespmem:$0x1FC00];
	_ =	sdelay $0x1  }
0x3e1: {  	(erf) = vrcp.f32 @p1 v8;
	v8 =	vmov @p1 v43  }
0x3e2: {  	v8 =	vpsel p1, v8, v12;
	v12 =	vmov @p1 v44  }
0x3e3: {  	v1 =	vadd.f32 v1, v41;
	v12 =	vpsel p1, v12, v14;
	v14 =	vmov @p1 v62  }
0x3e4: {  	v14 =	vpsel p1, v14, v16;
	v16 =	vld [tilespmem:$0x1FC10]  }
0x3e5: {  	v1 =	vsub.f32 $0.0e+00, v1;
	_ =	sdelay $0x1  }
0x3e6: {  	v23 =	vld [tilespmem:$0x1FC70];
	v1 =	vmul.f32 $1.442695020e+00, v1  }
0x3e7: {  	v18 =	vld [tilespmem:$0x1FB90];
	v10 =	vadd.f32 @p2 v10, v15;
	v15 =	vmov @p1 v25  }
0x3e8: {  	v15 =	vpsel p1, v15, v16;
	v16 =	vld [tilespmem:$0x1FBB0]  }
0x3e9: {  	v7 =	vadd.f32 @p3 v53, v17;
	v17 =	vld [tilespmem:$0x1FBA0];
	(erf) = vpow2.f32 v1  }
0x3ea: {  	v6 =	vadd.f32 @p3 v6, v24;
	v1 =	vmov @p2 v13  }
0x3eb: {  	v4 =	vadd.f32 @p3 v4, v22;
	v2 =	vpsel p3, v2, v23;
	v1 =	vmul.f32 @p2 v5, v1  }
0x3ec: {  	v24 =	vld [tilespmem:$0x1FC80];
	v18 =	vpsel p2, v18, v0;
	v3 =	vadd.f32 @p3 v3, v20;
	v20 =	vmovc @p2 v56;
	v13 =	vmov @p1 v59  }
0x3ed: {  	v20 =	vpsel p2, v20, v0;
	v25 =	vld [tilespmem:$0x1FC90];
	v1 =	vpsel p2, v1, v0;
	v13 =	vpsel p1, v13, v16;
	v16 =	vmovc @p1 v48  }
0x3ee: {  	v1 =	vadd.f32 @p2 v1, v2;
	v2 =	vmovc @p2 v21;
	v16 =	vpsel p1, v16, v17;
	v17 =	vmov @p2 v38  }
0x3ef: {  	v19 =	vmovc @p2 v55;
	v22 =	vld [tilespmem:$0x1FC60];
	v2 =	vmul.f32 @p2 v5, v2;
	v17 =	vmul.f32 @p2 v5, v17;
	v5 =	vpsel p2, v5, v0  }
0x3f0: {  	v19 =	vpsel p2, v19, v0;
	v21 =	vld [tilespmem:$0x1FC50];
	v18 =	vmul.f32 @p2 v5, v18  }
0x3f1: {  	v0 =	vpsel p3, v0, v24;
	v19 =	vmul.f32 @p2 v5, v19;
	v5 =	vmul.f32 @p2 v5, v20;
	v20 =	vpop @p1 (erf)  }
0x3f2: {  	v7 =	vpsel p3, v7, v25;
	v2 =	vpsel p2, v2, v0;
	v44 =	vpop (erf)  }
0x3f3: {  	v17 =	vpsel p2, v17, v0;
	v2 =	vadd.f32 @p2 v2, v7;
	v7 =	vadd.f32 $1.000000000e+00, v44  }
0x3f4: {  	v3 =	vpsel p3, v3, v22;
	v0 =	vadd.f32 @p2 v17, v0;
	v17 =	vld [tilespmem:$0x1FC30]  }
0x3f5: {  	v4 =	vpsel p3, v4, v21;
	v3 =	vadd.f32 @p2 v18, v3;
	v18 =	vld [tilespmem:$0x1FCA0]  }
0x3f6: {  	v13 =	vmul.f32 @p1 v20, v13;
	v4 =	vadd.f32 @p2 v19, v4;
	v19 =	vld [tilespmem:$0x1FC20]  }
0x3f7: {  	(erf) = vrcp.f32 v7;
	v7 =	vmov @p1 v11;
	v11 =	vmul.f32 @p1 v20, v16;
	v16 =	vld [tilespmem:$0x1FC40];
	_ =	sdelay $0x1  }
0x3f8: {  	v1 =	vpsel p2, v1, v23;
	v7 =	vmul.f32 @p1 v20, v7  }
0x3f9: {  	v2 =	vpsel p2, v2, v25;
	v3 =	vpsel p2, v3, v22;
	v9 =	vpsel p2, v9, v17  }
0x3fa: {  	v10 =	vpsel p2, v10, v18;
	v9 =	vadd.f32 @p1 v13, v9;
	v13 =	vmovc @p1 v47;
	v7 =	vpsel p1, v7, v0  }
0x3fb: {  	v4 =	vpsel p2, v4, v21;
	v13 =	vpsel p1, v13, v19;
	v6 =	vpsel p3, v6, v16  }
0x3fc: {  	v9 =	vpsel p1, v9, v17;
	v1 =	vadd.f32 @p1 v7, v1;
	v5 =	vadd.f32 @p2 v5, v6  }
0x3fd: {  	v6 =	vadd.f32 @p1 v11, v10;
	v7 =	vmovc @p1 v8;
	v8 =	vmovc @p1 v12;
	v10 =	vmov @p1 v14;
	v11 =	vmov @p1 v15  }
0x3fe: {  	v12 =	vmovc @p1 v13;
	v13 =	vpsel p1, v20, v0;
	v1 =	vpsel p1, v1, v23;
	v7 =	vmul.f32 @p1 v20, v7  }
0x3ff: {  	v8 =	vmul.f32 @p1 v20, v8;
	v10 =	vpsel p1, v10, v0;
	v11 =	vpsel p1, v11, v0  }
0x400: {  	v12 =	vpsel p1, v12, v0;
	v0 =	vpsel p2, v0, v24;
	v10 =	vmul.f32 @p1 v13, v10  }
0x401: {  	v47 =	vpop (erf);
	v11 =	vmul.f32 @p1 v13, v11;
	v12 =	vmul.f32 @p1 v13, v12;
	v5 =	vpsel p2, v5, v16  }
0x402: {  	v55 =	vmul.f32 v47, v51;
	v56 =	vmul.f32 v47, v50;
	v6 =	vpsel p1, v6, v18  }
0x403: {  	v58 =	vmul.f32 v47, v61;
	v59 =	vmul.f32 v47, v57;
	v7 =	vpsel p1, v7, v0  }
0x404: {  	v60 =	vmul.f32 v47, v45;
	v0 =	vadd.f32 @p1 v7, v0;
	v3 =	vadd.f32 @p1 v10, v3  }
0x405: {  	v61 =	vmul.f32 v47, v46;
	v4 =	vadd.f32 @p1 v11, v4;
	v5 =	vadd.f32 @p1 v12, v5  }
0x406: {  	v62 =	vmul.f32 v47, v54;
	v48 =	vadd.f32 v55, v9;
	v12 =	vadd.f32 v56, v6  }
.Ltmp45:
0x407: {  	v17 =	vadd.f32 v58, v1;
	v7 =	vpsel p1, v8, v0;
	v0 =	vpsel p1, v0, v24;
	(pc) =	sbr.rel .LBB2_73-.Ltmp45, $4  }
0x408: {  	v43 =	vld [tilespmem:$0x1FFF0];
	v3 =	vpsel p1, v3, v22;
	v4 =	vpsel p1, v4, v21;
	v2 =	vadd.f32 @p1 v7, v2  }
0x409: {  	v63 =	vpsel p1, v5, v16;
	v21 =	vld [tilespmem:$0x1FEE0];
	v7 =	vmul.f32 v47, v52;
	v56 =	vadd.f32 v59, v0  }
0x40a: {  	v20 =	vadd.f32 v61, v3;
	v38 =	vadd.f32 v62, v4;
	v52 =	vld [tilespmem:$0x1FF80];
	v2 =	vpsel p1, v2, v25  }
0x40b: {  	v35 =	vmax.f32 v35, v51;
	v54 =	vmovc v41;
	v24 =	vadd.f32 v7, v63;
	v63 =	vld [tilespmem:$0x1FEA0];
	v41 =	vadd.f32 v60, v2  }
.LBB2_52:
0x40c: {  	v1 =	vimm.f32 $-Inf;
	_ =	sdelay $0x2  }
0x40d: {  	[tilespmem:$0x1FE40] =	vst v1;
	v1 =	vmov v20  }
0x40e: {  	[tilespmem:$0x1FE50] =	vst v1;
	v1 =	vimm.f32 $-Inf  }
0x40f: {  	[tilespmem:$0x1FE60] =	vst v1;
	v1 =	vimm.f32 $-Inf  }
0x410: {  	[tilespmem:$0x1FE70] =	vst v1  }
0x411: {  	v1 =	vimm.f32 $-Inf  }
0x412: {  	[tilespmem:$0x1FE80] =	vst v1;
	v1 =	vimm.f32 $-Inf  }
0x413: {  	[tilespmem:$0x1FE90] =	vst v1  }
.Ltmp46:
0x414: {  	v34 =	vmovc v43;
	v57 =	vmovc v52;
	v30 =	vimm.f32 $0.0e+00;
	v58 =	vimm.f32 $0.0e+00;
	v0 =	vimm.f32 $-Inf;
	(pc) =	sbr.rel .LBB2_59-.Ltmp46, $4  }
0x415: {  	v56 =	vmovc v59;
	v63 =	vimm.f32 $0.0e+00;
	v5 =	vimm.f32 $0.0e+00;
	v59 =	vimm.f32 $0.0e+00;
	v28 =	vmovc v19  }
0x416: {  	v39 =	vmovc v11;
	v44 =	vmovc v48;
	v48 =	vmov v31;
	v42 =	vmov v27;
	v40 =	vmov v45  }
0x417: {  	v43 =	vmovc v53;
	v50 =	vmovc v51;
	v4 =	vimm.f32 $0.0e+00;
	v62 =	vimm.f32 $0.0e+00;
	[tilespmem:$0x1FE20] =	vst v0;
	v0 =	vimm.f32 $-Inf  }
0x418: {  	v27 =	vld [tilespmem:$0x1FF70];
	v35 =	vmovc v26;
	[tilespmem:$0x1FE30] =	vst v0;
	v0 =	vimm.f32 $0.0e+00;
	v20 =	vmovc v47;
	v47 =	vmov v29;
	v3 =	vmov v46  }
.LBB2_54:
0x419: {  	[tilespmem:$0x1FE40] =	vst v27  }
0x41a: {  	[tilespmem:$0x1FE20] =	vst v35  }
0x41b: {  	[tilespmem:$0x1FE60] =	vst v34  }
0x41c: {  	[tilespmem:$0x1FE80] =	vst v33  }
0x41d: {  	[tilespmem:$0x1FE70] =	vst v32;
	v33 =	vmovc v59;
	v58 =	vimm.f32 $0.0e+00;
	v55 =	vmovc v26;
	v32 =	vmov v45;
	v52 =	vmov v20  }
0x41e: {  	[tilespmem:$0x1FE90] =	vst v36;
	v39 =	vmovc v30;
	v30 =	vimm.f32 $0.0e+00;
	v36 =	vmovc v48;
	v48 =	vmov v8;
	v34 =	vmov v43  }
.Ltmp47:
0x41f: {  	[tilespmem:$0x1FE30] =	vst v29;
	v35 =	vmovc v9;
	v20 =	vmovc v10;
	v40 =	vmov v24;
	v43 =	vmov v50;
	v5 =	vimm.f32 $0.0e+00;
	(pc) =	sbr.rel .LBB2_59-.Ltmp47, $4  }
0x420: {  	[tilespmem:$0x1FDD0] =	vst v62;
	v27 =	vld [tilespmem:$0x1FF70];
	v63 =	vimm.f32 $0.0e+00;
	v59 =	vimm.f32 $0.0e+00;
	v62 =	vimm.f32 $0.0e+00;
	v12 =	vmovc v31;
	v0 =	vmovc v47  }
0x421: {  	[tilespmem:$0x1FE50] =	vst v61;
	v10 =	vld [tilespmem:$0x1FF20];
	v47 =	vmovc v37;
	v28 =	vmovc v2;
	v2 =	vmov v42;
	v42 =	vmov v41;
	v61 =	vmov v0  }
0x422: {  	[tilespmem:$0x1FDB0] =	vst v60;
	v37 =	vld [tilespmem:$0x1FF30];
	v0 =	vimm.f32 $0.0e+00;
	v3 =	vmovc v38;
	v50 =	vmovc v2;
	v60 =	vmov v1;
	v1 =	vmov v44  }
0x423: {  	[tilespmem:$0x1FDC0] =	vst v19;
	v31 =	vld [tilespmem:$0x1FDE0];
	v38 =	vmovc v4;
	v4 =	vimm.f32 $0.0e+00;
	v44 =	vmovc v57;
	v57 =	vmov v56;
	v56 =	vmov v1  }
.LBB2_56:
0x424: {  	v1 =	vld [tilespmem:$0x1FD90];
	_ =	sdelay $0x4  }
0x425: {  	[tilespmem:$0x1FDD0] =	vst v1;
	v1 =	vld [tilespmem:$0x1FCD0];
	_ =	sdelay $0x2  }
0x426: {  	v61 =	vld [tilespmem:$0x1FD60]  }
0x427: {  	v31 =	vld [tilespmem:$0x1FD80]  }
0x428: {  	[tilespmem:$0x1FDF0] =	vst v1;
	v1 =	vld [tilespmem:$0x1FCF0]  }
0x429: {  	[tilespmem:$0x1FE50] =	vst v46;
	v46 =	vld [tilespmem:$0x1FDA0]  }
0x42a: {  	[tilespmem:$0x1FE20] =	vst v35;
	v35 =	vmov v51;
	v51 =	vld [tilespmem:$0x1FCE0]  }
0x42b: {  	[tilespmem:$0x1FE70] =	vst v32;
	v32 =	vld [tilespmem:$0x1FD10]  }
0x42c: {  	[tilespmem:$0x1FE80] =	vst v33;
	v33 =	vld [tilespmem:$0x1FD30]  }
0x42d: {  	[tilespmem:$0x1FE10] =	vst v1;
	v1 =	vld [tilespmem:$0x1FD00]  }
0x42e: {  	v53 =	vld [tilespmem:$0x1FD40]  }
0x42f: {  	[tilespmem:$0x1FE90] =	vst v36;
	v36 =	vld [tilespmem:$0x1FD50]  }
0x430: {  	v52 =	vld [tilespmem:$0x1FD70]  }
0x431: {  	[tilespmem:$0x1FE40] =	vst v27;
	v37 =	vld [tilespmem:$0x1FF30]  }
0x432: {  	[tilespmem:$0x1FE00] =	vst v1;
	v1 =	vld [tilespmem:$0x1FD20]  }
.Ltmp48:
0x433: {  	[tilespmem:$0x1FE30] =	vst v29;
	v27 =	vld [tilespmem:$0x1FF70];
	(pc) =	sbr.rel .LBB2_59-.Ltmp48, $4  }
0x434: {  	[tilespmem:$0x1FE60] =	vst v34;
	v34 =	vld [tilespmem:$0x1FFF0]  }
0x435: {  	v28 =	vmov v41;
	v58 =	vimm.f32 $0.0e+00;
	[tilespmem:$0x1FDC0] =	vst v2;
	v57 =	vld [tilespmem:$0x1FF80]  }
0x436: {  	v60 =	vmovc v45;
	v63 =	vimm.f32 $0.0e+00;
	v0 =	vimm.f32 $0.0e+00;
	v55 =	vmovc v10;
	v5 =	vimm.f32 $0.0e+00;
	v10 =	vld [tilespmem:$0x1FF20];
	[tilespmem:$0x1FCC0] =	vst v56  }
0x437: {  	v59 =	vimm.f32 $0.0e+00;
	v4 =	vimm.f32 $0.0e+00;
	v54 =	vld [tilespmem:$0x1FEF0];
	v50 =	vmovc v8;
	v56 =	vmovc v30;
	v30 =	vimm.f32 $0.0e+00;
	[tilespmem:$0x1FDB0] =	vst v1  }
.LBB2_63:
0x438: {  	_ = 	snop  }
0x439: {  	_ = 	snop  }
0x43a: {  	v61 =	vld [tilespmem:$0x1FBD0]  }
.Ltmp49:
0x43b: {  	v57 =	vld [tilespmem:$0x1FBE0];
	(pc) =	sbr.rel .LBB2_72-.Ltmp49, $4  }
0x43c: {  	v45 =	vld [tilespmem:$0x1FBF0]  }
0x43d: {  	v46 =	vld [tilespmem:$0x1FC00]  }
0x43e: {  	v51 =	vmov v18;
	v54 =	vld [tilespmem:$0x1FC10];
	v50 =	vmov v53;
	v9 =	vmov v17  }
0x43f: {  	v52 =	vld [tilespmem:$0x1FC20];
	v16 =	vmovc v56;
	v17 =	vmovc v41;
	v22 =	vmov v38;
	v14 =	vmov v48;
	v15 =	vmov v12  }
.LBB2_65:
0x440: {  	_ = 	snop  }
0x441: {  	v0 =	vld [tilespmem:$0x1FBD0]  }
0x442: {  	_ = 	snop  }
.Ltmp50:
0x443: {  	v43 =	vld [tilespmem:$0x1FBE0];
	(pc) =	sbr.rel .LBB2_72-.Ltmp50, $4  }
0x444: {  	v44 =	vld [tilespmem:$0x1FBF0]  }
0x445: {  	v62 =	vld [tilespmem:$0x1FC00]  }
0x446: {  	v51 =	vmovc v60;
	v25 =	vld [tilespmem:$0x1FC10];
	v59 =	vmov v18;
	v14 =	vmov v48;
	v48 =	vmov v53;
	[tilespmem:$0x1FBC0] =	vst v0  }
0x447: {  	v47 =	vld [tilespmem:$0x1FC20];
	v9 =	vmovc v17;
	v16 =	vmovc v56;
	v17 =	vmov v41;
	v22 =	vmov v38;
	v15 =	vmov v12  }
.LBB2_67:
0x448: {  	v14 =	vld [tilespmem:$0x1FBD0]  }
0x449: {  	[tilespmem:$0x1FBC0] =	vst v61;
	v61 =	vmov v13;
	v13 =	vld [tilespmem:$0x1FBE0]  }
0x44a: {  	v0 =	vld [tilespmem:$0x1FC00]  }
.Ltmp51:
0x44b: {  	v51 =	vmov v59;
	v43 =	vmov v57;
	v44 =	vmov v45;
	v21 =	vld [tilespmem:$0x1FBF0];
	(pc) =	sbr.rel .LBB2_72-.Ltmp51, $4  }
0x44c: {  	v62 =	vmovc v46;
	v25 =	vmovc v54;
	v47 =	vmov v52;
	v59 =	vmov v60;
	v48 =	vmov v50;
	v55 =	vld [tilespmem:$0x1FC10]  }
0x44d: {  	v49 =	vmovc v58;
	v57 =	vmovc v12;
	v9 =	vmov v17;
	v60 =	vmov v18;
	v16 =	vmov v56;
	v56 =	vld [tilespmem:$0x1FC20]  }
0x44e: {  	v45 =	vmovc v7;
	v17 =	vmovc v41;
	v63 =	vmov v53;
	v46 =	vmov v4;
	v22 =	vmov v38;
	v15 =	vld [tilespmem:$0x1FCA0]  }
0x44f: {  	v54 =	vmovc v3;
	v52 =	vmovc v2;
	v50 =	vmov v1;
	[tilespmem:$0x1FB90] =	vst v0;
	v38 =	vmov v13;
	v13 =	vmov v14;
	v14 =	vld [tilespmem:$0x1FC30]  }
.LBB2_69:
0x450: {  	v5 =	vld [tilespmem:$0x1FC00]  }
0x451: {  	v9 =	vld [tilespmem:$0x1FC70]  }
0x452: {  	v18 =	vld [tilespmem:$0x1FC10]  }
0x453: {  	v23 =	vld [tilespmem:$0x1FC20]  }
0x454: {  	v16 =	vld [tilespmem:$0x1FC80]  }
0x455: {  	v17 =	vld [tilespmem:$0x1FC90]  }
0x456: {  	v20 =	vld [tilespmem:$0x1FC60]  }
.Ltmp52:
0x457: {  	v22 =	vld [tilespmem:$0x1FC50];
	(pc) =	sbr.rel .LBB2_72-.Ltmp52, $4  }
0x458: {  	v38 =	vmovc v57;
	v39 =	vmovc v45;
	v55 =	vmov v54;
	v56 =	vmov v52;
	v63 =	vmov v50;
	v24 =	vld [tilespmem:$0x1FC40]  }
0x459: {  	[tilespmem:$0x1FBC0] =	vst v13;
	v13 =	vmovc v61;
	v61 =	vmovc v43;
	v43 =	vmov v12;
	v57 =	vmov v44;
	v44 =	vmov v7;
	v40 =	vld [tilespmem:$0x1FEC0]  }
0x45a: {  	[tilespmem:$0x1FB90] =	vst v46;
	v45 =	vmovc v62;
	v62 =	vmovc v4;
	v46 =	vmov v25;
	v25 =	vmov v3;
	v54 =	vmov v47;
	v58 =	vld [tilespmem:$0x1FB80]  }
0x45b: {  	v47 =	vmovc v2;
	v52 =	vmovc v48;
	v48 =	vmov v1;
	v50 =	vmov v21;
	v21 =	vmov v39;
	v39 =	vld [tilespmem:$0x1FED0]  }
.LBB2_77:
0x45c: {  	_ =	sfence.sel $0x180000  }
0x45d: {  	[bflag:$0x0] =	sbarrier.arrive $0xFFFF  }
0x45e: {  	_ =	strace $0x90000047  }
0x45f: {  	s0 =	stileid.u32;
	[bflag:$0x2] =	sbarrier.arrive $0xFFFF  }
0x460: {  	p0 =	sne.s32 s0, $0x0;
	s0 =	rddreg [dreg:$0x5]  }
0x461: {  	s0 =	sadd.s32 @!p0 $0x100000, s0  }
0x462: {  	[sflag:s0] =	ssyncadd.tile.s32 @!p0 $0x1;
	_ =	shalt  }
.Lfunc_end2:
_tile_overlayer_lowered:
.L_overlay_start_2:
0x463: {  	(tag) =	ssettag $0x2  }
0x464: {  	s0 =	rddreg [dreg:$0x0];
	s2 =	stileid.u32  }
0x465: {  	s1 =	rddreg [dreg:$0x1];
	p0 =	sne.s32 s2, $0x0  }
0x466: {  	s3 =	rddreg [dreg:$0x2];
	[bflag:$0x3] =	sbarrier.arrive $0xFFFF;
	s2 =	simm.s32 @!p0 $0x1C03  }
0x467: {  	[timem:s3], [sflag:s2] =	dma.local @!p0 [hbm:s0], s1  }
0x468: {  	s0 =	simm.s32 @!p0 $0x3  }
0x469: {  	_ =	swait.ge @!p0 [sflag:s0], s1  }
0x46a: {  	s1 =	ssub.s32 @!p0 $0x0, s1;
	[sflag:s0] =	ssyncset.done @!p0 $0x0  }
0x46b: {  	[sflag:s0] =	ssyncadd.s32 @!p0 s1  }
0x46c: {  	[bflag:$0x3] =	sbarrier.arrive $0xFFFF  }
0x46d: {  	_ =	shalt  }

</sc_bundles>
